<compile_context>
chip_gen: v7x
topology: tpu7x:2x2x1
jax: 0.10.2.dev20260603
libtpu: 0.0.44.dev20260713+nightly
codegen_flags: <defaults>
</compile_context>

<pallas_src>
import functools

import jax
import jax.numpy as jnp
from jax import lax
from jax.experimental import pallas as pl
from jax.experimental.pallas import tpu as pltpu
from jax.experimental.pallas import tpu_sc as plsc

_N_COLS = 32768
_N_ROWS = 128
_L = 16
_CHUNKS = _N_COLS // _L
_BLK = 16
_LEVELS = 64
_PAD_LEVELS = 17
_TRASH = (_LEVELS + _PAD_LEVELS) * _L
_CAND = _TRASH + _L
_PAD_POS = _N_COLS
_NEWTON_ITERS = 12
_N_WORKERS = 32
_ROWS_PER_WORKER = _N_ROWS // _N_WORKERS

_NEG_HUGE = -1e30


def _gather16(v, idx):
    dnums = lax.GatherDimensionNumbers(
        offset_dims=(), collapsed_slice_dims=(0,), start_index_map=(0,)
    )
    return lax.gather(
        v,
        idx[:, None],
        dimension_numbers=dnums,
        slice_sizes=(1,),
        mode=lax.GatherScatterMode.PROMISE_IN_BOUNDS,
    )


def _bf_max(v):
    for sh in (1, 2, 4, 8):
        v = jnp.maximum(v, _gather16(v, lax.iota(jnp.int32, _L) ^ sh))
    return v


def _bf_sum(v):
    for sh in (1, 2, 4, 8):
        v = v + _gather16(v, lax.iota(jnp.int32, _L) ^ sh)
    return v


def _compact(row_v, cidx):
    iota = lax.iota(jnp.int32, _L)

    rm = row_v[pl.ds(0, _L)]
    for c in range(64, _CHUNKS, 64):
        rm = jnp.maximum(rm, row_v[pl.ds(c * _L, _L)])
    g = _bf_max(rm)

    pad_pos = _PAD_POS + iota

    def fill_body(i, _):
        for u in range(8):
            cidx[pl.ds((i * 8 + u) * _L, _L)] = pad_pos
        return _

    lax.fori_loop(0, _LEVELS // 8, fill_body, jnp.int32(0))

    trash = _TRASH + iota
    cap = _LEVELS * _L + iota

    def compact_body(i, carry):
        g, cnt, pos = carry
        thr = g - 1.0
        base = i * (_BLK * _L)
        vs = []
        for u in range(_BLK):
            v = row_v[pl.ds(base + u * _L, _L)]
            vs.append(v)
            mask = v > thr
            slot = jnp.where(mask, cnt, trash)
            plsc.store_scatter(cidx, [slot], pos)
            cnt = cnt + jnp.where(mask, _L, 0)
            pos = pos + _L
        while len(vs) > 1:
            vs = [jnp.maximum(vs[k], vs[k + 1]) for k in range(0, len(vs), 2)]
        g = jnp.maximum(g, _bf_max(vs[0]))
        cnt = jnp.minimum(cnt, cap)
        return g, cnt, pos

    g, _cnt, _pos = lax.fori_loop(
        0, _CHUNKS // _BLK, compact_body, (g, iota, iota)
    )
    return g


def _newton(row_v, cidx, tau0):
    def newton(_, tau):
        def sums(j, carry):
            s0, k0, s1, k1 = carry
            for u in range(4):
                idx = cidx[pl.ds((j * 4 + u) * _L, _L)]
                v = plsc.load_gather(row_v, [idx])
                mask = v > tau
                if u % 2 == 0:
                    s0 = s0 + jnp.where(mask, v, 0.0)
                    k0 = k0 + jnp.where(mask, 1.0, 0.0)
                else:
                    s1 = s1 + jnp.where(mask, v, 0.0)
                    k1 = k1 + jnp.where(mask, 1.0, 0.0)
            return s0, k0, s1, k1

        z = jnp.zeros((_L,), jnp.float32)
        s0, k0, s1, k1 = lax.fori_loop(0, _LEVELS // 4, sums, (z, z, z, z))
        return (_bf_sum(s0 + s1) - 1.0) / _bf_sum(k0 + k1)

    return lax.fori_loop(0, _NEWTON_ITERS, newton, tau0)


def _scatter_out(row_v, cidx, stage_v, tau):
    def body(j, _):
        for u in range(4):
            idx = cidx[pl.ds((j * 4 + u) * _L, _L)]
            v = plsc.load_gather(row_v, [idx])
            plsc.store_scatter(stage_v, [idx], jnp.maximum(v - tau, 0.0))
        return _

    lax.fori_loop(0, _LEVELS // 4, body, jnp.int32(0))


def _rezero_stage(cidx, stage_v):
    zeros = jnp.zeros((_L,), jnp.float32)

    def body(j, _):
        for u in range(4):
            idx = cidx[pl.ds((j * 4 + u) * _L, _L)]
            plsc.store_scatter(stage_v, [idx], zeros)
        return _

    lax.fori_loop(0, _LEVELS // 4, body, jnp.int32(0))


def _sc_body(x_hbm, out_hbm, row_v0, row_v1, stage_v, cidx0, cidx1, si0, si1, so):
    c = lax.axis_index("c")
    s = lax.axis_index("s")
    wid = s * 2 + c
    base_row = wid * _ROWS_PER_WORKER

    bufs = (row_v0, row_v1)
    sin = (si0, si1)
    banks = (cidx0, cidx1)

    neg = jnp.full((_L,), _NEG_HUGE, jnp.float32)
    zero = jnp.zeros((_L,), jnp.float32)
    row_v0[pl.ds(_PAD_POS, _L)] = neg
    row_v1[pl.ds(_PAD_POS, _L)] = neg

    def zero_body(i, _):
        for u in range(16):
            stage_v[pl.ds((i * 16 + u) * _L, _L)] = zero
        return _

    lax.fori_loop(0, _CHUNKS // 16, zero_body, jnp.int32(0))
    stage_v[pl.ds(_PAD_POS, _L)] = zero

    pltpu.make_async_copy(
        x_hbm.at[base_row], bufs[0].at[pl.ds(0, _N_COLS)], sin[0]
    ).start()
    for r in range(_ROWS_PER_WORKER):
        b = r % 2
        pltpu.make_async_copy(
            x_hbm.at[base_row + r], bufs[b].at[pl.ds(0, _N_COLS)], sin[b]
        ).wait()
        if r + 1 < _ROWS_PER_WORKER:
            pltpu.make_async_copy(
                x_hbm.at[base_row + r + 1],
                bufs[1 - b].at[pl.ds(0, _N_COLS)],
                sin[1 - b],
            ).start()
        g = _compact(bufs[b], banks[b])
        tau0 = g - 1.0
        if r >= 1:
            pltpu.make_async_copy(
                stage_v.at[pl.ds(0, _N_COLS)], out_hbm.at[base_row + r - 1], so
            ).wait()
            _rezero_stage(banks[1 - b], stage_v)
        tau = _newton(bufs[b], banks[b], tau0)
        _scatter_out(bufs[b], banks[b], stage_v, tau)
        pltpu.make_async_copy(
            stage_v.at[pl.ds(0, _N_COLS)], out_hbm.at[base_row + r], so
        ).start()
    pltpu.make_async_copy(
        stage_v.at[pl.ds(0, _N_COLS)],
        out_hbm.at[base_row + _ROWS_PER_WORKER - 1],
        so,
    ).wait()


@jax.jit
def kernel(input):
    mesh = plsc.VectorSubcoreMesh(core_axis_name="c", subcore_axis_name="s")
    run = functools.partial(
        pl.kernel,
        mesh=mesh,
        out_type=jax.ShapeDtypeStruct((_N_ROWS, _N_COLS), jnp.float32),
        scratch_types=[
            pltpu.VMEM((_N_COLS + _L,), jnp.float32),
            pltpu.VMEM((_N_COLS + _L,), jnp.float32),
            pltpu.VMEM((_N_COLS + _L,), jnp.float32),
            pltpu.VMEM((_CAND,), jnp.int32),
            pltpu.VMEM((_CAND,), jnp.int32),
            pltpu.SemaphoreType.DMA,
            pltpu.SemaphoreType.DMA,
            pltpu.SemaphoreType.DMA,
        ],
        compiler_params=pltpu.CompilerParams(
            needs_layout_passes=False, disable_bounds_checks=True
        ),
    )(_sc_body)
    return run(input)

# --- scband reference (transcript-rebuilt; emitter-appended) ---
"""Pipeline reference for scband-sparsemax-49014166782005 (READ-ONLY COPY).

The authoritative reference and input builder live on the scoring server;
editing this copy changes nothing except your own understanding.
"""

import jax, jax.numpy as jnp
import numpy as np


def sparsemax(x, dim=-1):
    # move target dim to last
    x = jnp.swapaxes(x, dim, -1)
    shp = x.shape
    xf = x.reshape(-1, shp[-1])
    xf = xf - jnp.max(xf, axis=1, keepdims=True)
    sorted_x = jnp.sort(xf, axis=1)[:, ::-1]  # descending
    cumsum = jnp.cumsum(sorted_x, axis=1)
    rng = jnp.arange(1, shp[-1] + 1, dtype=xf.dtype)[None, :]
    bound = sorted_x - (cumsum - 1.0) / rng
    k = jnp.sum(bound > 0, axis=1, keepdims=True)
    k = jnp.clip(k, 1, None)
    tau = (jnp.take_along_axis(cumsum, k - 1, axis=1) - 1.0) / k.astype(xf.dtype)
    out_flat = jnp.clip(xf - tau, 0.0, None)
    out = out_flat.reshape(shp)
    out = jnp.swapaxes(out, dim, -1)
    return out


def setup_inputs(seed: int = 0) -> dict:
    key = jax.random.key(seed)
    x = jax.random.normal(key, (128, 32768), dtype=jnp.float32)
    return {"input": x}


def reference(input):
    return sparsemax(input, dim=-1)

if __name__ == "__main__":
    import jax
    _d = setup_inputs()
    print(jax.jit(kernel)(*tuple(_d.values())))

</pallas_src>

<mosaic_0001>
#map = affine_map<(d0, d1) -> (0, 0)>
module attributes {stable_mosaic.version = 14 : i64} {
  func.func @_sc_body(%arg0: i32, %arg1: i32, %arg2: memref<128x32768xf32, #tpu.memory_space<hbm>>, %arg3: memref<128x32768xf32, #tpu.memory_space<hbm>>, %arg4: memref<32784xf32, #tpu.memory_space<vmem>>, %arg5: memref<32784xf32, #tpu.memory_space<vmem>>, %arg6: memref<32784xf32, #tpu.memory_space<vmem>>, %arg7: memref<1312xi32, #tpu.memory_space<vmem>>, %arg8: memref<1312xi32, #tpu.memory_space<vmem>>, %arg9: memref<!tpu.dma_semaphore, #tpu.memory_space<semaphore_mem>>, %arg10: memref<!tpu.dma_semaphore, #tpu.memory_space<semaphore_mem>>, %arg11: memref<!tpu.dma_semaphore, #tpu.memory_space<semaphore_mem>>) attributes {dimension_semantics = [#tpu.dimension_semantics<core_parallel>, #tpu.dimension_semantics<subcore_parallel>], iteration_bounds = array<i64: 2, 16>, scalar_prefetch = 0 : i64, scratch_operands = 8 : i64, tpu.core_type = #tpu.core_type<sc_vector_subcore>, window_params = [{transform_indices = #map}, {transform_indices = #map}]} {
    %mul3A = arith.constant 2 : i32
    %mul3A_0 = arith.muli %arg1, %mul3A : i32
    %add3A = arith.addi %mul3A_0, %arg0 : i32
    %mul3A_1 = arith.constant 4 : i32
    %mul3A_2 = arith.muli %add3A, %mul3A_1 : i32
    %broadcast_in_dim3A = arith.constant -1.000000e+30 : f32
    %broadcast_in_dim3A_3 = vector.broadcast %broadcast_in_dim3A : f32 to vector<16xf32>
    %broadcast_in_dim3A_4 = arith.constant 0.000000e+00 : f32
    %broadcast_in_dim3A_5 = vector.broadcast %broadcast_in_dim3A_4 : f32 to vector<16xf32>
    %swap3A = arith.constant 32768 : index
    %swap3A_6 = tpu.vector_load %arg4[%swap3A] {strides = array<i32>} : memref<32784xf32, #tpu.memory_space<vmem>>, vector<16xf32>,
    tpu.vector_store %arg4[%swap3A], %broadcast_in_dim3A_3 {strides = array<i32>} : memref<32784xf32, #tpu.memory_space<vmem>>, vector<16xf32>,
    %swap3A_7 = arith.constant 32768 : index
    %swap3A_8 = tpu.vector_load %arg5[%swap3A_7] {strides = array<i32>} : memref<32784xf32, #tpu.memory_space<vmem>>, vector<16xf32>,
    tpu.vector_store %arg5[%swap3A_7], %broadcast_in_dim3A_3 {strides = array<i32>} : memref<32784xf32, #tpu.memory_space<vmem>>, vector<16xf32>,
    %scan3A = arith.constant 0 : i32
    %scan3A_9 = arith.constant 0 : i32
    %scan3A_10 = arith.constant 128 : i32
    %scan3A_11 = arith.addi %scan3A_9, %scan3A_10 : i32
    %scan3A_12 = arith.constant 1 : i32
    scf.for %scan3A_892 = %scan3A_9 to %scan3A_11 step %scan3A_12  : i32 {
      %mul3A_893 = arith.constant 16 : i32
      %mul3A_894 = arith.muli %scan3A_892, %mul3A_893 : i32
      %add3A_895 = arith.constant 0 : i32
      %add3A_896 = arith.addi %mul3A_894, %add3A_895 : i32
      %mul3A_897 = arith.constant 16 : i32
      %mul3A_898 = arith.muli %add3A_896, %mul3A_897 : i32
      %swap3A_899 = arith.index_cast %mul3A_898 : i32 to index
      %swap3A_900 = tpu.vector_load %arg6[%swap3A_899] {strides = array<i32>} : memref<32784xf32, #tpu.memory_space<vmem>>, vector<16xf32>,
      tpu.vector_store %arg6[%swap3A_899], %broadcast_in_dim3A_5 {strides = array<i32>} : memref<32784xf32, #tpu.memory_space<vmem>>, vector<16xf32>,
      %mul3A_901 = arith.constant 16 : i32
      %mul3A_902 = arith.muli %scan3A_892, %mul3A_901 : i32
      %add3A_903 = arith.constant 1 : i32
      %add3A_904 = arith.addi %mul3A_902, %add3A_903 : i32
      %mul3A_905 = arith.constant 16 : i32
      %mul3A_906 = arith.muli %add3A_904, %mul3A_905 : i32
      %swap3A_907 = arith.index_cast %mul3A_906 : i32 to index
      %swap3A_908 = tpu.vector_load %arg6[%swap3A_907] {strides = array<i32>} : memref<32784xf32, #tpu.memory_space<vmem>>, vector<16xf32>,
      tpu.vector_store %arg6[%swap3A_907], %broadcast_in_dim3A_5 {strides = array<i32>} : memref<32784xf32, #tpu.memory_space<vmem>>, vector<16xf32>,
      %mul3A_909 = arith.constant 16 : i32
      %mul3A_910 = arith.muli %scan3A_892, %mul3A_909 : i32
      %add3A_911 = arith.constant 2 : i32
      %add3A_912 = arith.addi %mul3A_910, %add3A_911 : i32
      %mul3A_913 = arith.constant 16 : i32
      %mul3A_914 = arith.muli %add3A_912, %mul3A_913 : i32
      %swap3A_915 = arith.index_cast %mul3A_914 : i32 to index
      %swap3A_916 = tpu.vector_load %arg6[%swap3A_915] {strides = array<i32>} : memref<32784xf32, #tpu.memory_space<vmem>>, vector<16xf32>,
      tpu.vector_store %arg6[%swap3A_915], %broadcast_in_dim3A_5 {strides = array<i32>} : memref<32784xf32, #tpu.memory_space<vmem>>, vector<16xf32>,
      %mul3A_917 = arith.constant 16 : i32
      %mul3A_918 = arith.muli %scan3A_892, %mul3A_917 : i32
      %add3A_919 = arith.constant 3 : i32
      %add3A_920 = arith.addi %mul3A_918, %add3A_919 : i32
      %mul3A_921 = arith.constant 16 : i32
      %mul3A_922 = arith.muli %add3A_920, %mul3A_921 : i32
      %swap3A_923 = arith.index_cast %mul3A_922 : i32 to index
      %swap3A_924 = tpu.vector_load %arg6[%swap3A_923] {strides = array<i32>} : memref<32784xf32, #tpu.memory_space<vmem>>, vector<16xf32>,
      tpu.vector_store %arg6[%swap3A_923], %broadcast_in_dim3A_5 {strides = array<i32>} : memref<32784xf32, #tpu.memory_space<vmem>>, vector<16xf32>,
      %mul3A_925 = arith.constant 16 : i32
      %mul3A_926 = arith.muli %scan3A_892, %mul3A_925 : i32
      %add3A_927 = arith.constant 4 : i32
      %add3A_928 = arith.addi %mul3A_926, %add3A_927 : i32
      %mul3A_929 = arith.constant 16 : i32
      %mul3A_930 = arith.muli %add3A_928, %mul3A_929 : i32
      %swap3A_931 = arith.index_cast %mul3A_930 : i32 to index
      %swap3A_932 = tpu.vector_load %arg6[%swap3A_931] {strides = array<i32>} : memref<32784xf32, #tpu.memory_space<vmem>>, vector<16xf32>,
      tpu.vector_store %arg6[%swap3A_931], %broadcast_in_dim3A_5 {strides = array<i32>} : memref<32784xf32, #tpu.memory_space<vmem>>, vector<16xf32>,
      %mul3A_933 = arith.constant 16 : i32
      %mul3A_934 = arith.muli %scan3A_892, %mul3A_933 : i32
      %add3A_935 = arith.constant 5 : i32
      %add3A_936 = arith.addi %mul3A_934, %add3A_935 : i32
      %mul3A_937 = arith.constant 16 : i32
      %mul3A_938 = arith.muli %add3A_936, %mul3A_937 : i32
      %swap3A_939 = arith.index_cast %mul3A_938 : i32 to index
      %swap3A_940 = tpu.vector_load %arg6[%swap3A_939] {strides = array<i32>} : memref<32784xf32, #tpu.memory_space<vmem>>, vector<16xf32>,
      tpu.vector_store %arg6[%swap3A_939], %broadcast_in_dim3A_5 {strides = array<i32>} : memref<32784xf32, #tpu.memory_space<vmem>>, vector<16xf32>,
      %mul3A_941 = arith.constant 16 : i32
      %mul3A_942 = arith.muli %scan3A_892, %mul3A_941 : i32
      %add3A_943 = arith.constant 6 : i32
      %add3A_944 = arith.addi %mul3A_942, %add3A_943 : i32
      %mul3A_945 = arith.constant 16 : i32
      %mul3A_946 = arith.muli %add3A_944, %mul3A_945 : i32
      %swap3A_947 = arith.index_cast %mul3A_946 : i32 to index
      %swap3A_948 = tpu.vector_load %arg6[%swap3A_947] {strides = array<i32>} : memref<32784xf32, #tpu.memory_space<vmem>>, vector<16xf32>,
      tpu.vector_store %arg6[%swap3A_947], %broadcast_in_dim3A_5 {strides = array<i32>} : memref<32784xf32, #tpu.memory_space<vmem>>, vector<16xf32>,
      %mul3A_949 = arith.constant 16 : i32
      %mul3A_950 = arith.muli %scan3A_892, %mul3A_949 : i32
      %add3A_951 = arith.constant 7 : i32
      %add3A_952 = arith.addi %mul3A_950, %add3A_951 : i32
      %mul3A_953 = arith.constant 16 : i32
      %mul3A_954 = arith.muli %add3A_952, %mul3A_953 : i32
      %swap3A_955 = arith.index_cast %mul3A_954 : i32 to index
      %swap3A_956 = tpu.vector_load %arg6[%swap3A_955] {strides = array<i32>} : memref<32784xf32, #tpu.memory_space<vmem>>, vector<16xf32>,
      tpu.vector_store %arg6[%swap3A_955], %broadcast_in_dim3A_5 {strides = array<i32>} : memref<32784xf32, #tpu.memory_space<vmem>>, vector<16xf32>,
      %mul3A_957 = arith.constant 16 : i32
      %mul3A_958 = arith.muli %scan3A_892, %mul3A_957 : i32
      %add3A_959 = arith.constant 8 : i32
      %add3A_960 = arith.addi %mul3A_958, %add3A_959 : i32
      %mul3A_961 = arith.constant 16 : i32
      %mul3A_962 = arith.muli %add3A_960, %mul3A_961 : i32
      %swap3A_963 = arith.index_cast %mul3A_962 : i32 to index
      %swap3A_964 = tpu.vector_load %arg6[%swap3A_963] {strides = array<i32>} : memref<32784xf32, #tpu.memory_space<vmem>>, vector<16xf32>,
      tpu.vector_store %arg6[%swap3A_963], %broadcast_in_dim3A_5 {strides = array<i32>} : memref<32784xf32, #tpu.memory_space<vmem>>, vector<16xf32>,
      %mul3A_965 = arith.constant 16 : i32
      %mul3A_966 = arith.muli %scan3A_892, %mul3A_965 : i32
      %add3A_967 = arith.constant 9 : i32
      %add3A_968 = arith.addi %mul3A_966, %add3A_967 : i32
      %mul3A_969 = arith.constant 16 : i32
      %mul3A_970 = arith.muli %add3A_968, %mul3A_969 : i32
      %swap3A_971 = arith.index_cast %mul3A_970 : i32 to index
      %swap3A_972 = tpu.vector_load %arg6[%swap3A_971] {strides = array<i32>} : memref<32784xf32, #tpu.memory_space<vmem>>, vector<16xf32>,
      tpu.vector_store %arg6[%swap3A_971], %broadcast_in_dim3A_5 {strides = array<i32>} : memref<32784xf32, #tpu.memory_space<vmem>>, vector<16xf32>,
      %mul3A_973 = arith.constant 16 : i32
      %mul3A_974 = arith.muli %scan3A_892, %mul3A_973 : i32
      %add3A_975 = arith.constant 10 : i32
      %add3A_976 = arith.addi %mul3A_974, %add3A_975 : i32
      %mul3A_977 = arith.constant 16 : i32
      %mul3A_978 = arith.muli %add3A_976, %mul3A_977 : i32
      %swap3A_979 = arith.index_cast %mul3A_978 : i32 to index
      %swap3A_980 = tpu.vector_load %arg6[%swap3A_979] {strides = array<i32>} : memref<32784xf32, #tpu.memory_space<vmem>>, vector<16xf32>,
      tpu.vector_store %arg6[%swap3A_979], %broadcast_in_dim3A_5 {strides = array<i32>} : memref<32784xf32, #tpu.memory_space<vmem>>, vector<16xf32>,
      %mul3A_981 = arith.constant 16 : i32
      %mul3A_982 = arith.muli %scan3A_892, %mul3A_981 : i32
      %add3A_983 = arith.constant 11 : i32
      %add3A_984 = arith.addi %mul3A_982, %add3A_983 : i32
      %mul3A_985 = arith.constant 16 : i32
      %mul3A_986 = arith.muli %add3A_984, %mul3A_985 : i32
      %swap3A_987 = arith.index_cast %mul3A_986 : i32 to index
      %swap3A_988 = tpu.vector_load %arg6[%swap3A_987] {strides = array<i32>} : memref<32784xf32, #tpu.memory_space<vmem>>, vector<16xf32>,
      tpu.vector_store %arg6[%swap3A_987], %broadcast_in_dim3A_5 {strides = array<i32>} : memref<32784xf32, #tpu.memory_space<vmem>>, vector<16xf32>,
      %mul3A_989 = arith.constant 16 : i32
      %mul3A_990 = arith.muli %scan3A_892, %mul3A_989 : i32
      %add3A_991 = arith.constant 12 : i32
      %add3A_992 = arith.addi %mul3A_990, %add3A_991 : i32
      %mul3A_993 = arith.constant 16 : i32
      %mul3A_994 = arith.muli %add3A_992, %mul3A_993 : i32
      %swap3A_995 = arith.index_cast %mul3A_994 : i32 to index
      %swap3A_996 = tpu.vector_load %arg6[%swap3A_995] {strides = array<i32>} : memref<32784xf32, #tpu.memory_space<vmem>>, vector<16xf32>,
      tpu.vector_store %arg6[%swap3A_995], %broadcast_in_dim3A_5 {strides = array<i32>} : memref<32784xf32, #tpu.memory_space<vmem>>, vector<16xf32>,
      %mul3A_997 = arith.constant 16 : i32
      %mul3A_998 = arith.muli %scan3A_892, %mul3A_997 : i32
      %add3A_999 = arith.constant 13 : i32
      %add3A_1000 = arith.addi %mul3A_998, %add3A_999 : i32
      %mul3A_1001 = arith.constant 16 : i32
      %mul3A_1002 = arith.muli %add3A_1000, %mul3A_1001 : i32
      %swap3A_1003 = arith.index_cast %mul3A_1002 : i32 to index
      %swap3A_1004 = tpu.vector_load %arg6[%swap3A_1003] {strides = array<i32>} : memref<32784xf32, #tpu.memory_space<vmem>>, vector<16xf32>,
      tpu.vector_store %arg6[%swap3A_1003], %broadcast_in_dim3A_5 {strides = array<i32>} : memref<32784xf32, #tpu.memory_space<vmem>>, vector<16xf32>,
      %mul3A_1005 = arith.constant 16 : i32
      %mul3A_1006 = arith.muli %scan3A_892, %mul3A_1005 : i32
      %add3A_1007 = arith.constant 14 : i32
      %add3A_1008 = arith.addi %mul3A_1006, %add3A_1007 : i32
      %mul3A_1009 = arith.constant 16 : i32
      %mul3A_1010 = arith.muli %add3A_1008, %mul3A_1009 : i32
      %swap3A_1011 = arith.index_cast %mul3A_1010 : i32 to index
      %swap3A_1012 = tpu.vector_load %arg6[%swap3A_1011] {strides = array<i32>} : memref<32784xf32, #tpu.memory_space<vmem>>, vector<16xf32>,
      tpu.vector_store %arg6[%swap3A_1011], %broadcast_in_dim3A_5 {strides = array<i32>} : memref<32784xf32, #tpu.memory_space<vmem>>, vector<16xf32>,
      %mul3A_1013 = arith.constant 16 : i32
      %mul3A_1014 = arith.muli %scan3A_892, %mul3A_1013 : i32
      %add3A_1015 = arith.constant 15 : i32
      %add3A_1016 = arith.addi %mul3A_1014, %add3A_1015 : i32
      %mul3A_1017 = arith.constant 16 : i32
      %mul3A_1018 = arith.muli %add3A_1016, %mul3A_1017 : i32
      %swap3A_1019 = arith.index_cast %mul3A_1018 : i32 to index
      %swap3A_1020 = tpu.vector_load %arg6[%swap3A_1019] {strides = array<i32>} : memref<32784xf32, #tpu.memory_space<vmem>>, vector<16xf32>,
      tpu.vector_store %arg6[%swap3A_1019], %broadcast_in_dim3A_5 {strides = array<i32>} : memref<32784xf32, #tpu.memory_space<vmem>>, vector<16xf32>,
    }
    %scan3A_13 = arith.constant 128 : i32
    %swap3A_14 = arith.constant 32768 : index
    %swap3A_15 = tpu.vector_load %arg6[%swap3A_14] {strides = array<i32>} : memref<32784xf32, #tpu.memory_space<vmem>>, vector<16xf32>,
    tpu.vector_store %arg6[%swap3A_14], %broadcast_in_dim3A_5 {strides = array<i32>} : memref<32784xf32, #tpu.memory_space<vmem>>, vector<16xf32>,
    %dma_start3A = arith.constant 0 : i32
    %dma_start3A_16 = tpu.memref_slice %arg4[%dma_start3A] : memref<32784xf32, #tpu.memory_space<vmem>> -> memref<32768xf32, #tpu.memory_space<vmem>>
    %dma_start3A_17 = arith.constant 0 : i32
    %dma_start3A_18 = tpu.memref_slice %arg2[%mul3A_2, %dma_start3A_17] : memref<128x32768xf32, #tpu.memory_space<hbm>> -> memref<1x32768xf32, #tpu.memory_space<hbm>>
    %dma_start3A_19 = tpu.memref_squeeze %dma_start3A_18 : memref<1x32768xf32, #tpu.memory_space<hbm>> -> memref<32768xf32, #tpu.memory_space<hbm>>
    %dma_start3A_20 = arith.constant 0 : i32
    %dma_start3A_21 = tpu.memref_slice %arg4[%dma_start3A_20] : memref<32784xf32, #tpu.memory_space<vmem>> -> memref<32768xf32, #tpu.memory_space<vmem>>
    %dma_start3A_22 = arith.constant 0 : i32
    %dma_start3A_23 = tpu.memref_slice %arg2[%mul3A_2, %dma_start3A_22] : memref<128x32768xf32, #tpu.memory_space<hbm>> -> memref<1x32768xf32, #tpu.memory_space<hbm>>
    %dma_start3A_24 = tpu.memref_squeeze %dma_start3A_23 : memref<1x32768xf32, #tpu.memory_space<hbm>> -> memref<32768xf32, #tpu.memory_space<hbm>>
    tpu.enqueue_dma source(%dma_start3A_24 : memref<32768xf32, #tpu.memory_space<hbm>>) target(%dma_start3A_21 : memref<32768xf32, #tpu.memory_space<vmem>>) target_semaphore(%arg9 : memref<!tpu.dma_semaphore, #tpu.memory_space<semaphore_mem>>)
    %add3A_25 = arith.constant 0 : i32
    %add3A_26 = arith.addi %mul3A_2, %add3A_25 : i32
    %dma_wait3A = arith.constant 0 : i32
    %dma_wait3A_27 = tpu.memref_slice %arg4[%dma_wait3A] : memref<32784xf32, #tpu.memory_space<vmem>> -> memref<32768xf32, #tpu.memory_space<vmem>>
    %dma_wait3A_28 = arith.constant 0 : i32
    %dma_wait3A_29 = tpu.memref_slice %arg2[%add3A_26, %dma_wait3A_28] : memref<128x32768xf32, #tpu.memory_space<hbm>> -> memref<1x32768xf32, #tpu.memory_space<hbm>>
    %dma_wait3A_30 = tpu.memref_squeeze %dma_wait3A_29 : memref<1x32768xf32, #tpu.memory_space<hbm>> -> memref<32768xf32, #tpu.memory_space<hbm>>
    %dma_wait3A_31 = arith.constant 0 : i32
    %dma_wait3A_32 = tpu.memref_slice %arg4[%dma_wait3A_31] : memref<32784xf32, #tpu.memory_space<vmem>> -> memref<32768xf32, #tpu.memory_space<vmem>>
    %dma_wait3A_33 = arith.constant 0 : i32
    %dma_wait3A_34 = tpu.memref_slice %arg2[%add3A_26, %dma_wait3A_33] : memref<128x32768xf32, #tpu.memory_space<hbm>> -> memref<1x32768xf32, #tpu.memory_space<hbm>>
    %dma_wait3A_35 = tpu.memref_squeeze %dma_wait3A_34 : memref<1x32768xf32, #tpu.memory_space<hbm>> -> memref<32768xf32, #tpu.memory_space<hbm>>
    tpu.wait_dma2 semaphore(%arg9 : memref<!tpu.dma_semaphore, #tpu.memory_space<semaphore_mem>>) src(%dma_wait3A_35 : memref<32768xf32, #tpu.memory_space<hbm>>) dst(%dma_wait3A_32 : memref<32768xf32, #tpu.memory_space<vmem>>)
    %add3A_36 = arith.constant 0 : i32
    %add3A_37 = arith.addi %mul3A_2, %add3A_36 : i32
    %add3A_38 = arith.constant 1 : i32
    %add3A_39 = arith.addi %add3A_37, %add3A_38 : i32
    %dma_start3A_40 = arith.constant 0 : i32
    %dma_start3A_41 = tpu.memref_slice %arg5[%dma_start3A_40] : memref<32784xf32, #tpu.memory_space<vmem>> -> memref<32768xf32, #tpu.memory_space<vmem>>
    %dma_start3A_42 = arith.constant 0 : i32
    %dma_start3A_43 = tpu.memref_slice %arg2[%add3A_39, %dma_start3A_42] : memref<128x32768xf32, #tpu.memory_space<hbm>> -> memref<1x32768xf32, #tpu.memory_space<hbm>>
    %dma_start3A_44 = tpu.memref_squeeze %dma_start3A_43 : memref<1x32768xf32, #tpu.memory_space<hbm>> -> memref<32768xf32, #tpu.memory_space<hbm>>
    %dma_start3A_45 = arith.constant 0 : i32
    %dma_start3A_46 = tpu.memref_slice %arg5[%dma_start3A_45] : memref<32784xf32, #tpu.memory_space<vmem>> -> memref<32768xf32, #tpu.memory_space<vmem>>
    %dma_start3A_47 = arith.constant 0 : i32
    %dma_start3A_48 = tpu.memref_slice %arg2[%add3A_39, %dma_start3A_47] : memref<128x32768xf32, #tpu.memory_space<hbm>> -> memref<1x32768xf32, #tpu.memory_space<hbm>>
    %dma_start3A_49 = tpu.memref_squeeze %dma_start3A_48 : memref<1x32768xf32, #tpu.memory_space<hbm>> -> memref<32768xf32, #tpu.memory_space<hbm>>
    tpu.enqueue_dma source(%dma_start3A_49 : memref<32768xf32, #tpu.memory_space<hbm>>) target(%dma_start3A_46 : memref<32768xf32, #tpu.memory_space<vmem>>) target_semaphore(%arg10 : memref<!tpu.dma_semaphore, #tpu.memory_space<semaphore_mem>>)
    %iota3A = tpu.iota {dimensions = array<i32: 0>} : vector<16xi32>
    %get3A = arith.constant 0 : index
    %get3A_50 = tpu.vector_load %arg4[%get3A] {strides = array<i32>} : memref<32784xf32, #tpu.memory_space<vmem>>, vector<16xf32>,
    %get3A_51 = arith.constant 1024 : index
    %get3A_52 = tpu.vector_load %arg4[%get3A_51] {strides = array<i32>} : memref<32784xf32, #tpu.memory_space<vmem>>, vector<16xf32>,
    %max3A = arith.maximumf %get3A_50, %get3A_52 : vector<16xf32>
    %get3A_53 = arith.constant 2048 : index
    %get3A_54 = tpu.vector_load %arg4[%get3A_53] {strides = array<i32>} : memref<32784xf32, #tpu.memory_space<vmem>>, vector<16xf32>,
    %max3A_55 = arith.maximumf %max3A, %get3A_54 : vector<16xf32>
    %get3A_56 = arith.constant 3072 : index
    %get3A_57 = tpu.vector_load %arg4[%get3A_56] {strides = array<i32>} : memref<32784xf32, #tpu.memory_space<vmem>>, vector<16xf32>,
    %max3A_58 = arith.maximumf %max3A_55, %get3A_57 : vector<16xf32>
    %get3A_59 = arith.constant 4096 : index
    %get3A_60 = tpu.vector_load %arg4[%get3A_59] {strides = array<i32>} : memref<32784xf32, #tpu.memory_space<vmem>>, vector<16xf32>,
    %max3A_61 = arith.maximumf %max3A_58, %get3A_60 : vector<16xf32>
    %get3A_62 = arith.constant 5120 : index
    %get3A_63 = tpu.vector_load %arg4[%get3A_62] {strides = array<i32>} : memref<32784xf32, #tpu.memory_space<vmem>>, vector<16xf32>,
    %max3A_64 = arith.maximumf %max3A_61, %get3A_63 : vector<16xf32>
    %get3A_65 = arith.constant 6144 : index
    %get3A_66 = tpu.vector_load %arg4[%get3A_65] {strides = array<i32>} : memref<32784xf32, #tpu.memory_space<vmem>>, vector<16xf32>,
    %max3A_67 = arith.maximumf %max3A_64, %get3A_66 : vector<16xf32>
    %get3A_68 = arith.constant 7168 : index
    %get3A_69 = tpu.vector_load %arg4[%get3A_68] {strides = array<i32>} : memref<32784xf32, #tpu.memory_space<vmem>>, vector<16xf32>,
    %max3A_70 = arith.maximumf %max3A_67, %get3A_69 : vector<16xf32>
    %get3A_71 = arith.constant 8192 : index
    %get3A_72 = tpu.vector_load %arg4[%get3A_71] {strides = array<i32>} : memref<32784xf32, #tpu.memory_space<vmem>>, vector<16xf32>,
    %max3A_73 = arith.maximumf %max3A_70, %get3A_72 : vector<16xf32>
    %get3A_74 = arith.constant 9216 : index
    %get3A_75 = tpu.vector_load %arg4[%get3A_74] {strides = array<i32>} : memref<32784xf32, #tpu.memory_space<vmem>>, vector<16xf32>,
    %max3A_76 = arith.maximumf %max3A_73, %get3A_75 : vector<16xf32>
    %get3A_77 = arith.constant 10240 : index
    %get3A_78 = tpu.vector_load %arg4[%get3A_77] {strides = array<i32>} : memref<32784xf32, #tpu.memory_space<vmem>>, vector<16xf32>,
    %max3A_79 = arith.maximumf %max3A_76, %get3A_78 : vector<16xf32>
    %get3A_80 = arith.constant 11264 : index
    %get3A_81 = tpu.vector_load %arg4[%get3A_80] {strides = array<i32>} : memref<32784xf32, #tpu.memory_space<vmem>>, vector<16xf32>,
    %max3A_82 = arith.maximumf %max3A_79, %get3A_81 : vector<16xf32>
    %get3A_83 = arith.constant 12288 : index
    %get3A_84 = tpu.vector_load %arg4[%get3A_83] {strides = array<i32>} : memref<32784xf32, #tpu.memory_space<vmem>>, vector<16xf32>,
    %max3A_85 = arith.maximumf %max3A_82, %get3A_84 : vector<16xf32>
    %get3A_86 = arith.constant 13312 : index
    %get3A_87 = tpu.vector_load %arg4[%get3A_86] {strides = array<i32>} : memref<32784xf32, #tpu.memory_space<vmem>>, vector<16xf32>,
    %max3A_88 = arith.maximumf %max3A_85, %get3A_87 : vector<16xf32>
    %get3A_89 = arith.constant 14336 : index
    %get3A_90 = tpu.vector_load %arg4[%get3A_89] {strides = array<i32>} : memref<32784xf32, #tpu.memory_space<vmem>>, vector<16xf32>,
    %max3A_91 = arith.maximumf %max3A_88, %get3A_90 : vector<16xf32>
    %get3A_92 = arith.constant 15360 : index
    %get3A_93 = tpu.vector_load %arg4[%get3A_92] {strides = array<i32>} : memref<32784xf32, #tpu.memory_space<vmem>>, vector<16xf32>,
    %max3A_94 = arith.maximumf %max3A_91, %get3A_93 : vector<16xf32>
    %get3A_95 = arith.constant 16384 : index
    %get3A_96 = tpu.vector_load %arg4[%get3A_95] {strides = array<i32>} : memref<32784xf32, #tpu.memory_space<vmem>>, vector<16xf32>,
    %max3A_97 = arith.maximumf %max3A_94, %get3A_96 : vector<16xf32>
    %get3A_98 = arith.constant 17408 : index
    %get3A_99 = tpu.vector_load %arg4[%get3A_98] {strides = array<i32>} : memref<32784xf32, #tpu.memory_space<vmem>>, vector<16xf32>,
    %max3A_100 = arith.maximumf %max3A_97, %get3A_99 : vector<16xf32>
    %get3A_101 = arith.constant 18432 : index
    %get3A_102 = tpu.vector_load %arg4[%get3A_101] {strides = array<i32>} : memref<32784xf32, #tpu.memory_space<vmem>>, vector<16xf32>,
    %max3A_103 = arith.maximumf %max3A_100, %get3A_102 : vector<16xf32>
    %get3A_104 = arith.constant 19456 : index
    %get3A_105 = tpu.vector_load %arg4[%get3A_104] {strides = array<i32>} : memref<32784xf32, #tpu.memory_space<vmem>>, vector<16xf32>,
    %max3A_106 = arith.maximumf %max3A_103, %get3A_105 : vector<16xf32>
    %get3A_107 = arith.constant 20480 : index
    %get3A_108 = tpu.vector_load %arg4[%get3A_107] {strides = array<i32>} : memref<32784xf32, #tpu.memory_space<vmem>>, vector<16xf32>,
    %max3A_109 = arith.maximumf %max3A_106, %get3A_108 : vector<16xf32>
    %get3A_110 = arith.constant 21504 : index
    %get3A_111 = tpu.vector_load %arg4[%get3A_110] {strides = array<i32>} : memref<32784xf32, #tpu.memory_space<vmem>>, vector<16xf32>,
    %max3A_112 = arith.maximumf %max3A_109, %get3A_111 : vector<16xf32>
    %get3A_113 = arith.constant 22528 : index
    %get3A_114 = tpu.vector_load %arg4[%get3A_113] {strides = array<i32>} : memref<32784xf32, #tpu.memory_space<vmem>>, vector<16xf32>,
    %max3A_115 = arith.maximumf %max3A_112, %get3A_114 : vector<16xf32>
    %get3A_116 = arith.constant 23552 : index
    %get3A_117 = tpu.vector_load %arg4[%get3A_116] {strides = array<i32>} : memref<32784xf32, #tpu.memory_space<vmem>>, vector<16xf32>,
    %max3A_118 = arith.maximumf %max3A_115, %get3A_117 : vector<16xf32>
    %get3A_119 = arith.constant 24576 : index
    %get3A_120 = tpu.vector_load %arg4[%get3A_119] {strides = array<i32>} : memref<32784xf32, #tpu.memory_space<vmem>>, vector<16xf32>,
    %max3A_121 = arith.maximumf %max3A_118, %get3A_120 : vector<16xf32>
    %get3A_122 = arith.constant 25600 : index
    %get3A_123 = tpu.vector_load %arg4[%get3A_122] {strides = array<i32>} : memref<32784xf32, #tpu.memory_space<vmem>>, vector<16xf32>,
    %max3A_124 = arith.maximumf %max3A_121, %get3A_123 : vector<16xf32>
    %get3A_125 = arith.constant 26624 : index
    %get3A_126 = tpu.vector_load %arg4[%get3A_125] {strides = array<i32>} : memref<32784xf32, #tpu.memory_space<vmem>>, vector<16xf32>,
    %max3A_127 = arith.maximumf %max3A_124, %get3A_126 : vector<16xf32>
    %get3A_128 = arith.constant 27648 : index
    %get3A_129 = tpu.vector_load %arg4[%get3A_128] {strides = array<i32>} : memref<32784xf32, #tpu.memory_space<vmem>>, vector<16xf32>,
    %max3A_130 = arith.maximumf %max3A_127, %get3A_129 : vector<16xf32>
    %get3A_131 = arith.constant 28672 : index
    %get3A_132 = tpu.vector_load %arg4[%get3A_131] {strides = array<i32>} : memref<32784xf32, #tpu.memory_space<vmem>>, vector<16xf32>,
    %max3A_133 = arith.maximumf %max3A_130, %get3A_132 : vector<16xf32>
    %get3A_134 = arith.constant 29696 : index
    %get3A_135 = tpu.vector_load %arg4[%get3A_134] {strides = array<i32>} : memref<32784xf32, #tpu.memory_space<vmem>>, vector<16xf32>,
    %max3A_136 = arith.maximumf %max3A_133, %get3A_135 : vector<16xf32>
    %get3A_137 = arith.constant 30720 : index
    %get3A_138 = tpu.vector_load %arg4[%get3A_137] {strides = array<i32>} : memref<32784xf32, #tpu.memory_space<vmem>>, vector<16xf32>,
    %max3A_139 = arith.maximumf %max3A_136, %get3A_138 : vector<16xf32>
    %get3A_140 = arith.constant 31744 : index
    %get3A_141 = tpu.vector_load %arg4[%get3A_140] {strides = array<i32>} : memref<32784xf32, #tpu.memory_space<vmem>>, vector<16xf32>,
    %max3A_142 = arith.maximumf %max3A_139, %get3A_141 : vector<16xf32>
    %iota3A_143 = tpu.iota {dimensions = array<i32: 0>} : vector<16xi32>
    %xor3A = arith.constant 1 : i32
    %xor3A_144 = vector.broadcast %xor3A : i32 to vector<16xi32>
    %xor3A_145 = arith.xori %iota3A_143, %xor3A_144 : vector<16xi32>
    %broadcast_in_dim3A_146 = vector.shape_cast %xor3A_145 : vector<16xi32> to vector<16x1xi32>
    %gather3A = vector.shape_cast %broadcast_in_dim3A_146 : vector<16x1xi32> to vector<16xi32>
    %gather3A_147 = tpu.dynamic_gather %max3A_142[%gather3A] in [0] : vector<16xf32>, vector<16xi32> -> vector<16xf32>
    %max3A_148 = arith.maximumf %max3A_142, %gather3A_147 : vector<16xf32>
    %iota3A_149 = tpu.iota {dimensions = array<i32: 0>} : vector<16xi32>
    %xor3A_150 = arith.constant 2 : i32
    %xor3A_151 = vector.broadcast %xor3A_150 : i32 to vector<16xi32>
    %xor3A_152 = arith.xori %iota3A_149, %xor3A_151 : vector<16xi32>
    %broadcast_in_dim3A_153 = vector.shape_cast %xor3A_152 : vector<16xi32> to vector<16x1xi32>
    %gather3A_154 = vector.shape_cast %broadcast_in_dim3A_153 : vector<16x1xi32> to vector<16xi32>
    %gather3A_155 = tpu.dynamic_gather %max3A_148[%gather3A_154] in [0] : vector<16xf32>, vector<16xi32> -> vector<16xf32>
    %max3A_156 = arith.maximumf %max3A_148, %gather3A_155 : vector<16xf32>
    %iota3A_157 = tpu.iota {dimensions = array<i32: 0>} : vector<16xi32>
    %xor3A_158 = arith.constant 4 : i32
    %xor3A_159 = vector.broadcast %xor3A_158 : i32 to vector<16xi32>
    %xor3A_160 = arith.xori %iota3A_157, %xor3A_159 : vector<16xi32>
    %broadcast_in_dim3A_161 = vector.shape_cast %xor3A_160 : vector<16xi32> to vector<16x1xi32>
    %gather3A_162 = vector.shape_cast %broadcast_in_dim3A_161 : vector<16x1xi32> to vector<16xi32>
    %gather3A_163 = tpu.dynamic_gather %max3A_156[%gather3A_162] in [0] : vector<16xf32>, vector<16xi32> -> vector<16xf32>
    %max3A_164 = arith.maximumf %max3A_156, %gather3A_163 : vector<16xf32>
    %iota3A_165 = tpu.iota {dimensions = array<i32: 0>} : vector<16xi32>
    %xor3A_166 = arith.constant 8 : i32
    %xor3A_167 = vector.broadcast %xor3A_166 : i32 to vector<16xi32>
    %xor3A_168 = arith.xori %iota3A_165, %xor3A_167 : vector<16xi32>
    %broadcast_in_dim3A_169 = vector.shape_cast %xor3A_168 : vector<16xi32> to vector<16x1xi32>
    %gather3A_170 = vector.shape_cast %broadcast_in_dim3A_169 : vector<16x1xi32> to vector<16xi32>
    %gather3A_171 = tpu.dynamic_gather %max3A_164[%gather3A_170] in [0] : vector<16xf32>, vector<16xi32> -> vector<16xf32>
    %max3A_172 = arith.maximumf %max3A_164, %gather3A_171 : vector<16xf32>
    %add3A_173 = arith.constant 32768 : i32
    %add3A_174 = vector.broadcast %add3A_173 : i32 to vector<16xi32>
    %add3A_175 = arith.addi %add3A_174, %iota3A : vector<16xi32>
    %scan3A_176 = arith.constant 0 : i32
    %scan3A_177 = arith.constant 0 : i32
    %scan3A_178 = arith.constant 8 : i32
    %scan3A_179 = arith.addi %scan3A_177, %scan3A_178 : i32
    %scan3A_180 = arith.constant 1 : i32
    scf.for %scan3A_892 = %scan3A_177 to %scan3A_179 step %scan3A_180  : i32 {
      %mul3A_893 = arith.constant 8 : i32
      %mul3A_894 = arith.muli %scan3A_892, %mul3A_893 : i32
      %add3A_895 = arith.constant 0 : i32
      %add3A_896 = arith.addi %mul3A_894, %add3A_895 : i32
      %mul3A_897 = arith.constant 16 : i32
      %mul3A_898 = arith.muli %add3A_896, %mul3A_897 : i32
      %swap3A_899 = arith.index_cast %mul3A_898 : i32 to index
      %swap3A_900 = tpu.vector_load %arg7[%swap3A_899] {strides = array<i32>} : memref<1312xi32, #tpu.memory_space<vmem>>, vector<16xi32>,
      tpu.vector_store %arg7[%swap3A_899], %add3A_175 {strides = array<i32>} : memref<1312xi32, #tpu.memory_space<vmem>>, vector<16xi32>,
      %mul3A_901 = arith.constant 8 : i32
      %mul3A_902 = arith.muli %scan3A_892, %mul3A_901 : i32
      %add3A_903 = arith.constant 1 : i32
      %add3A_904 = arith.addi %mul3A_902, %add3A_903 : i32
      %mul3A_905 = arith.constant 16 : i32
      %mul3A_906 = arith.muli %add3A_904, %mul3A_905 : i32
      %swap3A_907 = arith.index_cast %mul3A_906 : i32 to index
      %swap3A_908 = tpu.vector_load %arg7[%swap3A_907] {strides = array<i32>} : memref<1312xi32, #tpu.memory_space<vmem>>, vector<16xi32>,
      tpu.vector_store %arg7[%swap3A_907], %add3A_175 {strides = array<i32>} : memref<1312xi32, #tpu.memory_space<vmem>>, vector<16xi32>,
      %mul3A_909 = arith.constant 8 : i32
      %mul3A_910 = arith.muli %scan3A_892, %mul3A_909 : i32
      %add3A_911 = arith.constant 2 : i32
      %add3A_912 = arith.addi %mul3A_910, %add3A_911 : i32
      %mul3A_913 = arith.constant 16 : i32
      %mul3A_914 = arith.muli %add3A_912, %mul3A_913 : i32
      %swap3A_915 = arith.index_cast %mul3A_914 : i32 to index
      %swap3A_916 = tpu.vector_load %arg7[%swap3A_915] {strides = array<i32>} : memref<1312xi32, #tpu.memory_space<vmem>>, vector<16xi32>,
      tpu.vector_store %arg7[%swap3A_915], %add3A_175 {strides = array<i32>} : memref<1312xi32, #tpu.memory_space<vmem>>, vector<16xi32>,
      %mul3A_917 = arith.constant 8 : i32
      %mul3A_918 = arith.muli %scan3A_892, %mul3A_917 : i32
      %add3A_919 = arith.constant 3 : i32
      %add3A_920 = arith.addi %mul3A_918, %add3A_919 : i32
      %mul3A_921 = arith.constant 16 : i32
      %mul3A_922 = arith.muli %add3A_920, %mul3A_921 : i32
      %swap3A_923 = arith.index_cast %mul3A_922 : i32 to index
      %swap3A_924 = tpu.vector_load %arg7[%swap3A_923] {strides = array<i32>} : memref<1312xi32, #tpu.memory_space<vmem>>, vector<16xi32>,
      tpu.vector_store %arg7[%swap3A_923], %add3A_175 {strides = array<i32>} : memref<1312xi32, #tpu.memory_space<vmem>>, vector<16xi32>,
      %mul3A_925 = arith.constant 8 : i32
      %mul3A_926 = arith.muli %scan3A_892, %mul3A_925 : i32
      %add3A_927 = arith.constant 4 : i32
      %add3A_928 = arith.addi %mul3A_926, %add3A_927 : i32
      %mul3A_929 = arith.constant 16 : i32
      %mul3A_930 = arith.muli %add3A_928, %mul3A_929 : i32
      %swap3A_931 = arith.index_cast %mul3A_930 : i32 to index
      %swap3A_932 = tpu.vector_load %arg7[%swap3A_931] {strides = array<i32>} : memref<1312xi32, #tpu.memory_space<vmem>>, vector<16xi32>,
      tpu.vector_store %arg7[%swap3A_931], %add3A_175 {strides = array<i32>} : memref<1312xi32, #tpu.memory_space<vmem>>, vector<16xi32>,
      %mul3A_933 = arith.constant 8 : i32
      %mul3A_934 = arith.muli %scan3A_892, %mul3A_933 : i32
      %add3A_935 = arith.constant 5 : i32
      %add3A_936 = arith.addi %mul3A_934, %add3A_935 : i32
      %mul3A_937 = arith.constant 16 : i32
      %mul3A_938 = arith.muli %add3A_936, %mul3A_937 : i32
      %swap3A_939 = arith.index_cast %mul3A_938 : i32 to index
      %swap3A_940 = tpu.vector_load %arg7[%swap3A_939] {strides = array<i32>} : memref<1312xi32, #tpu.memory_space<vmem>>, vector<16xi32>,
      tpu.vector_store %arg7[%swap3A_939], %add3A_175 {strides = array<i32>} : memref<1312xi32, #tpu.memory_space<vmem>>, vector<16xi32>,
      %mul3A_941 = arith.constant 8 : i32
      %mul3A_942 = arith.muli %scan3A_892, %mul3A_941 : i32
      %add3A_943 = arith.constant 6 : i32
      %add3A_944 = arith.addi %mul3A_942, %add3A_943 : i32
      %mul3A_945 = arith.constant 16 : i32
      %mul3A_946 = arith.muli %add3A_944, %mul3A_945 : i32
      %swap3A_947 = arith.index_cast %mul3A_946 : i32 to index
      %swap3A_948 = tpu.vector_load %arg7[%swap3A_947] {strides = array<i32>} : memref<1312xi32, #tpu.memory_space<vmem>>, vector<16xi32>,
      tpu.vector_store %arg7[%swap3A_947], %add3A_175 {strides = array<i32>} : memref<1312xi32, #tpu.memory_space<vmem>>, vector<16xi32>,
      %mul3A_949 = arith.constant 8 : i32
      %mul3A_950 = arith.muli %scan3A_892, %mul3A_949 : i32
      %add3A_951 = arith.constant 7 : i32
      %add3A_952 = arith.addi %mul3A_950, %add3A_951 : i32
      %mul3A_953 = arith.constant 16 : i32
      %mul3A_954 = arith.muli %add3A_952, %mul3A_953 : i32
      %swap3A_955 = arith.index_cast %mul3A_954 : i32 to index
      %swap3A_956 = tpu.vector_load %arg7[%swap3A_955] {strides = array<i32>} : memref<1312xi32, #tpu.memory_space<vmem>>, vector<16xi32>,
      tpu.vector_store %arg7[%swap3A_955], %add3A_175 {strides = array<i32>} : memref<1312xi32, #tpu.memory_space<vmem>>, vector<16xi32>,
    }
    %scan3A_181 = arith.constant 8 : i32
    %add3A_182 = arith.constant 1296 : i32
    %add3A_183 = vector.broadcast %add3A_182 : i32 to vector<16xi32>
    %add3A_184 = arith.addi %add3A_183, %iota3A : vector<16xi32>
    %add3A_185 = arith.constant 1024 : i32
    %add3A_186 = vector.broadcast %add3A_185 : i32 to vector<16xi32>
    %add3A_187 = arith.addi %add3A_186, %iota3A : vector<16xi32>
    %scan3A_188 = arith.constant 0 : i32
    %scan3A_189 = arith.constant 128 : i32
    %scan3A_190 = arith.addi %scan3A_188, %scan3A_189 : i32
    %scan3A_191 = arith.constant 1 : i32
    %scan3A_192:3 = scf.for %scan3A_892 = %scan3A_188 to %scan3A_190 step %scan3A_191 iter_args(%scan3A_893 = %max3A_172, %scan3A_894 = %iota3A, %scan3A_895 = %iota3A) -> (vector<16xf32>, vector<16xi32>, vector<16xi32>)  : i32 {
      %sub3A_896 = arith.constant 1.000000e+00 : f32
      %sub3A_897 = vector.broadcast %sub3A_896 : f32 to vector<16xf32>
      %sub3A_898 = arith.subf %scan3A_893, %sub3A_897 : vector<16xf32>
      %mul3A_899 = arith.constant 256 : i32
      %mul3A_900 = arith.muli %scan3A_892, %mul3A_899 : i32
      %add3A_901 = arith.constant 0 : i32
      %add3A_902 = arith.addi %mul3A_900, %add3A_901 : i32
      %get3A_903 = arith.index_cast %add3A_902 : i32 to index
      %get3A_904 = tpu.vector_load %arg4[%get3A_903] {strides = array<i32>} : memref<32784xf32, #tpu.memory_space<vmem>>, vector<16xf32>,
      %gt3A = arith.cmpf ogt, %get3A_904, %sub3A_898 : vector<16xf32>
      %select_n3A = arith.select %gt3A, %scan3A_894, %add3A_184 : vector<16xi1>, vector<16xi32>
      tpu.vector_store_idx %arg7[%select_n3A], %scan3A_895 : memref<1312xi32, #tpu.memory_space<vmem>>[vector<16xi32>], vector<16xi32>,
      %jit3A = arith.constant 16 : i32
      %jit3A_905 = arith.constant 0 : i32
      %broadcast_in_dim3A_906 = vector.broadcast %jit3A : i32 to vector<16xi32>
      %broadcast_in_dim3A_907 = vector.broadcast %jit3A_905 : i32 to vector<16xi32>
      %select_n3A_908 = arith.select %gt3A, %broadcast_in_dim3A_906, %broadcast_in_dim3A_907 : vector<16xi1>, vector<16xi32>
      %add3A_909 = arith.addi %scan3A_894, %select_n3A_908 : vector<16xi32>
      %add3A_910 = arith.constant 16 : i32
      %add3A_911 = vector.broadcast %add3A_910 : i32 to vector<16xi32>
      %add3A_912 = arith.addi %scan3A_895, %add3A_911 : vector<16xi32>
      %add3A_913 = arith.constant 16 : i32
      %add3A_914 = arith.addi %mul3A_900, %add3A_913 : i32
      %get3A_915 = arith.index_cast %add3A_914 : i32 to index
      %get3A_916 = tpu.vector_load %arg4[%get3A_915] {strides = array<i32>} : memref<32784xf32, #tpu.memory_space<vmem>>, vector<16xf32>,
      %gt3A_917 = arith.cmpf ogt, %get3A_916, %sub3A_898 : vector<16xf32>
      %select_n3A_918 = arith.select %gt3A_917, %add3A_909, %add3A_184 : vector<16xi1>, vector<16xi32>
      tpu.vector_store_idx %arg7[%select_n3A_918], %add3A_912 : memref<1312xi32, #tpu.memory_space<vmem>>[vector<16xi32>], vector<16xi32>,
      %jit3A_919 = arith.constant 16 : i32
      %jit3A_920 = arith.constant 0 : i32
      %broadcast_in_dim3A_921 = vector.broadcast %jit3A_919 : i32 to vector<16xi32>
      %broadcast_in_dim3A_922 = vector.broadcast %jit3A_920 : i32 to vector<16xi32>
      %select_n3A_923 = arith.select %gt3A_917, %broadcast_in_dim3A_921, %broadcast_in_dim3A_922 : vector<16xi1>, vector<16xi32>
      %add3A_924 = arith.addi %add3A_909, %select_n3A_923 : vector<16xi32>
      %add3A_925 = arith.constant 16 : i32
      %add3A_926 = vector.broadcast %add3A_925 : i32 to vector<16xi32>
      %add3A_927 = arith.addi %add3A_912, %add3A_926 : vector<16xi32>
      %add3A_928 = arith.constant 32 : i32
      %add3A_929 = arith.addi %mul3A_900, %add3A_928 : i32
      %get3A_930 = arith.index_cast %add3A_929 : i32 to index
      %get3A_931 = tpu.vector_load %arg4[%get3A_930] {strides = array<i32>} : memref<32784xf32, #tpu.memory_space<vmem>>, vector<16xf32>,
      %gt3A_932 = arith.cmpf ogt, %get3A_931, %sub3A_898 : vector<16xf32>
      %select_n3A_933 = arith.select %gt3A_932, %add3A_924, %add3A_184 : vector<16xi1>, vector<16xi32>
      tpu.vector_store_idx %arg7[%select_n3A_933], %add3A_927 : memref<1312xi32, #tpu.memory_space<vmem>>[vector<16xi32>], vector<16xi32>,
      %jit3A_934 = arith.constant 16 : i32
      %jit3A_935 = arith.constant 0 : i32
      %broadcast_in_dim3A_936 = vector.broadcast %jit3A_934 : i32 to vector<16xi32>
      %broadcast_in_dim3A_937 = vector.broadcast %jit3A_935 : i32 to vector<16xi32>
      %select_n3A_938 = arith.select %gt3A_932, %broadcast_in_dim3A_936, %broadcast_in_dim3A_937 : vector<16xi1>, vector<16xi32>
      %add3A_939 = arith.addi %add3A_924, %select_n3A_938 : vector<16xi32>
      %add3A_940 = arith.constant 16 : i32
      %add3A_941 = vector.broadcast %add3A_940 : i32 to vector<16xi32>
      %add3A_942 = arith.addi %add3A_927, %add3A_941 : vector<16xi32>
      %add3A_943 = arith.constant 48 : i32
      %add3A_944 = arith.addi %mul3A_900, %add3A_943 : i32
      %get3A_945 = arith.index_cast %add3A_944 : i32 to index
      %get3A_946 = tpu.vector_load %arg4[%get3A_945] {strides = array<i32>} : memref<32784xf32, #tpu.memory_space<vmem>>, vector<16xf32>,
      %gt3A_947 = arith.cmpf ogt, %get3A_946, %sub3A_898 : vector<16xf32>
      %select_n3A_948 = arith.select %gt3A_947, %add3A_939, %add3A_184 : vector<16xi1>, vector<16xi32>
      tpu.vector_store_idx %arg7[%select_n3A_948], %add3A_942 : memref<1312xi32, #tpu.memory_space<vmem>>[vector<16xi32>], vector<16xi32>,
      %jit3A_949 = arith.constant 16 : i32
      %jit3A_950 = arith.constant 0 : i32
      %broadcast_in_dim3A_951 = vector.broadcast %jit3A_949 : i32 to vector<16xi32>
      %broadcast_in_dim3A_952 = vector.broadcast %jit3A_950 : i32 to vector<16xi32>
      %select_n3A_953 = arith.select %gt3A_947, %broadcast_in_dim3A_951, %broadcast_in_dim3A_952 : vector<16xi1>, vector<16xi32>
      %add3A_954 = arith.addi %add3A_939, %select_n3A_953 : vector<16xi32>
      %add3A_955 = arith.constant 16 : i32
      %add3A_956 = vector.broadcast %add3A_955 : i32 to vector<16xi32>
      %add3A_957 = arith.addi %add3A_942, %add3A_956 : vector<16xi32>
      %add3A_958 = arith.constant 64 : i32
      %add3A_959 = arith.addi %mul3A_900, %add3A_958 : i32
      %get3A_960 = arith.index_cast %add3A_959 : i32 to index
      %get3A_961 = tpu.vector_load %arg4[%get3A_960] {strides = array<i32>} : memref<32784xf32, #tpu.memory_space<vmem>>, vector<16xf32>,
      %gt3A_962 = arith.cmpf ogt, %get3A_961, %sub3A_898 : vector<16xf32>
      %select_n3A_963 = arith.select %gt3A_962, %add3A_954, %add3A_184 : vector<16xi1>, vector<16xi32>
      tpu.vector_store_idx %arg7[%select_n3A_963], %add3A_957 : memref<1312xi32, #tpu.memory_space<vmem>>[vector<16xi32>], vector<16xi32>,
      %jit3A_964 = arith.constant 16 : i32
      %jit3A_965 = arith.constant 0 : i32
      %broadcast_in_dim3A_966 = vector.broadcast %jit3A_964 : i32 to vector<16xi32>
      %broadcast_in_dim3A_967 = vector.broadcast %jit3A_965 : i32 to vector<16xi32>
      %select_n3A_968 = arith.select %gt3A_962, %broadcast_in_dim3A_966, %broadcast_in_dim3A_967 : vector<16xi1>, vector<16xi32>
      %add3A_969 = arith.addi %add3A_954, %select_n3A_968 : vector<16xi32>
      %add3A_970 = arith.constant 16 : i32
      %add3A_971 = vector.broadcast %add3A_970 : i32 to vector<16xi32>
      %add3A_972 = arith.addi %add3A_957, %add3A_971 : vector<16xi32>
      %add3A_973 = arith.constant 80 : i32
      %add3A_974 = arith.addi %mul3A_900, %add3A_973 : i32
      %get3A_975 = arith.index_cast %add3A_974 : i32 to index
      %get3A_976 = tpu.vector_load %arg4[%get3A_975] {strides = array<i32>} : memref<32784xf32, #tpu.memory_space<vmem>>, vector<16xf32>,
      %gt3A_977 = arith.cmpf ogt, %get3A_976, %sub3A_898 : vector<16xf32>
      %select_n3A_978 = arith.select %gt3A_977, %add3A_969, %add3A_184 : vector<16xi1>, vector<16xi32>
      tpu.vector_store_idx %arg7[%select_n3A_978], %add3A_972 : memref<1312xi32, #tpu.memory_space<vmem>>[vector<16xi32>], vector<16xi32>,
      %jit3A_979 = arith.constant 16 : i32
      %jit3A_980 = arith.constant 0 : i32
      %broadcast_in_dim3A_981 = vector.broadcast %jit3A_979 : i32 to vector<16xi32>
      %broadcast_in_dim3A_982 = vector.broadcast %jit3A_980 : i32 to vector<16xi32>
      %select_n3A_983 = arith.select %gt3A_977, %broadcast_in_dim3A_981, %broadcast_in_dim3A_982 : vector<16xi1>, vector<16xi32>
      %add3A_984 = arith.addi %add3A_969, %select_n3A_983 : vector<16xi32>
      %add3A_985 = arith.constant 16 : i32
      %add3A_986 = vector.broadcast %add3A_985 : i32 to vector<16xi32>
      %add3A_987 = arith.addi %add3A_972, %add3A_986 : vector<16xi32>
      %add3A_988 = arith.constant 96 : i32
      %add3A_989 = arith.addi %mul3A_900, %add3A_988 : i32
      %get3A_990 = arith.index_cast %add3A_989 : i32 to index
      %get3A_991 = tpu.vector_load %arg4[%get3A_990] {strides = array<i32>} : memref<32784xf32, #tpu.memory_space<vmem>>, vector<16xf32>,
      %gt3A_992 = arith.cmpf ogt, %get3A_991, %sub3A_898 : vector<16xf32>
      %select_n3A_993 = arith.select %gt3A_992, %add3A_984, %add3A_184 : vector<16xi1>, vector<16xi32>
      tpu.vector_store_idx %arg7[%select_n3A_993], %add3A_987 : memref<1312xi32, #tpu.memory_space<vmem>>[vector<16xi32>], vector<16xi32>,
      %jit3A_994 = arith.constant 16 : i32
      %jit3A_995 = arith.constant 0 : i32
      %broadcast_in_dim3A_996 = vector.broadcast %jit3A_994 : i32 to vector<16xi32>
      %broadcast_in_dim3A_997 = vector.broadcast %jit3A_995 : i32 to vector<16xi32>
      %select_n3A_998 = arith.select %gt3A_992, %broadcast_in_dim3A_996, %broadcast_in_dim3A_997 : vector<16xi1>, vector<16xi32>
      %add3A_999 = arith.addi %add3A_984, %select_n3A_998 : vector<16xi32>
      %add3A_1000 = arith.constant 16 : i32
      %add3A_1001 = vector.broadcast %add3A_1000 : i32 to vector<16xi32>
      %add3A_1002 = arith.addi %add3A_987, %add3A_1001 : vector<16xi32>
      %add3A_1003 = arith.constant 112 : i32
      %add3A_1004 = arith.addi %mul3A_900, %add3A_1003 : i32
      %get3A_1005 = arith.index_cast %add3A_1004 : i32 to index
      %get3A_1006 = tpu.vector_load %arg4[%get3A_1005] {strides = array<i32>} : memref<32784xf32, #tpu.memory_space<vmem>>, vector<16xf32>,
      %gt3A_1007 = arith.cmpf ogt, %get3A_1006, %sub3A_898 : vector<16xf32>
      %select_n3A_1008 = arith.select %gt3A_1007, %add3A_999, %add3A_184 : vector<16xi1>, vector<16xi32>
      tpu.vector_store_idx %arg7[%select_n3A_1008], %add3A_1002 : memref<1312xi32, #tpu.memory_space<vmem>>[vector<16xi32>], vector<16xi32>,
      %jit3A_1009 = arith.constant 16 : i32
      %jit3A_1010 = arith.constant 0 : i32
      %broadcast_in_dim3A_1011 = vector.broadcast %jit3A_1009 : i32 to vector<16xi32>
      %broadcast_in_dim3A_1012 = vector.broadcast %jit3A_1010 : i32 to vector<16xi32>
      %select_n3A_1013 = arith.select %gt3A_1007, %broadcast_in_dim3A_1011, %broadcast_in_dim3A_1012 : vector<16xi1>, vector<16xi32>
      %add3A_1014 = arith.addi %add3A_999, %select_n3A_1013 : vector<16xi32>
      %add3A_1015 = arith.constant 16 : i32
      %add3A_1016 = vector.broadcast %add3A_1015 : i32 to vector<16xi32>
      %add3A_1017 = arith.addi %add3A_1002, %add3A_1016 : vector<16xi32>
      %add3A_1018 = arith.constant 128 : i32
      %add3A_1019 = arith.addi %mul3A_900, %add3A_1018 : i32
      %get3A_1020 = arith.index_cast %add3A_1019 : i32 to index
      %get3A_1021 = tpu.vector_load %arg4[%get3A_1020] {strides = array<i32>} : memref<32784xf32, #tpu.memory_space<vmem>>, vector<16xf32>,
      %gt3A_1022 = arith.cmpf ogt, %get3A_1021, %sub3A_898 : vector<16xf32>
      %select_n3A_1023 = arith.select %gt3A_1022, %add3A_1014, %add3A_184 : vector<16xi1>, vector<16xi32>
      tpu.vector_store_idx %arg7[%select_n3A_1023], %add3A_1017 : memref<1312xi32, #tpu.memory_space<vmem>>[vector<16xi32>], vector<16xi32>,
      %jit3A_1024 = arith.constant 16 : i32
      %jit3A_1025 = arith.constant 0 : i32
      %broadcast_in_dim3A_1026 = vector.broadcast %jit3A_1024 : i32 to vector<16xi32>
      %broadcast_in_dim3A_1027 = vector.broadcast %jit3A_1025 : i32 to vector<16xi32>
      %select_n3A_1028 = arith.select %gt3A_1022, %broadcast_in_dim3A_1026, %broadcast_in_dim3A_1027 : vector<16xi1>, vector<16xi32>
      %add3A_1029 = arith.addi %add3A_1014, %select_n3A_1028 : vector<16xi32>
      %add3A_1030 = arith.constant 16 : i32
      %add3A_1031 = vector.broadcast %add3A_1030 : i32 to vector<16xi32>
      %add3A_1032 = arith.addi %add3A_1017, %add3A_1031 : vector<16xi32>
      %add3A_1033 = arith.constant 144 : i32
      %add3A_1034 = arith.addi %mul3A_900, %add3A_1033 : i32
      %get3A_1035 = arith.index_cast %add3A_1034 : i32 to index
      %get3A_1036 = tpu.vector_load %arg4[%get3A_1035] {strides = array<i32>} : memref<32784xf32, #tpu.memory_space<vmem>>, vector<16xf32>,
      %gt3A_1037 = arith.cmpf ogt, %get3A_1036, %sub3A_898 : vector<16xf32>
      %select_n3A_1038 = arith.select %gt3A_1037, %add3A_1029, %add3A_184 : vector<16xi1>, vector<16xi32>
      tpu.vector_store_idx %arg7[%select_n3A_1038], %add3A_1032 : memref<1312xi32, #tpu.memory_space<vmem>>[vector<16xi32>], vector<16xi32>,
      %jit3A_1039 = arith.constant 16 : i32
      %jit3A_1040 = arith.constant 0 : i32
      %broadcast_in_dim3A_1041 = vector.broadcast %jit3A_1039 : i32 to vector<16xi32>
      %broadcast_in_dim3A_1042 = vector.broadcast %jit3A_1040 : i32 to vector<16xi32>
      %select_n3A_1043 = arith.select %gt3A_1037, %broadcast_in_dim3A_1041, %broadcast_in_dim3A_1042 : vector<16xi1>, vector<16xi32>
      %add3A_1044 = arith.addi %add3A_1029, %select_n3A_1043 : vector<16xi32>
      %add3A_1045 = arith.constant 16 : i32
      %add3A_1046 = vector.broadcast %add3A_1045 : i32 to vector<16xi32>
      %add3A_1047 = arith.addi %add3A_1032, %add3A_1046 : vector<16xi32>
      %add3A_1048 = arith.constant 160 : i32
      %add3A_1049 = arith.addi %mul3A_900, %add3A_1048 : i32
      %get3A_1050 = arith.index_cast %add3A_1049 : i32 to index
      %get3A_1051 = tpu.vector_load %arg4[%get3A_1050] {strides = array<i32>} : memref<32784xf32, #tpu.memory_space<vmem>>, vector<16xf32>,
      %gt3A_1052 = arith.cmpf ogt, %get3A_1051, %sub3A_898 : vector<16xf32>
      %select_n3A_1053 = arith.select %gt3A_1052, %add3A_1044, %add3A_184 : vector<16xi1>, vector<16xi32>
      tpu.vector_store_idx %arg7[%select_n3A_1053], %add3A_1047 : memref<1312xi32, #tpu.memory_space<vmem>>[vector<16xi32>], vector<16xi32>,
      %jit3A_1054 = arith.constant 16 : i32
      %jit3A_1055 = arith.constant 0 : i32
      %broadcast_in_dim3A_1056 = vector.broadcast %jit3A_1054 : i32 to vector<16xi32>
      %broadcast_in_dim3A_1057 = vector.broadcast %jit3A_1055 : i32 to vector<16xi32>
      %select_n3A_1058 = arith.select %gt3A_1052, %broadcast_in_dim3A_1056, %broadcast_in_dim3A_1057 : vector<16xi1>, vector<16xi32>
      %add3A_1059 = arith.addi %add3A_1044, %select_n3A_1058 : vector<16xi32>
      %add3A_1060 = arith.constant 16 : i32
      %add3A_1061 = vector.broadcast %add3A_1060 : i32 to vector<16xi32>
      %add3A_1062 = arith.addi %add3A_1047, %add3A_1061 : vector<16xi32>
      %add3A_1063 = arith.constant 176 : i32
      %add3A_1064 = arith.addi %mul3A_900, %add3A_1063 : i32
      %get3A_1065 = arith.index_cast %add3A_1064 : i32 to index
      %get3A_1066 = tpu.vector_load %arg4[%get3A_1065] {strides = array<i32>} : memref<32784xf32, #tpu.memory_space<vmem>>, vector<16xf32>,
      %gt3A_1067 = arith.cmpf ogt, %get3A_1066, %sub3A_898 : vector<16xf32>
      %select_n3A_1068 = arith.select %gt3A_1067, %add3A_1059, %add3A_184 : vector<16xi1>, vector<16xi32>
      tpu.vector_store_idx %arg7[%select_n3A_1068], %add3A_1062 : memref<1312xi32, #tpu.memory_space<vmem>>[vector<16xi32>], vector<16xi32>,
      %jit3A_1069 = arith.constant 16 : i32
      %jit3A_1070 = arith.constant 0 : i32
      %broadcast_in_dim3A_1071 = vector.broadcast %jit3A_1069 : i32 to vector<16xi32>
      %broadcast_in_dim3A_1072 = vector.broadcast %jit3A_1070 : i32 to vector<16xi32>
      %select_n3A_1073 = arith.select %gt3A_1067, %broadcast_in_dim3A_1071, %broadcast_in_dim3A_1072 : vector<16xi1>, vector<16xi32>
      %add3A_1074 = arith.addi %add3A_1059, %select_n3A_1073 : vector<16xi32>
      %add3A_1075 = arith.constant 16 : i32
      %add3A_1076 = vector.broadcast %add3A_1075 : i32 to vector<16xi32>
      %add3A_1077 = arith.addi %add3A_1062, %add3A_1076 : vector<16xi32>
      %add3A_1078 = arith.constant 192 : i32
      %add3A_1079 = arith.addi %mul3A_900, %add3A_1078 : i32
      %get3A_1080 = arith.index_cast %add3A_1079 : i32 to index
      %get3A_1081 = tpu.vector_load %arg4[%get3A_1080] {strides = array<i32>} : memref<32784xf32, #tpu.memory_space<vmem>>, vector<16xf32>,
      %gt3A_1082 = arith.cmpf ogt, %get3A_1081, %sub3A_898 : vector<16xf32>
      %select_n3A_1083 = arith.select %gt3A_1082, %add3A_1074, %add3A_184 : vector<16xi1>, vector<16xi32>
      tpu.vector_store_idx %arg7[%select_n3A_1083], %add3A_1077 : memref<1312xi32, #tpu.memory_space<vmem>>[vector<16xi32>], vector<16xi32>,
      %jit3A_1084 = arith.constant 16 : i32
      %jit3A_1085 = arith.constant 0 : i32
      %broadcast_in_dim3A_1086 = vector.broadcast %jit3A_1084 : i32 to vector<16xi32>
      %broadcast_in_dim3A_1087 = vector.broadcast %jit3A_1085 : i32 to vector<16xi32>
      %select_n3A_1088 = arith.select %gt3A_1082, %broadcast_in_dim3A_1086, %broadcast_in_dim3A_1087 : vector<16xi1>, vector<16xi32>
      %add3A_1089 = arith.addi %add3A_1074, %select_n3A_1088 : vector<16xi32>
      %add3A_1090 = arith.constant 16 : i32
      %add3A_1091 = vector.broadcast %add3A_1090 : i32 to vector<16xi32>
      %add3A_1092 = arith.addi %add3A_1077, %add3A_1091 : vector<16xi32>
      %add3A_1093 = arith.constant 208 : i32
      %add3A_1094 = arith.addi %mul3A_900, %add3A_1093 : i32
      %get3A_1095 = arith.index_cast %add3A_1094 : i32 to index
      %get3A_1096 = tpu.vector_load %arg4[%get3A_1095] {strides = array<i32>} : memref<32784xf32, #tpu.memory_space<vmem>>, vector<16xf32>,
      %gt3A_1097 = arith.cmpf ogt, %get3A_1096, %sub3A_898 : vector<16xf32>
      %select_n3A_1098 = arith.select %gt3A_1097, %add3A_1089, %add3A_184 : vector<16xi1>, vector<16xi32>
      tpu.vector_store_idx %arg7[%select_n3A_1098], %add3A_1092 : memref<1312xi32, #tpu.memory_space<vmem>>[vector<16xi32>], vector<16xi32>,
      %jit3A_1099 = arith.constant 16 : i32
      %jit3A_1100 = arith.constant 0 : i32
      %broadcast_in_dim3A_1101 = vector.broadcast %jit3A_1099 : i32 to vector<16xi32>
      %broadcast_in_dim3A_1102 = vector.broadcast %jit3A_1100 : i32 to vector<16xi32>
      %select_n3A_1103 = arith.select %gt3A_1097, %broadcast_in_dim3A_1101, %broadcast_in_dim3A_1102 : vector<16xi1>, vector<16xi32>
      %add3A_1104 = arith.addi %add3A_1089, %select_n3A_1103 : vector<16xi32>
      %add3A_1105 = arith.constant 16 : i32
      %add3A_1106 = vector.broadcast %add3A_1105 : i32 to vector<16xi32>
      %add3A_1107 = arith.addi %add3A_1092, %add3A_1106 : vector<16xi32>
      %add3A_1108 = arith.constant 224 : i32
      %add3A_1109 = arith.addi %mul3A_900, %add3A_1108 : i32
      %get3A_1110 = arith.index_cast %add3A_1109 : i32 to index
      %get3A_1111 = tpu.vector_load %arg4[%get3A_1110] {strides = array<i32>} : memref<32784xf32, #tpu.memory_space<vmem>>, vector<16xf32>,
      %gt3A_1112 = arith.cmpf ogt, %get3A_1111, %sub3A_898 : vector<16xf32>
      %select_n3A_1113 = arith.select %gt3A_1112, %add3A_1104, %add3A_184 : vector<16xi1>, vector<16xi32>
      tpu.vector_store_idx %arg7[%select_n3A_1113], %add3A_1107 : memref<1312xi32, #tpu.memory_space<vmem>>[vector<16xi32>], vector<16xi32>,
      %jit3A_1114 = arith.constant 16 : i32
      %jit3A_1115 = arith.constant 0 : i32
      %broadcast_in_dim3A_1116 = vector.broadcast %jit3A_1114 : i32 to vector<16xi32>
      %broadcast_in_dim3A_1117 = vector.broadcast %jit3A_1115 : i32 to vector<16xi32>
      %select_n3A_1118 = arith.select %gt3A_1112, %broadcast_in_dim3A_1116, %broadcast_in_dim3A_1117 : vector<16xi1>, vector<16xi32>
      %add3A_1119 = arith.addi %add3A_1104, %select_n3A_1118 : vector<16xi32>
      %add3A_1120 = arith.constant 16 : i32
      %add3A_1121 = vector.broadcast %add3A_1120 : i32 to vector<16xi32>
      %add3A_1122 = arith.addi %add3A_1107, %add3A_1121 : vector<16xi32>
      %add3A_1123 = arith.constant 240 : i32
      %add3A_1124 = arith.addi %mul3A_900, %add3A_1123 : i32
      %get3A_1125 = arith.index_cast %add3A_1124 : i32 to index
      %get3A_1126 = tpu.vector_load %arg4[%get3A_1125] {strides = array<i32>} : memref<32784xf32, #tpu.memory_space<vmem>>, vector<16xf32>,
      %gt3A_1127 = arith.cmpf ogt, %get3A_1126, %sub3A_898 : vector<16xf32>
      %select_n3A_1128 = arith.select %gt3A_1127, %add3A_1119, %add3A_184 : vector<16xi1>, vector<16xi32>
      tpu.vector_store_idx %arg7[%select_n3A_1128], %add3A_1122 : memref<1312xi32, #tpu.memory_space<vmem>>[vector<16xi32>], vector<16xi32>,
      %jit3A_1129 = arith.constant 16 : i32
      %jit3A_1130 = arith.constant 0 : i32
      %broadcast_in_dim3A_1131 = vector.broadcast %jit3A_1129 : i32 to vector<16xi32>
      %broadcast_in_dim3A_1132 = vector.broadcast %jit3A_1130 : i32 to vector<16xi32>
      %select_n3A_1133 = arith.select %gt3A_1127, %broadcast_in_dim3A_1131, %broadcast_in_dim3A_1132 : vector<16xi1>, vector<16xi32>
      %add3A_1134 = arith.addi %add3A_1119, %select_n3A_1133 : vector<16xi32>
      %add3A_1135 = arith.constant 16 : i32
      %add3A_1136 = vector.broadcast %add3A_1135 : i32 to vector<16xi32>
      %add3A_1137 = arith.addi %add3A_1122, %add3A_1136 : vector<16xi32>
      %max3A_1138 = arith.maximumf %get3A_904, %get3A_916 : vector<16xf32>
      %max3A_1139 = arith.maximumf %get3A_931, %get3A_946 : vector<16xf32>
      %max3A_1140 = arith.maximumf %get3A_961, %get3A_976 : vector<16xf32>
      %max3A_1141 = arith.maximumf %get3A_991, %get3A_1006 : vector<16xf32>
      %max3A_1142 = arith.maximumf %get3A_1021, %get3A_1036 : vector<16xf32>
      %max3A_1143 = arith.maximumf %get3A_1051, %get3A_1066 : vector<16xf32>
      %max3A_1144 = arith.maximumf %get3A_1081, %get3A_1096 : vector<16xf32>
      %max3A_1145 = arith.maximumf %get3A_1111, %get3A_1126 : vector<16xf32>
      %max3A_1146 = arith.maximumf %max3A_1138, %max3A_1139 : vector<16xf32>
      %max3A_1147 = arith.maximumf %max3A_1140, %max3A_1141 : vector<16xf32>
      %max3A_1148 = arith.maximumf %max3A_1142, %max3A_1143 : vector<16xf32>
      %max3A_1149 = arith.maximumf %max3A_1144, %max3A_1145 : vector<16xf32>
      %max3A_1150 = arith.maximumf %max3A_1146, %max3A_1147 : vector<16xf32>
      %max3A_1151 = arith.maximumf %max3A_1148, %max3A_1149 : vector<16xf32>
      %max3A_1152 = arith.maximumf %max3A_1150, %max3A_1151 : vector<16xf32>
      %iota3A_1153 = tpu.iota {dimensions = array<i32: 0>} : vector<16xi32>
      %xor3A_1154 = arith.constant 1 : i32
      %xor3A_1155 = vector.broadcast %xor3A_1154 : i32 to vector<16xi32>
      %xor3A_1156 = arith.xori %iota3A_1153, %xor3A_1155 : vector<16xi32>
      %broadcast_in_dim3A_1157 = vector.shape_cast %xor3A_1156 : vector<16xi32> to vector<16x1xi32>
      %gather3A_1158 = vector.shape_cast %broadcast_in_dim3A_1157 : vector<16x1xi32> to vector<16xi32>
      %gather3A_1159 = tpu.dynamic_gather %max3A_1152[%gather3A_1158] in [0] : vector<16xf32>, vector<16xi32> -> vector<16xf32>
      %max3A_1160 = arith.maximumf %max3A_1152, %gather3A_1159 : vector<16xf32>
      %iota3A_1161 = tpu.iota {dimensions = array<i32: 0>} : vector<16xi32>
      %xor3A_1162 = arith.constant 2 : i32
      %xor3A_1163 = vector.broadcast %xor3A_1162 : i32 to vector<16xi32>
      %xor3A_1164 = arith.xori %iota3A_1161, %xor3A_1163 : vector<16xi32>
      %broadcast_in_dim3A_1165 = vector.shape_cast %xor3A_1164 : vector<16xi32> to vector<16x1xi32>
      %gather3A_1166 = vector.shape_cast %broadcast_in_dim3A_1165 : vector<16x1xi32> to vector<16xi32>
      %gather3A_1167 = tpu.dynamic_gather %max3A_1160[%gather3A_1166] in [0] : vector<16xf32>, vector<16xi32> -> vector<16xf32>
      %max3A_1168 = arith.maximumf %max3A_1160, %gather3A_1167 : vector<16xf32>
      %iota3A_1169 = tpu.iota {dimensions = array<i32: 0>} : vector<16xi32>
      %xor3A_1170 = arith.constant 4 : i32
      %xor3A_1171 = vector.broadcast %xor3A_1170 : i32 to vector<16xi32>
      %xor3A_1172 = arith.xori %iota3A_1169, %xor3A_1171 : vector<16xi32>
      %broadcast_in_dim3A_1173 = vector.shape_cast %xor3A_1172 : vector<16xi32> to vector<16x1xi32>
      %gather3A_1174 = vector.shape_cast %broadcast_in_dim3A_1173 : vector<16x1xi32> to vector<16xi32>
      %gather3A_1175 = tpu.dynamic_gather %max3A_1168[%gather3A_1174] in [0] : vector<16xf32>, vector<16xi32> -> vector<16xf32>
      %max3A_1176 = arith.maximumf %max3A_1168, %gather3A_1175 : vector<16xf32>
      %iota3A_1177 = tpu.iota {dimensions = array<i32: 0>} : vector<16xi32>
      %xor3A_1178 = arith.constant 8 : i32
      %xor3A_1179 = vector.broadcast %xor3A_1178 : i32 to vector<16xi32>
      %xor3A_1180 = arith.xori %iota3A_1177, %xor3A_1179 : vector<16xi32>
      %broadcast_in_dim3A_1181 = vector.shape_cast %xor3A_1180 : vector<16xi32> to vector<16x1xi32>
      %gather3A_1182 = vector.shape_cast %broadcast_in_dim3A_1181 : vector<16x1xi32> to vector<16xi32>
      %gather3A_1183 = tpu.dynamic_gather %max3A_1176[%gather3A_1182] in [0] : vector<16xf32>, vector<16xi32> -> vector<16xf32>
      %max3A_1184 = arith.maximumf %max3A_1176, %gather3A_1183 : vector<16xf32>
      %max3A_1185 = arith.maximumf %scan3A_893, %max3A_1184 : vector<16xf32>
      %min3A = arith.minsi %add3A_1134, %add3A_187 : vector<16xi32>
      scf.yield %max3A_1185, %min3A, %add3A_1137 : vector<16xf32>, vector<16xi32>, vector<16xi32>
    }
    %scan3A_193 = arith.constant 128 : i32
    %sub3A = arith.constant 1.000000e+00 : f32
    %sub3A_194 = vector.broadcast %sub3A : f32 to vector<16xf32>
    %sub3A_195 = arith.subf %scan3A_192#0, %sub3A_194 : vector<16xf32>
    %scan3A_196 = arith.constant 0 : i32
    %scan3A_197 = arith.constant 12 : i32
    %scan3A_198 = arith.addi %scan3A_196, %scan3A_197 : i32
    %scan3A_199 = arith.constant 1 : i32
    %scan3A_200 = scf.for %scan3A_892 = %scan3A_196 to %scan3A_198 step %scan3A_199 iter_args(%scan3A_893 = %sub3A_195) -> (vector<16xf32>)  : i32 {
      %broadcast_in_dim3A_894 = arith.constant 0.000000e+00 : f32
      %broadcast_in_dim3A_895 = vector.broadcast %broadcast_in_dim3A_894 : f32 to vector<16xf32>
      %scan3A_896 = arith.constant 0 : i32
      %scan3A_897 = arith.constant 16 : i32
      %scan3A_898 = arith.addi %scan3A_896, %scan3A_897 : i32
      %scan3A_899 = arith.constant 1 : i32
      %scan3A_900:4 = scf.for %scan3A_971 = %scan3A_896 to %scan3A_898 step %scan3A_899 iter_args(%scan3A_972 = %broadcast_in_dim3A_895, %scan3A_973 = %broadcast_in_dim3A_895, %scan3A_974 = %broadcast_in_dim3A_895, %scan3A_975 = %broadcast_in_dim3A_895) -> (vector<16xf32>, vector<16xf32>, vector<16xf32>, vector<16xf32>)  : i32 {
        %mul3A_976 = arith.constant 4 : i32
        %mul3A_977 = arith.muli %scan3A_971, %mul3A_976 : i32
        %add3A_978 = arith.constant 0 : i32
        %add3A_979 = arith.addi %mul3A_977, %add3A_978 : i32
        %mul3A_980 = arith.constant 16 : i32
        %mul3A_981 = arith.muli %add3A_979, %mul3A_980 : i32
        %get3A_982 = arith.index_cast %mul3A_981 : i32 to index
        %get3A_983 = tpu.vector_load %arg7[%get3A_982] {strides = array<i32>} : memref<1312xi32, #tpu.memory_space<vmem>>, vector<16xi32>,
        %gather3A_984 = tpu.vector_load_idx %arg4[%get3A_983] : memref<32784xf32, #tpu.memory_space<vmem>>[vector<16xi32>], vector<16xf32>,
        %gt3A = arith.cmpf ogt, %gather3A_984, %scan3A_893 : vector<16xf32>
        %jit3A = arith.constant 0.000000e+00 : f32
        %broadcast_in_dim3A_985 = vector.broadcast %jit3A : f32 to vector<16xf32>
        %select_n3A = arith.select %gt3A, %gather3A_984, %broadcast_in_dim3A_985 : vector<16xi1>, vector<16xf32>
        %add3A_986 = arith.addf %scan3A_972, %select_n3A : vector<16xf32>
        %jit3A_987 = arith.constant 1.000000e+00 : f32
        %jit3A_988 = arith.constant 0.000000e+00 : f32
        %broadcast_in_dim3A_989 = vector.broadcast %jit3A_987 : f32 to vector<16xf32>
        %broadcast_in_dim3A_990 = vector.broadcast %jit3A_988 : f32 to vector<16xf32>
        %select_n3A_991 = arith.select %gt3A, %broadcast_in_dim3A_989, %broadcast_in_dim3A_990 : vector<16xi1>, vector<16xf32>
        %add3A_992 = arith.addf %scan3A_973, %select_n3A_991 : vector<16xf32>
        %mul3A_993 = arith.constant 4 : i32
        %mul3A_994 = arith.muli %scan3A_971, %mul3A_993 : i32
        %add3A_995 = arith.constant 1 : i32
        %add3A_996 = arith.addi %mul3A_994, %add3A_995 : i32
        %mul3A_997 = arith.constant 16 : i32
        %mul3A_998 = arith.muli %add3A_996, %mul3A_997 : i32
        %get3A_999 = arith.index_cast %mul3A_998 : i32 to index
        %get3A_1000 = tpu.vector_load %arg7[%get3A_999] {strides = array<i32>} : memref<1312xi32, #tpu.memory_space<vmem>>, vector<16xi32>,
        %gather3A_1001 = tpu.vector_load_idx %arg4[%get3A_1000] : memref<32784xf32, #tpu.memory_space<vmem>>[vector<16xi32>], vector<16xf32>,
        %gt3A_1002 = arith.cmpf ogt, %gather3A_1001, %scan3A_893 : vector<16xf32>
        %jit3A_1003 = arith.constant 0.000000e+00 : f32
        %broadcast_in_dim3A_1004 = vector.broadcast %jit3A_1003 : f32 to vector<16xf32>
        %select_n3A_1005 = arith.select %gt3A_1002, %gather3A_1001, %broadcast_in_dim3A_1004 : vector<16xi1>, vector<16xf32>
        %add3A_1006 = arith.addf %scan3A_974, %select_n3A_1005 : vector<16xf32>
        %jit3A_1007 = arith.constant 1.000000e+00 : f32
        %jit3A_1008 = arith.constant 0.000000e+00 : f32
        %broadcast_in_dim3A_1009 = vector.broadcast %jit3A_1007 : f32 to vector<16xf32>
        %broadcast_in_dim3A_1010 = vector.broadcast %jit3A_1008 : f32 to vector<16xf32>
        %select_n3A_1011 = arith.select %gt3A_1002, %broadcast_in_dim3A_1009, %broadcast_in_dim3A_1010 : vector<16xi1>, vector<16xf32>
        %add3A_1012 = arith.addf %scan3A_975, %select_n3A_1011 : vector<16xf32>
        %mul3A_1013 = arith.constant 4 : i32
        %mul3A_1014 = arith.muli %scan3A_971, %mul3A_1013 : i32
        %add3A_1015 = arith.constant 2 : i32
        %add3A_1016 = arith.addi %mul3A_1014, %add3A_1015 : i32
        %mul3A_1017 = arith.constant 16 : i32
        %mul3A_1018 = arith.muli %add3A_1016, %mul3A_1017 : i32
        %get3A_1019 = arith.index_cast %mul3A_1018 : i32 to index
        %get3A_1020 = tpu.vector_load %arg7[%get3A_1019] {strides = array<i32>} : memref<1312xi32, #tpu.memory_space<vmem>>, vector<16xi32>,
        %gather3A_1021 = tpu.vector_load_idx %arg4[%get3A_1020] : memref<32784xf32, #tpu.memory_space<vmem>>[vector<16xi32>], vector<16xf32>,
        %gt3A_1022 = arith.cmpf ogt, %gather3A_1021, %scan3A_893 : vector<16xf32>
        %jit3A_1023 = arith.constant 0.000000e+00 : f32
        %broadcast_in_dim3A_1024 = vector.broadcast %jit3A_1023 : f32 to vector<16xf32>
        %select_n3A_1025 = arith.select %gt3A_1022, %gather3A_1021, %broadcast_in_dim3A_1024 : vector<16xi1>, vector<16xf32>
        %add3A_1026 = arith.addf %add3A_986, %select_n3A_1025 : vector<16xf32>
        %jit3A_1027 = arith.constant 1.000000e+00 : f32
        %jit3A_1028 = arith.constant 0.000000e+00 : f32
        %broadcast_in_dim3A_1029 = vector.broadcast %jit3A_1027 : f32 to vector<16xf32>
        %broadcast_in_dim3A_1030 = vector.broadcast %jit3A_1028 : f32 to vector<16xf32>
        %select_n3A_1031 = arith.select %gt3A_1022, %broadcast_in_dim3A_1029, %broadcast_in_dim3A_1030 : vector<16xi1>, vector<16xf32>
        %add3A_1032 = arith.addf %add3A_992, %select_n3A_1031 : vector<16xf32>
        %mul3A_1033 = arith.constant 4 : i32
        %mul3A_1034 = arith.muli %scan3A_971, %mul3A_1033 : i32
        %add3A_1035 = arith.constant 3 : i32
        %add3A_1036 = arith.addi %mul3A_1034, %add3A_1035 : i32
        %mul3A_1037 = arith.constant 16 : i32
        %mul3A_1038 = arith.muli %add3A_1036, %mul3A_1037 : i32
        %get3A_1039 = arith.index_cast %mul3A_1038 : i32 to index
        %get3A_1040 = tpu.vector_load %arg7[%get3A_1039] {strides = array<i32>} : memref<1312xi32, #tpu.memory_space<vmem>>, vector<16xi32>,
        %gather3A_1041 = tpu.vector_load_idx %arg4[%get3A_1040] : memref<32784xf32, #tpu.memory_space<vmem>>[vector<16xi32>], vector<16xf32>,
        %gt3A_1042 = arith.cmpf ogt, %gather3A_1041, %scan3A_893 : vector<16xf32>
        %jit3A_1043 = arith.constant 0.000000e+00 : f32
        %broadcast_in_dim3A_1044 = vector.broadcast %jit3A_1043 : f32 to vector<16xf32>
        %select_n3A_1045 = arith.select %gt3A_1042, %gather3A_1041, %broadcast_in_dim3A_1044 : vector<16xi1>, vector<16xf32>
        %add3A_1046 = arith.addf %add3A_1006, %select_n3A_1045 : vector<16xf32>
        %jit3A_1047 = arith.constant 1.000000e+00 : f32
        %jit3A_1048 = arith.constant 0.000000e+00 : f32
        %broadcast_in_dim3A_1049 = vector.broadcast %jit3A_1047 : f32 to vector<16xf32>
        %broadcast_in_dim3A_1050 = vector.broadcast %jit3A_1048 : f32 to vector<16xf32>
        %select_n3A_1051 = arith.select %gt3A_1042, %broadcast_in_dim3A_1049, %broadcast_in_dim3A_1050 : vector<16xi1>, vector<16xf32>
        %add3A_1052 = arith.addf %add3A_1012, %select_n3A_1051 : vector<16xf32>
        scf.yield %add3A_1026, %add3A_1032, %add3A_1046, %add3A_1052 : vector<16xf32>, vector<16xf32>, vector<16xf32>, vector<16xf32>
      }
      %scan3A_901 = arith.constant 16 : i32
      %add3A_902 = arith.addf %scan3A_900#0, %scan3A_900#2 : vector<16xf32>
      %iota3A_903 = tpu.iota {dimensions = array<i32: 0>} : vector<16xi32>
      %xor3A_904 = arith.constant 1 : i32
      %xor3A_905 = vector.broadcast %xor3A_904 : i32 to vector<16xi32>
      %xor3A_906 = arith.xori %iota3A_903, %xor3A_905 : vector<16xi32>
      %broadcast_in_dim3A_907 = vector.shape_cast %xor3A_906 : vector<16xi32> to vector<16x1xi32>
      %gather3A_908 = vector.shape_cast %broadcast_in_dim3A_907 : vector<16x1xi32> to vector<16xi32>
      %gather3A_909 = tpu.dynamic_gather %add3A_902[%gather3A_908] in [0] : vector<16xf32>, vector<16xi32> -> vector<16xf32>
      %add3A_910 = arith.addf %add3A_902, %gather3A_909 : vector<16xf32>
      %iota3A_911 = tpu.iota {dimensions = array<i32: 0>} : vector<16xi32>
      %xor3A_912 = arith.constant 2 : i32
      %xor3A_913 = vector.broadcast %xor3A_912 : i32 to vector<16xi32>
      %xor3A_914 = arith.xori %iota3A_911, %xor3A_913 : vector<16xi32>
      %broadcast_in_dim3A_915 = vector.shape_cast %xor3A_914 : vector<16xi32> to vector<16x1xi32>
      %gather3A_916 = vector.shape_cast %broadcast_in_dim3A_915 : vector<16x1xi32> to vector<16xi32>
      %gather3A_917 = tpu.dynamic_gather %add3A_910[%gather3A_916] in [0] : vector<16xf32>, vector<16xi32> -> vector<16xf32>
      %add3A_918 = arith.addf %add3A_910, %gather3A_917 : vector<16xf32>
      %iota3A_919 = tpu.iota {dimensions = array<i32: 0>} : vector<16xi32>
      %xor3A_920 = arith.constant 4 : i32
      %xor3A_921 = vector.broadcast %xor3A_920 : i32 to vector<16xi32>
      %xor3A_922 = arith.xori %iota3A_919, %xor3A_921 : vector<16xi32>
      %broadcast_in_dim3A_923 = vector.shape_cast %xor3A_922 : vector<16xi32> to vector<16x1xi32>
      %gather3A_924 = vector.shape_cast %broadcast_in_dim3A_923 : vector<16x1xi32> to vector<16xi32>
      %gather3A_925 = tpu.dynamic_gather %add3A_918[%gather3A_924] in [0] : vector<16xf32>, vector<16xi32> -> vector<16xf32>
      %add3A_926 = arith.addf %add3A_918, %gather3A_925 : vector<16xf32>
      %iota3A_927 = tpu.iota {dimensions = array<i32: 0>} : vector<16xi32>
      %xor3A_928 = arith.constant 8 : i32
      %xor3A_929 = vector.broadcast %xor3A_928 : i32 to vector<16xi32>
      %xor3A_930 = arith.xori %iota3A_927, %xor3A_929 : vector<16xi32>
      %broadcast_in_dim3A_931 = vector.shape_cast %xor3A_930 : vector<16xi32> to vector<16x1xi32>
      %gather3A_932 = vector.shape_cast %broadcast_in_dim3A_931 : vector<16x1xi32> to vector<16xi32>
      %gather3A_933 = tpu.dynamic_gather %add3A_926[%gather3A_932] in [0] : vector<16xf32>, vector<16xi32> -> vector<16xf32>
      %add3A_934 = arith.addf %add3A_926, %gather3A_933 : vector<16xf32>
      %sub3A_935 = arith.constant 1.000000e+00 : f32
      %sub3A_936 = vector.broadcast %sub3A_935 : f32 to vector<16xf32>
      %sub3A_937 = arith.subf %add3A_934, %sub3A_936 : vector<16xf32>
      %add3A_938 = arith.addf %scan3A_900#1, %scan3A_900#3 : vector<16xf32>
      %iota3A_939 = tpu.iota {dimensions = array<i32: 0>} : vector<16xi32>
      %xor3A_940 = arith.constant 1 : i32
      %xor3A_941 = vector.broadcast %xor3A_940 : i32 to vector<16xi32>
      %xor3A_942 = arith.xori %iota3A_939, %xor3A_941 : vector<16xi32>
      %broadcast_in_dim3A_943 = vector.shape_cast %xor3A_942 : vector<16xi32> to vector<16x1xi32>
      %gather3A_944 = vector.shape_cast %broadcast_in_dim3A_943 : vector<16x1xi32> to vector<16xi32>
      %gather3A_945 = tpu.dynamic_gather %add3A_938[%gather3A_944] in [0] : vector<16xf32>, vector<16xi32> -> vector<16xf32>
      %add3A_946 = arith.addf %add3A_938, %gather3A_945 : vector<16xf32>
      %iota3A_947 = tpu.iota {dimensions = array<i32: 0>} : vector<16xi32>
      %xor3A_948 = arith.constant 2 : i32
      %xor3A_949 = vector.broadcast %xor3A_948 : i32 to vector<16xi32>
      %xor3A_950 = arith.xori %iota3A_947, %xor3A_949 : vector<16xi32>
      %broadcast_in_dim3A_951 = vector.shape_cast %xor3A_950 : vector<16xi32> to vector<16x1xi32>
      %gather3A_952 = vector.shape_cast %broadcast_in_dim3A_951 : vector<16x1xi32> to vector<16xi32>
      %gather3A_953 = tpu.dynamic_gather %add3A_946[%gather3A_952] in [0] : vector<16xf32>, vector<16xi32> -> vector<16xf32>
      %add3A_954 = arith.addf %add3A_946, %gather3A_953 : vector<16xf32>
      %iota3A_955 = tpu.iota {dimensions = array<i32: 0>} : vector<16xi32>
      %xor3A_956 = arith.constant 4 : i32
      %xor3A_957 = vector.broadcast %xor3A_956 : i32 to vector<16xi32>
      %xor3A_958 = arith.xori %iota3A_955, %xor3A_957 : vector<16xi32>
      %broadcast_in_dim3A_959 = vector.shape_cast %xor3A_958 : vector<16xi32> to vector<16x1xi32>
      %gather3A_960 = vector.shape_cast %broadcast_in_dim3A_959 : vector<16x1xi32> to vector<16xi32>
      %gather3A_961 = tpu.dynamic_gather %add3A_954[%gather3A_960] in [0] : vector<16xf32>, vector<16xi32> -> vector<16xf32>
      %add3A_962 = arith.addf %add3A_954, %gather3A_961 : vector<16xf32>
      %iota3A_963 = tpu.iota {dimensions = array<i32: 0>} : vector<16xi32>
      %xor3A_964 = arith.constant 8 : i32
      %xor3A_965 = vector.broadcast %xor3A_964 : i32 to vector<16xi32>
      %xor3A_966 = arith.xori %iota3A_963, %xor3A_965 : vector<16xi32>
      %broadcast_in_dim3A_967 = vector.shape_cast %xor3A_966 : vector<16xi32> to vector<16x1xi32>
      %gather3A_968 = vector.shape_cast %broadcast_in_dim3A_967 : vector<16x1xi32> to vector<16xi32>
      %gather3A_969 = tpu.dynamic_gather %add3A_962[%gather3A_968] in [0] : vector<16xf32>, vector<16xi32> -> vector<16xf32>
      %add3A_970 = arith.addf %add3A_962, %gather3A_969 : vector<16xf32>
      %div3A = arith.divf %sub3A_937, %add3A_970 : vector<16xf32>
      scf.yield %div3A : vector<16xf32>
    }
    %scan3A_201 = arith.constant 12 : i32
    %scan3A_202 = arith.constant 0 : i32
    %scan3A_203 = arith.constant 0 : i32
    %scan3A_204 = arith.constant 16 : i32
    %scan3A_205 = arith.addi %scan3A_203, %scan3A_204 : i32
    %scan3A_206 = arith.constant 1 : i32
    scf.for %scan3A_892 = %scan3A_203 to %scan3A_205 step %scan3A_206  : i32 {
      %mul3A_893 = arith.constant 4 : i32
      %mul3A_894 = arith.muli %scan3A_892, %mul3A_893 : i32
      %add3A_895 = arith.constant 0 : i32
      %add3A_896 = arith.addi %mul3A_894, %add3A_895 : i32
      %mul3A_897 = arith.constant 16 : i32
      %mul3A_898 = arith.muli %add3A_896, %mul3A_897 : i32
      %get3A_899 = arith.index_cast %mul3A_898 : i32 to index
      %get3A_900 = tpu.vector_load %arg7[%get3A_899] {strides = array<i32>} : memref<1312xi32, #tpu.memory_space<vmem>>, vector<16xi32>,
      %gather3A_901 = tpu.vector_load_idx %arg4[%get3A_900] : memref<32784xf32, #tpu.memory_space<vmem>>[vector<16xi32>], vector<16xf32>,
      %sub3A_902 = arith.subf %gather3A_901, %scan3A_200 : vector<16xf32>
      %max3A_903 = arith.constant 0.000000e+00 : f32
      %max3A_904 = vector.broadcast %max3A_903 : f32 to vector<16xf32>
      %max3A_905 = arith.maximumf %sub3A_902, %max3A_904 : vector<16xf32>
      tpu.vector_store_idx %arg6[%get3A_900], %max3A_905 : memref<32784xf32, #tpu.memory_space<vmem>>[vector<16xi32>], vector<16xf32>,
      %mul3A_906 = arith.constant 4 : i32
      %mul3A_907 = arith.muli %scan3A_892, %mul3A_906 : i32
      %add3A_908 = arith.constant 1 : i32
      %add3A_909 = arith.addi %mul3A_907, %add3A_908 : i32
      %mul3A_910 = arith.constant 16 : i32
      %mul3A_911 = arith.muli %add3A_909, %mul3A_910 : i32
      %get3A_912 = arith.index_cast %mul3A_911 : i32 to index
      %get3A_913 = tpu.vector_load %arg7[%get3A_912] {strides = array<i32>} : memref<1312xi32, #tpu.memory_space<vmem>>, vector<16xi32>,
      %gather3A_914 = tpu.vector_load_idx %arg4[%get3A_913] : memref<32784xf32, #tpu.memory_space<vmem>>[vector<16xi32>], vector<16xf32>,
      %sub3A_915 = arith.subf %gather3A_914, %scan3A_200 : vector<16xf32>
      %max3A_916 = arith.constant 0.000000e+00 : f32
      %max3A_917 = vector.broadcast %max3A_916 : f32 to vector<16xf32>
      %max3A_918 = arith.maximumf %sub3A_915, %max3A_917 : vector<16xf32>
      tpu.vector_store_idx %arg6[%get3A_913], %max3A_918 : memref<32784xf32, #tpu.memory_space<vmem>>[vector<16xi32>], vector<16xf32>,
      %mul3A_919 = arith.constant 4 : i32
      %mul3A_920 = arith.muli %scan3A_892, %mul3A_919 : i32
      %add3A_921 = arith.constant 2 : i32
      %add3A_922 = arith.addi %mul3A_920, %add3A_921 : i32
      %mul3A_923 = arith.constant 16 : i32
      %mul3A_924 = arith.muli %add3A_922, %mul3A_923 : i32
      %get3A_925 = arith.index_cast %mul3A_924 : i32 to index
      %get3A_926 = tpu.vector_load %arg7[%get3A_925] {strides = array<i32>} : memref<1312xi32, #tpu.memory_space<vmem>>, vector<16xi32>,
      %gather3A_927 = tpu.vector_load_idx %arg4[%get3A_926] : memref<32784xf32, #tpu.memory_space<vmem>>[vector<16xi32>], vector<16xf32>,
      %sub3A_928 = arith.subf %gather3A_927, %scan3A_200 : vector<16xf32>
      %max3A_929 = arith.constant 0.000000e+00 : f32
      %max3A_930 = vector.broadcast %max3A_929 : f32 to vector<16xf32>
      %max3A_931 = arith.maximumf %sub3A_928, %max3A_930 : vector<16xf32>
      tpu.vector_store_idx %arg6[%get3A_926], %max3A_931 : memref<32784xf32, #tpu.memory_space<vmem>>[vector<16xi32>], vector<16xf32>,
      %mul3A_932 = arith.constant 4 : i32
      %mul3A_933 = arith.muli %scan3A_892, %mul3A_932 : i32
      %add3A_934 = arith.constant 3 : i32
      %add3A_935 = arith.addi %mul3A_933, %add3A_934 : i32
      %mul3A_936 = arith.constant 16 : i32
      %mul3A_937 = arith.muli %add3A_935, %mul3A_936 : i32
      %get3A_938 = arith.index_cast %mul3A_937 : i32 to index
      %get3A_939 = tpu.vector_load %arg7[%get3A_938] {strides = array<i32>} : memref<1312xi32, #tpu.memory_space<vmem>>, vector<16xi32>,
      %gather3A_940 = tpu.vector_load_idx %arg4[%get3A_939] : memref<32784xf32, #tpu.memory_space<vmem>>[vector<16xi32>], vector<16xf32>,
      %sub3A_941 = arith.subf %gather3A_940, %scan3A_200 : vector<16xf32>
      %max3A_942 = arith.constant 0.000000e+00 : f32
      %max3A_943 = vector.broadcast %max3A_942 : f32 to vector<16xf32>
      %max3A_944 = arith.maximumf %sub3A_941, %max3A_943 : vector<16xf32>
      tpu.vector_store_idx %arg6[%get3A_939], %max3A_944 : memref<32784xf32, #tpu.memory_space<vmem>>[vector<16xi32>], vector<16xf32>,
    }
    %scan3A_207 = arith.constant 16 : i32
    %add3A_208 = arith.constant 0 : i32
    %add3A_209 = arith.addi %mul3A_2, %add3A_208 : i32
    %dma_start3A_210 = arith.constant 0 : i32
    %dma_start3A_211 = tpu.memref_slice %arg6[%dma_start3A_210] : memref<32784xf32, #tpu.memory_space<vmem>> -> memref<32768xf32, #tpu.memory_space<vmem>>
    %dma_start3A_212 = arith.constant 0 : i32
    %dma_start3A_213 = tpu.memref_slice %arg3[%add3A_209, %dma_start3A_212] : memref<128x32768xf32, #tpu.memory_space<hbm>> -> memref<1x32768xf32, #tpu.memory_space<hbm>>
    %dma_start3A_214 = tpu.memref_squeeze %dma_start3A_213 : memref<1x32768xf32, #tpu.memory_space<hbm>> -> memref<32768xf32, #tpu.memory_space<hbm>>
    %dma_start3A_215 = arith.constant 0 : i32
    %dma_start3A_216 = tpu.memref_slice %arg3[%add3A_209, %dma_start3A_215] : memref<128x32768xf32, #tpu.memory_space<hbm>> -> memref<1x32768xf32, #tpu.memory_space<hbm>>
    %dma_start3A_217 = tpu.memref_squeeze %dma_start3A_216 : memref<1x32768xf32, #tpu.memory_space<hbm>> -> memref<32768xf32, #tpu.memory_space<hbm>>
    %dma_start3A_218 = arith.constant 0 : i32
    %dma_start3A_219 = tpu.memref_slice %arg6[%dma_start3A_218] : memref<32784xf32, #tpu.memory_space<vmem>> -> memref<32768xf32, #tpu.memory_space<vmem>>
    tpu.enqueue_dma source(%dma_start3A_219 : memref<32768xf32, #tpu.memory_space<vmem>>) target(%dma_start3A_217 : memref<32768xf32, #tpu.memory_space<hbm>>) target_semaphore(%arg11 : memref<!tpu.dma_semaphore, #tpu.memory_space<semaphore_mem>>)
    %add3A_220 = arith.constant 1 : i32
    %add3A_221 = arith.addi %mul3A_2, %add3A_220 : i32
    %dma_wait3A_222 = arith.constant 0 : i32
    %dma_wait3A_223 = tpu.memref_slice %arg5[%dma_wait3A_222] : memref<32784xf32, #tpu.memory_space<vmem>> -> memref<32768xf32, #tpu.memory_space<vmem>>
    %dma_wait3A_224 = arith.constant 0 : i32
    %dma_wait3A_225 = tpu.memref_slice %arg2[%add3A_221, %dma_wait3A_224] : memref<128x32768xf32, #tpu.memory_space<hbm>> -> memref<1x32768xf32, #tpu.memory_space<hbm>>
    %dma_wait3A_226 = tpu.memref_squeeze %dma_wait3A_225 : memref<1x32768xf32, #tpu.memory_space<hbm>> -> memref<32768xf32, #tpu.memory_space<hbm>>
    %dma_wait3A_227 = arith.constant 0 : i32
    %dma_wait3A_228 = tpu.memref_slice %arg5[%dma_wait3A_227] : memref<32784xf32, #tpu.memory_space<vmem>> -> memref<32768xf32, #tpu.memory_space<vmem>>
    %dma_wait3A_229 = arith.constant 0 : i32
    %dma_wait3A_230 = tpu.memref_slice %arg2[%add3A_221, %dma_wait3A_229] : memref<128x32768xf32, #tpu.memory_space<hbm>> -> memref<1x32768xf32, #tpu.memory_space<hbm>>
    %dma_wait3A_231 = tpu.memref_squeeze %dma_wait3A_230 : memref<1x32768xf32, #tpu.memory_space<hbm>> -> memref<32768xf32, #tpu.memory_space<hbm>>
    tpu.wait_dma2 semaphore(%arg10 : memref<!tpu.dma_semaphore, #tpu.memory_space<semaphore_mem>>) src(%dma_wait3A_231 : memref<32768xf32, #tpu.memory_space<hbm>>) dst(%dma_wait3A_228 : memref<32768xf32, #tpu.memory_space<vmem>>)
    %add3A_232 = arith.constant 1 : i32
    %add3A_233 = arith.addi %mul3A_2, %add3A_232 : i32
    %add3A_234 = arith.constant 1 : i32
    %add3A_235 = arith.addi %add3A_233, %add3A_234 : i32
    %dma_start3A_236 = arith.constant 0 : i32
    %dma_start3A_237 = tpu.memref_slice %arg4[%dma_start3A_236] : memref<32784xf32, #tpu.memory_space<vmem>> -> memref<32768xf32, #tpu.memory_space<vmem>>
    %dma_start3A_238 = arith.constant 0 : i32
    %dma_start3A_239 = tpu.memref_slice %arg2[%add3A_235, %dma_start3A_238] : memref<128x32768xf32, #tpu.memory_space<hbm>> -> memref<1x32768xf32, #tpu.memory_space<hbm>>
    %dma_start3A_240 = tpu.memref_squeeze %dma_start3A_239 : memref<1x32768xf32, #tpu.memory_space<hbm>> -> memref<32768xf32, #tpu.memory_space<hbm>>
    %dma_start3A_241 = arith.constant 0 : i32
    %dma_start3A_242 = tpu.memref_slice %arg4[%dma_start3A_241] : memref<32784xf32, #tpu.memory_space<vmem>> -> memref<32768xf32, #tpu.memory_space<vmem>>
    %dma_start3A_243 = arith.constant 0 : i32
    %dma_start3A_244 = tpu.memref_slice %arg2[%add3A_235, %dma_start3A_243] : memref<128x32768xf32, #tpu.memory_space<hbm>> -> memref<1x32768xf32, #tpu.memory_space<hbm>>
    %dma_start3A_245 = tpu.memref_squeeze %dma_start3A_244 : memref<1x32768xf32, #tpu.memory_space<hbm>> -> memref<32768xf32, #tpu.memory_space<hbm>>
    tpu.enqueue_dma source(%dma_start3A_245 : memref<32768xf32, #tpu.memory_space<hbm>>) target(%dma_start3A_242 : memref<32768xf32, #tpu.memory_space<vmem>>) target_semaphore(%arg9 : memref<!tpu.dma_semaphore, #tpu.memory_space<semaphore_mem>>)
    %iota3A_246 = tpu.iota {dimensions = array<i32: 0>} : vector<16xi32>
    %get3A_247 = arith.constant 0 : index
    %get3A_248 = tpu.vector_load %arg5[%get3A_247] {strides = array<i32>} : memref<32784xf32, #tpu.memory_space<vmem>>, vector<16xf32>,
    %get3A_249 = arith.constant 1024 : index
    %get3A_250 = tpu.vector_load %arg5[%get3A_249] {strides = array<i32>} : memref<32784xf32, #tpu.memory_space<vmem>>, vector<16xf32>,
    %max3A_251 = arith.maximumf %get3A_248, %get3A_250 : vector<16xf32>
    %get3A_252 = arith.constant 2048 : index
    %get3A_253 = tpu.vector_load %arg5[%get3A_252] {strides = array<i32>} : memref<32784xf32, #tpu.memory_space<vmem>>, vector<16xf32>,
    %max3A_254 = arith.maximumf %max3A_251, %get3A_253 : vector<16xf32>
    %get3A_255 = arith.constant 3072 : index
    %get3A_256 = tpu.vector_load %arg5[%get3A_255] {strides = array<i32>} : memref<32784xf32, #tpu.memory_space<vmem>>, vector<16xf32>,
    %max3A_257 = arith.maximumf %max3A_254, %get3A_256 : vector<16xf32>
    %get3A_258 = arith.constant 4096 : index
    %get3A_259 = tpu.vector_load %arg5[%get3A_258] {strides = array<i32>} : memref<32784xf32, #tpu.memory_space<vmem>>, vector<16xf32>,
    %max3A_260 = arith.maximumf %max3A_257, %get3A_259 : vector<16xf32>
    %get3A_261 = arith.constant 5120 : index
    %get3A_262 = tpu.vector_load %arg5[%get3A_261] {strides = array<i32>} : memref<32784xf32, #tpu.memory_space<vmem>>, vector<16xf32>,
    %max3A_263 = arith.maximumf %max3A_260, %get3A_262 : vector<16xf32>
    %get3A_264 = arith.constant 6144 : index
    %get3A_265 = tpu.vector_load %arg5[%get3A_264] {strides = array<i32>} : memref<32784xf32, #tpu.memory_space<vmem>>, vector<16xf32>,
    %max3A_266 = arith.maximumf %max3A_263, %get3A_265 : vector<16xf32>
    %get3A_267 = arith.constant 7168 : index
    %get3A_268 = tpu.vector_load %arg5[%get3A_267] {strides = array<i32>} : memref<32784xf32, #tpu.memory_space<vmem>>, vector<16xf32>,
    %max3A_269 = arith.maximumf %max3A_266, %get3A_268 : vector<16xf32>
    %get3A_270 = arith.constant 8192 : index
    %get3A_271 = tpu.vector_load %arg5[%get3A_270] {strides = array<i32>} : memref<32784xf32, #tpu.memory_space<vmem>>, vector<16xf32>,
    %max3A_272 = arith.maximumf %max3A_269, %get3A_271 : vector<16xf32>
    %get3A_273 = arith.constant 9216 : index
    %get3A_274 = tpu.vector_load %arg5[%get3A_273] {strides = array<i32>} : memref<32784xf32, #tpu.memory_space<vmem>>, vector<16xf32>,
    %max3A_275 = arith.maximumf %max3A_272, %get3A_274 : vector<16xf32>
    %get3A_276 = arith.constant 10240 : index
    %get3A_277 = tpu.vector_load %arg5[%get3A_276] {strides = array<i32>} : memref<32784xf32, #tpu.memory_space<vmem>>, vector<16xf32>,
    %max3A_278 = arith.maximumf %max3A_275, %get3A_277 : vector<16xf32>
    %get3A_279 = arith.constant 11264 : index
    %get3A_280 = tpu.vector_load %arg5[%get3A_279] {strides = array<i32>} : memref<32784xf32, #tpu.memory_space<vmem>>, vector<16xf32>,
    %max3A_281 = arith.maximumf %max3A_278, %get3A_280 : vector<16xf32>
    %get3A_282 = arith.constant 12288 : index
    %get3A_283 = tpu.vector_load %arg5[%get3A_282] {strides = array<i32>} : memref<32784xf32, #tpu.memory_space<vmem>>, vector<16xf32>,
    %max3A_284 = arith.maximumf %max3A_281, %get3A_283 : vector<16xf32>
    %get3A_285 = arith.constant 13312 : index
    %get3A_286 = tpu.vector_load %arg5[%get3A_285] {strides = array<i32>} : memref<32784xf32, #tpu.memory_space<vmem>>, vector<16xf32>,
    %max3A_287 = arith.maximumf %max3A_284, %get3A_286 : vector<16xf32>
    %get3A_288 = arith.constant 14336 : index
    %get3A_289 = tpu.vector_load %arg5[%get3A_288] {strides = array<i32>} : memref<32784xf32, #tpu.memory_space<vmem>>, vector<16xf32>,
    %max3A_290 = arith.maximumf %max3A_287, %get3A_289 : vector<16xf32>
    %get3A_291 = arith.constant 15360 : index
    %get3A_292 = tpu.vector_load %arg5[%get3A_291] {strides = array<i32>} : memref<32784xf32, #tpu.memory_space<vmem>>, vector<16xf32>,
    %max3A_293 = arith.maximumf %max3A_290, %get3A_292 : vector<16xf32>
    %get3A_294 = arith.constant 16384 : index
    %get3A_295 = tpu.vector_load %arg5[%get3A_294] {strides = array<i32>} : memref<32784xf32, #tpu.memory_space<vmem>>, vector<16xf32>,
    %max3A_296 = arith.maximumf %max3A_293, %get3A_295 : vector<16xf32>
    %get3A_297 = arith.constant 17408 : index
    %get3A_298 = tpu.vector_load %arg5[%get3A_297] {strides = array<i32>} : memref<32784xf32, #tpu.memory_space<vmem>>, vector<16xf32>,
    %max3A_299 = arith.maximumf %max3A_296, %get3A_298 : vector<16xf32>
    %get3A_300 = arith.constant 18432 : index
    %get3A_301 = tpu.vector_load %arg5[%get3A_300] {strides = array<i32>} : memref<32784xf32, #tpu.memory_space<vmem>>, vector<16xf32>,
    %max3A_302 = arith.maximumf %max3A_299, %get3A_301 : vector<16xf32>
    %get3A_303 = arith.constant 19456 : index
    %get3A_304 = tpu.vector_load %arg5[%get3A_303] {strides = array<i32>} : memref<32784xf32, #tpu.memory_space<vmem>>, vector<16xf32>,
    %max3A_305 = arith.maximumf %max3A_302, %get3A_304 : vector<16xf32>
    %get3A_306 = arith.constant 20480 : index
    %get3A_307 = tpu.vector_load %arg5[%get3A_306] {strides = array<i32>} : memref<32784xf32, #tpu.memory_space<vmem>>, vector<16xf32>,
    %max3A_308 = arith.maximumf %max3A_305, %get3A_307 : vector<16xf32>
    %get3A_309 = arith.constant 21504 : index
    %get3A_310 = tpu.vector_load %arg5[%get3A_309] {strides = array<i32>} : memref<32784xf32, #tpu.memory_space<vmem>>, vector<16xf32>,
    %max3A_311 = arith.maximumf %max3A_308, %get3A_310 : vector<16xf32>
    %get3A_312 = arith.constant 22528 : index
    %get3A_313 = tpu.vector_load %arg5[%get3A_312] {strides = array<i32>} : memref<32784xf32, #tpu.memory_space<vmem>>, vector<16xf32>,
    %max3A_314 = arith.maximumf %max3A_311, %get3A_313 : vector<16xf32>
    %get3A_315 = arith.constant 23552 : index
    %get3A_316 = tpu.vector_load %arg5[%get3A_315] {strides = array<i32>} : memref<32784xf32, #tpu.memory_space<vmem>>, vector<16xf32>,
    %max3A_317 = arith.maximumf %max3A_314, %get3A_316 : vector<16xf32>
    %get3A_318 = arith.constant 24576 : index
    %get3A_319 = tpu.vector_load %arg5[%get3A_318] {strides = array<i32>} : memref<32784xf32, #tpu.memory_space<vmem>>, vector<16xf32>,
    %max3A_320 = arith.maximumf %max3A_317, %get3A_319 : vector<16xf32>
    %get3A_321 = arith.constant 25600 : index
    %get3A_322 = tpu.vector_load %arg5[%get3A_321] {strides = array<i32>} : memref<32784xf32, #tpu.memory_space<vmem>>, vector<16xf32>,
    %max3A_323 = arith.maximumf %max3A_320, %get3A_322 : vector<16xf32>
    %get3A_324 = arith.constant 26624 : index
    %get3A_325 = tpu.vector_load %arg5[%get3A_324] {strides = array<i32>} : memref<32784xf32, #tpu.memory_space<vmem>>, vector<16xf32>,
    %max3A_326 = arith.maximumf %max3A_323, %get3A_325 : vector<16xf32>
    %get3A_327 = arith.constant 27648 : index
    %get3A_328 = tpu.vector_load %arg5[%get3A_327] {strides = array<i32>} : memref<32784xf32, #tpu.memory_space<vmem>>, vector<16xf32>,
    %max3A_329 = arith.maximumf %max3A_326, %get3A_328 : vector<16xf32>
    %get3A_330 = arith.constant 28672 : index
    %get3A_331 = tpu.vector_load %arg5[%get3A_330] {strides = array<i32>} : memref<32784xf32, #tpu.memory_space<vmem>>, vector<16xf32>,
    %max3A_332 = arith.maximumf %max3A_329, %get3A_331 : vector<16xf32>
    %get3A_333 = arith.constant 29696 : index
    %get3A_334 = tpu.vector_load %arg5[%get3A_333] {strides = array<i32>} : memref<32784xf32, #tpu.memory_space<vmem>>, vector<16xf32>,
    %max3A_335 = arith.maximumf %max3A_332, %get3A_334 : vector<16xf32>
    %get3A_336 = arith.constant 30720 : index
    %get3A_337 = tpu.vector_load %arg5[%get3A_336] {strides = array<i32>} : memref<32784xf32, #tpu.memory_space<vmem>>, vector<16xf32>,
    %max3A_338 = arith.maximumf %max3A_335, %get3A_337 : vector<16xf32>
    %get3A_339 = arith.constant 31744 : index
    %get3A_340 = tpu.vector_load %arg5[%get3A_339] {strides = array<i32>} : memref<32784xf32, #tpu.memory_space<vmem>>, vector<16xf32>,
    %max3A_341 = arith.maximumf %max3A_338, %get3A_340 : vector<16xf32>
    %iota3A_342 = tpu.iota {dimensions = array<i32: 0>} : vector<16xi32>
    %xor3A_343 = arith.constant 1 : i32
    %xor3A_344 = vector.broadcast %xor3A_343 : i32 to vector<16xi32>
    %xor3A_345 = arith.xori %iota3A_342, %xor3A_344 : vector<16xi32>
    %broadcast_in_dim3A_346 = vector.shape_cast %xor3A_345 : vector<16xi32> to vector<16x1xi32>
    %gather3A_347 = vector.shape_cast %broadcast_in_dim3A_346 : vector<16x1xi32> to vector<16xi32>
    %gather3A_348 = tpu.dynamic_gather %max3A_341[%gather3A_347] in [0] : vector<16xf32>, vector<16xi32> -> vector<16xf32>
    %max3A_349 = arith.maximumf %max3A_341, %gather3A_348 : vector<16xf32>
    %iota3A_350 = tpu.iota {dimensions = array<i32: 0>} : vector<16xi32>
    %xor3A_351 = arith.constant 2 : i32
    %xor3A_352 = vector.broadcast %xor3A_351 : i32 to vector<16xi32>
    %xor3A_353 = arith.xori %iota3A_350, %xor3A_352 : vector<16xi32>
    %broadcast_in_dim3A_354 = vector.shape_cast %xor3A_353 : vector<16xi32> to vector<16x1xi32>
    %gather3A_355 = vector.shape_cast %broadcast_in_dim3A_354 : vector<16x1xi32> to vector<16xi32>
    %gather3A_356 = tpu.dynamic_gather %max3A_349[%gather3A_355] in [0] : vector<16xf32>, vector<16xi32> -> vector<16xf32>
    %max3A_357 = arith.maximumf %max3A_349, %gather3A_356 : vector<16xf32>
    %iota3A_358 = tpu.iota {dimensions = array<i32: 0>} : vector<16xi32>
    %xor3A_359 = arith.constant 4 : i32
    %xor3A_360 = vector.broadcast %xor3A_359 : i32 to vector<16xi32>
    %xor3A_361 = arith.xori %iota3A_358, %xor3A_360 : vector<16xi32>
    %broadcast_in_dim3A_362 = vector.shape_cast %xor3A_361 : vector<16xi32> to vector<16x1xi32>
    %gather3A_363 = vector.shape_cast %broadcast_in_dim3A_362 : vector<16x1xi32> to vector<16xi32>
    %gather3A_364 = tpu.dynamic_gather %max3A_357[%gather3A_363] in [0] : vector<16xf32>, vector<16xi32> -> vector<16xf32>
    %max3A_365 = arith.maximumf %max3A_357, %gather3A_364 : vector<16xf32>
    %iota3A_366 = tpu.iota {dimensions = array<i32: 0>} : vector<16xi32>
    %xor3A_367 = arith.constant 8 : i32
    %xor3A_368 = vector.broadcast %xor3A_367 : i32 to vector<16xi32>
    %xor3A_369 = arith.xori %iota3A_366, %xor3A_368 : vector<16xi32>
    %broadcast_in_dim3A_370 = vector.shape_cast %xor3A_369 : vector<16xi32> to vector<16x1xi32>
    %gather3A_371 = vector.shape_cast %broadcast_in_dim3A_370 : vector<16x1xi32> to vector<16xi32>
    %gather3A_372 = tpu.dynamic_gather %max3A_365[%gather3A_371] in [0] : vector<16xf32>, vector<16xi32> -> vector<16xf32>
    %max3A_373 = arith.maximumf %max3A_365, %gather3A_372 : vector<16xf32>
    %add3A_374 = arith.constant 32768 : i32
    %add3A_375 = vector.broadcast %add3A_374 : i32 to vector<16xi32>
    %add3A_376 = arith.addi %add3A_375, %iota3A_246 : vector<16xi32>
    %scan3A_377 = arith.constant 0 : i32
    %scan3A_378 = arith.constant 0 : i32
    %scan3A_379 = arith.constant 8 : i32
    %scan3A_380 = arith.addi %scan3A_378, %scan3A_379 : i32
    %scan3A_381 = arith.constant 1 : i32
    scf.for %scan3A_892 = %scan3A_378 to %scan3A_380 step %scan3A_381  : i32 {
      %mul3A_893 = arith.constant 8 : i32
      %mul3A_894 = arith.muli %scan3A_892, %mul3A_893 : i32
      %add3A_895 = arith.constant 0 : i32
      %add3A_896 = arith.addi %mul3A_894, %add3A_895 : i32
      %mul3A_897 = arith.constant 16 : i32
      %mul3A_898 = arith.muli %add3A_896, %mul3A_897 : i32
      %swap3A_899 = arith.index_cast %mul3A_898 : i32 to index
      %swap3A_900 = tpu.vector_load %arg8[%swap3A_899] {strides = array<i32>} : memref<1312xi32, #tpu.memory_space<vmem>>, vector<16xi32>,
      tpu.vector_store %arg8[%swap3A_899], %add3A_376 {strides = array<i32>} : memref<1312xi32, #tpu.memory_space<vmem>>, vector<16xi32>,
      %mul3A_901 = arith.constant 8 : i32
      %mul3A_902 = arith.muli %scan3A_892, %mul3A_901 : i32
      %add3A_903 = arith.constant 1 : i32
      %add3A_904 = arith.addi %mul3A_902, %add3A_903 : i32
      %mul3A_905 = arith.constant 16 : i32
      %mul3A_906 = arith.muli %add3A_904, %mul3A_905 : i32
      %swap3A_907 = arith.index_cast %mul3A_906 : i32 to index
      %swap3A_908 = tpu.vector_load %arg8[%swap3A_907] {strides = array<i32>} : memref<1312xi32, #tpu.memory_space<vmem>>, vector<16xi32>,
      tpu.vector_store %arg8[%swap3A_907], %add3A_376 {strides = array<i32>} : memref<1312xi32, #tpu.memory_space<vmem>>, vector<16xi32>,
      %mul3A_909 = arith.constant 8 : i32
      %mul3A_910 = arith.muli %scan3A_892, %mul3A_909 : i32
      %add3A_911 = arith.constant 2 : i32
      %add3A_912 = arith.addi %mul3A_910, %add3A_911 : i32
      %mul3A_913 = arith.constant 16 : i32
      %mul3A_914 = arith.muli %add3A_912, %mul3A_913 : i32
      %swap3A_915 = arith.index_cast %mul3A_914 : i32 to index
      %swap3A_916 = tpu.vector_load %arg8[%swap3A_915] {strides = array<i32>} : memref<1312xi32, #tpu.memory_space<vmem>>, vector<16xi32>,
      tpu.vector_store %arg8[%swap3A_915], %add3A_376 {strides = array<i32>} : memref<1312xi32, #tpu.memory_space<vmem>>, vector<16xi32>,
      %mul3A_917 = arith.constant 8 : i32
      %mul3A_918 = arith.muli %scan3A_892, %mul3A_917 : i32
      %add3A_919 = arith.constant 3 : i32
      %add3A_920 = arith.addi %mul3A_918, %add3A_919 : i32
      %mul3A_921 = arith.constant 16 : i32
      %mul3A_922 = arith.muli %add3A_920, %mul3A_921 : i32
      %swap3A_923 = arith.index_cast %mul3A_922 : i32 to index
      %swap3A_924 = tpu.vector_load %arg8[%swap3A_923] {strides = array<i32>} : memref<1312xi32, #tpu.memory_space<vmem>>, vector<16xi32>,
      tpu.vector_store %arg8[%swap3A_923], %add3A_376 {strides = array<i32>} : memref<1312xi32, #tpu.memory_space<vmem>>, vector<16xi32>,
      %mul3A_925 = arith.constant 8 : i32
      %mul3A_926 = arith.muli %scan3A_892, %mul3A_925 : i32
      %add3A_927 = arith.constant 4 : i32
      %add3A_928 = arith.addi %mul3A_926, %add3A_927 : i32
      %mul3A_929 = arith.constant 16 : i32
      %mul3A_930 = arith.muli %add3A_928, %mul3A_929 : i32
      %swap3A_931 = arith.index_cast %mul3A_930 : i32 to index
      %swap3A_932 = tpu.vector_load %arg8[%swap3A_931] {strides = array<i32>} : memref<1312xi32, #tpu.memory_space<vmem>>, vector<16xi32>,
      tpu.vector_store %arg8[%swap3A_931], %add3A_376 {strides = array<i32>} : memref<1312xi32, #tpu.memory_space<vmem>>, vector<16xi32>,
      %mul3A_933 = arith.constant 8 : i32
      %mul3A_934 = arith.muli %scan3A_892, %mul3A_933 : i32
      %add3A_935 = arith.constant 5 : i32
      %add3A_936 = arith.addi %mul3A_934, %add3A_935 : i32
      %mul3A_937 = arith.constant 16 : i32
      %mul3A_938 = arith.muli %add3A_936, %mul3A_937 : i32
      %swap3A_939 = arith.index_cast %mul3A_938 : i32 to index
      %swap3A_940 = tpu.vector_load %arg8[%swap3A_939] {strides = array<i32>} : memref<1312xi32, #tpu.memory_space<vmem>>, vector<16xi32>,
      tpu.vector_store %arg8[%swap3A_939], %add3A_376 {strides = array<i32>} : memref<1312xi32, #tpu.memory_space<vmem>>, vector<16xi32>,
      %mul3A_941 = arith.constant 8 : i32
      %mul3A_942 = arith.muli %scan3A_892, %mul3A_941 : i32
      %add3A_943 = arith.constant 6 : i32
      %add3A_944 = arith.addi %mul3A_942, %add3A_943 : i32
      %mul3A_945 = arith.constant 16 : i32
      %mul3A_946 = arith.muli %add3A_944, %mul3A_945 : i32
      %swap3A_947 = arith.index_cast %mul3A_946 : i32 to index
      %swap3A_948 = tpu.vector_load %arg8[%swap3A_947] {strides = array<i32>} : memref<1312xi32, #tpu.memory_space<vmem>>, vector<16xi32>,
      tpu.vector_store %arg8[%swap3A_947], %add3A_376 {strides = array<i32>} : memref<1312xi32, #tpu.memory_space<vmem>>, vector<16xi32>,
      %mul3A_949 = arith.constant 8 : i32
      %mul3A_950 = arith.muli %scan3A_892, %mul3A_949 : i32
      %add3A_951 = arith.constant 7 : i32
      %add3A_952 = arith.addi %mul3A_950, %add3A_951 : i32
      %mul3A_953 = arith.constant 16 : i32
      %mul3A_954 = arith.muli %add3A_952, %mul3A_953 : i32
      %swap3A_955 = arith.index_cast %mul3A_954 : i32 to index
      %swap3A_956 = tpu.vector_load %arg8[%swap3A_955] {strides = array<i32>} : memref<1312xi32, #tpu.memory_space<vmem>>, vector<16xi32>,
      tpu.vector_store %arg8[%swap3A_955], %add3A_376 {strides = array<i32>} : memref<1312xi32, #tpu.memory_space<vmem>>, vector<16xi32>,
    }
    %scan3A_382 = arith.constant 8 : i32
    %add3A_383 = arith.constant 1296 : i32
    %add3A_384 = vector.broadcast %add3A_383 : i32 to vector<16xi32>
    %add3A_385 = arith.addi %add3A_384, %iota3A_246 : vector<16xi32>
    %add3A_386 = arith.constant 1024 : i32
    %add3A_387 = vector.broadcast %add3A_386 : i32 to vector<16xi32>
    %add3A_388 = arith.addi %add3A_387, %iota3A_246 : vector<16xi32>
    %scan3A_389 = arith.constant 0 : i32
    %scan3A_390 = arith.constant 128 : i32
    %scan3A_391 = arith.addi %scan3A_389, %scan3A_390 : i32
    %scan3A_392 = arith.constant 1 : i32
    %scan3A_393:3 = scf.for %scan3A_892 = %scan3A_389 to %scan3A_391 step %scan3A_392 iter_args(%scan3A_893 = %max3A_373, %scan3A_894 = %iota3A_246, %scan3A_895 = %iota3A_246) -> (vector<16xf32>, vector<16xi32>, vector<16xi32>)  : i32 {
      %sub3A_896 = arith.constant 1.000000e+00 : f32
      %sub3A_897 = vector.broadcast %sub3A_896 : f32 to vector<16xf32>
      %sub3A_898 = arith.subf %scan3A_893, %sub3A_897 : vector<16xf32>
      %mul3A_899 = arith.constant 256 : i32
      %mul3A_900 = arith.muli %scan3A_892, %mul3A_899 : i32
      %add3A_901 = arith.constant 0 : i32
      %add3A_902 = arith.addi %mul3A_900, %add3A_901 : i32
      %get3A_903 = arith.index_cast %add3A_902 : i32 to index
      %get3A_904 = tpu.vector_load %arg5[%get3A_903] {strides = array<i32>} : memref<32784xf32, #tpu.memory_space<vmem>>, vector<16xf32>,
      %gt3A = arith.cmpf ogt, %get3A_904, %sub3A_898 : vector<16xf32>
      %select_n3A = arith.select %gt3A, %scan3A_894, %add3A_385 : vector<16xi1>, vector<16xi32>
      tpu.vector_store_idx %arg8[%select_n3A], %scan3A_895 : memref<1312xi32, #tpu.memory_space<vmem>>[vector<16xi32>], vector<16xi32>,
      %jit3A = arith.constant 16 : i32
      %jit3A_905 = arith.constant 0 : i32
      %broadcast_in_dim3A_906 = vector.broadcast %jit3A : i32 to vector<16xi32>
      %broadcast_in_dim3A_907 = vector.broadcast %jit3A_905 : i32 to vector<16xi32>
      %select_n3A_908 = arith.select %gt3A, %broadcast_in_dim3A_906, %broadcast_in_dim3A_907 : vector<16xi1>, vector<16xi32>
      %add3A_909 = arith.addi %scan3A_894, %select_n3A_908 : vector<16xi32>
      %add3A_910 = arith.constant 16 : i32
      %add3A_911 = vector.broadcast %add3A_910 : i32 to vector<16xi32>
      %add3A_912 = arith.addi %scan3A_895, %add3A_911 : vector<16xi32>
      %add3A_913 = arith.constant 16 : i32
      %add3A_914 = arith.addi %mul3A_900, %add3A_913 : i32
      %get3A_915 = arith.index_cast %add3A_914 : i32 to index
      %get3A_916 = tpu.vector_load %arg5[%get3A_915] {strides = array<i32>} : memref<32784xf32, #tpu.memory_space<vmem>>, vector<16xf32>,
      %gt3A_917 = arith.cmpf ogt, %get3A_916, %sub3A_898 : vector<16xf32>
      %select_n3A_918 = arith.select %gt3A_917, %add3A_909, %add3A_385 : vector<16xi1>, vector<16xi32>
      tpu.vector_store_idx %arg8[%select_n3A_918], %add3A_912 : memref<1312xi32, #tpu.memory_space<vmem>>[vector<16xi32>], vector<16xi32>,
      %jit3A_919 = arith.constant 16 : i32
      %jit3A_920 = arith.constant 0 : i32
      %broadcast_in_dim3A_921 = vector.broadcast %jit3A_919 : i32 to vector<16xi32>
      %broadcast_in_dim3A_922 = vector.broadcast %jit3A_920 : i32 to vector<16xi32>
      %select_n3A_923 = arith.select %gt3A_917, %broadcast_in_dim3A_921, %broadcast_in_dim3A_922 : vector<16xi1>, vector<16xi32>
      %add3A_924 = arith.addi %add3A_909, %select_n3A_923 : vector<16xi32>
      %add3A_925 = arith.constant 16 : i32
      %add3A_926 = vector.broadcast %add3A_925 : i32 to vector<16xi32>
      %add3A_927 = arith.addi %add3A_912, %add3A_926 : vector<16xi32>
      %add3A_928 = arith.constant 32 : i32
      %add3A_929 = arith.addi %mul3A_900, %add3A_928 : i32
      %get3A_930 = arith.index_cast %add3A_929 : i32 to index
      %get3A_931 = tpu.vector_load %arg5[%get3A_930] {strides = array<i32>} : memref<32784xf32, #tpu.memory_space<vmem>>, vector<16xf32>,
      %gt3A_932 = arith.cmpf ogt, %get3A_931, %sub3A_898 : vector<16xf32>
      %select_n3A_933 = arith.select %gt3A_932, %add3A_924, %add3A_385 : vector<16xi1>, vector<16xi32>
      tpu.vector_store_idx %arg8[%select_n3A_933], %add3A_927 : memref<1312xi32, #tpu.memory_space<vmem>>[vector<16xi32>], vector<16xi32>,
      %jit3A_934 = arith.constant 16 : i32
      %jit3A_935 = arith.constant 0 : i32
      %broadcast_in_dim3A_936 = vector.broadcast %jit3A_934 : i32 to vector<16xi32>
      %broadcast_in_dim3A_937 = vector.broadcast %jit3A_935 : i32 to vector<16xi32>
      %select_n3A_938 = arith.select %gt3A_932, %broadcast_in_dim3A_936, %broadcast_in_dim3A_937 : vector<16xi1>, vector<16xi32>
      %add3A_939 = arith.addi %add3A_924, %select_n3A_938 : vector<16xi32>
      %add3A_940 = arith.constant 16 : i32
      %add3A_941 = vector.broadcast %add3A_940 : i32 to vector<16xi32>
      %add3A_942 = arith.addi %add3A_927, %add3A_941 : vector<16xi32>
      %add3A_943 = arith.constant 48 : i32
      %add3A_944 = arith.addi %mul3A_900, %add3A_943 : i32
      %get3A_945 = arith.index_cast %add3A_944 : i32 to index
      %get3A_946 = tpu.vector_load %arg5[%get3A_945] {strides = array<i32>} : memref<32784xf32, #tpu.memory_space<vmem>>, vector<16xf32>,
      %gt3A_947 = arith.cmpf ogt, %get3A_946, %sub3A_898 : vector<16xf32>
      %select_n3A_948 = arith.select %gt3A_947, %add3A_939, %add3A_385 : vector<16xi1>, vector<16xi32>
      tpu.vector_store_idx %arg8[%select_n3A_948], %add3A_942 : memref<1312xi32, #tpu.memory_space<vmem>>[vector<16xi32>], vector<16xi32>,
      %jit3A_949 = arith.constant 16 : i32
      %jit3A_950 = arith.constant 0 : i32
      %broadcast_in_dim3A_951 = vector.broadcast %jit3A_949 : i32 to vector<16xi32>
      %broadcast_in_dim3A_952 = vector.broadcast %jit3A_950 : i32 to vector<16xi32>
      %select_n3A_953 = arith.select %gt3A_947, %broadcast_in_dim3A_951, %broadcast_in_dim3A_952 : vector<16xi1>, vector<16xi32>
      %add3A_954 = arith.addi %add3A_939, %select_n3A_953 : vector<16xi32>
      %add3A_955 = arith.constant 16 : i32
      %add3A_956 = vector.broadcast %add3A_955 : i32 to vector<16xi32>
      %add3A_957 = arith.addi %add3A_942, %add3A_956 : vector<16xi32>
      %add3A_958 = arith.constant 64 : i32
      %add3A_959 = arith.addi %mul3A_900, %add3A_958 : i32
      %get3A_960 = arith.index_cast %add3A_959 : i32 to index
      %get3A_961 = tpu.vector_load %arg5[%get3A_960] {strides = array<i32>} : memref<32784xf32, #tpu.memory_space<vmem>>, vector<16xf32>,
      %gt3A_962 = arith.cmpf ogt, %get3A_961, %sub3A_898 : vector<16xf32>
      %select_n3A_963 = arith.select %gt3A_962, %add3A_954, %add3A_385 : vector<16xi1>, vector<16xi32>
      tpu.vector_store_idx %arg8[%select_n3A_963], %add3A_957 : memref<1312xi32, #tpu.memory_space<vmem>>[vector<16xi32>], vector<16xi32>,
      %jit3A_964 = arith.constant 16 : i32
      %jit3A_965 = arith.constant 0 : i32
      %broadcast_in_dim3A_966 = vector.broadcast %jit3A_964 : i32 to vector<16xi32>
      %broadcast_in_dim3A_967 = vector.broadcast %jit3A_965 : i32 to vector<16xi32>
      %select_n3A_968 = arith.select %gt3A_962, %broadcast_in_dim3A_966, %broadcast_in_dim3A_967 : vector<16xi1>, vector<16xi32>
      %add3A_969 = arith.addi %add3A_954, %select_n3A_968 : vector<16xi32>
      %add3A_970 = arith.constant 16 : i32
      %add3A_971 = vector.broadcast %add3A_970 : i32 to vector<16xi32>
      %add3A_972 = arith.addi %add3A_957, %add3A_971 : vector<16xi32>
      %add3A_973 = arith.constant 80 : i32
      %add3A_974 = arith.addi %mul3A_900, %add3A_973 : i32
      %get3A_975 = arith.index_cast %add3A_974 : i32 to index
      %get3A_976 = tpu.vector_load %arg5[%get3A_975] {strides = array<i32>} : memref<32784xf32, #tpu.memory_space<vmem>>, vector<16xf32>,
      %gt3A_977 = arith.cmpf ogt, %get3A_976, %sub3A_898 : vector<16xf32>
      %select_n3A_978 = arith.select %gt3A_977, %add3A_969, %add3A_385 : vector<16xi1>, vector<16xi32>
      tpu.vector_store_idx %arg8[%select_n3A_978], %add3A_972 : memref<1312xi32, #tpu.memory_space<vmem>>[vector<16xi32>], vector<16xi32>,
      %jit3A_979 = arith.constant 16 : i32
      %jit3A_980 = arith.constant 0 : i32
      %broadcast_in_dim3A_981 = vector.broadcast %jit3A_979 : i32 to vector<16xi32>
      %broadcast_in_dim3A_982 = vector.broadcast %jit3A_980 : i32 to vector<16xi32>
      %select_n3A_983 = arith.select %gt3A_977, %broadcast_in_dim3A_981, %broadcast_in_dim3A_982 : vector<16xi1>, vector<16xi32>
      %add3A_984 = arith.addi %add3A_969, %select_n3A_983 : vector<16xi32>
      %add3A_985 = arith.constant 16 : i32
      %add3A_986 = vector.broadcast %add3A_985 : i32 to vector<16xi32>
      %add3A_987 = arith.addi %add3A_972, %add3A_986 : vector<16xi32>
      %add3A_988 = arith.constant 96 : i32
      %add3A_989 = arith.addi %mul3A_900, %add3A_988 : i32
      %get3A_990 = arith.index_cast %add3A_989 : i32 to index
      %get3A_991 = tpu.vector_load %arg5[%get3A_990] {strides = array<i32>} : memref<32784xf32, #tpu.memory_space<vmem>>, vector<16xf32>,
      %gt3A_992 = arith.cmpf ogt, %get3A_991, %sub3A_898 : vector<16xf32>
      %select_n3A_993 = arith.select %gt3A_992, %add3A_984, %add3A_385 : vector<16xi1>, vector<16xi32>
      tpu.vector_store_idx %arg8[%select_n3A_993], %add3A_987 : memref<1312xi32, #tpu.memory_space<vmem>>[vector<16xi32>], vector<16xi32>,
      %jit3A_994 = arith.constant 16 : i32
      %jit3A_995 = arith.constant 0 : i32
      %broadcast_in_dim3A_996 = vector.broadcast %jit3A_994 : i32 to vector<16xi32>
      %broadcast_in_dim3A_997 = vector.broadcast %jit3A_995 : i32 to vector<16xi32>
      %select_n3A_998 = arith.select %gt3A_992, %broadcast_in_dim3A_996, %broadcast_in_dim3A_997 : vector<16xi1>, vector<16xi32>
      %add3A_999 = arith.addi %add3A_984, %select_n3A_998 : vector<16xi32>
      %add3A_1000 = arith.constant 16 : i32
      %add3A_1001 = vector.broadcast %add3A_1000 : i32 to vector<16xi32>
      %add3A_1002 = arith.addi %add3A_987, %add3A_1001 : vector<16xi32>
      %add3A_1003 = arith.constant 112 : i32
      %add3A_1004 = arith.addi %mul3A_900, %add3A_1003 : i32
      %get3A_1005 = arith.index_cast %add3A_1004 : i32 to index
      %get3A_1006 = tpu.vector_load %arg5[%get3A_1005] {strides = array<i32>} : memref<32784xf32, #tpu.memory_space<vmem>>, vector<16xf32>,
      %gt3A_1007 = arith.cmpf ogt, %get3A_1006, %sub3A_898 : vector<16xf32>
      %select_n3A_1008 = arith.select %gt3A_1007, %add3A_999, %add3A_385 : vector<16xi1>, vector<16xi32>
      tpu.vector_store_idx %arg8[%select_n3A_1008], %add3A_1002 : memref<1312xi32, #tpu.memory_space<vmem>>[vector<16xi32>], vector<16xi32>,
      %jit3A_1009 = arith.constant 16 : i32
      %jit3A_1010 = arith.constant 0 : i32
      %broadcast_in_dim3A_1011 = vector.broadcast %jit3A_1009 : i32 to vector<16xi32>
      %broadcast_in_dim3A_1012 = vector.broadcast %jit3A_1010 : i32 to vector<16xi32>
      %select_n3A_1013 = arith.select %gt3A_1007, %broadcast_in_dim3A_1011, %broadcast_in_dim3A_1012 : vector<16xi1>, vector<16xi32>
      %add3A_1014 = arith.addi %add3A_999, %select_n3A_1013 : vector<16xi32>
      %add3A_1015 = arith.constant 16 : i32
      %add3A_1016 = vector.broadcast %add3A_1015 : i32 to vector<16xi32>
      %add3A_1017 = arith.addi %add3A_1002, %add3A_1016 : vector<16xi32>
      %add3A_1018 = arith.constant 128 : i32
      %add3A_1019 = arith.addi %mul3A_900, %add3A_1018 : i32
      %get3A_1020 = arith.index_cast %add3A_1019 : i32 to index
      %get3A_1021 = tpu.vector_load %arg5[%get3A_1020] {strides = array<i32>} : memref<32784xf32, #tpu.memory_space<vmem>>, vector<16xf32>,
      %gt3A_1022 = arith.cmpf ogt, %get3A_1021, %sub3A_898 : vector<16xf32>
      %select_n3A_1023 = arith.select %gt3A_1022, %add3A_1014, %add3A_385 : vector<16xi1>, vector<16xi32>
      tpu.vector_store_idx %arg8[%select_n3A_1023], %add3A_1017 : memref<1312xi32, #tpu.memory_space<vmem>>[vector<16xi32>], vector<16xi32>,
      %jit3A_1024 = arith.constant 16 : i32
      %jit3A_1025 = arith.constant 0 : i32
      %broadcast_in_dim3A_1026 = vector.broadcast %jit3A_1024 : i32 to vector<16xi32>
      %broadcast_in_dim3A_1027 = vector.broadcast %jit3A_1025 : i32 to vector<16xi32>
      %select_n3A_1028 = arith.select %gt3A_1022, %broadcast_in_dim3A_1026, %broadcast_in_dim3A_1027 : vector<16xi1>, vector<16xi32>
      %add3A_1029 = arith.addi %add3A_1014, %select_n3A_1028 : vector<16xi32>
      %add3A_1030 = arith.constant 16 : i32
      %add3A_1031 = vector.broadcast %add3A_1030 : i32 to vector<16xi32>
      %add3A_1032 = arith.addi %add3A_1017, %add3A_1031 : vector<16xi32>
      %add3A_1033 = arith.constant 144 : i32
      %add3A_1034 = arith.addi %mul3A_900, %add3A_1033 : i32
      %get3A_1035 = arith.index_cast %add3A_1034 : i32 to index
      %get3A_1036 = tpu.vector_load %arg5[%get3A_1035] {strides = array<i32>} : memref<32784xf32, #tpu.memory_space<vmem>>, vector<16xf32>,
      %gt3A_1037 = arith.cmpf ogt, %get3A_1036, %sub3A_898 : vector<16xf32>
      %select_n3A_1038 = arith.select %gt3A_1037, %add3A_1029, %add3A_385 : vector<16xi1>, vector<16xi32>
      tpu.vector_store_idx %arg8[%select_n3A_1038], %add3A_1032 : memref<1312xi32, #tpu.memory_space<vmem>>[vector<16xi32>], vector<16xi32>,
      %jit3A_1039 = arith.constant 16 : i32
      %jit3A_1040 = arith.constant 0 : i32
      %broadcast_in_dim3A_1041 = vector.broadcast %jit3A_1039 : i32 to vector<16xi32>
      %broadcast_in_dim3A_1042 = vector.broadcast %jit3A_1040 : i32 to vector<16xi32>
      %select_n3A_1043 = arith.select %gt3A_1037, %broadcast_in_dim3A_1041, %broadcast_in_dim3A_1042 : vector<16xi1>, vector<16xi32>
      %add3A_1044 = arith.addi %add3A_1029, %select_n3A_1043 : vector<16xi32>
      %add3A_1045 = arith.constant 16 : i32
      %add3A_1046 = vector.broadcast %add3A_1045 : i32 to vector<16xi32>
      %add3A_1047 = arith.addi %add3A_1032, %add3A_1046 : vector<16xi32>
      %add3A_1048 = arith.constant 160 : i32
      %add3A_1049 = arith.addi %mul3A_900, %add3A_1048 : i32
      %get3A_1050 = arith.index_cast %add3A_1049 : i32 to index
      %get3A_1051 = tpu.vector_load %arg5[%get3A_1050] {strides = array<i32>} : memref<32784xf32, #tpu.memory_space<vmem>>, vector<16xf32>,
      %gt3A_1052 = arith.cmpf ogt, %get3A_1051, %sub3A_898 : vector<16xf32>
      %select_n3A_1053 = arith.select %gt3A_1052, %add3A_1044, %add3A_385 : vector<16xi1>, vector<16xi32>
      tpu.vector_store_idx %arg8[%select_n3A_1053], %add3A_1047 : memref<1312xi32, #tpu.memory_space<vmem>>[vector<16xi32>], vector<16xi32>,
      %jit3A_1054 = arith.constant 16 : i32
      %jit3A_1055 = arith.constant 0 : i32
      %broadcast_in_dim3A_1056 = vector.broadcast %jit3A_1054 : i32 to vector<16xi32>
      %broadcast_in_dim3A_1057 = vector.broadcast %jit3A_1055 : i32 to vector<16xi32>
      %select_n3A_1058 = arith.select %gt3A_1052, %broadcast_in_dim3A_1056, %broadcast_in_dim3A_1057 : vector<16xi1>, vector<16xi32>
      %add3A_1059 = arith.addi %add3A_1044, %select_n3A_1058 : vector<16xi32>
      %add3A_1060 = arith.constant 16 : i32
      %add3A_1061 = vector.broadcast %add3A_1060 : i32 to vector<16xi32>
      %add3A_1062 = arith.addi %add3A_1047, %add3A_1061 : vector<16xi32>
      %add3A_1063 = arith.constant 176 : i32
      %add3A_1064 = arith.addi %mul3A_900, %add3A_1063 : i32
      %get3A_1065 = arith.index_cast %add3A_1064 : i32 to index
      %get3A_1066 = tpu.vector_load %arg5[%get3A_1065] {strides = array<i32>} : memref<32784xf32, #tpu.memory_space<vmem>>, vector<16xf32>,
      %gt3A_1067 = arith.cmpf ogt, %get3A_1066, %sub3A_898 : vector<16xf32>
      %select_n3A_1068 = arith.select %gt3A_1067, %add3A_1059, %add3A_385 : vector<16xi1>, vector<16xi32>
      tpu.vector_store_idx %arg8[%select_n3A_1068], %add3A_1062 : memref<1312xi32, #tpu.memory_space<vmem>>[vector<16xi32>], vector<16xi32>,
      %jit3A_1069 = arith.constant 16 : i32
      %jit3A_1070 = arith.constant 0 : i32
      %broadcast_in_dim3A_1071 = vector.broadcast %jit3A_1069 : i32 to vector<16xi32>
      %broadcast_in_dim3A_1072 = vector.broadcast %jit3A_1070 : i32 to vector<16xi32>
      %select_n3A_1073 = arith.select %gt3A_1067, %broadcast_in_dim3A_1071, %broadcast_in_dim3A_1072 : vector<16xi1>, vector<16xi32>
      %add3A_1074 = arith.addi %add3A_1059, %select_n3A_1073 : vector<16xi32>
      %add3A_1075 = arith.constant 16 : i32
      %add3A_1076 = vector.broadcast %add3A_1075 : i32 to vector<16xi32>
      %add3A_1077 = arith.addi %add3A_1062, %add3A_1076 : vector<16xi32>
      %add3A_1078 = arith.constant 192 : i32
      %add3A_1079 = arith.addi %mul3A_900, %add3A_1078 : i32
      %get3A_1080 = arith.index_cast %add3A_1079 : i32 to index
      %get3A_1081 = tpu.vector_load %arg5[%get3A_1080] {strides = array<i32>} : memref<32784xf32, #tpu.memory_space<vmem>>, vector<16xf32>,
      %gt3A_1082 = arith.cmpf ogt, %get3A_1081, %sub3A_898 : vector<16xf32>
      %select_n3A_1083 = arith.select %gt3A_1082, %add3A_1074, %add3A_385 : vector<16xi1>, vector<16xi32>
      tpu.vector_store_idx %arg8[%select_n3A_1083], %add3A_1077 : memref<1312xi32, #tpu.memory_space<vmem>>[vector<16xi32>], vector<16xi32>,
      %jit3A_1084 = arith.constant 16 : i32
      %jit3A_1085 = arith.constant 0 : i32
      %broadcast_in_dim3A_1086 = vector.broadcast %jit3A_1084 : i32 to vector<16xi32>
      %broadcast_in_dim3A_1087 = vector.broadcast %jit3A_1085 : i32 to vector<16xi32>
      %select_n3A_1088 = arith.select %gt3A_1082, %broadcast_in_dim3A_1086, %broadcast_in_dim3A_1087 : vector<16xi1>, vector<16xi32>
      %add3A_1089 = arith.addi %add3A_1074, %select_n3A_1088 : vector<16xi32>
      %add3A_1090 = arith.constant 16 : i32
      %add3A_1091 = vector.broadcast %add3A_1090 : i32 to vector<16xi32>
      %add3A_1092 = arith.addi %add3A_1077, %add3A_1091 : vector<16xi32>
      %add3A_1093 = arith.constant 208 : i32
      %add3A_1094 = arith.addi %mul3A_900, %add3A_1093 : i32
      %get3A_1095 = arith.index_cast %add3A_1094 : i32 to index
      %get3A_1096 = tpu.vector_load %arg5[%get3A_1095] {strides = array<i32>} : memref<32784xf32, #tpu.memory_space<vmem>>, vector<16xf32>,
      %gt3A_1097 = arith.cmpf ogt, %get3A_1096, %sub3A_898 : vector<16xf32>
      %select_n3A_1098 = arith.select %gt3A_1097, %add3A_1089, %add3A_385 : vector<16xi1>, vector<16xi32>
      tpu.vector_store_idx %arg8[%select_n3A_1098], %add3A_1092 : memref<1312xi32, #tpu.memory_space<vmem>>[vector<16xi32>], vector<16xi32>,
      %jit3A_1099 = arith.constant 16 : i32
      %jit3A_1100 = arith.constant 0 : i32
      %broadcast_in_dim3A_1101 = vector.broadcast %jit3A_1099 : i32 to vector<16xi32>
      %broadcast_in_dim3A_1102 = vector.broadcast %jit3A_1100 : i32 to vector<16xi32>
      %select_n3A_1103 = arith.select %gt3A_1097, %broadcast_in_dim3A_1101, %broadcast_in_dim3A_1102 : vector<16xi1>, vector<16xi32>
      %add3A_1104 = arith.addi %add3A_1089, %select_n3A_1103 : vector<16xi32>
      %add3A_1105 = arith.constant 16 : i32
      %add3A_1106 = vector.broadcast %add3A_1105 : i32 to vector<16xi32>
      %add3A_1107 = arith.addi %add3A_1092, %add3A_1106 : vector<16xi32>
      %add3A_1108 = arith.constant 224 : i32
      %add3A_1109 = arith.addi %mul3A_900, %add3A_1108 : i32
      %get3A_1110 = arith.index_cast %add3A_1109 : i32 to index
      %get3A_1111 = tpu.vector_load %arg5[%get3A_1110] {strides = array<i32>} : memref<32784xf32, #tpu.memory_space<vmem>>, vector<16xf32>,
      %gt3A_1112 = arith.cmpf ogt, %get3A_1111, %sub3A_898 : vector<16xf32>
      %select_n3A_1113 = arith.select %gt3A_1112, %add3A_1104, %add3A_385 : vector<16xi1>, vector<16xi32>
      tpu.vector_store_idx %arg8[%select_n3A_1113], %add3A_1107 : memref<1312xi32, #tpu.memory_space<vmem>>[vector<16xi32>], vector<16xi32>,
      %jit3A_1114 = arith.constant 16 : i32
      %jit3A_1115 = arith.constant 0 : i32
      %broadcast_in_dim3A_1116 = vector.broadcast %jit3A_1114 : i32 to vector<16xi32>
      %broadcast_in_dim3A_1117 = vector.broadcast %jit3A_1115 : i32 to vector<16xi32>
      %select_n3A_1118 = arith.select %gt3A_1112, %broadcast_in_dim3A_1116, %broadcast_in_dim3A_1117 : vector<16xi1>, vector<16xi32>
      %add3A_1119 = arith.addi %add3A_1104, %select_n3A_1118 : vector<16xi32>
      %add3A_1120 = arith.constant 16 : i32
      %add3A_1121 = vector.broadcast %add3A_1120 : i32 to vector<16xi32>
      %add3A_1122 = arith.addi %add3A_1107, %add3A_1121 : vector<16xi32>
      %add3A_1123 = arith.constant 240 : i32
      %add3A_1124 = arith.addi %mul3A_900, %add3A_1123 : i32
      %get3A_1125 = arith.index_cast %add3A_1124 : i32 to index
      %get3A_1126 = tpu.vector_load %arg5[%get3A_1125] {strides = array<i32>} : memref<32784xf32, #tpu.memory_space<vmem>>, vector<16xf32>,
      %gt3A_1127 = arith.cmpf ogt, %get3A_1126, %sub3A_898 : vector<16xf32>
      %select_n3A_1128 = arith.select %gt3A_1127, %add3A_1119, %add3A_385 : vector<16xi1>, vector<16xi32>
      tpu.vector_store_idx %arg8[%select_n3A_1128], %add3A_1122 : memref<1312xi32, #tpu.memory_space<vmem>>[vector<16xi32>], vector<16xi32>,
      %jit3A_1129 = arith.constant 16 : i32
      %jit3A_1130 = arith.constant 0 : i32
      %broadcast_in_dim3A_1131 = vector.broadcast %jit3A_1129 : i32 to vector<16xi32>
      %broadcast_in_dim3A_1132 = vector.broadcast %jit3A_1130 : i32 to vector<16xi32>
      %select_n3A_1133 = arith.select %gt3A_1127, %broadcast_in_dim3A_1131, %broadcast_in_dim3A_1132 : vector<16xi1>, vector<16xi32>
      %add3A_1134 = arith.addi %add3A_1119, %select_n3A_1133 : vector<16xi32>
      %add3A_1135 = arith.constant 16 : i32
      %add3A_1136 = vector.broadcast %add3A_1135 : i32 to vector<16xi32>
      %add3A_1137 = arith.addi %add3A_1122, %add3A_1136 : vector<16xi32>
      %max3A_1138 = arith.maximumf %get3A_904, %get3A_916 : vector<16xf32>
      %max3A_1139 = arith.maximumf %get3A_931, %get3A_946 : vector<16xf32>
      %max3A_1140 = arith.maximumf %get3A_961, %get3A_976 : vector<16xf32>
      %max3A_1141 = arith.maximumf %get3A_991, %get3A_1006 : vector<16xf32>
      %max3A_1142 = arith.maximumf %get3A_1021, %get3A_1036 : vector<16xf32>
      %max3A_1143 = arith.maximumf %get3A_1051, %get3A_1066 : vector<16xf32>
      %max3A_1144 = arith.maximumf %get3A_1081, %get3A_1096 : vector<16xf32>
      %max3A_1145 = arith.maximumf %get3A_1111, %get3A_1126 : vector<16xf32>
      %max3A_1146 = arith.maximumf %max3A_1138, %max3A_1139 : vector<16xf32>
      %max3A_1147 = arith.maximumf %max3A_1140, %max3A_1141 : vector<16xf32>
      %max3A_1148 = arith.maximumf %max3A_1142, %max3A_1143 : vector<16xf32>
      %max3A_1149 = arith.maximumf %max3A_1144, %max3A_1145 : vector<16xf32>
      %max3A_1150 = arith.maximumf %max3A_1146, %max3A_1147 : vector<16xf32>
      %max3A_1151 = arith.maximumf %max3A_1148, %max3A_1149 : vector<16xf32>
      %max3A_1152 = arith.maximumf %max3A_1150, %max3A_1151 : vector<16xf32>
      %iota3A_1153 = tpu.iota {dimensions = array<i32: 0>} : vector<16xi32>
      %xor3A_1154 = arith.constant 1 : i32
      %xor3A_1155 = vector.broadcast %xor3A_1154 : i32 to vector<16xi32>
      %xor3A_1156 = arith.xori %iota3A_1153, %xor3A_1155 : vector<16xi32>
      %broadcast_in_dim3A_1157 = vector.shape_cast %xor3A_1156 : vector<16xi32> to vector<16x1xi32>
      %gather3A_1158 = vector.shape_cast %broadcast_in_dim3A_1157 : vector<16x1xi32> to vector<16xi32>
      %gather3A_1159 = tpu.dynamic_gather %max3A_1152[%gather3A_1158] in [0] : vector<16xf32>, vector<16xi32> -> vector<16xf32>
      %max3A_1160 = arith.maximumf %max3A_1152, %gather3A_1159 : vector<16xf32>
      %iota3A_1161 = tpu.iota {dimensions = array<i32: 0>} : vector<16xi32>
      %xor3A_1162 = arith.constant 2 : i32
      %xor3A_1163 = vector.broadcast %xor3A_1162 : i32 to vector<16xi32>
      %xor3A_1164 = arith.xori %iota3A_1161, %xor3A_1163 : vector<16xi32>
      %broadcast_in_dim3A_1165 = vector.shape_cast %xor3A_1164 : vector<16xi32> to vector<16x1xi32>
      %gather3A_1166 = vector.shape_cast %broadcast_in_dim3A_1165 : vector<16x1xi32> to vector<16xi32>
      %gather3A_1167 = tpu.dynamic_gather %max3A_1160[%gather3A_1166] in [0] : vector<16xf32>, vector<16xi32> -> vector<16xf32>
      %max3A_1168 = arith.maximumf %max3A_1160, %gather3A_1167 : vector<16xf32>
      %iota3A_1169 = tpu.iota {dimensions = array<i32: 0>} : vector<16xi32>
      %xor3A_1170 = arith.constant 4 : i32
      %xor3A_1171 = vector.broadcast %xor3A_1170 : i32 to vector<16xi32>
      %xor3A_1172 = arith.xori %iota3A_1169, %xor3A_1171 : vector<16xi32>
      %broadcast_in_dim3A_1173 = vector.shape_cast %xor3A_1172 : vector<16xi32> to vector<16x1xi32>
      %gather3A_1174 = vector.shape_cast %broadcast_in_dim3A_1173 : vector<16x1xi32> to vector<16xi32>
      %gather3A_1175 = tpu.dynamic_gather %max3A_1168[%gather3A_1174] in [0] : vector<16xf32>, vector<16xi32> -> vector<16xf32>
      %max3A_1176 = arith.maximumf %max3A_1168, %gather3A_1175 : vector<16xf32>
      %iota3A_1177 = tpu.iota {dimensions = array<i32: 0>} : vector<16xi32>
      %xor3A_1178 = arith.constant 8 : i32
      %xor3A_1179 = vector.broadcast %xor3A_1178 : i32 to vector<16xi32>
      %xor3A_1180 = arith.xori %iota3A_1177, %xor3A_1179 : vector<16xi32>
      %broadcast_in_dim3A_1181 = vector.shape_cast %xor3A_1180 : vector<16xi32> to vector<16x1xi32>
      %gather3A_1182 = vector.shape_cast %broadcast_in_dim3A_1181 : vector<16x1xi32> to vector<16xi32>
      %gather3A_1183 = tpu.dynamic_gather %max3A_1176[%gather3A_1182] in [0] : vector<16xf32>, vector<16xi32> -> vector<16xf32>
      %max3A_1184 = arith.maximumf %max3A_1176, %gather3A_1183 : vector<16xf32>
      %max3A_1185 = arith.maximumf %scan3A_893, %max3A_1184 : vector<16xf32>
      %min3A = arith.minsi %add3A_1134, %add3A_388 : vector<16xi32>
      scf.yield %max3A_1185, %min3A, %add3A_1137 : vector<16xf32>, vector<16xi32>, vector<16xi32>
    }
    %scan3A_394 = arith.constant 128 : i32
    %sub3A_395 = arith.constant 1.000000e+00 : f32
    %sub3A_396 = vector.broadcast %sub3A_395 : f32 to vector<16xf32>
    %sub3A_397 = arith.subf %scan3A_393#0, %sub3A_396 : vector<16xf32>
    %add3A_398 = arith.constant 1 : i32
    %add3A_399 = arith.addi %mul3A_2, %add3A_398 : i32
    %sub3A_400 = arith.constant 1 : i32
    %sub3A_401 = arith.subi %add3A_399, %sub3A_400 : i32
    %dma_wait3A_402 = arith.constant 0 : i32
    %dma_wait3A_403 = tpu.memref_slice %arg6[%dma_wait3A_402] : memref<32784xf32, #tpu.memory_space<vmem>> -> memref<32768xf32, #tpu.memory_space<vmem>>
    %dma_wait3A_404 = arith.constant 0 : i32
    %dma_wait3A_405 = tpu.memref_slice %arg3[%sub3A_401, %dma_wait3A_404] : memref<128x32768xf32, #tpu.memory_space<hbm>> -> memref<1x32768xf32, #tpu.memory_space<hbm>>
    %dma_wait3A_406 = tpu.memref_squeeze %dma_wait3A_405 : memref<1x32768xf32, #tpu.memory_space<hbm>> -> memref<32768xf32, #tpu.memory_space<hbm>>
    %dma_wait3A_407 = arith.constant 0 : i32
    %dma_wait3A_408 = tpu.memref_slice %arg3[%sub3A_401, %dma_wait3A_407] : memref<128x32768xf32, #tpu.memory_space<hbm>> -> memref<1x32768xf32, #tpu.memory_space<hbm>>
    %dma_wait3A_409 = tpu.memref_squeeze %dma_wait3A_408 : memref<1x32768xf32, #tpu.memory_space<hbm>> -> memref<32768xf32, #tpu.memory_space<hbm>>
    %dma_wait3A_410 = arith.constant 0 : i32
    %dma_wait3A_411 = tpu.memref_slice %arg6[%dma_wait3A_410] : memref<32784xf32, #tpu.memory_space<vmem>> -> memref<32768xf32, #tpu.memory_space<vmem>>
    tpu.wait_dma2 semaphore(%arg11 : memref<!tpu.dma_semaphore, #tpu.memory_space<semaphore_mem>>) src(%dma_wait3A_411 : memref<32768xf32, #tpu.memory_space<vmem>>) dst(%dma_wait3A_409 : memref<32768xf32, #tpu.memory_space<hbm>>)
    %broadcast_in_dim3A_412 = arith.constant 0.000000e+00 : f32
    %broadcast_in_dim3A_413 = vector.broadcast %broadcast_in_dim3A_412 : f32 to vector<16xf32>
    %scan3A_414 = arith.constant 0 : i32
    %scan3A_415 = arith.constant 0 : i32
    %scan3A_416 = arith.constant 16 : i32
    %scan3A_417 = arith.addi %scan3A_415, %scan3A_416 : i32
    %scan3A_418 = arith.constant 1 : i32
    scf.for %scan3A_892 = %scan3A_415 to %scan3A_417 step %scan3A_418  : i32 {
      %mul3A_893 = arith.constant 4 : i32
      %mul3A_894 = arith.muli %scan3A_892, %mul3A_893 : i32
      %add3A_895 = arith.constant 0 : i32
      %add3A_896 = arith.addi %mul3A_894, %add3A_895 : i32
      %mul3A_897 = arith.constant 16 : i32
      %mul3A_898 = arith.muli %add3A_896, %mul3A_897 : i32
      %get3A_899 = arith.index_cast %mul3A_898 : i32 to index
      %get3A_900 = tpu.vector_load %arg7[%get3A_899] {strides = array<i32>} : memref<1312xi32, #tpu.memory_space<vmem>>, vector<16xi32>,
      tpu.vector_store_idx %arg6[%get3A_900], %broadcast_in_dim3A_413 : memref<32784xf32, #tpu.memory_space<vmem>>[vector<16xi32>], vector<16xf32>,
      %mul3A_901 = arith.constant 4 : i32
      %mul3A_902 = arith.muli %scan3A_892, %mul3A_901 : i32
      %add3A_903 = arith.constant 1 : i32
      %add3A_904 = arith.addi %mul3A_902, %add3A_903 : i32
      %mul3A_905 = arith.constant 16 : i32
      %mul3A_906 = arith.muli %add3A_904, %mul3A_905 : i32
      %get3A_907 = arith.index_cast %mul3A_906 : i32 to index
      %get3A_908 = tpu.vector_load %arg7[%get3A_907] {strides = array<i32>} : memref<1312xi32, #tpu.memory_space<vmem>>, vector<16xi32>,
      tpu.vector_store_idx %arg6[%get3A_908], %broadcast_in_dim3A_413 : memref<32784xf32, #tpu.memory_space<vmem>>[vector<16xi32>], vector<16xf32>,
      %mul3A_909 = arith.constant 4 : i32
      %mul3A_910 = arith.muli %scan3A_892, %mul3A_909 : i32
      %add3A_911 = arith.constant 2 : i32
      %add3A_912 = arith.addi %mul3A_910, %add3A_911 : i32
      %mul3A_913 = arith.constant 16 : i32
      %mul3A_914 = arith.muli %add3A_912, %mul3A_913 : i32
      %get3A_915 = arith.index_cast %mul3A_914 : i32 to index
      %get3A_916 = tpu.vector_load %arg7[%get3A_915] {strides = array<i32>} : memref<1312xi32, #tpu.memory_space<vmem>>, vector<16xi32>,
      tpu.vector_store_idx %arg6[%get3A_916], %broadcast_in_dim3A_413 : memref<32784xf32, #tpu.memory_space<vmem>>[vector<16xi32>], vector<16xf32>,
      %mul3A_917 = arith.constant 4 : i32
      %mul3A_918 = arith.muli %scan3A_892, %mul3A_917 : i32
      %add3A_919 = arith.constant 3 : i32
      %add3A_920 = arith.addi %mul3A_918, %add3A_919 : i32
      %mul3A_921 = arith.constant 16 : i32
      %mul3A_922 = arith.muli %add3A_920, %mul3A_921 : i32
      %get3A_923 = arith.index_cast %mul3A_922 : i32 to index
      %get3A_924 = tpu.vector_load %arg7[%get3A_923] {strides = array<i32>} : memref<1312xi32, #tpu.memory_space<vmem>>, vector<16xi32>,
      tpu.vector_store_idx %arg6[%get3A_924], %broadcast_in_dim3A_413 : memref<32784xf32, #tpu.memory_space<vmem>>[vector<16xi32>], vector<16xf32>,
    }
    %scan3A_419 = arith.constant 16 : i32
    %scan3A_420 = arith.constant 0 : i32
    %scan3A_421 = arith.constant 12 : i32
    %scan3A_422 = arith.addi %scan3A_420, %scan3A_421 : i32
    %scan3A_423 = arith.constant 1 : i32
    %scan3A_424 = scf.for %scan3A_892 = %scan3A_420 to %scan3A_422 step %scan3A_423 iter_args(%scan3A_893 = %sub3A_397) -> (vector<16xf32>)  : i32 {
      %broadcast_in_dim3A_894 = arith.constant 0.000000e+00 : f32
      %broadcast_in_dim3A_895 = vector.broadcast %broadcast_in_dim3A_894 : f32 to vector<16xf32>
      %scan3A_896 = arith.constant 0 : i32
      %scan3A_897 = arith.constant 16 : i32
      %scan3A_898 = arith.addi %scan3A_896, %scan3A_897 : i32
      %scan3A_899 = arith.constant 1 : i32
      %scan3A_900:4 = scf.for %scan3A_971 = %scan3A_896 to %scan3A_898 step %scan3A_899 iter_args(%scan3A_972 = %broadcast_in_dim3A_895, %scan3A_973 = %broadcast_in_dim3A_895, %scan3A_974 = %broadcast_in_dim3A_895, %scan3A_975 = %broadcast_in_dim3A_895) -> (vector<16xf32>, vector<16xf32>, vector<16xf32>, vector<16xf32>)  : i32 {
        %mul3A_976 = arith.constant 4 : i32
        %mul3A_977 = arith.muli %scan3A_971, %mul3A_976 : i32
        %add3A_978 = arith.constant 0 : i32
        %add3A_979 = arith.addi %mul3A_977, %add3A_978 : i32
        %mul3A_980 = arith.constant 16 : i32
        %mul3A_981 = arith.muli %add3A_979, %mul3A_980 : i32
        %get3A_982 = arith.index_cast %mul3A_981 : i32 to index
        %get3A_983 = tpu.vector_load %arg8[%get3A_982] {strides = array<i32>} : memref<1312xi32, #tpu.memory_space<vmem>>, vector<16xi32>,
        %gather3A_984 = tpu.vector_load_idx %arg5[%get3A_983] : memref<32784xf32, #tpu.memory_space<vmem>>[vector<16xi32>], vector<16xf32>,
        %gt3A = arith.cmpf ogt, %gather3A_984, %scan3A_893 : vector<16xf32>
        %jit3A = arith.constant 0.000000e+00 : f32
        %broadcast_in_dim3A_985 = vector.broadcast %jit3A : f32 to vector<16xf32>
        %select_n3A = arith.select %gt3A, %gather3A_984, %broadcast_in_dim3A_985 : vector<16xi1>, vector<16xf32>
        %add3A_986 = arith.addf %scan3A_972, %select_n3A : vector<16xf32>
        %jit3A_987 = arith.constant 1.000000e+00 : f32
        %jit3A_988 = arith.constant 0.000000e+00 : f32
        %broadcast_in_dim3A_989 = vector.broadcast %jit3A_987 : f32 to vector<16xf32>
        %broadcast_in_dim3A_990 = vector.broadcast %jit3A_988 : f32 to vector<16xf32>
        %select_n3A_991 = arith.select %gt3A, %broadcast_in_dim3A_989, %broadcast_in_dim3A_990 : vector<16xi1>, vector<16xf32>
        %add3A_992 = arith.addf %scan3A_973, %select_n3A_991 : vector<16xf32>
        %mul3A_993 = arith.constant 4 : i32
        %mul3A_994 = arith.muli %scan3A_971, %mul3A_993 : i32
        %add3A_995 = arith.constant 1 : i32
        %add3A_996 = arith.addi %mul3A_994, %add3A_995 : i32
        %mul3A_997 = arith.constant 16 : i32
        %mul3A_998 = arith.muli %add3A_996, %mul3A_997 : i32
        %get3A_999 = arith.index_cast %mul3A_998 : i32 to index
        %get3A_1000 = tpu.vector_load %arg8[%get3A_999] {strides = array<i32>} : memref<1312xi32, #tpu.memory_space<vmem>>, vector<16xi32>,
        %gather3A_1001 = tpu.vector_load_idx %arg5[%get3A_1000] : memref<32784xf32, #tpu.memory_space<vmem>>[vector<16xi32>], vector<16xf32>,
        %gt3A_1002 = arith.cmpf ogt, %gather3A_1001, %scan3A_893 : vector<16xf32>
        %jit3A_1003 = arith.constant 0.000000e+00 : f32
        %broadcast_in_dim3A_1004 = vector.broadcast %jit3A_1003 : f32 to vector<16xf32>
        %select_n3A_1005 = arith.select %gt3A_1002, %gather3A_1001, %broadcast_in_dim3A_1004 : vector<16xi1>, vector<16xf32>
        %add3A_1006 = arith.addf %scan3A_974, %select_n3A_1005 : vector<16xf32>
        %jit3A_1007 = arith.constant 1.000000e+00 : f32
        %jit3A_1008 = arith.constant 0.000000e+00 : f32
        %broadcast_in_dim3A_1009 = vector.broadcast %jit3A_1007 : f32 to vector<16xf32>
        %broadcast_in_dim3A_1010 = vector.broadcast %jit3A_1008 : f32 to vector<16xf32>
        %select_n3A_1011 = arith.select %gt3A_1002, %broadcast_in_dim3A_1009, %broadcast_in_dim3A_1010 : vector<16xi1>, vector<16xf32>
        %add3A_1012 = arith.addf %scan3A_975, %select_n3A_1011 : vector<16xf32>
        %mul3A_1013 = arith.constant 4 : i32
        %mul3A_1014 = arith.muli %scan3A_971, %mul3A_1013 : i32
        %add3A_1015 = arith.constant 2 : i32
        %add3A_1016 = arith.addi %mul3A_1014, %add3A_1015 : i32
        %mul3A_1017 = arith.constant 16 : i32
        %mul3A_1018 = arith.muli %add3A_1016, %mul3A_1017 : i32
        %get3A_1019 = arith.index_cast %mul3A_1018 : i32 to index
        %get3A_1020 = tpu.vector_load %arg8[%get3A_1019] {strides = array<i32>} : memref<1312xi32, #tpu.memory_space<vmem>>, vector<16xi32>,
        %gather3A_1021 = tpu.vector_load_idx %arg5[%get3A_1020] : memref<32784xf32, #tpu.memory_space<vmem>>[vector<16xi32>], vector<16xf32>,
        %gt3A_1022 = arith.cmpf ogt, %gather3A_1021, %scan3A_893 : vector<16xf32>
        %jit3A_1023 = arith.constant 0.000000e+00 : f32
        %broadcast_in_dim3A_1024 = vector.broadcast %jit3A_1023 : f32 to vector<16xf32>
        %select_n3A_1025 = arith.select %gt3A_1022, %gather3A_1021, %broadcast_in_dim3A_1024 : vector<16xi1>, vector<16xf32>
        %add3A_1026 = arith.addf %add3A_986, %select_n3A_1025 : vector<16xf32>
        %jit3A_1027 = arith.constant 1.000000e+00 : f32
        %jit3A_1028 = arith.constant 0.000000e+00 : f32
        %broadcast_in_dim3A_1029 = vector.broadcast %jit3A_1027 : f32 to vector<16xf32>
        %broadcast_in_dim3A_1030 = vector.broadcast %jit3A_1028 : f32 to vector<16xf32>
        %select_n3A_1031 = arith.select %gt3A_1022, %broadcast_in_dim3A_1029, %broadcast_in_dim3A_1030 : vector<16xi1>, vector<16xf32>
        %add3A_1032 = arith.addf %add3A_992, %select_n3A_1031 : vector<16xf32>
        %mul3A_1033 = arith.constant 4 : i32
        %mul3A_1034 = arith.muli %scan3A_971, %mul3A_1033 : i32
        %add3A_1035 = arith.constant 3 : i32
        %add3A_1036 = arith.addi %mul3A_1034, %add3A_1035 : i32
        %mul3A_1037 = arith.constant 16 : i32
        %mul3A_1038 = arith.muli %add3A_1036, %mul3A_1037 : i32
        %get3A_1039 = arith.index_cast %mul3A_1038 : i32 to index
        %get3A_1040 = tpu.vector_load %arg8[%get3A_1039] {strides = array<i32>} : memref<1312xi32, #tpu.memory_space<vmem>>, vector<16xi32>,
        %gather3A_1041 = tpu.vector_load_idx %arg5[%get3A_1040] : memref<32784xf32, #tpu.memory_space<vmem>>[vector<16xi32>], vector<16xf32>,
        %gt3A_1042 = arith.cmpf ogt, %gather3A_1041, %scan3A_893 : vector<16xf32>
        %jit3A_1043 = arith.constant 0.000000e+00 : f32
        %broadcast_in_dim3A_1044 = vector.broadcast %jit3A_1043 : f32 to vector<16xf32>
        %select_n3A_1045 = arith.select %gt3A_1042, %gather3A_1041, %broadcast_in_dim3A_1044 : vector<16xi1>, vector<16xf32>
        %add3A_1046 = arith.addf %add3A_1006, %select_n3A_1045 : vector<16xf32>
        %jit3A_1047 = arith.constant 1.000000e+00 : f32
        %jit3A_1048 = arith.constant 0.000000e+00 : f32
        %broadcast_in_dim3A_1049 = vector.broadcast %jit3A_1047 : f32 to vector<16xf32>
        %broadcast_in_dim3A_1050 = vector.broadcast %jit3A_1048 : f32 to vector<16xf32>
        %select_n3A_1051 = arith.select %gt3A_1042, %broadcast_in_dim3A_1049, %broadcast_in_dim3A_1050 : vector<16xi1>, vector<16xf32>
        %add3A_1052 = arith.addf %add3A_1012, %select_n3A_1051 : vector<16xf32>
        scf.yield %add3A_1026, %add3A_1032, %add3A_1046, %add3A_1052 : vector<16xf32>, vector<16xf32>, vector<16xf32>, vector<16xf32>
      }
      %scan3A_901 = arith.constant 16 : i32
      %add3A_902 = arith.addf %scan3A_900#0, %scan3A_900#2 : vector<16xf32>
      %iota3A_903 = tpu.iota {dimensions = array<i32: 0>} : vector<16xi32>
      %xor3A_904 = arith.constant 1 : i32
      %xor3A_905 = vector.broadcast %xor3A_904 : i32 to vector<16xi32>
      %xor3A_906 = arith.xori %iota3A_903, %xor3A_905 : vector<16xi32>
      %broadcast_in_dim3A_907 = vector.shape_cast %xor3A_906 : vector<16xi32> to vector<16x1xi32>
      %gather3A_908 = vector.shape_cast %broadcast_in_dim3A_907 : vector<16x1xi32> to vector<16xi32>
      %gather3A_909 = tpu.dynamic_gather %add3A_902[%gather3A_908] in [0] : vector<16xf32>, vector<16xi32> -> vector<16xf32>
      %add3A_910 = arith.addf %add3A_902, %gather3A_909 : vector<16xf32>
      %iota3A_911 = tpu.iota {dimensions = array<i32: 0>} : vector<16xi32>
      %xor3A_912 = arith.constant 2 : i32
      %xor3A_913 = vector.broadcast %xor3A_912 : i32 to vector<16xi32>
      %xor3A_914 = arith.xori %iota3A_911, %xor3A_913 : vector<16xi32>
      %broadcast_in_dim3A_915 = vector.shape_cast %xor3A_914 : vector<16xi32> to vector<16x1xi32>
      %gather3A_916 = vector.shape_cast %broadcast_in_dim3A_915 : vector<16x1xi32> to vector<16xi32>
      %gather3A_917 = tpu.dynamic_gather %add3A_910[%gather3A_916] in [0] : vector<16xf32>, vector<16xi32> -> vector<16xf32>
      %add3A_918 = arith.addf %add3A_910, %gather3A_917 : vector<16xf32>
      %iota3A_919 = tpu.iota {dimensions = array<i32: 0>} : vector<16xi32>
      %xor3A_920 = arith.constant 4 : i32
      %xor3A_921 = vector.broadcast %xor3A_920 : i32 to vector<16xi32>
      %xor3A_922 = arith.xori %iota3A_919, %xor3A_921 : vector<16xi32>
      %broadcast_in_dim3A_923 = vector.shape_cast %xor3A_922 : vector<16xi32> to vector<16x1xi32>
      %gather3A_924 = vector.shape_cast %broadcast_in_dim3A_923 : vector<16x1xi32> to vector<16xi32>
      %gather3A_925 = tpu.dynamic_gather %add3A_918[%gather3A_924] in [0] : vector<16xf32>, vector<16xi32> -> vector<16xf32>
      %add3A_926 = arith.addf %add3A_918, %gather3A_925 : vector<16xf32>
      %iota3A_927 = tpu.iota {dimensions = array<i32: 0>} : vector<16xi32>
      %xor3A_928 = arith.constant 8 : i32
      %xor3A_929 = vector.broadcast %xor3A_928 : i32 to vector<16xi32>
      %xor3A_930 = arith.xori %iota3A_927, %xor3A_929 : vector<16xi32>
      %broadcast_in_dim3A_931 = vector.shape_cast %xor3A_930 : vector<16xi32> to vector<16x1xi32>
      %gather3A_932 = vector.shape_cast %broadcast_in_dim3A_931 : vector<16x1xi32> to vector<16xi32>
      %gather3A_933 = tpu.dynamic_gather %add3A_926[%gather3A_932] in [0] : vector<16xf32>, vector<16xi32> -> vector<16xf32>
      %add3A_934 = arith.addf %add3A_926, %gather3A_933 : vector<16xf32>
      %sub3A_935 = arith.constant 1.000000e+00 : f32
      %sub3A_936 = vector.broadcast %sub3A_935 : f32 to vector<16xf32>
      %sub3A_937 = arith.subf %add3A_934, %sub3A_936 : vector<16xf32>
      %add3A_938 = arith.addf %scan3A_900#1, %scan3A_900#3 : vector<16xf32>
      %iota3A_939 = tpu.iota {dimensions = array<i32: 0>} : vector<16xi32>
      %xor3A_940 = arith.constant 1 : i32
      %xor3A_941 = vector.broadcast %xor3A_940 : i32 to vector<16xi32>
      %xor3A_942 = arith.xori %iota3A_939, %xor3A_941 : vector<16xi32>
      %broadcast_in_dim3A_943 = vector.shape_cast %xor3A_942 : vector<16xi32> to vector<16x1xi32>
      %gather3A_944 = vector.shape_cast %broadcast_in_dim3A_943 : vector<16x1xi32> to vector<16xi32>
      %gather3A_945 = tpu.dynamic_gather %add3A_938[%gather3A_944] in [0] : vector<16xf32>, vector<16xi32> -> vector<16xf32>
      %add3A_946 = arith.addf %add3A_938, %gather3A_945 : vector<16xf32>
      %iota3A_947 = tpu.iota {dimensions = array<i32: 0>} : vector<16xi32>
      %xor3A_948 = arith.constant 2 : i32
      %xor3A_949 = vector.broadcast %xor3A_948 : i32 to vector<16xi32>
      %xor3A_950 = arith.xori %iota3A_947, %xor3A_949 : vector<16xi32>
      %broadcast_in_dim3A_951 = vector.shape_cast %xor3A_950 : vector<16xi32> to vector<16x1xi32>
      %gather3A_952 = vector.shape_cast %broadcast_in_dim3A_951 : vector<16x1xi32> to vector<16xi32>
      %gather3A_953 = tpu.dynamic_gather %add3A_946[%gather3A_952] in [0] : vector<16xf32>, vector<16xi32> -> vector<16xf32>
      %add3A_954 = arith.addf %add3A_946, %gather3A_953 : vector<16xf32>
      %iota3A_955 = tpu.iota {dimensions = array<i32: 0>} : vector<16xi32>
      %xor3A_956 = arith.constant 4 : i32
      %xor3A_957 = vector.broadcast %xor3A_956 : i32 to vector<16xi32>
      %xor3A_958 = arith.xori %iota3A_955, %xor3A_957 : vector<16xi32>
      %broadcast_in_dim3A_959 = vector.shape_cast %xor3A_958 : vector<16xi32> to vector<16x1xi32>
      %gather3A_960 = vector.shape_cast %broadcast_in_dim3A_959 : vector<16x1xi32> to vector<16xi32>
      %gather3A_961 = tpu.dynamic_gather %add3A_954[%gather3A_960] in [0] : vector<16xf32>, vector<16xi32> -> vector<16xf32>
      %add3A_962 = arith.addf %add3A_954, %gather3A_961 : vector<16xf32>
      %iota3A_963 = tpu.iota {dimensions = array<i32: 0>} : vector<16xi32>
      %xor3A_964 = arith.constant 8 : i32
      %xor3A_965 = vector.broadcast %xor3A_964 : i32 to vector<16xi32>
      %xor3A_966 = arith.xori %iota3A_963, %xor3A_965 : vector<16xi32>
      %broadcast_in_dim3A_967 = vector.shape_cast %xor3A_966 : vector<16xi32> to vector<16x1xi32>
      %gather3A_968 = vector.shape_cast %broadcast_in_dim3A_967 : vector<16x1xi32> to vector<16xi32>
      %gather3A_969 = tpu.dynamic_gather %add3A_962[%gather3A_968] in [0] : vector<16xf32>, vector<16xi32> -> vector<16xf32>
      %add3A_970 = arith.addf %add3A_962, %gather3A_969 : vector<16xf32>
      %div3A = arith.divf %sub3A_937, %add3A_970 : vector<16xf32>
      scf.yield %div3A : vector<16xf32>
    }
    %scan3A_425 = arith.constant 12 : i32
    %scan3A_426 = arith.constant 0 : i32
    %scan3A_427 = arith.constant 0 : i32
    %scan3A_428 = arith.constant 16 : i32
    %scan3A_429 = arith.addi %scan3A_427, %scan3A_428 : i32
    %scan3A_430 = arith.constant 1 : i32
    scf.for %scan3A_892 = %scan3A_427 to %scan3A_429 step %scan3A_430  : i32 {
      %mul3A_893 = arith.constant 4 : i32
      %mul3A_894 = arith.muli %scan3A_892, %mul3A_893 : i32
      %add3A_895 = arith.constant 0 : i32
      %add3A_896 = arith.addi %mul3A_894, %add3A_895 : i32
      %mul3A_897 = arith.constant 16 : i32
      %mul3A_898 = arith.muli %add3A_896, %mul3A_897 : i32
      %get3A_899 = arith.index_cast %mul3A_898 : i32 to index
      %get3A_900 = tpu.vector_load %arg8[%get3A_899] {strides = array<i32>} : memref<1312xi32, #tpu.memory_space<vmem>>, vector<16xi32>,
      %gather3A_901 = tpu.vector_load_idx %arg5[%get3A_900] : memref<32784xf32, #tpu.memory_space<vmem>>[vector<16xi32>], vector<16xf32>,
      %sub3A_902 = arith.subf %gather3A_901, %scan3A_424 : vector<16xf32>
      %max3A_903 = arith.constant 0.000000e+00 : f32
      %max3A_904 = vector.broadcast %max3A_903 : f32 to vector<16xf32>
      %max3A_905 = arith.maximumf %sub3A_902, %max3A_904 : vector<16xf32>
      tpu.vector_store_idx %arg6[%get3A_900], %max3A_905 : memref<32784xf32, #tpu.memory_space<vmem>>[vector<16xi32>], vector<16xf32>,
      %mul3A_906 = arith.constant 4 : i32
      %mul3A_907 = arith.muli %scan3A_892, %mul3A_906 : i32
      %add3A_908 = arith.constant 1 : i32
      %add3A_909 = arith.addi %mul3A_907, %add3A_908 : i32
      %mul3A_910 = arith.constant 16 : i32
      %mul3A_911 = arith.muli %add3A_909, %mul3A_910 : i32
      %get3A_912 = arith.index_cast %mul3A_911 : i32 to index
      %get3A_913 = tpu.vector_load %arg8[%get3A_912] {strides = array<i32>} : memref<1312xi32, #tpu.memory_space<vmem>>, vector<16xi32>,
      %gather3A_914 = tpu.vector_load_idx %arg5[%get3A_913] : memref<32784xf32, #tpu.memory_space<vmem>>[vector<16xi32>], vector<16xf32>,
      %sub3A_915 = arith.subf %gather3A_914, %scan3A_424 : vector<16xf32>
      %max3A_916 = arith.constant 0.000000e+00 : f32
      %max3A_917 = vector.broadcast %max3A_916 : f32 to vector<16xf32>
      %max3A_918 = arith.maximumf %sub3A_915, %max3A_917 : vector<16xf32>
      tpu.vector_store_idx %arg6[%get3A_913], %max3A_918 : memref<32784xf32, #tpu.memory_space<vmem>>[vector<16xi32>], vector<16xf32>,
      %mul3A_919 = arith.constant 4 : i32
      %mul3A_920 = arith.muli %scan3A_892, %mul3A_919 : i32
      %add3A_921 = arith.constant 2 : i32
      %add3A_922 = arith.addi %mul3A_920, %add3A_921 : i32
      %mul3A_923 = arith.constant 16 : i32
      %mul3A_924 = arith.muli %add3A_922, %mul3A_923 : i32
      %get3A_925 = arith.index_cast %mul3A_924 : i32 to index
      %get3A_926 = tpu.vector_load %arg8[%get3A_925] {strides = array<i32>} : memref<1312xi32, #tpu.memory_space<vmem>>, vector<16xi32>,
      %gather3A_927 = tpu.vector_load_idx %arg5[%get3A_926] : memref<32784xf32, #tpu.memory_space<vmem>>[vector<16xi32>], vector<16xf32>,
      %sub3A_928 = arith.subf %gather3A_927, %scan3A_424 : vector<16xf32>
      %max3A_929 = arith.constant 0.000000e+00 : f32
      %max3A_930 = vector.broadcast %max3A_929 : f32 to vector<16xf32>
      %max3A_931 = arith.maximumf %sub3A_928, %max3A_930 : vector<16xf32>
      tpu.vector_store_idx %arg6[%get3A_926], %max3A_931 : memref<32784xf32, #tpu.memory_space<vmem>>[vector<16xi32>], vector<16xf32>,
      %mul3A_932 = arith.constant 4 : i32
      %mul3A_933 = arith.muli %scan3A_892, %mul3A_932 : i32
      %add3A_934 = arith.constant 3 : i32
      %add3A_935 = arith.addi %mul3A_933, %add3A_934 : i32
      %mul3A_936 = arith.constant 16 : i32
      %mul3A_937 = arith.muli %add3A_935, %mul3A_936 : i32
      %get3A_938 = arith.index_cast %mul3A_937 : i32 to index
      %get3A_939 = tpu.vector_load %arg8[%get3A_938] {strides = array<i32>} : memref<1312xi32, #tpu.memory_space<vmem>>, vector<16xi32>,
      %gather3A_940 = tpu.vector_load_idx %arg5[%get3A_939] : memref<32784xf32, #tpu.memory_space<vmem>>[vector<16xi32>], vector<16xf32>,
      %sub3A_941 = arith.subf %gather3A_940, %scan3A_424 : vector<16xf32>
      %max3A_942 = arith.constant 0.000000e+00 : f32
      %max3A_943 = vector.broadcast %max3A_942 : f32 to vector<16xf32>
      %max3A_944 = arith.maximumf %sub3A_941, %max3A_943 : vector<16xf32>
      tpu.vector_store_idx %arg6[%get3A_939], %max3A_944 : memref<32784xf32, #tpu.memory_space<vmem>>[vector<16xi32>], vector<16xf32>,
    }
    %scan3A_431 = arith.constant 16 : i32
    %add3A_432 = arith.constant 1 : i32
    %add3A_433 = arith.addi %mul3A_2, %add3A_432 : i32
    %dma_start3A_434 = arith.constant 0 : i32
    %dma_start3A_435 = tpu.memref_slice %arg6[%dma_start3A_434] : memref<32784xf32, #tpu.memory_space<vmem>> -> memref<32768xf32, #tpu.memory_space<vmem>>
    %dma_start3A_436 = arith.constant 0 : i32
    %dma_start3A_437 = tpu.memref_slice %arg3[%add3A_433, %dma_start3A_436] : memref<128x32768xf32, #tpu.memory_space<hbm>> -> memref<1x32768xf32, #tpu.memory_space<hbm>>
    %dma_start3A_438 = tpu.memref_squeeze %dma_start3A_437 : memref<1x32768xf32, #tpu.memory_space<hbm>> -> memref<32768xf32, #tpu.memory_space<hbm>>
    %dma_start3A_439 = arith.constant 0 : i32
    %dma_start3A_440 = tpu.memref_slice %arg3[%add3A_433, %dma_start3A_439] : memref<128x32768xf32, #tpu.memory_space<hbm>> -> memref<1x32768xf32, #tpu.memory_space<hbm>>
    %dma_start3A_441 = tpu.memref_squeeze %dma_start3A_440 : memref<1x32768xf32, #tpu.memory_space<hbm>> -> memref<32768xf32, #tpu.memory_space<hbm>>
    %dma_start3A_442 = arith.constant 0 : i32
    %dma_start3A_443 = tpu.memref_slice %arg6[%dma_start3A_442] : memref<32784xf32, #tpu.memory_space<vmem>> -> memref<32768xf32, #tpu.memory_space<vmem>>
    tpu.enqueue_dma source(%dma_start3A_443 : memref<32768xf32, #tpu.memory_space<vmem>>) target(%dma_start3A_441 : memref<32768xf32, #tpu.memory_space<hbm>>) target_semaphore(%arg11 : memref<!tpu.dma_semaphore, #tpu.memory_space<semaphore_mem>>)
    %add3A_444 = arith.constant 2 : i32
    %add3A_445 = arith.addi %mul3A_2, %add3A_444 : i32
    %dma_wait3A_446 = arith.constant 0 : i32
    %dma_wait3A_447 = tpu.memref_slice %arg4[%dma_wait3A_446] : memref<32784xf32, #tpu.memory_space<vmem>> -> memref<32768xf32, #tpu.memory_space<vmem>>
    %dma_wait3A_448 = arith.constant 0 : i32
    %dma_wait3A_449 = tpu.memref_slice %arg2[%add3A_445, %dma_wait3A_448] : memref<128x32768xf32, #tpu.memory_space<hbm>> -> memref<1x32768xf32, #tpu.memory_space<hbm>>
    %dma_wait3A_450 = tpu.memref_squeeze %dma_wait3A_449 : memref<1x32768xf32, #tpu.memory_space<hbm>> -> memref<32768xf32, #tpu.memory_space<hbm>>
    %dma_wait3A_451 = arith.constant 0 : i32
    %dma_wait3A_452 = tpu.memref_slice %arg4[%dma_wait3A_451] : memref<32784xf32, #tpu.memory_space<vmem>> -> memref<32768xf32, #tpu.memory_space<vmem>>
    %dma_wait3A_453 = arith.constant 0 : i32
    %dma_wait3A_454 = tpu.memref_slice %arg2[%add3A_445, %dma_wait3A_453] : memref<128x32768xf32, #tpu.memory_space<hbm>> -> memref<1x32768xf32, #tpu.memory_space<hbm>>
    %dma_wait3A_455 = tpu.memref_squeeze %dma_wait3A_454 : memref<1x32768xf32, #tpu.memory_space<hbm>> -> memref<32768xf32, #tpu.memory_space<hbm>>
    tpu.wait_dma2 semaphore(%arg9 : memref<!tpu.dma_semaphore, #tpu.memory_space<semaphore_mem>>) src(%dma_wait3A_455 : memref<32768xf32, #tpu.memory_space<hbm>>) dst(%dma_wait3A_452 : memref<32768xf32, #tpu.memory_space<vmem>>)
    %add3A_456 = arith.constant 2 : i32
    %add3A_457 = arith.addi %mul3A_2, %add3A_456 : i32
    %add3A_458 = arith.constant 1 : i32
    %add3A_459 = arith.addi %add3A_457, %add3A_458 : i32
    %dma_start3A_460 = arith.constant 0 : i32
    %dma_start3A_461 = tpu.memref_slice %arg5[%dma_start3A_460] : memref<32784xf32, #tpu.memory_space<vmem>> -> memref<32768xf32, #tpu.memory_space<vmem>>
    %dma_start3A_462 = arith.constant 0 : i32
    %dma_start3A_463 = tpu.memref_slice %arg2[%add3A_459, %dma_start3A_462] : memref<128x32768xf32, #tpu.memory_space<hbm>> -> memref<1x32768xf32, #tpu.memory_space<hbm>>
    %dma_start3A_464 = tpu.memref_squeeze %dma_start3A_463 : memref<1x32768xf32, #tpu.memory_space<hbm>> -> memref<32768xf32, #tpu.memory_space<hbm>>
    %dma_start3A_465 = arith.constant 0 : i32
    %dma_start3A_466 = tpu.memref_slice %arg5[%dma_start3A_465] : memref<32784xf32, #tpu.memory_space<vmem>> -> memref<32768xf32, #tpu.memory_space<vmem>>
    %dma_start3A_467 = arith.constant 0 : i32
    %dma_start3A_468 = tpu.memref_slice %arg2[%add3A_459, %dma_start3A_467] : memref<128x32768xf32, #tpu.memory_space<hbm>> -> memref<1x32768xf32, #tpu.memory_space<hbm>>
    %dma_start3A_469 = tpu.memref_squeeze %dma_start3A_468 : memref<1x32768xf32, #tpu.memory_space<hbm>> -> memref<32768xf32, #tpu.memory_space<hbm>>
    tpu.enqueue_dma source(%dma_start3A_469 : memref<32768xf32, #tpu.memory_space<hbm>>) target(%dma_start3A_466 : memref<32768xf32, #tpu.memory_space<vmem>>) target_semaphore(%arg10 : memref<!tpu.dma_semaphore, #tpu.memory_space<semaphore_mem>>)
    %iota3A_470 = tpu.iota {dimensions = array<i32: 0>} : vector<16xi32>
    %get3A_471 = arith.constant 0 : index
    %get3A_472 = tpu.vector_load %arg4[%get3A_471] {strides = array<i32>} : memref<32784xf32, #tpu.memory_space<vmem>>, vector<16xf32>,
    %get3A_473 = arith.constant 1024 : index
    %get3A_474 = tpu.vector_load %arg4[%get3A_473] {strides = array<i32>} : memref<32784xf32, #tpu.memory_space<vmem>>, vector<16xf32>,
    %max3A_475 = arith.maximumf %get3A_472, %get3A_474 : vector<16xf32>
    %get3A_476 = arith.constant 2048 : index
    %get3A_477 = tpu.vector_load %arg4[%get3A_476] {strides = array<i32>} : memref<32784xf32, #tpu.memory_space<vmem>>, vector<16xf32>,
    %max3A_478 = arith.maximumf %max3A_475, %get3A_477 : vector<16xf32>
    %get3A_479 = arith.constant 3072 : index
    %get3A_480 = tpu.vector_load %arg4[%get3A_479] {strides = array<i32>} : memref<32784xf32, #tpu.memory_space<vmem>>, vector<16xf32>,
    %max3A_481 = arith.maximumf %max3A_478, %get3A_480 : vector<16xf32>
    %get3A_482 = arith.constant 4096 : index
    %get3A_483 = tpu.vector_load %arg4[%get3A_482] {strides = array<i32>} : memref<32784xf32, #tpu.memory_space<vmem>>, vector<16xf32>,
    %max3A_484 = arith.maximumf %max3A_481, %get3A_483 : vector<16xf32>
    %get3A_485 = arith.constant 5120 : index
    %get3A_486 = tpu.vector_load %arg4[%get3A_485] {strides = array<i32>} : memref<32784xf32, #tpu.memory_space<vmem>>, vector<16xf32>,
    %max3A_487 = arith.maximumf %max3A_484, %get3A_486 : vector<16xf32>
    %get3A_488 = arith.constant 6144 : index
    %get3A_489 = tpu.vector_load %arg4[%get3A_488] {strides = array<i32>} : memref<32784xf32, #tpu.memory_space<vmem>>, vector<16xf32>,
    %max3A_490 = arith.maximumf %max3A_487, %get3A_489 : vector<16xf32>
    %get3A_491 = arith.constant 7168 : index
    %get3A_492 = tpu.vector_load %arg4[%get3A_491] {strides = array<i32>} : memref<32784xf32, #tpu.memory_space<vmem>>, vector<16xf32>,
    %max3A_493 = arith.maximumf %max3A_490, %get3A_492 : vector<16xf32>
    %get3A_494 = arith.constant 8192 : index
    %get3A_495 = tpu.vector_load %arg4[%get3A_494] {strides = array<i32>} : memref<32784xf32, #tpu.memory_space<vmem>>, vector<16xf32>,
    %max3A_496 = arith.maximumf %max3A_493, %get3A_495 : vector<16xf32>
    %get3A_497 = arith.constant 9216 : index
    %get3A_498 = tpu.vector_load %arg4[%get3A_497] {strides = array<i32>} : memref<32784xf32, #tpu.memory_space<vmem>>, vector<16xf32>,
    %max3A_499 = arith.maximumf %max3A_496, %get3A_498 : vector<16xf32>
    %get3A_500 = arith.constant 10240 : index
    %get3A_501 = tpu.vector_load %arg4[%get3A_500] {strides = array<i32>} : memref<32784xf32, #tpu.memory_space<vmem>>, vector<16xf32>,
    %max3A_502 = arith.maximumf %max3A_499, %get3A_501 : vector<16xf32>
    %get3A_503 = arith.constant 11264 : index
    %get3A_504 = tpu.vector_load %arg4[%get3A_503] {strides = array<i32>} : memref<32784xf32, #tpu.memory_space<vmem>>, vector<16xf32>,
    %max3A_505 = arith.maximumf %max3A_502, %get3A_504 : vector<16xf32>
    %get3A_506 = arith.constant 12288 : index
    %get3A_507 = tpu.vector_load %arg4[%get3A_506] {strides = array<i32>} : memref<32784xf32, #tpu.memory_space<vmem>>, vector<16xf32>,
    %max3A_508 = arith.maximumf %max3A_505, %get3A_507 : vector<16xf32>
    %get3A_509 = arith.constant 13312 : index
    %get3A_510 = tpu.vector_load %arg4[%get3A_509] {strides = array<i32>} : memref<32784xf32, #tpu.memory_space<vmem>>, vector<16xf32>,
    %max3A_511 = arith.maximumf %max3A_508, %get3A_510 : vector<16xf32>
    %get3A_512 = arith.constant 14336 : index
    %get3A_513 = tpu.vector_load %arg4[%get3A_512] {strides = array<i32>} : memref<32784xf32, #tpu.memory_space<vmem>>, vector<16xf32>,
    %max3A_514 = arith.maximumf %max3A_511, %get3A_513 : vector<16xf32>
    %get3A_515 = arith.constant 15360 : index
    %get3A_516 = tpu.vector_load %arg4[%get3A_515] {strides = array<i32>} : memref<32784xf32, #tpu.memory_space<vmem>>, vector<16xf32>,
    %max3A_517 = arith.maximumf %max3A_514, %get3A_516 : vector<16xf32>
    %get3A_518 = arith.constant 16384 : index
    %get3A_519 = tpu.vector_load %arg4[%get3A_518] {strides = array<i32>} : memref<32784xf32, #tpu.memory_space<vmem>>, vector<16xf32>,
    %max3A_520 = arith.maximumf %max3A_517, %get3A_519 : vector<16xf32>
    %get3A_521 = arith.constant 17408 : index
    %get3A_522 = tpu.vector_load %arg4[%get3A_521] {strides = array<i32>} : memref<32784xf32, #tpu.memory_space<vmem>>, vector<16xf32>,
    %max3A_523 = arith.maximumf %max3A_520, %get3A_522 : vector<16xf32>
    %get3A_524 = arith.constant 18432 : index
    %get3A_525 = tpu.vector_load %arg4[%get3A_524] {strides = array<i32>} : memref<32784xf32, #tpu.memory_space<vmem>>, vector<16xf32>,
    %max3A_526 = arith.maximumf %max3A_523, %get3A_525 : vector<16xf32>
    %get3A_527 = arith.constant 19456 : index
    %get3A_528 = tpu.vector_load %arg4[%get3A_527] {strides = array<i32>} : memref<32784xf32, #tpu.memory_space<vmem>>, vector<16xf32>,
    %max3A_529 = arith.maximumf %max3A_526, %get3A_528 : vector<16xf32>
    %get3A_530 = arith.constant 20480 : index
    %get3A_531 = tpu.vector_load %arg4[%get3A_530] {strides = array<i32>} : memref<32784xf32, #tpu.memory_space<vmem>>, vector<16xf32>,
    %max3A_532 = arith.maximumf %max3A_529, %get3A_531 : vector<16xf32>
    %get3A_533 = arith.constant 21504 : index
    %get3A_534 = tpu.vector_load %arg4[%get3A_533] {strides = array<i32>} : memref<32784xf32, #tpu.memory_space<vmem>>, vector<16xf32>,
    %max3A_535 = arith.maximumf %max3A_532, %get3A_534 : vector<16xf32>
    %get3A_536 = arith.constant 22528 : index
    %get3A_537 = tpu.vector_load %arg4[%get3A_536] {strides = array<i32>} : memref<32784xf32, #tpu.memory_space<vmem>>, vector<16xf32>,
    %max3A_538 = arith.maximumf %max3A_535, %get3A_537 : vector<16xf32>
    %get3A_539 = arith.constant 23552 : index
    %get3A_540 = tpu.vector_load %arg4[%get3A_539] {strides = array<i32>} : memref<32784xf32, #tpu.memory_space<vmem>>, vector<16xf32>,
    %max3A_541 = arith.maximumf %max3A_538, %get3A_540 : vector<16xf32>
    %get3A_542 = arith.constant 24576 : index
    %get3A_543 = tpu.vector_load %arg4[%get3A_542] {strides = array<i32>} : memref<32784xf32, #tpu.memory_space<vmem>>, vector<16xf32>,
    %max3A_544 = arith.maximumf %max3A_541, %get3A_543 : vector<16xf32>
    %get3A_545 = arith.constant 25600 : index
    %get3A_546 = tpu.vector_load %arg4[%get3A_545] {strides = array<i32>} : memref<32784xf32, #tpu.memory_space<vmem>>, vector<16xf32>,
    %max3A_547 = arith.maximumf %max3A_544, %get3A_546 : vector<16xf32>
    %get3A_548 = arith.constant 26624 : index
    %get3A_549 = tpu.vector_load %arg4[%get3A_548] {strides = array<i32>} : memref<32784xf32, #tpu.memory_space<vmem>>, vector<16xf32>,
    %max3A_550 = arith.maximumf %max3A_547, %get3A_549 : vector<16xf32>
    %get3A_551 = arith.constant 27648 : index
    %get3A_552 = tpu.vector_load %arg4[%get3A_551] {strides = array<i32>} : memref<32784xf32, #tpu.memory_space<vmem>>, vector<16xf32>,
    %max3A_553 = arith.maximumf %max3A_550, %get3A_552 : vector<16xf32>
    %get3A_554 = arith.constant 28672 : index
    %get3A_555 = tpu.vector_load %arg4[%get3A_554] {strides = array<i32>} : memref<32784xf32, #tpu.memory_space<vmem>>, vector<16xf32>,
    %max3A_556 = arith.maximumf %max3A_553, %get3A_555 : vector<16xf32>
    %get3A_557 = arith.constant 29696 : index
    %get3A_558 = tpu.vector_load %arg4[%get3A_557] {strides = array<i32>} : memref<32784xf32, #tpu.memory_space<vmem>>, vector<16xf32>,
    %max3A_559 = arith.maximumf %max3A_556, %get3A_558 : vector<16xf32>
    %get3A_560 = arith.constant 30720 : index
    %get3A_561 = tpu.vector_load %arg4[%get3A_560] {strides = array<i32>} : memref<32784xf32, #tpu.memory_space<vmem>>, vector<16xf32>,
    %max3A_562 = arith.maximumf %max3A_559, %get3A_561 : vector<16xf32>
    %get3A_563 = arith.constant 31744 : index
    %get3A_564 = tpu.vector_load %arg4[%get3A_563] {strides = array<i32>} : memref<32784xf32, #tpu.memory_space<vmem>>, vector<16xf32>,
    %max3A_565 = arith.maximumf %max3A_562, %get3A_564 : vector<16xf32>
    %iota3A_566 = tpu.iota {dimensions = array<i32: 0>} : vector<16xi32>
    %xor3A_567 = arith.constant 1 : i32
    %xor3A_568 = vector.broadcast %xor3A_567 : i32 to vector<16xi32>
    %xor3A_569 = arith.xori %iota3A_566, %xor3A_568 : vector<16xi32>
    %broadcast_in_dim3A_570 = vector.shape_cast %xor3A_569 : vector<16xi32> to vector<16x1xi32>
    %gather3A_571 = vector.shape_cast %broadcast_in_dim3A_570 : vector<16x1xi32> to vector<16xi32>
    %gather3A_572 = tpu.dynamic_gather %max3A_565[%gather3A_571] in [0] : vector<16xf32>, vector<16xi32> -> vector<16xf32>
    %max3A_573 = arith.maximumf %max3A_565, %gather3A_572 : vector<16xf32>
    %iota3A_574 = tpu.iota {dimensions = array<i32: 0>} : vector<16xi32>
    %xor3A_575 = arith.constant 2 : i32
    %xor3A_576 = vector.broadcast %xor3A_575 : i32 to vector<16xi32>
    %xor3A_577 = arith.xori %iota3A_574, %xor3A_576 : vector<16xi32>
    %broadcast_in_dim3A_578 = vector.shape_cast %xor3A_577 : vector<16xi32> to vector<16x1xi32>
    %gather3A_579 = vector.shape_cast %broadcast_in_dim3A_578 : vector<16x1xi32> to vector<16xi32>
    %gather3A_580 = tpu.dynamic_gather %max3A_573[%gather3A_579] in [0] : vector<16xf32>, vector<16xi32> -> vector<16xf32>
    %max3A_581 = arith.maximumf %max3A_573, %gather3A_580 : vector<16xf32>
    %iota3A_582 = tpu.iota {dimensions = array<i32: 0>} : vector<16xi32>
    %xor3A_583 = arith.constant 4 : i32
    %xor3A_584 = vector.broadcast %xor3A_583 : i32 to vector<16xi32>
    %xor3A_585 = arith.xori %iota3A_582, %xor3A_584 : vector<16xi32>
    %broadcast_in_dim3A_586 = vector.shape_cast %xor3A_585 : vector<16xi32> to vector<16x1xi32>
    %gather3A_587 = vector.shape_cast %broadcast_in_dim3A_586 : vector<16x1xi32> to vector<16xi32>
    %gather3A_588 = tpu.dynamic_gather %max3A_581[%gather3A_587] in [0] : vector<16xf32>, vector<16xi32> -> vector<16xf32>
    %max3A_589 = arith.maximumf %max3A_581, %gather3A_588 : vector<16xf32>
    %iota3A_590 = tpu.iota {dimensions = array<i32: 0>} : vector<16xi32>
    %xor3A_591 = arith.constant 8 : i32
    %xor3A_592 = vector.broadcast %xor3A_591 : i32 to vector<16xi32>
    %xor3A_593 = arith.xori %iota3A_590, %xor3A_592 : vector<16xi32>
    %broadcast_in_dim3A_594 = vector.shape_cast %xor3A_593 : vector<16xi32> to vector<16x1xi32>
    %gather3A_595 = vector.shape_cast %broadcast_in_dim3A_594 : vector<16x1xi32> to vector<16xi32>
    %gather3A_596 = tpu.dynamic_gather %max3A_589[%gather3A_595] in [0] : vector<16xf32>, vector<16xi32> -> vector<16xf32>
    %max3A_597 = arith.maximumf %max3A_589, %gather3A_596 : vector<16xf32>
    %add3A_598 = arith.constant 32768 : i32
    %add3A_599 = vector.broadcast %add3A_598 : i32 to vector<16xi32>
    %add3A_600 = arith.addi %add3A_599, %iota3A_470 : vector<16xi32>
    %scan3A_601 = arith.constant 0 : i32
    %scan3A_602 = arith.constant 0 : i32
    %scan3A_603 = arith.constant 8 : i32
    %scan3A_604 = arith.addi %scan3A_602, %scan3A_603 : i32
    %scan3A_605 = arith.constant 1 : i32
    scf.for %scan3A_892 = %scan3A_602 to %scan3A_604 step %scan3A_605  : i32 {
      %mul3A_893 = arith.constant 8 : i32
      %mul3A_894 = arith.muli %scan3A_892, %mul3A_893 : i32
      %add3A_895 = arith.constant 0 : i32
      %add3A_896 = arith.addi %mul3A_894, %add3A_895 : i32
      %mul3A_897 = arith.constant 16 : i32
      %mul3A_898 = arith.muli %add3A_896, %mul3A_897 : i32
      %swap3A_899 = arith.index_cast %mul3A_898 : i32 to index
      %swap3A_900 = tpu.vector_load %arg7[%swap3A_899] {strides = array<i32>} : memref<1312xi32, #tpu.memory_space<vmem>>, vector<16xi32>,
      tpu.vector_store %arg7[%swap3A_899], %add3A_600 {strides = array<i32>} : memref<1312xi32, #tpu.memory_space<vmem>>, vector<16xi32>,
      %mul3A_901 = arith.constant 8 : i32
      %mul3A_902 = arith.muli %scan3A_892, %mul3A_901 : i32
      %add3A_903 = arith.constant 1 : i32
      %add3A_904 = arith.addi %mul3A_902, %add3A_903 : i32
      %mul3A_905 = arith.constant 16 : i32
      %mul3A_906 = arith.muli %add3A_904, %mul3A_905 : i32
      %swap3A_907 = arith.index_cast %mul3A_906 : i32 to index
      %swap3A_908 = tpu.vector_load %arg7[%swap3A_907] {strides = array<i32>} : memref<1312xi32, #tpu.memory_space<vmem>>, vector<16xi32>,
      tpu.vector_store %arg7[%swap3A_907], %add3A_600 {strides = array<i32>} : memref<1312xi32, #tpu.memory_space<vmem>>, vector<16xi32>,
      %mul3A_909 = arith.constant 8 : i32
      %mul3A_910 = arith.muli %scan3A_892, %mul3A_909 : i32
      %add3A_911 = arith.constant 2 : i32
      %add3A_912 = arith.addi %mul3A_910, %add3A_911 : i32
      %mul3A_913 = arith.constant 16 : i32
      %mul3A_914 = arith.muli %add3A_912, %mul3A_913 : i32
      %swap3A_915 = arith.index_cast %mul3A_914 : i32 to index
      %swap3A_916 = tpu.vector_load %arg7[%swap3A_915] {strides = array<i32>} : memref<1312xi32, #tpu.memory_space<vmem>>, vector<16xi32>,
      tpu.vector_store %arg7[%swap3A_915], %add3A_600 {strides = array<i32>} : memref<1312xi32, #tpu.memory_space<vmem>>, vector<16xi32>,
      %mul3A_917 = arith.constant 8 : i32
      %mul3A_918 = arith.muli %scan3A_892, %mul3A_917 : i32
      %add3A_919 = arith.constant 3 : i32
      %add3A_920 = arith.addi %mul3A_918, %add3A_919 : i32
      %mul3A_921 = arith.constant 16 : i32
      %mul3A_922 = arith.muli %add3A_920, %mul3A_921 : i32
      %swap3A_923 = arith.index_cast %mul3A_922 : i32 to index
      %swap3A_924 = tpu.vector_load %arg7[%swap3A_923] {strides = array<i32>} : memref<1312xi32, #tpu.memory_space<vmem>>, vector<16xi32>,
      tpu.vector_store %arg7[%swap3A_923], %add3A_600 {strides = array<i32>} : memref<1312xi32, #tpu.memory_space<vmem>>, vector<16xi32>,
      %mul3A_925 = arith.constant 8 : i32
      %mul3A_926 = arith.muli %scan3A_892, %mul3A_925 : i32
      %add3A_927 = arith.constant 4 : i32
      %add3A_928 = arith.addi %mul3A_926, %add3A_927 : i32
      %mul3A_929 = arith.constant 16 : i32
      %mul3A_930 = arith.muli %add3A_928, %mul3A_929 : i32
      %swap3A_931 = arith.index_cast %mul3A_930 : i32 to index
      %swap3A_932 = tpu.vector_load %arg7[%swap3A_931] {strides = array<i32>} : memref<1312xi32, #tpu.memory_space<vmem>>, vector<16xi32>,
      tpu.vector_store %arg7[%swap3A_931], %add3A_600 {strides = array<i32>} : memref<1312xi32, #tpu.memory_space<vmem>>, vector<16xi32>,
      %mul3A_933 = arith.constant 8 : i32
      %mul3A_934 = arith.muli %scan3A_892, %mul3A_933 : i32
      %add3A_935 = arith.constant 5 : i32
      %add3A_936 = arith.addi %mul3A_934, %add3A_935 : i32
      %mul3A_937 = arith.constant 16 : i32
      %mul3A_938 = arith.muli %add3A_936, %mul3A_937 : i32
      %swap3A_939 = arith.index_cast %mul3A_938 : i32 to index
      %swap3A_940 = tpu.vector_load %arg7[%swap3A_939] {strides = array<i32>} : memref<1312xi32, #tpu.memory_space<vmem>>, vector<16xi32>,
      tpu.vector_store %arg7[%swap3A_939], %add3A_600 {strides = array<i32>} : memref<1312xi32, #tpu.memory_space<vmem>>, vector<16xi32>,
      %mul3A_941 = arith.constant 8 : i32
      %mul3A_942 = arith.muli %scan3A_892, %mul3A_941 : i32
      %add3A_943 = arith.constant 6 : i32
      %add3A_944 = arith.addi %mul3A_942, %add3A_943 : i32
      %mul3A_945 = arith.constant 16 : i32
      %mul3A_946 = arith.muli %add3A_944, %mul3A_945 : i32
      %swap3A_947 = arith.index_cast %mul3A_946 : i32 to index
      %swap3A_948 = tpu.vector_load %arg7[%swap3A_947] {strides = array<i32>} : memref<1312xi32, #tpu.memory_space<vmem>>, vector<16xi32>,
      tpu.vector_store %arg7[%swap3A_947], %add3A_600 {strides = array<i32>} : memref<1312xi32, #tpu.memory_space<vmem>>, vector<16xi32>,
      %mul3A_949 = arith.constant 8 : i32
      %mul3A_950 = arith.muli %scan3A_892, %mul3A_949 : i32
      %add3A_951 = arith.constant 7 : i32
      %add3A_952 = arith.addi %mul3A_950, %add3A_951 : i32
      %mul3A_953 = arith.constant 16 : i32
      %mul3A_954 = arith.muli %add3A_952, %mul3A_953 : i32
      %swap3A_955 = arith.index_cast %mul3A_954 : i32 to index
      %swap3A_956 = tpu.vector_load %arg7[%swap3A_955] {strides = array<i32>} : memref<1312xi32, #tpu.memory_space<vmem>>, vector<16xi32>,
      tpu.vector_store %arg7[%swap3A_955], %add3A_600 {strides = array<i32>} : memref<1312xi32, #tpu.memory_space<vmem>>, vector<16xi32>,
    }
    %scan3A_606 = arith.constant 8 : i32
    %add3A_607 = arith.constant 1296 : i32
    %add3A_608 = vector.broadcast %add3A_607 : i32 to vector<16xi32>
    %add3A_609 = arith.addi %add3A_608, %iota3A_470 : vector<16xi32>
    %add3A_610 = arith.constant 1024 : i32
    %add3A_611 = vector.broadcast %add3A_610 : i32 to vector<16xi32>
    %add3A_612 = arith.addi %add3A_611, %iota3A_470 : vector<16xi32>
    %scan3A_613 = arith.constant 0 : i32
    %scan3A_614 = arith.constant 128 : i32
    %scan3A_615 = arith.addi %scan3A_613, %scan3A_614 : i32
    %scan3A_616 = arith.constant 1 : i32
    %scan3A_617:3 = scf.for %scan3A_892 = %scan3A_613 to %scan3A_615 step %scan3A_616 iter_args(%scan3A_893 = %max3A_597, %scan3A_894 = %iota3A_470, %scan3A_895 = %iota3A_470) -> (vector<16xf32>, vector<16xi32>, vector<16xi32>)  : i32 {
      %sub3A_896 = arith.constant 1.000000e+00 : f32
      %sub3A_897 = vector.broadcast %sub3A_896 : f32 to vector<16xf32>
      %sub3A_898 = arith.subf %scan3A_893, %sub3A_897 : vector<16xf32>
      %mul3A_899 = arith.constant 256 : i32
      %mul3A_900 = arith.muli %scan3A_892, %mul3A_899 : i32
      %add3A_901 = arith.constant 0 : i32
      %add3A_902 = arith.addi %mul3A_900, %add3A_901 : i32
      %get3A_903 = arith.index_cast %add3A_902 : i32 to index
      %get3A_904 = tpu.vector_load %arg4[%get3A_903] {strides = array<i32>} : memref<32784xf32, #tpu.memory_space<vmem>>, vector<16xf32>,
      %gt3A = arith.cmpf ogt, %get3A_904, %sub3A_898 : vector<16xf32>
      %select_n3A = arith.select %gt3A, %scan3A_894, %add3A_609 : vector<16xi1>, vector<16xi32>
      tpu.vector_store_idx %arg7[%select_n3A], %scan3A_895 : memref<1312xi32, #tpu.memory_space<vmem>>[vector<16xi32>], vector<16xi32>,
      %jit3A = arith.constant 16 : i32
      %jit3A_905 = arith.constant 0 : i32
      %broadcast_in_dim3A_906 = vector.broadcast %jit3A : i32 to vector<16xi32>
      %broadcast_in_dim3A_907 = vector.broadcast %jit3A_905 : i32 to vector<16xi32>
      %select_n3A_908 = arith.select %gt3A, %broadcast_in_dim3A_906, %broadcast_in_dim3A_907 : vector<16xi1>, vector<16xi32>
      %add3A_909 = arith.addi %scan3A_894, %select_n3A_908 : vector<16xi32>
      %add3A_910 = arith.constant 16 : i32
      %add3A_911 = vector.broadcast %add3A_910 : i32 to vector<16xi32>
      %add3A_912 = arith.addi %scan3A_895, %add3A_911 : vector<16xi32>
      %add3A_913 = arith.constant 16 : i32
      %add3A_914 = arith.addi %mul3A_900, %add3A_913 : i32
      %get3A_915 = arith.index_cast %add3A_914 : i32 to index
      %get3A_916 = tpu.vector_load %arg4[%get3A_915] {strides = array<i32>} : memref<32784xf32, #tpu.memory_space<vmem>>, vector<16xf32>,
      %gt3A_917 = arith.cmpf ogt, %get3A_916, %sub3A_898 : vector<16xf32>
      %select_n3A_918 = arith.select %gt3A_917, %add3A_909, %add3A_609 : vector<16xi1>, vector<16xi32>
      tpu.vector_store_idx %arg7[%select_n3A_918], %add3A_912 : memref<1312xi32, #tpu.memory_space<vmem>>[vector<16xi32>], vector<16xi32>,
      %jit3A_919 = arith.constant 16 : i32
      %jit3A_920 = arith.constant 0 : i32
      %broadcast_in_dim3A_921 = vector.broadcast %jit3A_919 : i32 to vector<16xi32>
      %broadcast_in_dim3A_922 = vector.broadcast %jit3A_920 : i32 to vector<16xi32>
      %select_n3A_923 = arith.select %gt3A_917, %broadcast_in_dim3A_921, %broadcast_in_dim3A_922 : vector<16xi1>, vector<16xi32>
      %add3A_924 = arith.addi %add3A_909, %select_n3A_923 : vector<16xi32>
      %add3A_925 = arith.constant 16 : i32
      %add3A_926 = vector.broadcast %add3A_925 : i32 to vector<16xi32>
      %add3A_927 = arith.addi %add3A_912, %add3A_926 : vector<16xi32>
      %add3A_928 = arith.constant 32 : i32
      %add3A_929 = arith.addi %mul3A_900, %add3A_928 : i32
      %get3A_930 = arith.index_cast %add3A_929 : i32 to index
      %get3A_931 = tpu.vector_load %arg4[%get3A_930] {strides = array<i32>} : memref<32784xf32, #tpu.memory_space<vmem>>, vector<16xf32>,
      %gt3A_932 = arith.cmpf ogt, %get3A_931, %sub3A_898 : vector<16xf32>
      %select_n3A_933 = arith.select %gt3A_932, %add3A_924, %add3A_609 : vector<16xi1>, vector<16xi32>
      tpu.vector_store_idx %arg7[%select_n3A_933], %add3A_927 : memref<1312xi32, #tpu.memory_space<vmem>>[vector<16xi32>], vector<16xi32>,
      %jit3A_934 = arith.constant 16 : i32
      %jit3A_935 = arith.constant 0 : i32
      %broadcast_in_dim3A_936 = vector.broadcast %jit3A_934 : i32 to vector<16xi32>
      %broadcast_in_dim3A_937 = vector.broadcast %jit3A_935 : i32 to vector<16xi32>
      %select_n3A_938 = arith.select %gt3A_932, %broadcast_in_dim3A_936, %broadcast_in_dim3A_937 : vector<16xi1>, vector<16xi32>
      %add3A_939 = arith.addi %add3A_924, %select_n3A_938 : vector<16xi32>
      %add3A_940 = arith.constant 16 : i32
      %add3A_941 = vector.broadcast %add3A_940 : i32 to vector<16xi32>
      %add3A_942 = arith.addi %add3A_927, %add3A_941 : vector<16xi32>
      %add3A_943 = arith.constant 48 : i32
      %add3A_944 = arith.addi %mul3A_900, %add3A_943 : i32
      %get3A_945 = arith.index_cast %add3A_944 : i32 to index
      %get3A_946 = tpu.vector_load %arg4[%get3A_945] {strides = array<i32>} : memref<32784xf32, #tpu.memory_space<vmem>>, vector<16xf32>,
      %gt3A_947 = arith.cmpf ogt, %get3A_946, %sub3A_898 : vector<16xf32>
      %select_n3A_948 = arith.select %gt3A_947, %add3A_939, %add3A_609 : vector<16xi1>, vector<16xi32>
      tpu.vector_store_idx %arg7[%select_n3A_948], %add3A_942 : memref<1312xi32, #tpu.memory_space<vmem>>[vector<16xi32>], vector<16xi32>,
      %jit3A_949 = arith.constant 16 : i32
      %jit3A_950 = arith.constant 0 : i32
      %broadcast_in_dim3A_951 = vector.broadcast %jit3A_949 : i32 to vector<16xi32>
      %broadcast_in_dim3A_952 = vector.broadcast %jit3A_950 : i32 to vector<16xi32>
      %select_n3A_953 = arith.select %gt3A_947, %broadcast_in_dim3A_951, %broadcast_in_dim3A_952 : vector<16xi1>, vector<16xi32>
      %add3A_954 = arith.addi %add3A_939, %select_n3A_953 : vector<16xi32>
      %add3A_955 = arith.constant 16 : i32
      %add3A_956 = vector.broadcast %add3A_955 : i32 to vector<16xi32>
      %add3A_957 = arith.addi %add3A_942, %add3A_956 : vector<16xi32>
      %add3A_958 = arith.constant 64 : i32
      %add3A_959 = arith.addi %mul3A_900, %add3A_958 : i32
      %get3A_960 = arith.index_cast %add3A_959 : i32 to index
      %get3A_961 = tpu.vector_load %arg4[%get3A_960] {strides = array<i32>} : memref<32784xf32, #tpu.memory_space<vmem>>, vector<16xf32>,
      %gt3A_962 = arith.cmpf ogt, %get3A_961, %sub3A_898 : vector<16xf32>
      %select_n3A_963 = arith.select %gt3A_962, %add3A_954, %add3A_609 : vector<16xi1>, vector<16xi32>
      tpu.vector_store_idx %arg7[%select_n3A_963], %add3A_957 : memref<1312xi32, #tpu.memory_space<vmem>>[vector<16xi32>], vector<16xi32>,
      %jit3A_964 = arith.constant 16 : i32
      %jit3A_965 = arith.constant 0 : i32
      %broadcast_in_dim3A_966 = vector.broadcast %jit3A_964 : i32 to vector<16xi32>
      %broadcast_in_dim3A_967 = vector.broadcast %jit3A_965 : i32 to vector<16xi32>
      %select_n3A_968 = arith.select %gt3A_962, %broadcast_in_dim3A_966, %broadcast_in_dim3A_967 : vector<16xi1>, vector<16xi32>
      %add3A_969 = arith.addi %add3A_954, %select_n3A_968 : vector<16xi32>
      %add3A_970 = arith.constant 16 : i32
      %add3A_971 = vector.broadcast %add3A_970 : i32 to vector<16xi32>
      %add3A_972 = arith.addi %add3A_957, %add3A_971 : vector<16xi32>
      %add3A_973 = arith.constant 80 : i32
      %add3A_974 = arith.addi %mul3A_900, %add3A_973 : i32
      %get3A_975 = arith.index_cast %add3A_974 : i32 to index
      %get3A_976 = tpu.vector_load %arg4[%get3A_975] {strides = array<i32>} : memref<32784xf32, #tpu.memory_space<vmem>>, vector<16xf32>,
      %gt3A_977 = arith.cmpf ogt, %get3A_976, %sub3A_898 : vector<16xf32>
      %select_n3A_978 = arith.select %gt3A_977, %add3A_969, %add3A_609 : vector<16xi1>, vector<16xi32>
      tpu.vector_store_idx %arg7[%select_n3A_978], %add3A_972 : memref<1312xi32, #tpu.memory_space<vmem>>[vector<16xi32>], vector<16xi32>,
      %jit3A_979 = arith.constant 16 : i32
      %jit3A_980 = arith.constant 0 : i32
      %broadcast_in_dim3A_981 = vector.broadcast %jit3A_979 : i32 to vector<16xi32>
      %broadcast_in_dim3A_982 = vector.broadcast %jit3A_980 : i32 to vector<16xi32>
      %select_n3A_983 = arith.select %gt3A_977, %broadcast_in_dim3A_981, %broadcast_in_dim3A_982 : vector<16xi1>, vector<16xi32>
      %add3A_984 = arith.addi %add3A_969, %select_n3A_983 : vector<16xi32>
      %add3A_985 = arith.constant 16 : i32
      %add3A_986 = vector.broadcast %add3A_985 : i32 to vector<16xi32>
      %add3A_987 = arith.addi %add3A_972, %add3A_986 : vector<16xi32>
      %add3A_988 = arith.constant 96 : i32
      %add3A_989 = arith.addi %mul3A_900, %add3A_988 : i32
      %get3A_990 = arith.index_cast %add3A_989 : i32 to index
      %get3A_991 = tpu.vector_load %arg4[%get3A_990] {strides = array<i32>} : memref<32784xf32, #tpu.memory_space<vmem>>, vector<16xf32>,
      %gt3A_992 = arith.cmpf ogt, %get3A_991, %sub3A_898 : vector<16xf32>
      %select_n3A_993 = arith.select %gt3A_992, %add3A_984, %add3A_609 : vector<16xi1>, vector<16xi32>
      tpu.vector_store_idx %arg7[%select_n3A_993], %add3A_987 : memref<1312xi32, #tpu.memory_space<vmem>>[vector<16xi32>], vector<16xi32>,
      %jit3A_994 = arith.constant 16 : i32
      %jit3A_995 = arith.constant 0 : i32
      %broadcast_in_dim3A_996 = vector.broadcast %jit3A_994 : i32 to vector<16xi32>
      %broadcast_in_dim3A_997 = vector.broadcast %jit3A_995 : i32 to vector<16xi32>
      %select_n3A_998 = arith.select %gt3A_992, %broadcast_in_dim3A_996, %broadcast_in_dim3A_997 : vector<16xi1>, vector<16xi32>
      %add3A_999 = arith.addi %add3A_984, %select_n3A_998 : vector<16xi32>
      %add3A_1000 = arith.constant 16 : i32
      %add3A_1001 = vector.broadcast %add3A_1000 : i32 to vector<16xi32>
      %add3A_1002 = arith.addi %add3A_987, %add3A_1001 : vector<16xi32>
      %add3A_1003 = arith.constant 112 : i32
      %add3A_1004 = arith.addi %mul3A_900, %add3A_1003 : i32
      %get3A_1005 = arith.index_cast %add3A_1004 : i32 to index
      %get3A_1006 = tpu.vector_load %arg4[%get3A_1005] {strides = array<i32>} : memref<32784xf32, #tpu.memory_space<vmem>>, vector<16xf32>,
      %gt3A_1007 = arith.cmpf ogt, %get3A_1006, %sub3A_898 : vector<16xf32>
      %select_n3A_1008 = arith.select %gt3A_1007, %add3A_999, %add3A_609 : vector<16xi1>, vector<16xi32>
      tpu.vector_store_idx %arg7[%select_n3A_1008], %add3A_1002 : memref<1312xi32, #tpu.memory_space<vmem>>[vector<16xi32>], vector<16xi32>,
      %jit3A_1009 = arith.constant 16 : i32
      %jit3A_1010 = arith.constant 0 : i32
      %broadcast_in_dim3A_1011 = vector.broadcast %jit3A_1009 : i32 to vector<16xi32>
      %broadcast_in_dim3A_1012 = vector.broadcast %jit3A_1010 : i32 to vector<16xi32>
      %select_n3A_1013 = arith.select %gt3A_1007, %broadcast_in_dim3A_1011, %broadcast_in_dim3A_1012 : vector<16xi1>, vector<16xi32>
      %add3A_1014 = arith.addi %add3A_999, %select_n3A_1013 : vector<16xi32>
      %add3A_1015 = arith.constant 16 : i32
      %add3A_1016 = vector.broadcast %add3A_1015 : i32 to vector<16xi32>
      %add3A_1017 = arith.addi %add3A_1002, %add3A_1016 : vector<16xi32>
      %add3A_1018 = arith.constant 128 : i32
      %add3A_1019 = arith.addi %mul3A_900, %add3A_1018 : i32
      %get3A_1020 = arith.index_cast %add3A_1019 : i32 to index
      %get3A_1021 = tpu.vector_load %arg4[%get3A_1020] {strides = array<i32>} : memref<32784xf32, #tpu.memory_space<vmem>>, vector<16xf32>,
      %gt3A_1022 = arith.cmpf ogt, %get3A_1021, %sub3A_898 : vector<16xf32>
      %select_n3A_1023 = arith.select %gt3A_1022, %add3A_1014, %add3A_609 : vector<16xi1>, vector<16xi32>
      tpu.vector_store_idx %arg7[%select_n3A_1023], %add3A_1017 : memref<1312xi32, #tpu.memory_space<vmem>>[vector<16xi32>], vector<16xi32>,
      %jit3A_1024 = arith.constant 16 : i32
      %jit3A_1025 = arith.constant 0 : i32
      %broadcast_in_dim3A_1026 = vector.broadcast %jit3A_1024 : i32 to vector<16xi32>
      %broadcast_in_dim3A_1027 = vector.broadcast %jit3A_1025 : i32 to vector<16xi32>
      %select_n3A_1028 = arith.select %gt3A_1022, %broadcast_in_dim3A_1026, %broadcast_in_dim3A_1027 : vector<16xi1>, vector<16xi32>
      %add3A_1029 = arith.addi %add3A_1014, %select_n3A_1028 : vector<16xi32>
      %add3A_1030 = arith.constant 16 : i32
      %add3A_1031 = vector.broadcast %add3A_1030 : i32 to vector<16xi32>
      %add3A_1032 = arith.addi %add3A_1017, %add3A_1031 : vector<16xi32>
      %add3A_1033 = arith.constant 144 : i32
      %add3A_1034 = arith.addi %mul3A_900, %add3A_1033 : i32
      %get3A_1035 = arith.index_cast %add3A_1034 : i32 to index
      %get3A_1036 = tpu.vector_load %arg4[%get3A_1035] {strides = array<i32>} : memref<32784xf32, #tpu.memory_space<vmem>>, vector<16xf32>,
      %gt3A_1037 = arith.cmpf ogt, %get3A_1036, %sub3A_898 : vector<16xf32>
      %select_n3A_1038 = arith.select %gt3A_1037, %add3A_1029, %add3A_609 : vector<16xi1>, vector<16xi32>
      tpu.vector_store_idx %arg7[%select_n3A_1038], %add3A_1032 : memref<1312xi32, #tpu.memory_space<vmem>>[vector<16xi32>], vector<16xi32>,
      %jit3A_1039 = arith.constant 16 : i32
      %jit3A_1040 = arith.constant 0 : i32
      %broadcast_in_dim3A_1041 = vector.broadcast %jit3A_1039 : i32 to vector<16xi32>
      %broadcast_in_dim3A_1042 = vector.broadcast %jit3A_1040 : i32 to vector<16xi32>
      %select_n3A_1043 = arith.select %gt3A_1037, %broadcast_in_dim3A_1041, %broadcast_in_dim3A_1042 : vector<16xi1>, vector<16xi32>
      %add3A_1044 = arith.addi %add3A_1029, %select_n3A_1043 : vector<16xi32>
      %add3A_1045 = arith.constant 16 : i32
      %add3A_1046 = vector.broadcast %add3A_1045 : i32 to vector<16xi32>
      %add3A_1047 = arith.addi %add3A_1032, %add3A_1046 : vector<16xi32>
      %add3A_1048 = arith.constant 160 : i32
      %add3A_1049 = arith.addi %mul3A_900, %add3A_1048 : i32
      %get3A_1050 = arith.index_cast %add3A_1049 : i32 to index
      %get3A_1051 = tpu.vector_load %arg4[%get3A_1050] {strides = array<i32>} : memref<32784xf32, #tpu.memory_space<vmem>>, vector<16xf32>,
      %gt3A_1052 = arith.cmpf ogt, %get3A_1051, %sub3A_898 : vector<16xf32>
      %select_n3A_1053 = arith.select %gt3A_1052, %add3A_1044, %add3A_609 : vector<16xi1>, vector<16xi32>
      tpu.vector_store_idx %arg7[%select_n3A_1053], %add3A_1047 : memref<1312xi32, #tpu.memory_space<vmem>>[vector<16xi32>], vector<16xi32>,
      %jit3A_1054 = arith.constant 16 : i32
      %jit3A_1055 = arith.constant 0 : i32
      %broadcast_in_dim3A_1056 = vector.broadcast %jit3A_1054 : i32 to vector<16xi32>
      %broadcast_in_dim3A_1057 = vector.broadcast %jit3A_1055 : i32 to vector<16xi32>
      %select_n3A_1058 = arith.select %gt3A_1052, %broadcast_in_dim3A_1056, %broadcast_in_dim3A_1057 : vector<16xi1>, vector<16xi32>
      %add3A_1059 = arith.addi %add3A_1044, %select_n3A_1058 : vector<16xi32>
      %add3A_1060 = arith.constant 16 : i32
      %add3A_1061 = vector.broadcast %add3A_1060 : i32 to vector<16xi32>
      %add3A_1062 = arith.addi %add3A_1047, %add3A_1061 : vector<16xi32>
      %add3A_1063 = arith.constant 176 : i32
      %add3A_1064 = arith.addi %mul3A_900, %add3A_1063 : i32
      %get3A_1065 = arith.index_cast %add3A_1064 : i32 to index
      %get3A_1066 = tpu.vector_load %arg4[%get3A_1065] {strides = array<i32>} : memref<32784xf32, #tpu.memory_space<vmem>>, vector<16xf32>,
      %gt3A_1067 = arith.cmpf ogt, %get3A_1066, %sub3A_898 : vector<16xf32>
      %select_n3A_1068 = arith.select %gt3A_1067, %add3A_1059, %add3A_609 : vector<16xi1>, vector<16xi32>
      tpu.vector_store_idx %arg7[%select_n3A_1068], %add3A_1062 : memref<1312xi32, #tpu.memory_space<vmem>>[vector<16xi32>], vector<16xi32>,
      %jit3A_1069 = arith.constant 16 : i32
      %jit3A_1070 = arith.constant 0 : i32
      %broadcast_in_dim3A_1071 = vector.broadcast %jit3A_1069 : i32 to vector<16xi32>
      %broadcast_in_dim3A_1072 = vector.broadcast %jit3A_1070 : i32 to vector<16xi32>
      %select_n3A_1073 = arith.select %gt3A_1067, %broadcast_in_dim3A_1071, %broadcast_in_dim3A_1072 : vector<16xi1>, vector<16xi32>
      %add3A_1074 = arith.addi %add3A_1059, %select_n3A_1073 : vector<16xi32>
      %add3A_1075 = arith.constant 16 : i32
      %add3A_1076 = vector.broadcast %add3A_1075 : i32 to vector<16xi32>
      %add3A_1077 = arith.addi %add3A_1062, %add3A_1076 : vector<16xi32>
      %add3A_1078 = arith.constant 192 : i32
      %add3A_1079 = arith.addi %mul3A_900, %add3A_1078 : i32
      %get3A_1080 = arith.index_cast %add3A_1079 : i32 to index
      %get3A_1081 = tpu.vector_load %arg4[%get3A_1080] {strides = array<i32>} : memref<32784xf32, #tpu.memory_space<vmem>>, vector<16xf32>,
      %gt3A_1082 = arith.cmpf ogt, %get3A_1081, %sub3A_898 : vector<16xf32>
      %select_n3A_1083 = arith.select %gt3A_1082, %add3A_1074, %add3A_609 : vector<16xi1>, vector<16xi32>
      tpu.vector_store_idx %arg7[%select_n3A_1083], %add3A_1077 : memref<1312xi32, #tpu.memory_space<vmem>>[vector<16xi32>], vector<16xi32>,
      %jit3A_1084 = arith.constant 16 : i32
      %jit3A_1085 = arith.constant 0 : i32
      %broadcast_in_dim3A_1086 = vector.broadcast %jit3A_1084 : i32 to vector<16xi32>
      %broadcast_in_dim3A_1087 = vector.broadcast %jit3A_1085 : i32 to vector<16xi32>
      %select_n3A_1088 = arith.select %gt3A_1082, %broadcast_in_dim3A_1086, %broadcast_in_dim3A_1087 : vector<16xi1>, vector<16xi32>
      %add3A_1089 = arith.addi %add3A_1074, %select_n3A_1088 : vector<16xi32>
      %add3A_1090 = arith.constant 16 : i32
      %add3A_1091 = vector.broadcast %add3A_1090 : i32 to vector<16xi32>
      %add3A_1092 = arith.addi %add3A_1077, %add3A_1091 : vector<16xi32>
      %add3A_1093 = arith.constant 208 : i32
      %add3A_1094 = arith.addi %mul3A_900, %add3A_1093 : i32
      %get3A_1095 = arith.index_cast %add3A_1094 : i32 to index
      %get3A_1096 = tpu.vector_load %arg4[%get3A_1095] {strides = array<i32>} : memref<32784xf32, #tpu.memory_space<vmem>>, vector<16xf32>,
      %gt3A_1097 = arith.cmpf ogt, %get3A_1096, %sub3A_898 : vector<16xf32>
      %select_n3A_1098 = arith.select %gt3A_1097, %add3A_1089, %add3A_609 : vector<16xi1>, vector<16xi32>
      tpu.vector_store_idx %arg7[%select_n3A_1098], %add3A_1092 : memref<1312xi32, #tpu.memory_space<vmem>>[vector<16xi32>], vector<16xi32>,
      %jit3A_1099 = arith.constant 16 : i32
      %jit3A_1100 = arith.constant 0 : i32
      %broadcast_in_dim3A_1101 = vector.broadcast %jit3A_1099 : i32 to vector<16xi32>
      %broadcast_in_dim3A_1102 = vector.broadcast %jit3A_1100 : i32 to vector<16xi32>
      %select_n3A_1103 = arith.select %gt3A_1097, %broadcast_in_dim3A_1101, %broadcast_in_dim3A_1102 : vector<16xi1>, vector<16xi32>
      %add3A_1104 = arith.addi %add3A_1089, %select_n3A_1103 : vector<16xi32>
      %add3A_1105 = arith.constant 16 : i32
      %add3A_1106 = vector.broadcast %add3A_1105 : i32 to vector<16xi32>
      %add3A_1107 = arith.addi %add3A_1092, %add3A_1106 : vector<16xi32>
      %add3A_1108 = arith.constant 224 : i32
      %add3A_1109 = arith.addi %mul3A_900, %add3A_1108 : i32
      %get3A_1110 = arith.index_cast %add3A_1109 : i32 to index
      %get3A_1111 = tpu.vector_load %arg4[%get3A_1110] {strides = array<i32>} : memref<32784xf32, #tpu.memory_space<vmem>>, vector<16xf32>,
      %gt3A_1112 = arith.cmpf ogt, %get3A_1111, %sub3A_898 : vector<16xf32>
      %select_n3A_1113 = arith.select %gt3A_1112, %add3A_1104, %add3A_609 : vector<16xi1>, vector<16xi32>
      tpu.vector_store_idx %arg7[%select_n3A_1113], %add3A_1107 : memref<1312xi32, #tpu.memory_space<vmem>>[vector<16xi32>], vector<16xi32>,
      %jit3A_1114 = arith.constant 16 : i32
      %jit3A_1115 = arith.constant 0 : i32
      %broadcast_in_dim3A_1116 = vector.broadcast %jit3A_1114 : i32 to vector<16xi32>
      %broadcast_in_dim3A_1117 = vector.broadcast %jit3A_1115 : i32 to vector<16xi32>
      %select_n3A_1118 = arith.select %gt3A_1112, %broadcast_in_dim3A_1116, %broadcast_in_dim3A_1117 : vector<16xi1>, vector<16xi32>
      %add3A_1119 = arith.addi %add3A_1104, %select_n3A_1118 : vector<16xi32>
      %add3A_1120 = arith.constant 16 : i32
      %add3A_1121 = vector.broadcast %add3A_1120 : i32 to vector<16xi32>
      %add3A_1122 = arith.addi %add3A_1107, %add3A_1121 : vector<16xi32>
      %add3A_1123 = arith.constant 240 : i32
      %add3A_1124 = arith.addi %mul3A_900, %add3A_1123 : i32
      %get3A_1125 = arith.index_cast %add3A_1124 : i32 to index
      %get3A_1126 = tpu.vector_load %arg4[%get3A_1125] {strides = array<i32>} : memref<32784xf32, #tpu.memory_space<vmem>>, vector<16xf32>,
      %gt3A_1127 = arith.cmpf ogt, %get3A_1126, %sub3A_898 : vector<16xf32>
      %select_n3A_1128 = arith.select %gt3A_1127, %add3A_1119, %add3A_609 : vector<16xi1>, vector<16xi32>
      tpu.vector_store_idx %arg7[%select_n3A_1128], %add3A_1122 : memref<1312xi32, #tpu.memory_space<vmem>>[vector<16xi32>], vector<16xi32>,
      %jit3A_1129 = arith.constant 16 : i32
      %jit3A_1130 = arith.constant 0 : i32
      %broadcast_in_dim3A_1131 = vector.broadcast %jit3A_1129 : i32 to vector<16xi32>
      %broadcast_in_dim3A_1132 = vector.broadcast %jit3A_1130 : i32 to vector<16xi32>
      %select_n3A_1133 = arith.select %gt3A_1127, %broadcast_in_dim3A_1131, %broadcast_in_dim3A_1132 : vector<16xi1>, vector<16xi32>
      %add3A_1134 = arith.addi %add3A_1119, %select_n3A_1133 : vector<16xi32>
      %add3A_1135 = arith.constant 16 : i32
      %add3A_1136 = vector.broadcast %add3A_1135 : i32 to vector<16xi32>
      %add3A_1137 = arith.addi %add3A_1122, %add3A_1136 : vector<16xi32>
      %max3A_1138 = arith.maximumf %get3A_904, %get3A_916 : vector<16xf32>
      %max3A_1139 = arith.maximumf %get3A_931, %get3A_946 : vector<16xf32>
      %max3A_1140 = arith.maximumf %get3A_961, %get3A_976 : vector<16xf32>
      %max3A_1141 = arith.maximumf %get3A_991, %get3A_1006 : vector<16xf32>
      %max3A_1142 = arith.maximumf %get3A_1021, %get3A_1036 : vector<16xf32>
      %max3A_1143 = arith.maximumf %get3A_1051, %get3A_1066 : vector<16xf32>
      %max3A_1144 = arith.maximumf %get3A_1081, %get3A_1096 : vector<16xf32>
      %max3A_1145 = arith.maximumf %get3A_1111, %get3A_1126 : vector<16xf32>
      %max3A_1146 = arith.maximumf %max3A_1138, %max3A_1139 : vector<16xf32>
      %max3A_1147 = arith.maximumf %max3A_1140, %max3A_1141 : vector<16xf32>
      %max3A_1148 = arith.maximumf %max3A_1142, %max3A_1143 : vector<16xf32>
      %max3A_1149 = arith.maximumf %max3A_1144, %max3A_1145 : vector<16xf32>
      %max3A_1150 = arith.maximumf %max3A_1146, %max3A_1147 : vector<16xf32>
      %max3A_1151 = arith.maximumf %max3A_1148, %max3A_1149 : vector<16xf32>
      %max3A_1152 = arith.maximumf %max3A_1150, %max3A_1151 : vector<16xf32>
      %iota3A_1153 = tpu.iota {dimensions = array<i32: 0>} : vector<16xi32>
      %xor3A_1154 = arith.constant 1 : i32
      %xor3A_1155 = vector.broadcast %xor3A_1154 : i32 to vector<16xi32>
      %xor3A_1156 = arith.xori %iota3A_1153, %xor3A_1155 : vector<16xi32>
      %broadcast_in_dim3A_1157 = vector.shape_cast %xor3A_1156 : vector<16xi32> to vector<16x1xi32>
      %gather3A_1158 = vector.shape_cast %broadcast_in_dim3A_1157 : vector<16x1xi32> to vector<16xi32>
      %gather3A_1159 = tpu.dynamic_gather %max3A_1152[%gather3A_1158] in [0] : vector<16xf32>, vector<16xi32> -> vector<16xf32>
      %max3A_1160 = arith.maximumf %max3A_1152, %gather3A_1159 : vector<16xf32>
      %iota3A_1161 = tpu.iota {dimensions = array<i32: 0>} : vector<16xi32>
      %xor3A_1162 = arith.constant 2 : i32
      %xor3A_1163 = vector.broadcast %xor3A_1162 : i32 to vector<16xi32>
      %xor3A_1164 = arith.xori %iota3A_1161, %xor3A_1163 : vector<16xi32>
      %broadcast_in_dim3A_1165 = vector.shape_cast %xor3A_1164 : vector<16xi32> to vector<16x1xi32>
      %gather3A_1166 = vector.shape_cast %broadcast_in_dim3A_1165 : vector<16x1xi32> to vector<16xi32>
      %gather3A_1167 = tpu.dynamic_gather %max3A_1160[%gather3A_1166] in [0] : vector<16xf32>, vector<16xi32> -> vector<16xf32>
      %max3A_1168 = arith.maximumf %max3A_1160, %gather3A_1167 : vector<16xf32>
      %iota3A_1169 = tpu.iota {dimensions = array<i32: 0>} : vector<16xi32>
      %xor3A_1170 = arith.constant 4 : i32
      %xor3A_1171 = vector.broadcast %xor3A_1170 : i32 to vector<16xi32>
      %xor3A_1172 = arith.xori %iota3A_1169, %xor3A_1171 : vector<16xi32>
      %broadcast_in_dim3A_1173 = vector.shape_cast %xor3A_1172 : vector<16xi32> to vector<16x1xi32>
      %gather3A_1174 = vector.shape_cast %broadcast_in_dim3A_1173 : vector<16x1xi32> to vector<16xi32>
      %gather3A_1175 = tpu.dynamic_gather %max3A_1168[%gather3A_1174] in [0] : vector<16xf32>, vector<16xi32> -> vector<16xf32>
      %max3A_1176 = arith.maximumf %max3A_1168, %gather3A_1175 : vector<16xf32>
      %iota3A_1177 = tpu.iota {dimensions = array<i32: 0>} : vector<16xi32>
      %xor3A_1178 = arith.constant 8 : i32
      %xor3A_1179 = vector.broadcast %xor3A_1178 : i32 to vector<16xi32>
      %xor3A_1180 = arith.xori %iota3A_1177, %xor3A_1179 : vector<16xi32>
      %broadcast_in_dim3A_1181 = vector.shape_cast %xor3A_1180 : vector<16xi32> to vector<16x1xi32>
      %gather3A_1182 = vector.shape_cast %broadcast_in_dim3A_1181 : vector<16x1xi32> to vector<16xi32>
      %gather3A_1183 = tpu.dynamic_gather %max3A_1176[%gather3A_1182] in [0] : vector<16xf32>, vector<16xi32> -> vector<16xf32>
      %max3A_1184 = arith.maximumf %max3A_1176, %gather3A_1183 : vector<16xf32>
      %max3A_1185 = arith.maximumf %scan3A_893, %max3A_1184 : vector<16xf32>
      %min3A = arith.minsi %add3A_1134, %add3A_612 : vector<16xi32>
      scf.yield %max3A_1185, %min3A, %add3A_1137 : vector<16xf32>, vector<16xi32>, vector<16xi32>
    }
    %scan3A_618 = arith.constant 128 : i32
    %sub3A_619 = arith.constant 1.000000e+00 : f32
    %sub3A_620 = vector.broadcast %sub3A_619 : f32 to vector<16xf32>
    %sub3A_621 = arith.subf %scan3A_617#0, %sub3A_620 : vector<16xf32>
    %add3A_622 = arith.constant 2 : i32
    %add3A_623 = arith.addi %mul3A_2, %add3A_622 : i32
    %sub3A_624 = arith.constant 1 : i32
    %sub3A_625 = arith.subi %add3A_623, %sub3A_624 : i32
    %dma_wait3A_626 = arith.constant 0 : i32
    %dma_wait3A_627 = tpu.memref_slice %arg6[%dma_wait3A_626] : memref<32784xf32, #tpu.memory_space<vmem>> -> memref<32768xf32, #tpu.memory_space<vmem>>
    %dma_wait3A_628 = arith.constant 0 : i32
    %dma_wait3A_629 = tpu.memref_slice %arg3[%sub3A_625, %dma_wait3A_628] : memref<128x32768xf32, #tpu.memory_space<hbm>> -> memref<1x32768xf32, #tpu.memory_space<hbm>>
    %dma_wait3A_630 = tpu.memref_squeeze %dma_wait3A_629 : memref<1x32768xf32, #tpu.memory_space<hbm>> -> memref<32768xf32, #tpu.memory_space<hbm>>
    %dma_wait3A_631 = arith.constant 0 : i32
    %dma_wait3A_632 = tpu.memref_slice %arg3[%sub3A_625, %dma_wait3A_631] : memref<128x32768xf32, #tpu.memory_space<hbm>> -> memref<1x32768xf32, #tpu.memory_space<hbm>>
    %dma_wait3A_633 = tpu.memref_squeeze %dma_wait3A_632 : memref<1x32768xf32, #tpu.memory_space<hbm>> -> memref<32768xf32, #tpu.memory_space<hbm>>
    %dma_wait3A_634 = arith.constant 0 : i32
    %dma_wait3A_635 = tpu.memref_slice %arg6[%dma_wait3A_634] : memref<32784xf32, #tpu.memory_space<vmem>> -> memref<32768xf32, #tpu.memory_space<vmem>>
    tpu.wait_dma2 semaphore(%arg11 : memref<!tpu.dma_semaphore, #tpu.memory_space<semaphore_mem>>) src(%dma_wait3A_635 : memref<32768xf32, #tpu.memory_space<vmem>>) dst(%dma_wait3A_633 : memref<32768xf32, #tpu.memory_space<hbm>>)
    %broadcast_in_dim3A_636 = arith.constant 0.000000e+00 : f32
    %broadcast_in_dim3A_637 = vector.broadcast %broadcast_in_dim3A_636 : f32 to vector<16xf32>
    %scan3A_638 = arith.constant 0 : i32
    %scan3A_639 = arith.constant 0 : i32
    %scan3A_640 = arith.constant 16 : i32
    %scan3A_641 = arith.addi %scan3A_639, %scan3A_640 : i32
    %scan3A_642 = arith.constant 1 : i32
    scf.for %scan3A_892 = %scan3A_639 to %scan3A_641 step %scan3A_642  : i32 {
      %mul3A_893 = arith.constant 4 : i32
      %mul3A_894 = arith.muli %scan3A_892, %mul3A_893 : i32
      %add3A_895 = arith.constant 0 : i32
      %add3A_896 = arith.addi %mul3A_894, %add3A_895 : i32
      %mul3A_897 = arith.constant 16 : i32
      %mul3A_898 = arith.muli %add3A_896, %mul3A_897 : i32
      %get3A_899 = arith.index_cast %mul3A_898 : i32 to index
      %get3A_900 = tpu.vector_load %arg8[%get3A_899] {strides = array<i32>} : memref<1312xi32, #tpu.memory_space<vmem>>, vector<16xi32>,
      tpu.vector_store_idx %arg6[%get3A_900], %broadcast_in_dim3A_637 : memref<32784xf32, #tpu.memory_space<vmem>>[vector<16xi32>], vector<16xf32>,
      %mul3A_901 = arith.constant 4 : i32
      %mul3A_902 = arith.muli %scan3A_892, %mul3A_901 : i32
      %add3A_903 = arith.constant 1 : i32
      %add3A_904 = arith.addi %mul3A_902, %add3A_903 : i32
      %mul3A_905 = arith.constant 16 : i32
      %mul3A_906 = arith.muli %add3A_904, %mul3A_905 : i32
      %get3A_907 = arith.index_cast %mul3A_906 : i32 to index
      %get3A_908 = tpu.vector_load %arg8[%get3A_907] {strides = array<i32>} : memref<1312xi32, #tpu.memory_space<vmem>>, vector<16xi32>,
      tpu.vector_store_idx %arg6[%get3A_908], %broadcast_in_dim3A_637 : memref<32784xf32, #tpu.memory_space<vmem>>[vector<16xi32>], vector<16xf32>,
      %mul3A_909 = arith.constant 4 : i32
      %mul3A_910 = arith.muli %scan3A_892, %mul3A_909 : i32
      %add3A_911 = arith.constant 2 : i32
      %add3A_912 = arith.addi %mul3A_910, %add3A_911 : i32
      %mul3A_913 = arith.constant 16 : i32
      %mul3A_914 = arith.muli %add3A_912, %mul3A_913 : i32
      %get3A_915 = arith.index_cast %mul3A_914 : i32 to index
      %get3A_916 = tpu.vector_load %arg8[%get3A_915] {strides = array<i32>} : memref<1312xi32, #tpu.memory_space<vmem>>, vector<16xi32>,
      tpu.vector_store_idx %arg6[%get3A_916], %broadcast_in_dim3A_637 : memref<32784xf32, #tpu.memory_space<vmem>>[vector<16xi32>], vector<16xf32>,
      %mul3A_917 = arith.constant 4 : i32
      %mul3A_918 = arith.muli %scan3A_892, %mul3A_917 : i32
      %add3A_919 = arith.constant 3 : i32
      %add3A_920 = arith.addi %mul3A_918, %add3A_919 : i32
      %mul3A_921 = arith.constant 16 : i32
      %mul3A_922 = arith.muli %add3A_920, %mul3A_921 : i32
      %get3A_923 = arith.index_cast %mul3A_922 : i32 to index
      %get3A_924 = tpu.vector_load %arg8[%get3A_923] {strides = array<i32>} : memref<1312xi32, #tpu.memory_space<vmem>>, vector<16xi32>,
      tpu.vector_store_idx %arg6[%get3A_924], %broadcast_in_dim3A_637 : memref<32784xf32, #tpu.memory_space<vmem>>[vector<16xi32>], vector<16xf32>,
    }
    %scan3A_643 = arith.constant 16 : i32
    %scan3A_644 = arith.constant 0 : i32
    %scan3A_645 = arith.constant 12 : i32
    %scan3A_646 = arith.addi %scan3A_644, %scan3A_645 : i32
    %scan3A_647 = arith.constant 1 : i32
    %scan3A_648 = scf.for %scan3A_892 = %scan3A_644 to %scan3A_646 step %scan3A_647 iter_args(%scan3A_893 = %sub3A_621) -> (vector<16xf32>)  : i32 {
      %broadcast_in_dim3A_894 = arith.constant 0.000000e+00 : f32
      %broadcast_in_dim3A_895 = vector.broadcast %broadcast_in_dim3A_894 : f32 to vector<16xf32>
      %scan3A_896 = arith.constant 0 : i32
      %scan3A_897 = arith.constant 16 : i32
      %scan3A_898 = arith.addi %scan3A_896, %scan3A_897 : i32
      %scan3A_899 = arith.constant 1 : i32
      %scan3A_900:4 = scf.for %scan3A_971 = %scan3A_896 to %scan3A_898 step %scan3A_899 iter_args(%scan3A_972 = %broadcast_in_dim3A_895, %scan3A_973 = %broadcast_in_dim3A_895, %scan3A_974 = %broadcast_in_dim3A_895, %scan3A_975 = %broadcast_in_dim3A_895) -> (vector<16xf32>, vector<16xf32>, vector<16xf32>, vector<16xf32>)  : i32 {
        %mul3A_976 = arith.constant 4 : i32
        %mul3A_977 = arith.muli %scan3A_971, %mul3A_976 : i32
        %add3A_978 = arith.constant 0 : i32
        %add3A_979 = arith.addi %mul3A_977, %add3A_978 : i32
        %mul3A_980 = arith.constant 16 : i32
        %mul3A_981 = arith.muli %add3A_979, %mul3A_980 : i32
        %get3A_982 = arith.index_cast %mul3A_981 : i32 to index
        %get3A_983 = tpu.vector_load %arg7[%get3A_982] {strides = array<i32>} : memref<1312xi32, #tpu.memory_space<vmem>>, vector<16xi32>,
        %gather3A_984 = tpu.vector_load_idx %arg4[%get3A_983] : memref<32784xf32, #tpu.memory_space<vmem>>[vector<16xi32>], vector<16xf32>,
        %gt3A = arith.cmpf ogt, %gather3A_984, %scan3A_893 : vector<16xf32>
        %jit3A = arith.constant 0.000000e+00 : f32
        %broadcast_in_dim3A_985 = vector.broadcast %jit3A : f32 to vector<16xf32>
        %select_n3A = arith.select %gt3A, %gather3A_984, %broadcast_in_dim3A_985 : vector<16xi1>, vector<16xf32>
        %add3A_986 = arith.addf %scan3A_972, %select_n3A : vector<16xf32>
        %jit3A_987 = arith.constant 1.000000e+00 : f32
        %jit3A_988 = arith.constant 0.000000e+00 : f32
        %broadcast_in_dim3A_989 = vector.broadcast %jit3A_987 : f32 to vector<16xf32>
        %broadcast_in_dim3A_990 = vector.broadcast %jit3A_988 : f32 to vector<16xf32>
        %select_n3A_991 = arith.select %gt3A, %broadcast_in_dim3A_989, %broadcast_in_dim3A_990 : vector<16xi1>, vector<16xf32>
        %add3A_992 = arith.addf %scan3A_973, %select_n3A_991 : vector<16xf32>
        %mul3A_993 = arith.constant 4 : i32
        %mul3A_994 = arith.muli %scan3A_971, %mul3A_993 : i32
        %add3A_995 = arith.constant 1 : i32
        %add3A_996 = arith.addi %mul3A_994, %add3A_995 : i32
        %mul3A_997 = arith.constant 16 : i32
        %mul3A_998 = arith.muli %add3A_996, %mul3A_997 : i32
        %get3A_999 = arith.index_cast %mul3A_998 : i32 to index
        %get3A_1000 = tpu.vector_load %arg7[%get3A_999] {strides = array<i32>} : memref<1312xi32, #tpu.memory_space<vmem>>, vector<16xi32>,
        %gather3A_1001 = tpu.vector_load_idx %arg4[%get3A_1000] : memref<32784xf32, #tpu.memory_space<vmem>>[vector<16xi32>], vector<16xf32>,
        %gt3A_1002 = arith.cmpf ogt, %gather3A_1001, %scan3A_893 : vector<16xf32>
        %jit3A_1003 = arith.constant 0.000000e+00 : f32
        %broadcast_in_dim3A_1004 = vector.broadcast %jit3A_1003 : f32 to vector<16xf32>
        %select_n3A_1005 = arith.select %gt3A_1002, %gather3A_1001, %broadcast_in_dim3A_1004 : vector<16xi1>, vector<16xf32>
        %add3A_1006 = arith.addf %scan3A_974, %select_n3A_1005 : vector<16xf32>
        %jit3A_1007 = arith.constant 1.000000e+00 : f32
        %jit3A_1008 = arith.constant 0.000000e+00 : f32
        %broadcast_in_dim3A_1009 = vector.broadcast %jit3A_1007 : f32 to vector<16xf32>
        %broadcast_in_dim3A_1010 = vector.broadcast %jit3A_1008 : f32 to vector<16xf32>
        %select_n3A_1011 = arith.select %gt3A_1002, %broadcast_in_dim3A_1009, %broadcast_in_dim3A_1010 : vector<16xi1>, vector<16xf32>
        %add3A_1012 = arith.addf %scan3A_975, %select_n3A_1011 : vector<16xf32>
        %mul3A_1013 = arith.constant 4 : i32
        %mul3A_1014 = arith.muli %scan3A_971, %mul3A_1013 : i32
        %add3A_1015 = arith.constant 2 : i32
        %add3A_1016 = arith.addi %mul3A_1014, %add3A_1015 : i32
        %mul3A_1017 = arith.constant 16 : i32
        %mul3A_1018 = arith.muli %add3A_1016, %mul3A_1017 : i32
        %get3A_1019 = arith.index_cast %mul3A_1018 : i32 to index
        %get3A_1020 = tpu.vector_load %arg7[%get3A_1019] {strides = array<i32>} : memref<1312xi32, #tpu.memory_space<vmem>>, vector<16xi32>,
        %gather3A_1021 = tpu.vector_load_idx %arg4[%get3A_1020] : memref<32784xf32, #tpu.memory_space<vmem>>[vector<16xi32>], vector<16xf32>,
        %gt3A_1022 = arith.cmpf ogt, %gather3A_1021, %scan3A_893 : vector<16xf32>
        %jit3A_1023 = arith.constant 0.000000e+00 : f32
        %broadcast_in_dim3A_1024 = vector.broadcast %jit3A_1023 : f32 to vector<16xf32>
        %select_n3A_1025 = arith.select %gt3A_1022, %gather3A_1021, %broadcast_in_dim3A_1024 : vector<16xi1>, vector<16xf32>
        %add3A_1026 = arith.addf %add3A_986, %select_n3A_1025 : vector<16xf32>
        %jit3A_1027 = arith.constant 1.000000e+00 : f32
        %jit3A_1028 = arith.constant 0.000000e+00 : f32
        %broadcast_in_dim3A_1029 = vector.broadcast %jit3A_1027 : f32 to vector<16xf32>
        %broadcast_in_dim3A_1030 = vector.broadcast %jit3A_1028 : f32 to vector<16xf32>
        %select_n3A_1031 = arith.select %gt3A_1022, %broadcast_in_dim3A_1029, %broadcast_in_dim3A_1030 : vector<16xi1>, vector<16xf32>
        %add3A_1032 = arith.addf %add3A_992, %select_n3A_1031 : vector<16xf32>
        %mul3A_1033 = arith.constant 4 : i32
        %mul3A_1034 = arith.muli %scan3A_971, %mul3A_1033 : i32
        %add3A_1035 = arith.constant 3 : i32
        %add3A_1036 = arith.addi %mul3A_1034, %add3A_1035 : i32
        %mul3A_1037 = arith.constant 16 : i32
        %mul3A_1038 = arith.muli %add3A_1036, %mul3A_1037 : i32
        %get3A_1039 = arith.index_cast %mul3A_1038 : i32 to index
        %get3A_1040 = tpu.vector_load %arg7[%get3A_1039] {strides = array<i32>} : memref<1312xi32, #tpu.memory_space<vmem>>, vector<16xi32>,
        %gather3A_1041 = tpu.vector_load_idx %arg4[%get3A_1040] : memref<32784xf32, #tpu.memory_space<vmem>>[vector<16xi32>], vector<16xf32>,
        %gt3A_1042 = arith.cmpf ogt, %gather3A_1041, %scan3A_893 : vector<16xf32>
        %jit3A_1043 = arith.constant 0.000000e+00 : f32
        %broadcast_in_dim3A_1044 = vector.broadcast %jit3A_1043 : f32 to vector<16xf32>
        %select_n3A_1045 = arith.select %gt3A_1042, %gather3A_1041, %broadcast_in_dim3A_1044 : vector<16xi1>, vector<16xf32>
        %add3A_1046 = arith.addf %add3A_1006, %select_n3A_1045 : vector<16xf32>
        %jit3A_1047 = arith.constant 1.000000e+00 : f32
        %jit3A_1048 = arith.constant 0.000000e+00 : f32
        %broadcast_in_dim3A_1049 = vector.broadcast %jit3A_1047 : f32 to vector<16xf32>
        %broadcast_in_dim3A_1050 = vector.broadcast %jit3A_1048 : f32 to vector<16xf32>
        %select_n3A_1051 = arith.select %gt3A_1042, %broadcast_in_dim3A_1049, %broadcast_in_dim3A_1050 : vector<16xi1>, vector<16xf32>
        %add3A_1052 = arith.addf %add3A_1012, %select_n3A_1051 : vector<16xf32>
        scf.yield %add3A_1026, %add3A_1032, %add3A_1046, %add3A_1052 : vector<16xf32>, vector<16xf32>, vector<16xf32>, vector<16xf32>
      }
      %scan3A_901 = arith.constant 16 : i32
      %add3A_902 = arith.addf %scan3A_900#0, %scan3A_900#2 : vector<16xf32>
      %iota3A_903 = tpu.iota {dimensions = array<i32: 0>} : vector<16xi32>
      %xor3A_904 = arith.constant 1 : i32
      %xor3A_905 = vector.broadcast %xor3A_904 : i32 to vector<16xi32>
      %xor3A_906 = arith.xori %iota3A_903, %xor3A_905 : vector<16xi32>
      %broadcast_in_dim3A_907 = vector.shape_cast %xor3A_906 : vector<16xi32> to vector<16x1xi32>
      %gather3A_908 = vector.shape_cast %broadcast_in_dim3A_907 : vector<16x1xi32> to vector<16xi32>
      %gather3A_909 = tpu.dynamic_gather %add3A_902[%gather3A_908] in [0] : vector<16xf32>, vector<16xi32> -> vector<16xf32>
      %add3A_910 = arith.addf %add3A_902, %gather3A_909 : vector<16xf32>
      %iota3A_911 = tpu.iota {dimensions = array<i32: 0>} : vector<16xi32>
      %xor3A_912 = arith.constant 2 : i32
      %xor3A_913 = vector.broadcast %xor3A_912 : i32 to vector<16xi32>
      %xor3A_914 = arith.xori %iota3A_911, %xor3A_913 : vector<16xi32>
      %broadcast_in_dim3A_915 = vector.shape_cast %xor3A_914 : vector<16xi32> to vector<16x1xi32>
      %gather3A_916 = vector.shape_cast %broadcast_in_dim3A_915 : vector<16x1xi32> to vector<16xi32>
      %gather3A_917 = tpu.dynamic_gather %add3A_910[%gather3A_916] in [0] : vector<16xf32>, vector<16xi32> -> vector<16xf32>
      %add3A_918 = arith.addf %add3A_910, %gather3A_917 : vector<16xf32>
      %iota3A_919 = tpu.iota {dimensions = array<i32: 0>} : vector<16xi32>
      %xor3A_920 = arith.constant 4 : i32
      %xor3A_921 = vector.broadcast %xor3A_920 : i32 to vector<16xi32>
      %xor3A_922 = arith.xori %iota3A_919, %xor3A_921 : vector<16xi32>
      %broadcast_in_dim3A_923 = vector.shape_cast %xor3A_922 : vector<16xi32> to vector<16x1xi32>
      %gather3A_924 = vector.shape_cast %broadcast_in_dim3A_923 : vector<16x1xi32> to vector<16xi32>
      %gather3A_925 = tpu.dynamic_gather %add3A_918[%gather3A_924] in [0] : vector<16xf32>, vector<16xi32> -> vector<16xf32>
      %add3A_926 = arith.addf %add3A_918, %gather3A_925 : vector<16xf32>
      %iota3A_927 = tpu.iota {dimensions = array<i32: 0>} : vector<16xi32>
      %xor3A_928 = arith.constant 8 : i32
      %xor3A_929 = vector.broadcast %xor3A_928 : i32 to vector<16xi32>
      %xor3A_930 = arith.xori %iota3A_927, %xor3A_929 : vector<16xi32>
      %broadcast_in_dim3A_931 = vector.shape_cast %xor3A_930 : vector<16xi32> to vector<16x1xi32>
      %gather3A_932 = vector.shape_cast %broadcast_in_dim3A_931 : vector<16x1xi32> to vector<16xi32>
      %gather3A_933 = tpu.dynamic_gather %add3A_926[%gather3A_932] in [0] : vector<16xf32>, vector<16xi32> -> vector<16xf32>
      %add3A_934 = arith.addf %add3A_926, %gather3A_933 : vector<16xf32>
      %sub3A_935 = arith.constant 1.000000e+00 : f32
      %sub3A_936 = vector.broadcast %sub3A_935 : f32 to vector<16xf32>
      %sub3A_937 = arith.subf %add3A_934, %sub3A_936 : vector<16xf32>
      %add3A_938 = arith.addf %scan3A_900#1, %scan3A_900#3 : vector<16xf32>
      %iota3A_939 = tpu.iota {dimensions = array<i32: 0>} : vector<16xi32>
      %xor3A_940 = arith.constant 1 : i32
      %xor3A_941 = vector.broadcast %xor3A_940 : i32 to vector<16xi32>
      %xor3A_942 = arith.xori %iota3A_939, %xor3A_941 : vector<16xi32>
      %broadcast_in_dim3A_943 = vector.shape_cast %xor3A_942 : vector<16xi32> to vector<16x1xi32>
      %gather3A_944 = vector.shape_cast %broadcast_in_dim3A_943 : vector<16x1xi32> to vector<16xi32>
      %gather3A_945 = tpu.dynamic_gather %add3A_938[%gather3A_944] in [0] : vector<16xf32>, vector<16xi32> -> vector<16xf32>
      %add3A_946 = arith.addf %add3A_938, %gather3A_945 : vector<16xf32>
      %iota3A_947 = tpu.iota {dimensions = array<i32: 0>} : vector<16xi32>
      %xor3A_948 = arith.constant 2 : i32
      %xor3A_949 = vector.broadcast %xor3A_948 : i32 to vector<16xi32>
      %xor3A_950 = arith.xori %iota3A_947, %xor3A_949 : vector<16xi32>
      %broadcast_in_dim3A_951 = vector.shape_cast %xor3A_950 : vector<16xi32> to vector<16x1xi32>
      %gather3A_952 = vector.shape_cast %broadcast_in_dim3A_951 : vector<16x1xi32> to vector<16xi32>
      %gather3A_953 = tpu.dynamic_gather %add3A_946[%gather3A_952] in [0] : vector<16xf32>, vector<16xi32> -> vector<16xf32>
      %add3A_954 = arith.addf %add3A_946, %gather3A_953 : vector<16xf32>
      %iota3A_955 = tpu.iota {dimensions = array<i32: 0>} : vector<16xi32>
      %xor3A_956 = arith.constant 4 : i32
      %xor3A_957 = vector.broadcast %xor3A_956 : i32 to vector<16xi32>
      %xor3A_958 = arith.xori %iota3A_955, %xor3A_957 : vector<16xi32>
      %broadcast_in_dim3A_959 = vector.shape_cast %xor3A_958 : vector<16xi32> to vector<16x1xi32>
      %gather3A_960 = vector.shape_cast %broadcast_in_dim3A_959 : vector<16x1xi32> to vector<16xi32>
      %gather3A_961 = tpu.dynamic_gather %add3A_954[%gather3A_960] in [0] : vector<16xf32>, vector<16xi32> -> vector<16xf32>
      %add3A_962 = arith.addf %add3A_954, %gather3A_961 : vector<16xf32>
      %iota3A_963 = tpu.iota {dimensions = array<i32: 0>} : vector<16xi32>
      %xor3A_964 = arith.constant 8 : i32
      %xor3A_965 = vector.broadcast %xor3A_964 : i32 to vector<16xi32>
      %xor3A_966 = arith.xori %iota3A_963, %xor3A_965 : vector<16xi32>
      %broadcast_in_dim3A_967 = vector.shape_cast %xor3A_966 : vector<16xi32> to vector<16x1xi32>
      %gather3A_968 = vector.shape_cast %broadcast_in_dim3A_967 : vector<16x1xi32> to vector<16xi32>
      %gather3A_969 = tpu.dynamic_gather %add3A_962[%gather3A_968] in [0] : vector<16xf32>, vector<16xi32> -> vector<16xf32>
      %add3A_970 = arith.addf %add3A_962, %gather3A_969 : vector<16xf32>
      %div3A = arith.divf %sub3A_937, %add3A_970 : vector<16xf32>
      scf.yield %div3A : vector<16xf32>
    }
    %scan3A_649 = arith.constant 12 : i32
    %scan3A_650 = arith.constant 0 : i32
    %scan3A_651 = arith.constant 0 : i32
    %scan3A_652 = arith.constant 16 : i32
    %scan3A_653 = arith.addi %scan3A_651, %scan3A_652 : i32
    %scan3A_654 = arith.constant 1 : i32
    scf.for %scan3A_892 = %scan3A_651 to %scan3A_653 step %scan3A_654  : i32 {
      %mul3A_893 = arith.constant 4 : i32
      %mul3A_894 = arith.muli %scan3A_892, %mul3A_893 : i32
      %add3A_895 = arith.constant 0 : i32
      %add3A_896 = arith.addi %mul3A_894, %add3A_895 : i32
      %mul3A_897 = arith.constant 16 : i32
      %mul3A_898 = arith.muli %add3A_896, %mul3A_897 : i32
      %get3A_899 = arith.index_cast %mul3A_898 : i32 to index
      %get3A_900 = tpu.vector_load %arg7[%get3A_899] {strides = array<i32>} : memref<1312xi32, #tpu.memory_space<vmem>>, vector<16xi32>,
      %gather3A_901 = tpu.vector_load_idx %arg4[%get3A_900] : memref<32784xf32, #tpu.memory_space<vmem>>[vector<16xi32>], vector<16xf32>,
      %sub3A_902 = arith.subf %gather3A_901, %scan3A_648 : vector<16xf32>
      %max3A_903 = arith.constant 0.000000e+00 : f32
      %max3A_904 = vector.broadcast %max3A_903 : f32 to vector<16xf32>
      %max3A_905 = arith.maximumf %sub3A_902, %max3A_904 : vector<16xf32>
      tpu.vector_store_idx %arg6[%get3A_900], %max3A_905 : memref<32784xf32, #tpu.memory_space<vmem>>[vector<16xi32>], vector<16xf32>,
      %mul3A_906 = arith.constant 4 : i32
      %mul3A_907 = arith.muli %scan3A_892, %mul3A_906 : i32
      %add3A_908 = arith.constant 1 : i32
      %add3A_909 = arith.addi %mul3A_907, %add3A_908 : i32
      %mul3A_910 = arith.constant 16 : i32
      %mul3A_911 = arith.muli %add3A_909, %mul3A_910 : i32
      %get3A_912 = arith.index_cast %mul3A_911 : i32 to index
      %get3A_913 = tpu.vector_load %arg7[%get3A_912] {strides = array<i32>} : memref<1312xi32, #tpu.memory_space<vmem>>, vector<16xi32>,
      %gather3A_914 = tpu.vector_load_idx %arg4[%get3A_913] : memref<32784xf32, #tpu.memory_space<vmem>>[vector<16xi32>], vector<16xf32>,
      %sub3A_915 = arith.subf %gather3A_914, %scan3A_648 : vector<16xf32>
      %max3A_916 = arith.constant 0.000000e+00 : f32
      %max3A_917 = vector.broadcast %max3A_916 : f32 to vector<16xf32>
      %max3A_918 = arith.maximumf %sub3A_915, %max3A_917 : vector<16xf32>
      tpu.vector_store_idx %arg6[%get3A_913], %max3A_918 : memref<32784xf32, #tpu.memory_space<vmem>>[vector<16xi32>], vector<16xf32>,
      %mul3A_919 = arith.constant 4 : i32
      %mul3A_920 = arith.muli %scan3A_892, %mul3A_919 : i32
      %add3A_921 = arith.constant 2 : i32
      %add3A_922 = arith.addi %mul3A_920, %add3A_921 : i32
      %mul3A_923 = arith.constant 16 : i32
      %mul3A_924 = arith.muli %add3A_922, %mul3A_923 : i32
      %get3A_925 = arith.index_cast %mul3A_924 : i32 to index
      %get3A_926 = tpu.vector_load %arg7[%get3A_925] {strides = array<i32>} : memref<1312xi32, #tpu.memory_space<vmem>>, vector<16xi32>,
      %gather3A_927 = tpu.vector_load_idx %arg4[%get3A_926] : memref<32784xf32, #tpu.memory_space<vmem>>[vector<16xi32>], vector<16xf32>,
      %sub3A_928 = arith.subf %gather3A_927, %scan3A_648 : vector<16xf32>
      %max3A_929 = arith.constant 0.000000e+00 : f32
      %max3A_930 = vector.broadcast %max3A_929 : f32 to vector<16xf32>
      %max3A_931 = arith.maximumf %sub3A_928, %max3A_930 : vector<16xf32>
      tpu.vector_store_idx %arg6[%get3A_926], %max3A_931 : memref<32784xf32, #tpu.memory_space<vmem>>[vector<16xi32>], vector<16xf32>,
      %mul3A_932 = arith.constant 4 : i32
      %mul3A_933 = arith.muli %scan3A_892, %mul3A_932 : i32
      %add3A_934 = arith.constant 3 : i32
      %add3A_935 = arith.addi %mul3A_933, %add3A_934 : i32
      %mul3A_936 = arith.constant 16 : i32
      %mul3A_937 = arith.muli %add3A_935, %mul3A_936 : i32
      %get3A_938 = arith.index_cast %mul3A_937 : i32 to index
      %get3A_939 = tpu.vector_load %arg7[%get3A_938] {strides = array<i32>} : memref<1312xi32, #tpu.memory_space<vmem>>, vector<16xi32>,
      %gather3A_940 = tpu.vector_load_idx %arg4[%get3A_939] : memref<32784xf32, #tpu.memory_space<vmem>>[vector<16xi32>], vector<16xf32>,
      %sub3A_941 = arith.subf %gather3A_940, %scan3A_648 : vector<16xf32>
      %max3A_942 = arith.constant 0.000000e+00 : f32
      %max3A_943 = vector.broadcast %max3A_942 : f32 to vector<16xf32>
      %max3A_944 = arith.maximumf %sub3A_941, %max3A_943 : vector<16xf32>
      tpu.vector_store_idx %arg6[%get3A_939], %max3A_944 : memref<32784xf32, #tpu.memory_space<vmem>>[vector<16xi32>], vector<16xf32>,
    }
    %scan3A_655 = arith.constant 16 : i32
    %add3A_656 = arith.constant 2 : i32
    %add3A_657 = arith.addi %mul3A_2, %add3A_656 : i32
    %dma_start3A_658 = arith.constant 0 : i32
    %dma_start3A_659 = tpu.memref_slice %arg6[%dma_start3A_658] : memref<32784xf32, #tpu.memory_space<vmem>> -> memref<32768xf32, #tpu.memory_space<vmem>>
    %dma_start3A_660 = arith.constant 0 : i32
    %dma_start3A_661 = tpu.memref_slice %arg3[%add3A_657, %dma_start3A_660] : memref<128x32768xf32, #tpu.memory_space<hbm>> -> memref<1x32768xf32, #tpu.memory_space<hbm>>
    %dma_start3A_662 = tpu.memref_squeeze %dma_start3A_661 : memref<1x32768xf32, #tpu.memory_space<hbm>> -> memref<32768xf32, #tpu.memory_space<hbm>>
    %dma_start3A_663 = arith.constant 0 : i32
    %dma_start3A_664 = tpu.memref_slice %arg3[%add3A_657, %dma_start3A_663] : memref<128x32768xf32, #tpu.memory_space<hbm>> -> memref<1x32768xf32, #tpu.memory_space<hbm>>
    %dma_start3A_665 = tpu.memref_squeeze %dma_start3A_664 : memref<1x32768xf32, #tpu.memory_space<hbm>> -> memref<32768xf32, #tpu.memory_space<hbm>>
    %dma_start3A_666 = arith.constant 0 : i32
    %dma_start3A_667 = tpu.memref_slice %arg6[%dma_start3A_666] : memref<32784xf32, #tpu.memory_space<vmem>> -> memref<32768xf32, #tpu.memory_space<vmem>>
    tpu.enqueue_dma source(%dma_start3A_667 : memref<32768xf32, #tpu.memory_space<vmem>>) target(%dma_start3A_665 : memref<32768xf32, #tpu.memory_space<hbm>>) target_semaphore(%arg11 : memref<!tpu.dma_semaphore, #tpu.memory_space<semaphore_mem>>)
    %add3A_668 = arith.constant 3 : i32
    %add3A_669 = arith.addi %mul3A_2, %add3A_668 : i32
    %dma_wait3A_670 = arith.constant 0 : i32
    %dma_wait3A_671 = tpu.memref_slice %arg5[%dma_wait3A_670] : memref<32784xf32, #tpu.memory_space<vmem>> -> memref<32768xf32, #tpu.memory_space<vmem>>
    %dma_wait3A_672 = arith.constant 0 : i32
    %dma_wait3A_673 = tpu.memref_slice %arg2[%add3A_669, %dma_wait3A_672] : memref<128x32768xf32, #tpu.memory_space<hbm>> -> memref<1x32768xf32, #tpu.memory_space<hbm>>
    %dma_wait3A_674 = tpu.memref_squeeze %dma_wait3A_673 : memref<1x32768xf32, #tpu.memory_space<hbm>> -> memref<32768xf32, #tpu.memory_space<hbm>>
    %dma_wait3A_675 = arith.constant 0 : i32
    %dma_wait3A_676 = tpu.memref_slice %arg5[%dma_wait3A_675] : memref<32784xf32, #tpu.memory_space<vmem>> -> memref<32768xf32, #tpu.memory_space<vmem>>
    %dma_wait3A_677 = arith.constant 0 : i32
    %dma_wait3A_678 = tpu.memref_slice %arg2[%add3A_669, %dma_wait3A_677] : memref<128x32768xf32, #tpu.memory_space<hbm>> -> memref<1x32768xf32, #tpu.memory_space<hbm>>
    %dma_wait3A_679 = tpu.memref_squeeze %dma_wait3A_678 : memref<1x32768xf32, #tpu.memory_space<hbm>> -> memref<32768xf32, #tpu.memory_space<hbm>>
    tpu.wait_dma2 semaphore(%arg10 : memref<!tpu.dma_semaphore, #tpu.memory_space<semaphore_mem>>) src(%dma_wait3A_679 : memref<32768xf32, #tpu.memory_space<hbm>>) dst(%dma_wait3A_676 : memref<32768xf32, #tpu.memory_space<vmem>>)
    %iota3A_680 = tpu.iota {dimensions = array<i32: 0>} : vector<16xi32>
    %get3A_681 = arith.constant 0 : index
    %get3A_682 = tpu.vector_load %arg5[%get3A_681] {strides = array<i32>} : memref<32784xf32, #tpu.memory_space<vmem>>, vector<16xf32>,
    %get3A_683 = arith.constant 1024 : index
    %get3A_684 = tpu.vector_load %arg5[%get3A_683] {strides = array<i32>} : memref<32784xf32, #tpu.memory_space<vmem>>, vector<16xf32>,
    %max3A_685 = arith.maximumf %get3A_682, %get3A_684 : vector<16xf32>
    %get3A_686 = arith.constant 2048 : index
    %get3A_687 = tpu.vector_load %arg5[%get3A_686] {strides = array<i32>} : memref<32784xf32, #tpu.memory_space<vmem>>, vector<16xf32>,
    %max3A_688 = arith.maximumf %max3A_685, %get3A_687 : vector<16xf32>
    %get3A_689 = arith.constant 3072 : index
    %get3A_690 = tpu.vector_load %arg5[%get3A_689] {strides = array<i32>} : memref<32784xf32, #tpu.memory_space<vmem>>, vector<16xf32>,
    %max3A_691 = arith.maximumf %max3A_688, %get3A_690 : vector<16xf32>
    %get3A_692 = arith.constant 4096 : index
    %get3A_693 = tpu.vector_load %arg5[%get3A_692] {strides = array<i32>} : memref<32784xf32, #tpu.memory_space<vmem>>, vector<16xf32>,
    %max3A_694 = arith.maximumf %max3A_691, %get3A_693 : vector<16xf32>
    %get3A_695 = arith.constant 5120 : index
    %get3A_696 = tpu.vector_load %arg5[%get3A_695] {strides = array<i32>} : memref<32784xf32, #tpu.memory_space<vmem>>, vector<16xf32>,
    %max3A_697 = arith.maximumf %max3A_694, %get3A_696 : vector<16xf32>
    %get3A_698 = arith.constant 6144 : index
    %get3A_699 = tpu.vector_load %arg5[%get3A_698] {strides = array<i32>} : memref<32784xf32, #tpu.memory_space<vmem>>, vector<16xf32>,
    %max3A_700 = arith.maximumf %max3A_697, %get3A_699 : vector<16xf32>
    %get3A_701 = arith.constant 7168 : index
    %get3A_702 = tpu.vector_load %arg5[%get3A_701] {strides = array<i32>} : memref<32784xf32, #tpu.memory_space<vmem>>, vector<16xf32>,
    %max3A_703 = arith.maximumf %max3A_700, %get3A_702 : vector<16xf32>
    %get3A_704 = arith.constant 8192 : index
    %get3A_705 = tpu.vector_load %arg5[%get3A_704] {strides = array<i32>} : memref<32784xf32, #tpu.memory_space<vmem>>, vector<16xf32>,
    %max3A_706 = arith.maximumf %max3A_703, %get3A_705 : vector<16xf32>
    %get3A_707 = arith.constant 9216 : index
    %get3A_708 = tpu.vector_load %arg5[%get3A_707] {strides = array<i32>} : memref<32784xf32, #tpu.memory_space<vmem>>, vector<16xf32>,
    %max3A_709 = arith.maximumf %max3A_706, %get3A_708 : vector<16xf32>
    %get3A_710 = arith.constant 10240 : index
    %get3A_711 = tpu.vector_load %arg5[%get3A_710] {strides = array<i32>} : memref<32784xf32, #tpu.memory_space<vmem>>, vector<16xf32>,
    %max3A_712 = arith.maximumf %max3A_709, %get3A_711 : vector<16xf32>
    %get3A_713 = arith.constant 11264 : index
    %get3A_714 = tpu.vector_load %arg5[%get3A_713] {strides = array<i32>} : memref<32784xf32, #tpu.memory_space<vmem>>, vector<16xf32>,
    %max3A_715 = arith.maximumf %max3A_712, %get3A_714 : vector<16xf32>
    %get3A_716 = arith.constant 12288 : index
    %get3A_717 = tpu.vector_load %arg5[%get3A_716] {strides = array<i32>} : memref<32784xf32, #tpu.memory_space<vmem>>, vector<16xf32>,
    %max3A_718 = arith.maximumf %max3A_715, %get3A_717 : vector<16xf32>
    %get3A_719 = arith.constant 13312 : index
    %get3A_720 = tpu.vector_load %arg5[%get3A_719] {strides = array<i32>} : memref<32784xf32, #tpu.memory_space<vmem>>, vector<16xf32>,
    %max3A_721 = arith.maximumf %max3A_718, %get3A_720 : vector<16xf32>
    %get3A_722 = arith.constant 14336 : index
    %get3A_723 = tpu.vector_load %arg5[%get3A_722] {strides = array<i32>} : memref<32784xf32, #tpu.memory_space<vmem>>, vector<16xf32>,
    %max3A_724 = arith.maximumf %max3A_721, %get3A_723 : vector<16xf32>
    %get3A_725 = arith.constant 15360 : index
    %get3A_726 = tpu.vector_load %arg5[%get3A_725] {strides = array<i32>} : memref<32784xf32, #tpu.memory_space<vmem>>, vector<16xf32>,
    %max3A_727 = arith.maximumf %max3A_724, %get3A_726 : vector<16xf32>
    %get3A_728 = arith.constant 16384 : index
    %get3A_729 = tpu.vector_load %arg5[%get3A_728] {strides = array<i32>} : memref<32784xf32, #tpu.memory_space<vmem>>, vector<16xf32>,
    %max3A_730 = arith.maximumf %max3A_727, %get3A_729 : vector<16xf32>
    %get3A_731 = arith.constant 17408 : index
    %get3A_732 = tpu.vector_load %arg5[%get3A_731] {strides = array<i32>} : memref<32784xf32, #tpu.memory_space<vmem>>, vector<16xf32>,
    %max3A_733 = arith.maximumf %max3A_730, %get3A_732 : vector<16xf32>
    %get3A_734 = arith.constant 18432 : index
    %get3A_735 = tpu.vector_load %arg5[%get3A_734] {strides = array<i32>} : memref<32784xf32, #tpu.memory_space<vmem>>, vector<16xf32>,
    %max3A_736 = arith.maximumf %max3A_733, %get3A_735 : vector<16xf32>
    %get3A_737 = arith.constant 19456 : index
    %get3A_738 = tpu.vector_load %arg5[%get3A_737] {strides = array<i32>} : memref<32784xf32, #tpu.memory_space<vmem>>, vector<16xf32>,
    %max3A_739 = arith.maximumf %max3A_736, %get3A_738 : vector<16xf32>
    %get3A_740 = arith.constant 20480 : index
    %get3A_741 = tpu.vector_load %arg5[%get3A_740] {strides = array<i32>} : memref<32784xf32, #tpu.memory_space<vmem>>, vector<16xf32>,
    %max3A_742 = arith.maximumf %max3A_739, %get3A_741 : vector<16xf32>
    %get3A_743 = arith.constant 21504 : index
    %get3A_744 = tpu.vector_load %arg5[%get3A_743] {strides = array<i32>} : memref<32784xf32, #tpu.memory_space<vmem>>, vector<16xf32>,
    %max3A_745 = arith.maximumf %max3A_742, %get3A_744 : vector<16xf32>
    %get3A_746 = arith.constant 22528 : index
    %get3A_747 = tpu.vector_load %arg5[%get3A_746] {strides = array<i32>} : memref<32784xf32, #tpu.memory_space<vmem>>, vector<16xf32>,
    %max3A_748 = arith.maximumf %max3A_745, %get3A_747 : vector<16xf32>
    %get3A_749 = arith.constant 23552 : index
    %get3A_750 = tpu.vector_load %arg5[%get3A_749] {strides = array<i32>} : memref<32784xf32, #tpu.memory_space<vmem>>, vector<16xf32>,
    %max3A_751 = arith.maximumf %max3A_748, %get3A_750 : vector<16xf32>
    %get3A_752 = arith.constant 24576 : index
    %get3A_753 = tpu.vector_load %arg5[%get3A_752] {strides = array<i32>} : memref<32784xf32, #tpu.memory_space<vmem>>, vector<16xf32>,
    %max3A_754 = arith.maximumf %max3A_751, %get3A_753 : vector<16xf32>
    %get3A_755 = arith.constant 25600 : index
    %get3A_756 = tpu.vector_load %arg5[%get3A_755] {strides = array<i32>} : memref<32784xf32, #tpu.memory_space<vmem>>, vector<16xf32>,
    %max3A_757 = arith.maximumf %max3A_754, %get3A_756 : vector<16xf32>
    %get3A_758 = arith.constant 26624 : index
    %get3A_759 = tpu.vector_load %arg5[%get3A_758] {strides = array<i32>} : memref<32784xf32, #tpu.memory_space<vmem>>, vector<16xf32>,
    %max3A_760 = arith.maximumf %max3A_757, %get3A_759 : vector<16xf32>
    %get3A_761 = arith.constant 27648 : index
    %get3A_762 = tpu.vector_load %arg5[%get3A_761] {strides = array<i32>} : memref<32784xf32, #tpu.memory_space<vmem>>, vector<16xf32>,
    %max3A_763 = arith.maximumf %max3A_760, %get3A_762 : vector<16xf32>
    %get3A_764 = arith.constant 28672 : index
    %get3A_765 = tpu.vector_load %arg5[%get3A_764] {strides = array<i32>} : memref<32784xf32, #tpu.memory_space<vmem>>, vector<16xf32>,
    %max3A_766 = arith.maximumf %max3A_763, %get3A_765 : vector<16xf32>
    %get3A_767 = arith.constant 29696 : index
    %get3A_768 = tpu.vector_load %arg5[%get3A_767] {strides = array<i32>} : memref<32784xf32, #tpu.memory_space<vmem>>, vector<16xf32>,
    %max3A_769 = arith.maximumf %max3A_766, %get3A_768 : vector<16xf32>
    %get3A_770 = arith.constant 30720 : index
    %get3A_771 = tpu.vector_load %arg5[%get3A_770] {strides = array<i32>} : memref<32784xf32, #tpu.memory_space<vmem>>, vector<16xf32>,
    %max3A_772 = arith.maximumf %max3A_769, %get3A_771 : vector<16xf32>
    %get3A_773 = arith.constant 31744 : index
    %get3A_774 = tpu.vector_load %arg5[%get3A_773] {strides = array<i32>} : memref<32784xf32, #tpu.memory_space<vmem>>, vector<16xf32>,
    %max3A_775 = arith.maximumf %max3A_772, %get3A_774 : vector<16xf32>
    %iota3A_776 = tpu.iota {dimensions = array<i32: 0>} : vector<16xi32>
    %xor3A_777 = arith.constant 1 : i32
    %xor3A_778 = vector.broadcast %xor3A_777 : i32 to vector<16xi32>
    %xor3A_779 = arith.xori %iota3A_776, %xor3A_778 : vector<16xi32>
    %broadcast_in_dim3A_780 = vector.shape_cast %xor3A_779 : vector<16xi32> to vector<16x1xi32>
    %gather3A_781 = vector.shape_cast %broadcast_in_dim3A_780 : vector<16x1xi32> to vector<16xi32>
    %gather3A_782 = tpu.dynamic_gather %max3A_775[%gather3A_781] in [0] : vector<16xf32>, vector<16xi32> -> vector<16xf32>
    %max3A_783 = arith.maximumf %max3A_775, %gather3A_782 : vector<16xf32>
    %iota3A_784 = tpu.iota {dimensions = array<i32: 0>} : vector<16xi32>
    %xor3A_785 = arith.constant 2 : i32
    %xor3A_786 = vector.broadcast %xor3A_785 : i32 to vector<16xi32>
    %xor3A_787 = arith.xori %iota3A_784, %xor3A_786 : vector<16xi32>
    %broadcast_in_dim3A_788 = vector.shape_cast %xor3A_787 : vector<16xi32> to vector<16x1xi32>
    %gather3A_789 = vector.shape_cast %broadcast_in_dim3A_788 : vector<16x1xi32> to vector<16xi32>
    %gather3A_790 = tpu.dynamic_gather %max3A_783[%gather3A_789] in [0] : vector<16xf32>, vector<16xi32> -> vector<16xf32>
    %max3A_791 = arith.maximumf %max3A_783, %gather3A_790 : vector<16xf32>
    %iota3A_792 = tpu.iota {dimensions = array<i32: 0>} : vector<16xi32>
    %xor3A_793 = arith.constant 4 : i32
    %xor3A_794 = vector.broadcast %xor3A_793 : i32 to vector<16xi32>
    %xor3A_795 = arith.xori %iota3A_792, %xor3A_794 : vector<16xi32>
    %broadcast_in_dim3A_796 = vector.shape_cast %xor3A_795 : vector<16xi32> to vector<16x1xi32>
    %gather3A_797 = vector.shape_cast %broadcast_in_dim3A_796 : vector<16x1xi32> to vector<16xi32>
    %gather3A_798 = tpu.dynamic_gather %max3A_791[%gather3A_797] in [0] : vector<16xf32>, vector<16xi32> -> vector<16xf32>
    %max3A_799 = arith.maximumf %max3A_791, %gather3A_798 : vector<16xf32>
    %iota3A_800 = tpu.iota {dimensions = array<i32: 0>} : vector<16xi32>
    %xor3A_801 = arith.constant 8 : i32
    %xor3A_802 = vector.broadcast %xor3A_801 : i32 to vector<16xi32>
    %xor3A_803 = arith.xori %iota3A_800, %xor3A_802 : vector<16xi32>
    %broadcast_in_dim3A_804 = vector.shape_cast %xor3A_803 : vector<16xi32> to vector<16x1xi32>
    %gather3A_805 = vector.shape_cast %broadcast_in_dim3A_804 : vector<16x1xi32> to vector<16xi32>
    %gather3A_806 = tpu.dynamic_gather %max3A_799[%gather3A_805] in [0] : vector<16xf32>, vector<16xi32> -> vector<16xf32>
    %max3A_807 = arith.maximumf %max3A_799, %gather3A_806 : vector<16xf32>
    %add3A_808 = arith.constant 32768 : i32
    %add3A_809 = vector.broadcast %add3A_808 : i32 to vector<16xi32>
    %add3A_810 = arith.addi %add3A_809, %iota3A_680 : vector<16xi32>
    %scan3A_811 = arith.constant 0 : i32
    %scan3A_812 = arith.constant 0 : i32
    %scan3A_813 = arith.constant 8 : i32
    %scan3A_814 = arith.addi %scan3A_812, %scan3A_813 : i32
    %scan3A_815 = arith.constant 1 : i32
    scf.for %scan3A_892 = %scan3A_812 to %scan3A_814 step %scan3A_815  : i32 {
      %mul3A_893 = arith.constant 8 : i32
      %mul3A_894 = arith.muli %scan3A_892, %mul3A_893 : i32
      %add3A_895 = arith.constant 0 : i32
      %add3A_896 = arith.addi %mul3A_894, %add3A_895 : i32
      %mul3A_897 = arith.constant 16 : i32
      %mul3A_898 = arith.muli %add3A_896, %mul3A_897 : i32
      %swap3A_899 = arith.index_cast %mul3A_898 : i32 to index
      %swap3A_900 = tpu.vector_load %arg8[%swap3A_899] {strides = array<i32>} : memref<1312xi32, #tpu.memory_space<vmem>>, vector<16xi32>,
      tpu.vector_store %arg8[%swap3A_899], %add3A_810 {strides = array<i32>} : memref<1312xi32, #tpu.memory_space<vmem>>, vector<16xi32>,
      %mul3A_901 = arith.constant 8 : i32
      %mul3A_902 = arith.muli %scan3A_892, %mul3A_901 : i32
      %add3A_903 = arith.constant 1 : i32
      %add3A_904 = arith.addi %mul3A_902, %add3A_903 : i32
      %mul3A_905 = arith.constant 16 : i32
      %mul3A_906 = arith.muli %add3A_904, %mul3A_905 : i32
      %swap3A_907 = arith.index_cast %mul3A_906 : i32 to index
      %swap3A_908 = tpu.vector_load %arg8[%swap3A_907] {strides = array<i32>} : memref<1312xi32, #tpu.memory_space<vmem>>, vector<16xi32>,
      tpu.vector_store %arg8[%swap3A_907], %add3A_810 {strides = array<i32>} : memref<1312xi32, #tpu.memory_space<vmem>>, vector<16xi32>,
      %mul3A_909 = arith.constant 8 : i32
      %mul3A_910 = arith.muli %scan3A_892, %mul3A_909 : i32
      %add3A_911 = arith.constant 2 : i32
      %add3A_912 = arith.addi %mul3A_910, %add3A_911 : i32
      %mul3A_913 = arith.constant 16 : i32
      %mul3A_914 = arith.muli %add3A_912, %mul3A_913 : i32
      %swap3A_915 = arith.index_cast %mul3A_914 : i32 to index
      %swap3A_916 = tpu.vector_load %arg8[%swap3A_915] {strides = array<i32>} : memref<1312xi32, #tpu.memory_space<vmem>>, vector<16xi32>,
      tpu.vector_store %arg8[%swap3A_915], %add3A_810 {strides = array<i32>} : memref<1312xi32, #tpu.memory_space<vmem>>, vector<16xi32>,
      %mul3A_917 = arith.constant 8 : i32
      %mul3A_918 = arith.muli %scan3A_892, %mul3A_917 : i32
      %add3A_919 = arith.constant 3 : i32
      %add3A_920 = arith.addi %mul3A_918, %add3A_919 : i32
      %mul3A_921 = arith.constant 16 : i32
      %mul3A_922 = arith.muli %add3A_920, %mul3A_921 : i32
      %swap3A_923 = arith.index_cast %mul3A_922 : i32 to index
      %swap3A_924 = tpu.vector_load %arg8[%swap3A_923] {strides = array<i32>} : memref<1312xi32, #tpu.memory_space<vmem>>, vector<16xi32>,
      tpu.vector_store %arg8[%swap3A_923], %add3A_810 {strides = array<i32>} : memref<1312xi32, #tpu.memory_space<vmem>>, vector<16xi32>,
      %mul3A_925 = arith.constant 8 : i32
      %mul3A_926 = arith.muli %scan3A_892, %mul3A_925 : i32
      %add3A_927 = arith.constant 4 : i32
      %add3A_928 = arith.addi %mul3A_926, %add3A_927 : i32
      %mul3A_929 = arith.constant 16 : i32
      %mul3A_930 = arith.muli %add3A_928, %mul3A_929 : i32
      %swap3A_931 = arith.index_cast %mul3A_930 : i32 to index
      %swap3A_932 = tpu.vector_load %arg8[%swap3A_931] {strides = array<i32>} : memref<1312xi32, #tpu.memory_space<vmem>>, vector<16xi32>,
      tpu.vector_store %arg8[%swap3A_931], %add3A_810 {strides = array<i32>} : memref<1312xi32, #tpu.memory_space<vmem>>, vector<16xi32>,
      %mul3A_933 = arith.constant 8 : i32
      %mul3A_934 = arith.muli %scan3A_892, %mul3A_933 : i32
      %add3A_935 = arith.constant 5 : i32
      %add3A_936 = arith.addi %mul3A_934, %add3A_935 : i32
      %mul3A_937 = arith.constant 16 : i32
      %mul3A_938 = arith.muli %add3A_936, %mul3A_937 : i32
      %swap3A_939 = arith.index_cast %mul3A_938 : i32 to index
      %swap3A_940 = tpu.vector_load %arg8[%swap3A_939] {strides = array<i32>} : memref<1312xi32, #tpu.memory_space<vmem>>, vector<16xi32>,
      tpu.vector_store %arg8[%swap3A_939], %add3A_810 {strides = array<i32>} : memref<1312xi32, #tpu.memory_space<vmem>>, vector<16xi32>,
      %mul3A_941 = arith.constant 8 : i32
      %mul3A_942 = arith.muli %scan3A_892, %mul3A_941 : i32
      %add3A_943 = arith.constant 6 : i32
      %add3A_944 = arith.addi %mul3A_942, %add3A_943 : i32
      %mul3A_945 = arith.constant 16 : i32
      %mul3A_946 = arith.muli %add3A_944, %mul3A_945 : i32
      %swap3A_947 = arith.index_cast %mul3A_946 : i32 to index
      %swap3A_948 = tpu.vector_load %arg8[%swap3A_947] {strides = array<i32>} : memref<1312xi32, #tpu.memory_space<vmem>>, vector<16xi32>,
      tpu.vector_store %arg8[%swap3A_947], %add3A_810 {strides = array<i32>} : memref<1312xi32, #tpu.memory_space<vmem>>, vector<16xi32>,
      %mul3A_949 = arith.constant 8 : i32
      %mul3A_950 = arith.muli %scan3A_892, %mul3A_949 : i32
      %add3A_951 = arith.constant 7 : i32
      %add3A_952 = arith.addi %mul3A_950, %add3A_951 : i32
      %mul3A_953 = arith.constant 16 : i32
      %mul3A_954 = arith.muli %add3A_952, %mul3A_953 : i32
      %swap3A_955 = arith.index_cast %mul3A_954 : i32 to index
      %swap3A_956 = tpu.vector_load %arg8[%swap3A_955] {strides = array<i32>} : memref<1312xi32, #tpu.memory_space<vmem>>, vector<16xi32>,
      tpu.vector_store %arg8[%swap3A_955], %add3A_810 {strides = array<i32>} : memref<1312xi32, #tpu.memory_space<vmem>>, vector<16xi32>,
    }
    %scan3A_816 = arith.constant 8 : i32
    %add3A_817 = arith.constant 1296 : i32
    %add3A_818 = vector.broadcast %add3A_817 : i32 to vector<16xi32>
    %add3A_819 = arith.addi %add3A_818, %iota3A_680 : vector<16xi32>
    %add3A_820 = arith.constant 1024 : i32
    %add3A_821 = vector.broadcast %add3A_820 : i32 to vector<16xi32>
    %add3A_822 = arith.addi %add3A_821, %iota3A_680 : vector<16xi32>
    %scan3A_823 = arith.constant 0 : i32
    %scan3A_824 = arith.constant 128 : i32
    %scan3A_825 = arith.addi %scan3A_823, %scan3A_824 : i32
    %scan3A_826 = arith.constant 1 : i32
    %scan3A_827:3 = scf.for %scan3A_892 = %scan3A_823 to %scan3A_825 step %scan3A_826 iter_args(%scan3A_893 = %max3A_807, %scan3A_894 = %iota3A_680, %scan3A_895 = %iota3A_680) -> (vector<16xf32>, vector<16xi32>, vector<16xi32>)  : i32 {
      %sub3A_896 = arith.constant 1.000000e+00 : f32
      %sub3A_897 = vector.broadcast %sub3A_896 : f32 to vector<16xf32>
      %sub3A_898 = arith.subf %scan3A_893, %sub3A_897 : vector<16xf32>
      %mul3A_899 = arith.constant 256 : i32
      %mul3A_900 = arith.muli %scan3A_892, %mul3A_899 : i32
      %add3A_901 = arith.constant 0 : i32
      %add3A_902 = arith.addi %mul3A_900, %add3A_901 : i32
      %get3A_903 = arith.index_cast %add3A_902 : i32 to index
      %get3A_904 = tpu.vector_load %arg5[%get3A_903] {strides = array<i32>} : memref<32784xf32, #tpu.memory_space<vmem>>, vector<16xf32>,
      %gt3A = arith.cmpf ogt, %get3A_904, %sub3A_898 : vector<16xf32>
      %select_n3A = arith.select %gt3A, %scan3A_894, %add3A_819 : vector<16xi1>, vector<16xi32>
      tpu.vector_store_idx %arg8[%select_n3A], %scan3A_895 : memref<1312xi32, #tpu.memory_space<vmem>>[vector<16xi32>], vector<16xi32>,
      %jit3A = arith.constant 16 : i32
      %jit3A_905 = arith.constant 0 : i32
      %broadcast_in_dim3A_906 = vector.broadcast %jit3A : i32 to vector<16xi32>
      %broadcast_in_dim3A_907 = vector.broadcast %jit3A_905 : i32 to vector<16xi32>
      %select_n3A_908 = arith.select %gt3A, %broadcast_in_dim3A_906, %broadcast_in_dim3A_907 : vector<16xi1>, vector<16xi32>
      %add3A_909 = arith.addi %scan3A_894, %select_n3A_908 : vector<16xi32>
      %add3A_910 = arith.constant 16 : i32
      %add3A_911 = vector.broadcast %add3A_910 : i32 to vector<16xi32>
      %add3A_912 = arith.addi %scan3A_895, %add3A_911 : vector<16xi32>
      %add3A_913 = arith.constant 16 : i32
      %add3A_914 = arith.addi %mul3A_900, %add3A_913 : i32
      %get3A_915 = arith.index_cast %add3A_914 : i32 to index
      %get3A_916 = tpu.vector_load %arg5[%get3A_915] {strides = array<i32>} : memref<32784xf32, #tpu.memory_space<vmem>>, vector<16xf32>,
      %gt3A_917 = arith.cmpf ogt, %get3A_916, %sub3A_898 : vector<16xf32>
      %select_n3A_918 = arith.select %gt3A_917, %add3A_909, %add3A_819 : vector<16xi1>, vector<16xi32>
      tpu.vector_store_idx %arg8[%select_n3A_918], %add3A_912 : memref<1312xi32, #tpu.memory_space<vmem>>[vector<16xi32>], vector<16xi32>,
      %jit3A_919 = arith.constant 16 : i32
      %jit3A_920 = arith.constant 0 : i32
      %broadcast_in_dim3A_921 = vector.broadcast %jit3A_919 : i32 to vector<16xi32>
      %broadcast_in_dim3A_922 = vector.broadcast %jit3A_920 : i32 to vector<16xi32>
      %select_n3A_923 = arith.select %gt3A_917, %broadcast_in_dim3A_921, %broadcast_in_dim3A_922 : vector<16xi1>, vector<16xi32>
      %add3A_924 = arith.addi %add3A_909, %select_n3A_923 : vector<16xi32>
      %add3A_925 = arith.constant 16 : i32
      %add3A_926 = vector.broadcast %add3A_925 : i32 to vector<16xi32>
      %add3A_927 = arith.addi %add3A_912, %add3A_926 : vector<16xi32>
      %add3A_928 = arith.constant 32 : i32
      %add3A_929 = arith.addi %mul3A_900, %add3A_928 : i32
      %get3A_930 = arith.index_cast %add3A_929 : i32 to index
      %get3A_931 = tpu.vector_load %arg5[%get3A_930] {strides = array<i32>} : memref<32784xf32, #tpu.memory_space<vmem>>, vector<16xf32>,
      %gt3A_932 = arith.cmpf ogt, %get3A_931, %sub3A_898 : vector<16xf32>
      %select_n3A_933 = arith.select %gt3A_932, %add3A_924, %add3A_819 : vector<16xi1>, vector<16xi32>
      tpu.vector_store_idx %arg8[%select_n3A_933], %add3A_927 : memref<1312xi32, #tpu.memory_space<vmem>>[vector<16xi32>], vector<16xi32>,
      %jit3A_934 = arith.constant 16 : i32
      %jit3A_935 = arith.constant 0 : i32
      %broadcast_in_dim3A_936 = vector.broadcast %jit3A_934 : i32 to vector<16xi32>
      %broadcast_in_dim3A_937 = vector.broadcast %jit3A_935 : i32 to vector<16xi32>
      %select_n3A_938 = arith.select %gt3A_932, %broadcast_in_dim3A_936, %broadcast_in_dim3A_937 : vector<16xi1>, vector<16xi32>
      %add3A_939 = arith.addi %add3A_924, %select_n3A_938 : vector<16xi32>
      %add3A_940 = arith.constant 16 : i32
      %add3A_941 = vector.broadcast %add3A_940 : i32 to vector<16xi32>
      %add3A_942 = arith.addi %add3A_927, %add3A_941 : vector<16xi32>
      %add3A_943 = arith.constant 48 : i32
      %add3A_944 = arith.addi %mul3A_900, %add3A_943 : i32
      %get3A_945 = arith.index_cast %add3A_944 : i32 to index
      %get3A_946 = tpu.vector_load %arg5[%get3A_945] {strides = array<i32>} : memref<32784xf32, #tpu.memory_space<vmem>>, vector<16xf32>,
      %gt3A_947 = arith.cmpf ogt, %get3A_946, %sub3A_898 : vector<16xf32>
      %select_n3A_948 = arith.select %gt3A_947, %add3A_939, %add3A_819 : vector<16xi1>, vector<16xi32>
      tpu.vector_store_idx %arg8[%select_n3A_948], %add3A_942 : memref<1312xi32, #tpu.memory_space<vmem>>[vector<16xi32>], vector<16xi32>,
      %jit3A_949 = arith.constant 16 : i32
      %jit3A_950 = arith.constant 0 : i32
      %broadcast_in_dim3A_951 = vector.broadcast %jit3A_949 : i32 to vector<16xi32>
      %broadcast_in_dim3A_952 = vector.broadcast %jit3A_950 : i32 to vector<16xi32>
      %select_n3A_953 = arith.select %gt3A_947, %broadcast_in_dim3A_951, %broadcast_in_dim3A_952 : vector<16xi1>, vector<16xi32>
      %add3A_954 = arith.addi %add3A_939, %select_n3A_953 : vector<16xi32>
      %add3A_955 = arith.constant 16 : i32
      %add3A_956 = vector.broadcast %add3A_955 : i32 to vector<16xi32>
      %add3A_957 = arith.addi %add3A_942, %add3A_956 : vector<16xi32>
      %add3A_958 = arith.constant 64 : i32
      %add3A_959 = arith.addi %mul3A_900, %add3A_958 : i32
      %get3A_960 = arith.index_cast %add3A_959 : i32 to index
      %get3A_961 = tpu.vector_load %arg5[%get3A_960] {strides = array<i32>} : memref<32784xf32, #tpu.memory_space<vmem>>, vector<16xf32>,
      %gt3A_962 = arith.cmpf ogt, %get3A_961, %sub3A_898 : vector<16xf32>
      %select_n3A_963 = arith.select %gt3A_962, %add3A_954, %add3A_819 : vector<16xi1>, vector<16xi32>
      tpu.vector_store_idx %arg8[%select_n3A_963], %add3A_957 : memref<1312xi32, #tpu.memory_space<vmem>>[vector<16xi32>], vector<16xi32>,
      %jit3A_964 = arith.constant 16 : i32
      %jit3A_965 = arith.constant 0 : i32
      %broadcast_in_dim3A_966 = vector.broadcast %jit3A_964 : i32 to vector<16xi32>
      %broadcast_in_dim3A_967 = vector.broadcast %jit3A_965 : i32 to vector<16xi32>
      %select_n3A_968 = arith.select %gt3A_962, %broadcast_in_dim3A_966, %broadcast_in_dim3A_967 : vector<16xi1>, vector<16xi32>
      %add3A_969 = arith.addi %add3A_954, %select_n3A_968 : vector<16xi32>
      %add3A_970 = arith.constant 16 : i32
      %add3A_971 = vector.broadcast %add3A_970 : i32 to vector<16xi32>
      %add3A_972 = arith.addi %add3A_957, %add3A_971 : vector<16xi32>
      %add3A_973 = arith.constant 80 : i32
      %add3A_974 = arith.addi %mul3A_900, %add3A_973 : i32
      %get3A_975 = arith.index_cast %add3A_974 : i32 to index
      %get3A_976 = tpu.vector_load %arg5[%get3A_975] {strides = array<i32>} : memref<32784xf32, #tpu.memory_space<vmem>>, vector<16xf32>,
      %gt3A_977 = arith.cmpf ogt, %get3A_976, %sub3A_898 : vector<16xf32>
      %select_n3A_978 = arith.select %gt3A_977, %add3A_969, %add3A_819 : vector<16xi1>, vector<16xi32>
      tpu.vector_store_idx %arg8[%select_n3A_978], %add3A_972 : memref<1312xi32, #tpu.memory_space<vmem>>[vector<16xi32>], vector<16xi32>,
      %jit3A_979 = arith.constant 16 : i32
      %jit3A_980 = arith.constant 0 : i32
      %broadcast_in_dim3A_981 = vector.broadcast %jit3A_979 : i32 to vector<16xi32>
      %broadcast_in_dim3A_982 = vector.broadcast %jit3A_980 : i32 to vector<16xi32>
      %select_n3A_983 = arith.select %gt3A_977, %broadcast_in_dim3A_981, %broadcast_in_dim3A_982 : vector<16xi1>, vector<16xi32>
      %add3A_984 = arith.addi %add3A_969, %select_n3A_983 : vector<16xi32>
      %add3A_985 = arith.constant 16 : i32
      %add3A_986 = vector.broadcast %add3A_985 : i32 to vector<16xi32>
      %add3A_987 = arith.addi %add3A_972, %add3A_986 : vector<16xi32>
      %add3A_988 = arith.constant 96 : i32
      %add3A_989 = arith.addi %mul3A_900, %add3A_988 : i32
      %get3A_990 = arith.index_cast %add3A_989 : i32 to index
      %get3A_991 = tpu.vector_load %arg5[%get3A_990] {strides = array<i32>} : memref<32784xf32, #tpu.memory_space<vmem>>, vector<16xf32>,
      %gt3A_992 = arith.cmpf ogt, %get3A_991, %sub3A_898 : vector<16xf32>
      %select_n3A_993 = arith.select %gt3A_992, %add3A_984, %add3A_819 : vector<16xi1>, vector<16xi32>
      tpu.vector_store_idx %arg8[%select_n3A_993], %add3A_987 : memref<1312xi32, #tpu.memory_space<vmem>>[vector<16xi32>], vector<16xi32>,
      %jit3A_994 = arith.constant 16 : i32
      %jit3A_995 = arith.constant 0 : i32
      %broadcast_in_dim3A_996 = vector.broadcast %jit3A_994 : i32 to vector<16xi32>
      %broadcast_in_dim3A_997 = vector.broadcast %jit3A_995 : i32 to vector<16xi32>
      %select_n3A_998 = arith.select %gt3A_992, %broadcast_in_dim3A_996, %broadcast_in_dim3A_997 : vector<16xi1>, vector<16xi32>
      %add3A_999 = arith.addi %add3A_984, %select_n3A_998 : vector<16xi32>
      %add3A_1000 = arith.constant 16 : i32
      %add3A_1001 = vector.broadcast %add3A_1000 : i32 to vector<16xi32>
      %add3A_1002 = arith.addi %add3A_987, %add3A_1001 : vector<16xi32>
      %add3A_1003 = arith.constant 112 : i32
      %add3A_1004 = arith.addi %mul3A_900, %add3A_1003 : i32
      %get3A_1005 = arith.index_cast %add3A_1004 : i32 to index
      %get3A_1006 = tpu.vector_load %arg5[%get3A_1005] {strides = array<i32>} : memref<32784xf32, #tpu.memory_space<vmem>>, vector<16xf32>,
      %gt3A_1007 = arith.cmpf ogt, %get3A_1006, %sub3A_898 : vector<16xf32>
      %select_n3A_1008 = arith.select %gt3A_1007, %add3A_999, %add3A_819 : vector<16xi1>, vector<16xi32>
      tpu.vector_store_idx %arg8[%select_n3A_1008], %add3A_1002 : memref<1312xi32, #tpu.memory_space<vmem>>[vector<16xi32>], vector<16xi32>,
      %jit3A_1009 = arith.constant 16 : i32
      %jit3A_1010 = arith.constant 0 : i32
      %broadcast_in_dim3A_1011 = vector.broadcast %jit3A_1009 : i32 to vector<16xi32>
      %broadcast_in_dim3A_1012 = vector.broadcast %jit3A_1010 : i32 to vector<16xi32>
      %select_n3A_1013 = arith.select %gt3A_1007, %broadcast_in_dim3A_1011, %broadcast_in_dim3A_1012 : vector<16xi1>, vector<16xi32>
      %add3A_1014 = arith.addi %add3A_999, %select_n3A_1013 : vector<16xi32>
      %add3A_1015 = arith.constant 16 : i32
      %add3A_1016 = vector.broadcast %add3A_1015 : i32 to vector<16xi32>
      %add3A_1017 = arith.addi %add3A_1002, %add3A_1016 : vector<16xi32>
      %add3A_1018 = arith.constant 128 : i32
      %add3A_1019 = arith.addi %mul3A_900, %add3A_1018 : i32
      %get3A_1020 = arith.index_cast %add3A_1019 : i32 to index
      %get3A_1021 = tpu.vector_load %arg5[%get3A_1020] {strides = array<i32>} : memref<32784xf32, #tpu.memory_space<vmem>>, vector<16xf32>,
      %gt3A_1022 = arith.cmpf ogt, %get3A_1021, %sub3A_898 : vector<16xf32>
      %select_n3A_1023 = arith.select %gt3A_1022, %add3A_1014, %add3A_819 : vector<16xi1>, vector<16xi32>
      tpu.vector_store_idx %arg8[%select_n3A_1023], %add3A_1017 : memref<1312xi32, #tpu.memory_space<vmem>>[vector<16xi32>], vector<16xi32>,
      %jit3A_1024 = arith.constant 16 : i32
      %jit3A_1025 = arith.constant 0 : i32
      %broadcast_in_dim3A_1026 = vector.broadcast %jit3A_1024 : i32 to vector<16xi32>
      %broadcast_in_dim3A_1027 = vector.broadcast %jit3A_1025 : i32 to vector<16xi32>
      %select_n3A_1028 = arith.select %gt3A_1022, %broadcast_in_dim3A_1026, %broadcast_in_dim3A_1027 : vector<16xi1>, vector<16xi32>
      %add3A_1029 = arith.addi %add3A_1014, %select_n3A_1028 : vector<16xi32>
      %add3A_1030 = arith.constant 16 : i32
      %add3A_1031 = vector.broadcast %add3A_1030 : i32 to vector<16xi32>
      %add3A_1032 = arith.addi %add3A_1017, %add3A_1031 : vector<16xi32>
      %add3A_1033 = arith.constant 144 : i32
      %add3A_1034 = arith.addi %mul3A_900, %add3A_1033 : i32
      %get3A_1035 = arith.index_cast %add3A_1034 : i32 to index
      %get3A_1036 = tpu.vector_load %arg5[%get3A_1035] {strides = array<i32>} : memref<32784xf32, #tpu.memory_space<vmem>>, vector<16xf32>,
      %gt3A_1037 = arith.cmpf ogt, %get3A_1036, %sub3A_898 : vector<16xf32>
      %select_n3A_1038 = arith.select %gt3A_1037, %add3A_1029, %add3A_819 : vector<16xi1>, vector<16xi32>
      tpu.vector_store_idx %arg8[%select_n3A_1038], %add3A_1032 : memref<1312xi32, #tpu.memory_space<vmem>>[vector<16xi32>], vector<16xi32>,
      %jit3A_1039 = arith.constant 16 : i32
      %jit3A_1040 = arith.constant 0 : i32
      %broadcast_in_dim3A_1041 = vector.broadcast %jit3A_1039 : i32 to vector<16xi32>
      %broadcast_in_dim3A_1042 = vector.broadcast %jit3A_1040 : i32 to vector<16xi32>
      %select_n3A_1043 = arith.select %gt3A_1037, %broadcast_in_dim3A_1041, %broadcast_in_dim3A_1042 : vector<16xi1>, vector<16xi32>
      %add3A_1044 = arith.addi %add3A_1029, %select_n3A_1043 : vector<16xi32>
      %add3A_1045 = arith.constant 16 : i32
      %add3A_1046 = vector.broadcast %add3A_1045 : i32 to vector<16xi32>
      %add3A_1047 = arith.addi %add3A_1032, %add3A_1046 : vector<16xi32>
      %add3A_1048 = arith.constant 160 : i32
      %add3A_1049 = arith.addi %mul3A_900, %add3A_1048 : i32
      %get3A_1050 = arith.index_cast %add3A_1049 : i32 to index
      %get3A_1051 = tpu.vector_load %arg5[%get3A_1050] {strides = array<i32>} : memref<32784xf32, #tpu.memory_space<vmem>>, vector<16xf32>,
      %gt3A_1052 = arith.cmpf ogt, %get3A_1051, %sub3A_898 : vector<16xf32>
      %select_n3A_1053 = arith.select %gt3A_1052, %add3A_1044, %add3A_819 : vector<16xi1>, vector<16xi32>
      tpu.vector_store_idx %arg8[%select_n3A_1053], %add3A_1047 : memref<1312xi32, #tpu.memory_space<vmem>>[vector<16xi32>], vector<16xi32>,
      %jit3A_1054 = arith.constant 16 : i32
      %jit3A_1055 = arith.constant 0 : i32
      %broadcast_in_dim3A_1056 = vector.broadcast %jit3A_1054 : i32 to vector<16xi32>
      %broadcast_in_dim3A_1057 = vector.broadcast %jit3A_1055 : i32 to vector<16xi32>
      %select_n3A_1058 = arith.select %gt3A_1052, %broadcast_in_dim3A_1056, %broadcast_in_dim3A_1057 : vector<16xi1>, vector<16xi32>
      %add3A_1059 = arith.addi %add3A_1044, %select_n3A_1058 : vector<16xi32>
      %add3A_1060 = arith.constant 16 : i32
      %add3A_1061 = vector.broadcast %add3A_1060 : i32 to vector<16xi32>
      %add3A_1062 = arith.addi %add3A_1047, %add3A_1061 : vector<16xi32>
      %add3A_1063 = arith.constant 176 : i32
      %add3A_1064 = arith.addi %mul3A_900, %add3A_1063 : i32
      %get3A_1065 = arith.index_cast %add3A_1064 : i32 to index
      %get3A_1066 = tpu.vector_load %arg5[%get3A_1065] {strides = array<i32>} : memref<32784xf32, #tpu.memory_space<vmem>>, vector<16xf32>,
      %gt3A_1067 = arith.cmpf ogt, %get3A_1066, %sub3A_898 : vector<16xf32>
      %select_n3A_1068 = arith.select %gt3A_1067, %add3A_1059, %add3A_819 : vector<16xi1>, vector<16xi32>
      tpu.vector_store_idx %arg8[%select_n3A_1068], %add3A_1062 : memref<1312xi32, #tpu.memory_space<vmem>>[vector<16xi32>], vector<16xi32>,
      %jit3A_1069 = arith.constant 16 : i32
      %jit3A_1070 = arith.constant 0 : i32
      %broadcast_in_dim3A_1071 = vector.broadcast %jit3A_1069 : i32 to vector<16xi32>
      %broadcast_in_dim3A_1072 = vector.broadcast %jit3A_1070 : i32 to vector<16xi32>
      %select_n3A_1073 = arith.select %gt3A_1067, %broadcast_in_dim3A_1071, %broadcast_in_dim3A_1072 : vector<16xi1>, vector<16xi32>
      %add3A_1074 = arith.addi %add3A_1059, %select_n3A_1073 : vector<16xi32>
      %add3A_1075 = arith.constant 16 : i32
      %add3A_1076 = vector.broadcast %add3A_1075 : i32 to vector<16xi32>
      %add3A_1077 = arith.addi %add3A_1062, %add3A_1076 : vector<16xi32>
      %add3A_1078 = arith.constant 192 : i32
      %add3A_1079 = arith.addi %mul3A_900, %add3A_1078 : i32
      %get3A_1080 = arith.index_cast %add3A_1079 : i32 to index
      %get3A_1081 = tpu.vector_load %arg5[%get3A_1080] {strides = array<i32>} : memref<32784xf32, #tpu.memory_space<vmem>>, vector<16xf32>,
      %gt3A_1082 = arith.cmpf ogt, %get3A_1081, %sub3A_898 : vector<16xf32>
      %select_n3A_1083 = arith.select %gt3A_1082, %add3A_1074, %add3A_819 : vector<16xi1>, vector<16xi32>
      tpu.vector_store_idx %arg8[%select_n3A_1083], %add3A_1077 : memref<1312xi32, #tpu.memory_space<vmem>>[vector<16xi32>], vector<16xi32>,
      %jit3A_1084 = arith.constant 16 : i32
      %jit3A_1085 = arith.constant 0 : i32
      %broadcast_in_dim3A_1086 = vector.broadcast %jit3A_1084 : i32 to vector<16xi32>
      %broadcast_in_dim3A_1087 = vector.broadcast %jit3A_1085 : i32 to vector<16xi32>
      %select_n3A_1088 = arith.select %gt3A_1082, %broadcast_in_dim3A_1086, %broadcast_in_dim3A_1087 : vector<16xi1>, vector<16xi32>
      %add3A_1089 = arith.addi %add3A_1074, %select_n3A_1088 : vector<16xi32>
      %add3A_1090 = arith.constant 16 : i32
      %add3A_1091 = vector.broadcast %add3A_1090 : i32 to vector<16xi32>
      %add3A_1092 = arith.addi %add3A_1077, %add3A_1091 : vector<16xi32>
      %add3A_1093 = arith.constant 208 : i32
      %add3A_1094 = arith.addi %mul3A_900, %add3A_1093 : i32
      %get3A_1095 = arith.index_cast %add3A_1094 : i32 to index
      %get3A_1096 = tpu.vector_load %arg5[%get3A_1095] {strides = array<i32>} : memref<32784xf32, #tpu.memory_space<vmem>>, vector<16xf32>,
      %gt3A_1097 = arith.cmpf ogt, %get3A_1096, %sub3A_898 : vector<16xf32>
      %select_n3A_1098 = arith.select %gt3A_1097, %add3A_1089, %add3A_819 : vector<16xi1>, vector<16xi32>
      tpu.vector_store_idx %arg8[%select_n3A_1098], %add3A_1092 : memref<1312xi32, #tpu.memory_space<vmem>>[vector<16xi32>], vector<16xi32>,
      %jit3A_1099 = arith.constant 16 : i32
      %jit3A_1100 = arith.constant 0 : i32
      %broadcast_in_dim3A_1101 = vector.broadcast %jit3A_1099 : i32 to vector<16xi32>
      %broadcast_in_dim3A_1102 = vector.broadcast %jit3A_1100 : i32 to vector<16xi32>
      %select_n3A_1103 = arith.select %gt3A_1097, %broadcast_in_dim3A_1101, %broadcast_in_dim3A_1102 : vector<16xi1>, vector<16xi32>
      %add3A_1104 = arith.addi %add3A_1089, %select_n3A_1103 : vector<16xi32>
      %add3A_1105 = arith.constant 16 : i32
      %add3A_1106 = vector.broadcast %add3A_1105 : i32 to vector<16xi32>
      %add3A_1107 = arith.addi %add3A_1092, %add3A_1106 : vector<16xi32>
      %add3A_1108 = arith.constant 224 : i32
      %add3A_1109 = arith.addi %mul3A_900, %add3A_1108 : i32
      %get3A_1110 = arith.index_cast %add3A_1109 : i32 to index
      %get3A_1111 = tpu.vector_load %arg5[%get3A_1110] {strides = array<i32>} : memref<32784xf32, #tpu.memory_space<vmem>>, vector<16xf32>,
      %gt3A_1112 = arith.cmpf ogt, %get3A_1111, %sub3A_898 : vector<16xf32>
      %select_n3A_1113 = arith.select %gt3A_1112, %add3A_1104, %add3A_819 : vector<16xi1>, vector<16xi32>
      tpu.vector_store_idx %arg8[%select_n3A_1113], %add3A_1107 : memref<1312xi32, #tpu.memory_space<vmem>>[vector<16xi32>], vector<16xi32>,
      %jit3A_1114 = arith.constant 16 : i32
      %jit3A_1115 = arith.constant 0 : i32
      %broadcast_in_dim3A_1116 = vector.broadcast %jit3A_1114 : i32 to vector<16xi32>
      %broadcast_in_dim3A_1117 = vector.broadcast %jit3A_1115 : i32 to vector<16xi32>
      %select_n3A_1118 = arith.select %gt3A_1112, %broadcast_in_dim3A_1116, %broadcast_in_dim3A_1117 : vector<16xi1>, vector<16xi32>
      %add3A_1119 = arith.addi %add3A_1104, %select_n3A_1118 : vector<16xi32>
      %add3A_1120 = arith.constant 16 : i32
      %add3A_1121 = vector.broadcast %add3A_1120 : i32 to vector<16xi32>
      %add3A_1122 = arith.addi %add3A_1107, %add3A_1121 : vector<16xi32>
      %add3A_1123 = arith.constant 240 : i32
      %add3A_1124 = arith.addi %mul3A_900, %add3A_1123 : i32
      %get3A_1125 = arith.index_cast %add3A_1124 : i32 to index
      %get3A_1126 = tpu.vector_load %arg5[%get3A_1125] {strides = array<i32>} : memref<32784xf32, #tpu.memory_space<vmem>>, vector<16xf32>,
      %gt3A_1127 = arith.cmpf ogt, %get3A_1126, %sub3A_898 : vector<16xf32>
      %select_n3A_1128 = arith.select %gt3A_1127, %add3A_1119, %add3A_819 : vector<16xi1>, vector<16xi32>
      tpu.vector_store_idx %arg8[%select_n3A_1128], %add3A_1122 : memref<1312xi32, #tpu.memory_space<vmem>>[vector<16xi32>], vector<16xi32>,
      %jit3A_1129 = arith.constant 16 : i32
      %jit3A_1130 = arith.constant 0 : i32
      %broadcast_in_dim3A_1131 = vector.broadcast %jit3A_1129 : i32 to vector<16xi32>
      %broadcast_in_dim3A_1132 = vector.broadcast %jit3A_1130 : i32 to vector<16xi32>
      %select_n3A_1133 = arith.select %gt3A_1127, %broadcast_in_dim3A_1131, %broadcast_in_dim3A_1132 : vector<16xi1>, vector<16xi32>
      %add3A_1134 = arith.addi %add3A_1119, %select_n3A_1133 : vector<16xi32>
      %add3A_1135 = arith.constant 16 : i32
      %add3A_1136 = vector.broadcast %add3A_1135 : i32 to vector<16xi32>
      %add3A_1137 = arith.addi %add3A_1122, %add3A_1136 : vector<16xi32>
      %max3A_1138 = arith.maximumf %get3A_904, %get3A_916 : vector<16xf32>
      %max3A_1139 = arith.maximumf %get3A_931, %get3A_946 : vector<16xf32>
      %max3A_1140 = arith.maximumf %get3A_961, %get3A_976 : vector<16xf32>
      %max3A_1141 = arith.maximumf %get3A_991, %get3A_1006 : vector<16xf32>
      %max3A_1142 = arith.maximumf %get3A_1021, %get3A_1036 : vector<16xf32>
      %max3A_1143 = arith.maximumf %get3A_1051, %get3A_1066 : vector<16xf32>
      %max3A_1144 = arith.maximumf %get3A_1081, %get3A_1096 : vector<16xf32>
      %max3A_1145 = arith.maximumf %get3A_1111, %get3A_1126 : vector<16xf32>
      %max3A_1146 = arith.maximumf %max3A_1138, %max3A_1139 : vector<16xf32>
      %max3A_1147 = arith.maximumf %max3A_1140, %max3A_1141 : vector<16xf32>
      %max3A_1148 = arith.maximumf %max3A_1142, %max3A_1143 : vector<16xf32>
      %max3A_1149 = arith.maximumf %max3A_1144, %max3A_1145 : vector<16xf32>
      %max3A_1150 = arith.maximumf %max3A_1146, %max3A_1147 : vector<16xf32>
      %max3A_1151 = arith.maximumf %max3A_1148, %max3A_1149 : vector<16xf32>
      %max3A_1152 = arith.maximumf %max3A_1150, %max3A_1151 : vector<16xf32>
      %iota3A_1153 = tpu.iota {dimensions = array<i32: 0>} : vector<16xi32>
      %xor3A_1154 = arith.constant 1 : i32
      %xor3A_1155 = vector.broadcast %xor3A_1154 : i32 to vector<16xi32>
      %xor3A_1156 = arith.xori %iota3A_1153, %xor3A_1155 : vector<16xi32>
      %broadcast_in_dim3A_1157 = vector.shape_cast %xor3A_1156 : vector<16xi32> to vector<16x1xi32>
      %gather3A_1158 = vector.shape_cast %broadcast_in_dim3A_1157 : vector<16x1xi32> to vector<16xi32>
      %gather3A_1159 = tpu.dynamic_gather %max3A_1152[%gather3A_1158] in [0] : vector<16xf32>, vector<16xi32> -> vector<16xf32>
      %max3A_1160 = arith.maximumf %max3A_1152, %gather3A_1159 : vector<16xf32>
      %iota3A_1161 = tpu.iota {dimensions = array<i32: 0>} : vector<16xi32>
      %xor3A_1162 = arith.constant 2 : i32
      %xor3A_1163 = vector.broadcast %xor3A_1162 : i32 to vector<16xi32>
      %xor3A_1164 = arith.xori %iota3A_1161, %xor3A_1163 : vector<16xi32>
      %broadcast_in_dim3A_1165 = vector.shape_cast %xor3A_1164 : vector<16xi32> to vector<16x1xi32>
      %gather3A_1166 = vector.shape_cast %broadcast_in_dim3A_1165 : vector<16x1xi32> to vector<16xi32>
      %gather3A_1167 = tpu.dynamic_gather %max3A_1160[%gather3A_1166] in [0] : vector<16xf32>, vector<16xi32> -> vector<16xf32>
      %max3A_1168 = arith.maximumf %max3A_1160, %gather3A_1167 : vector<16xf32>
      %iota3A_1169 = tpu.iota {dimensions = array<i32: 0>} : vector<16xi32>
      %xor3A_1170 = arith.constant 4 : i32
      %xor3A_1171 = vector.broadcast %xor3A_1170 : i32 to vector<16xi32>
      %xor3A_1172 = arith.xori %iota3A_1169, %xor3A_1171 : vector<16xi32>
      %broadcast_in_dim3A_1173 = vector.shape_cast %xor3A_1172 : vector<16xi32> to vector<16x1xi32>
      %gather3A_1174 = vector.shape_cast %broadcast_in_dim3A_1173 : vector<16x1xi32> to vector<16xi32>
      %gather3A_1175 = tpu.dynamic_gather %max3A_1168[%gather3A_1174] in [0] : vector<16xf32>, vector<16xi32> -> vector<16xf32>
      %max3A_1176 = arith.maximumf %max3A_1168, %gather3A_1175 : vector<16xf32>
      %iota3A_1177 = tpu.iota {dimensions = array<i32: 0>} : vector<16xi32>
      %xor3A_1178 = arith.constant 8 : i32
      %xor3A_1179 = vector.broadcast %xor3A_1178 : i32 to vector<16xi32>
      %xor3A_1180 = arith.xori %iota3A_1177, %xor3A_1179 : vector<16xi32>
      %broadcast_in_dim3A_1181 = vector.shape_cast %xor3A_1180 : vector<16xi32> to vector<16x1xi32>
      %gather3A_1182 = vector.shape_cast %broadcast_in_dim3A_1181 : vector<16x1xi32> to vector<16xi32>
      %gather3A_1183 = tpu.dynamic_gather %max3A_1176[%gather3A_1182] in [0] : vector<16xf32>, vector<16xi32> -> vector<16xf32>
      %max3A_1184 = arith.maximumf %max3A_1176, %gather3A_1183 : vector<16xf32>
      %max3A_1185 = arith.maximumf %scan3A_893, %max3A_1184 : vector<16xf32>
      %min3A = arith.minsi %add3A_1134, %add3A_822 : vector<16xi32>
      scf.yield %max3A_1185, %min3A, %add3A_1137 : vector<16xf32>, vector<16xi32>, vector<16xi32>
    }
    %scan3A_828 = arith.constant 128 : i32
    %sub3A_829 = arith.constant 1.000000e+00 : f32
    %sub3A_830 = vector.broadcast %sub3A_829 : f32 to vector<16xf32>
    %sub3A_831 = arith.subf %scan3A_827#0, %sub3A_830 : vector<16xf32>
    %add3A_832 = arith.constant 3 : i32
    %add3A_833 = arith.addi %mul3A_2, %add3A_832 : i32
    %sub3A_834 = arith.constant 1 : i32
    %sub3A_835 = arith.subi %add3A_833, %sub3A_834 : i32
    %dma_wait3A_836 = arith.constant 0 : i32
    %dma_wait3A_837 = tpu.memref_slice %arg6[%dma_wait3A_836] : memref<32784xf32, #tpu.memory_space<vmem>> -> memref<32768xf32, #tpu.memory_space<vmem>>
    %dma_wait3A_838 = arith.constant 0 : i32
    %dma_wait3A_839 = tpu.memref_slice %arg3[%sub3A_835, %dma_wait3A_838] : memref<128x32768xf32, #tpu.memory_space<hbm>> -> memref<1x32768xf32, #tpu.memory_space<hbm>>
    %dma_wait3A_840 = tpu.memref_squeeze %dma_wait3A_839 : memref<1x32768xf32, #tpu.memory_space<hbm>> -> memref<32768xf32, #tpu.memory_space<hbm>>
    %dma_wait3A_841 = arith.constant 0 : i32
    %dma_wait3A_842 = tpu.memref_slice %arg3[%sub3A_835, %dma_wait3A_841] : memref<128x32768xf32, #tpu.memory_space<hbm>> -> memref<1x32768xf32, #tpu.memory_space<hbm>>
    %dma_wait3A_843 = tpu.memref_squeeze %dma_wait3A_842 : memref<1x32768xf32, #tpu.memory_space<hbm>> -> memref<32768xf32, #tpu.memory_space<hbm>>
    %dma_wait3A_844 = arith.constant 0 : i32
    %dma_wait3A_845 = tpu.memref_slice %arg6[%dma_wait3A_844] : memref<32784xf32, #tpu.memory_space<vmem>> -> memref<32768xf32, #tpu.memory_space<vmem>>
    tpu.wait_dma2 semaphore(%arg11 : memref<!tpu.dma_semaphore, #tpu.memory_space<semaphore_mem>>) src(%dma_wait3A_845 : memref<32768xf32, #tpu.memory_space<vmem>>) dst(%dma_wait3A_843 : memref<32768xf32, #tpu.memory_space<hbm>>)
    %broadcast_in_dim3A_846 = arith.constant 0.000000e+00 : f32
    %broadcast_in_dim3A_847 = vector.broadcast %broadcast_in_dim3A_846 : f32 to vector<16xf32>
    %scan3A_848 = arith.constant 0 : i32
    %scan3A_849 = arith.constant 0 : i32
    %scan3A_850 = arith.constant 16 : i32
    %scan3A_851 = arith.addi %scan3A_849, %scan3A_850 : i32
    %scan3A_852 = arith.constant 1 : i32
    scf.for %scan3A_892 = %scan3A_849 to %scan3A_851 step %scan3A_852  : i32 {
      %mul3A_893 = arith.constant 4 : i32
      %mul3A_894 = arith.muli %scan3A_892, %mul3A_893 : i32
      %add3A_895 = arith.constant 0 : i32
      %add3A_896 = arith.addi %mul3A_894, %add3A_895 : i32
      %mul3A_897 = arith.constant 16 : i32
      %mul3A_898 = arith.muli %add3A_896, %mul3A_897 : i32
      %get3A_899 = arith.index_cast %mul3A_898 : i32 to index
      %get3A_900 = tpu.vector_load %arg7[%get3A_899] {strides = array<i32>} : memref<1312xi32, #tpu.memory_space<vmem>>, vector<16xi32>,
      tpu.vector_store_idx %arg6[%get3A_900], %broadcast_in_dim3A_847 : memref<32784xf32, #tpu.memory_space<vmem>>[vector<16xi32>], vector<16xf32>,
      %mul3A_901 = arith.constant 4 : i32
      %mul3A_902 = arith.muli %scan3A_892, %mul3A_901 : i32
      %add3A_903 = arith.constant 1 : i32
      %add3A_904 = arith.addi %mul3A_902, %add3A_903 : i32
      %mul3A_905 = arith.constant 16 : i32
      %mul3A_906 = arith.muli %add3A_904, %mul3A_905 : i32
      %get3A_907 = arith.index_cast %mul3A_906 : i32 to index
      %get3A_908 = tpu.vector_load %arg7[%get3A_907] {strides = array<i32>} : memref<1312xi32, #tpu.memory_space<vmem>>, vector<16xi32>,
      tpu.vector_store_idx %arg6[%get3A_908], %broadcast_in_dim3A_847 : memref<32784xf32, #tpu.memory_space<vmem>>[vector<16xi32>], vector<16xf32>,
      %mul3A_909 = arith.constant 4 : i32
      %mul3A_910 = arith.muli %scan3A_892, %mul3A_909 : i32
      %add3A_911 = arith.constant 2 : i32
      %add3A_912 = arith.addi %mul3A_910, %add3A_911 : i32
      %mul3A_913 = arith.constant 16 : i32
      %mul3A_914 = arith.muli %add3A_912, %mul3A_913 : i32
      %get3A_915 = arith.index_cast %mul3A_914 : i32 to index
      %get3A_916 = tpu.vector_load %arg7[%get3A_915] {strides = array<i32>} : memref<1312xi32, #tpu.memory_space<vmem>>, vector<16xi32>,
      tpu.vector_store_idx %arg6[%get3A_916], %broadcast_in_dim3A_847 : memref<32784xf32, #tpu.memory_space<vmem>>[vector<16xi32>], vector<16xf32>,
      %mul3A_917 = arith.constant 4 : i32
      %mul3A_918 = arith.muli %scan3A_892, %mul3A_917 : i32
      %add3A_919 = arith.constant 3 : i32
      %add3A_920 = arith.addi %mul3A_918, %add3A_919 : i32
      %mul3A_921 = arith.constant 16 : i32
      %mul3A_922 = arith.muli %add3A_920, %mul3A_921 : i32
      %get3A_923 = arith.index_cast %mul3A_922 : i32 to index
      %get3A_924 = tpu.vector_load %arg7[%get3A_923] {strides = array<i32>} : memref<1312xi32, #tpu.memory_space<vmem>>, vector<16xi32>,
      tpu.vector_store_idx %arg6[%get3A_924], %broadcast_in_dim3A_847 : memref<32784xf32, #tpu.memory_space<vmem>>[vector<16xi32>], vector<16xf32>,
    }
    %scan3A_853 = arith.constant 16 : i32
    %scan3A_854 = arith.constant 0 : i32
    %scan3A_855 = arith.constant 12 : i32
    %scan3A_856 = arith.addi %scan3A_854, %scan3A_855 : i32
    %scan3A_857 = arith.constant 1 : i32
    %scan3A_858 = scf.for %scan3A_892 = %scan3A_854 to %scan3A_856 step %scan3A_857 iter_args(%scan3A_893 = %sub3A_831) -> (vector<16xf32>)  : i32 {
      %broadcast_in_dim3A_894 = arith.constant 0.000000e+00 : f32
      %broadcast_in_dim3A_895 = vector.broadcast %broadcast_in_dim3A_894 : f32 to vector<16xf32>
      %scan3A_896 = arith.constant 0 : i32
      %scan3A_897 = arith.constant 16 : i32
      %scan3A_898 = arith.addi %scan3A_896, %scan3A_897 : i32
      %scan3A_899 = arith.constant 1 : i32
      %scan3A_900:4 = scf.for %scan3A_971 = %scan3A_896 to %scan3A_898 step %scan3A_899 iter_args(%scan3A_972 = %broadcast_in_dim3A_895, %scan3A_973 = %broadcast_in_dim3A_895, %scan3A_974 = %broadcast_in_dim3A_895, %scan3A_975 = %broadcast_in_dim3A_895) -> (vector<16xf32>, vector<16xf32>, vector<16xf32>, vector<16xf32>)  : i32 {
        %mul3A_976 = arith.constant 4 : i32
        %mul3A_977 = arith.muli %scan3A_971, %mul3A_976 : i32
        %add3A_978 = arith.constant 0 : i32
        %add3A_979 = arith.addi %mul3A_977, %add3A_978 : i32
        %mul3A_980 = arith.constant 16 : i32
        %mul3A_981 = arith.muli %add3A_979, %mul3A_980 : i32
        %get3A_982 = arith.index_cast %mul3A_981 : i32 to index
        %get3A_983 = tpu.vector_load %arg8[%get3A_982] {strides = array<i32>} : memref<1312xi32, #tpu.memory_space<vmem>>, vector<16xi32>,
        %gather3A_984 = tpu.vector_load_idx %arg5[%get3A_983] : memref<32784xf32, #tpu.memory_space<vmem>>[vector<16xi32>], vector<16xf32>,
        %gt3A = arith.cmpf ogt, %gather3A_984, %scan3A_893 : vector<16xf32>
        %jit3A = arith.constant 0.000000e+00 : f32
        %broadcast_in_dim3A_985 = vector.broadcast %jit3A : f32 to vector<16xf32>
        %select_n3A = arith.select %gt3A, %gather3A_984, %broadcast_in_dim3A_985 : vector<16xi1>, vector<16xf32>
        %add3A_986 = arith.addf %scan3A_972, %select_n3A : vector<16xf32>
        %jit3A_987 = arith.constant 1.000000e+00 : f32
        %jit3A_988 = arith.constant 0.000000e+00 : f32
        %broadcast_in_dim3A_989 = vector.broadcast %jit3A_987 : f32 to vector<16xf32>
        %broadcast_in_dim3A_990 = vector.broadcast %jit3A_988 : f32 to vector<16xf32>
        %select_n3A_991 = arith.select %gt3A, %broadcast_in_dim3A_989, %broadcast_in_dim3A_990 : vector<16xi1>, vector<16xf32>
        %add3A_992 = arith.addf %scan3A_973, %select_n3A_991 : vector<16xf32>
        %mul3A_993 = arith.constant 4 : i32
        %mul3A_994 = arith.muli %scan3A_971, %mul3A_993 : i32
        %add3A_995 = arith.constant 1 : i32
        %add3A_996 = arith.addi %mul3A_994, %add3A_995 : i32
        %mul3A_997 = arith.constant 16 : i32
        %mul3A_998 = arith.muli %add3A_996, %mul3A_997 : i32
        %get3A_999 = arith.index_cast %mul3A_998 : i32 to index
        %get3A_1000 = tpu.vector_load %arg8[%get3A_999] {strides = array<i32>} : memref<1312xi32, #tpu.memory_space<vmem>>, vector<16xi32>,
        %gather3A_1001 = tpu.vector_load_idx %arg5[%get3A_1000] : memref<32784xf32, #tpu.memory_space<vmem>>[vector<16xi32>], vector<16xf32>,
        %gt3A_1002 = arith.cmpf ogt, %gather3A_1001, %scan3A_893 : vector<16xf32>
        %jit3A_1003 = arith.constant 0.000000e+00 : f32
        %broadcast_in_dim3A_1004 = vector.broadcast %jit3A_1003 : f32 to vector<16xf32>
        %select_n3A_1005 = arith.select %gt3A_1002, %gather3A_1001, %broadcast_in_dim3A_1004 : vector<16xi1>, vector<16xf32>
        %add3A_1006 = arith.addf %scan3A_974, %select_n3A_1005 : vector<16xf32>
        %jit3A_1007 = arith.constant 1.000000e+00 : f32
        %jit3A_1008 = arith.constant 0.000000e+00 : f32
        %broadcast_in_dim3A_1009 = vector.broadcast %jit3A_1007 : f32 to vector<16xf32>
        %broadcast_in_dim3A_1010 = vector.broadcast %jit3A_1008 : f32 to vector<16xf32>
        %select_n3A_1011 = arith.select %gt3A_1002, %broadcast_in_dim3A_1009, %broadcast_in_dim3A_1010 : vector<16xi1>, vector<16xf32>
        %add3A_1012 = arith.addf %scan3A_975, %select_n3A_1011 : vector<16xf32>
        %mul3A_1013 = arith.constant 4 : i32
        %mul3A_1014 = arith.muli %scan3A_971, %mul3A_1013 : i32
        %add3A_1015 = arith.constant 2 : i32
        %add3A_1016 = arith.addi %mul3A_1014, %add3A_1015 : i32
        %mul3A_1017 = arith.constant 16 : i32
        %mul3A_1018 = arith.muli %add3A_1016, %mul3A_1017 : i32
        %get3A_1019 = arith.index_cast %mul3A_1018 : i32 to index
        %get3A_1020 = tpu.vector_load %arg8[%get3A_1019] {strides = array<i32>} : memref<1312xi32, #tpu.memory_space<vmem>>, vector<16xi32>,
        %gather3A_1021 = tpu.vector_load_idx %arg5[%get3A_1020] : memref<32784xf32, #tpu.memory_space<vmem>>[vector<16xi32>], vector<16xf32>,
        %gt3A_1022 = arith.cmpf ogt, %gather3A_1021, %scan3A_893 : vector<16xf32>
        %jit3A_1023 = arith.constant 0.000000e+00 : f32
        %broadcast_in_dim3A_1024 = vector.broadcast %jit3A_1023 : f32 to vector<16xf32>
        %select_n3A_1025 = arith.select %gt3A_1022, %gather3A_1021, %broadcast_in_dim3A_1024 : vector<16xi1>, vector<16xf32>
        %add3A_1026 = arith.addf %add3A_986, %select_n3A_1025 : vector<16xf32>
        %jit3A_1027 = arith.constant 1.000000e+00 : f32
        %jit3A_1028 = arith.constant 0.000000e+00 : f32
        %broadcast_in_dim3A_1029 = vector.broadcast %jit3A_1027 : f32 to vector<16xf32>
        %broadcast_in_dim3A_1030 = vector.broadcast %jit3A_1028 : f32 to vector<16xf32>
        %select_n3A_1031 = arith.select %gt3A_1022, %broadcast_in_dim3A_1029, %broadcast_in_dim3A_1030 : vector<16xi1>, vector<16xf32>
        %add3A_1032 = arith.addf %add3A_992, %select_n3A_1031 : vector<16xf32>
        %mul3A_1033 = arith.constant 4 : i32
        %mul3A_1034 = arith.muli %scan3A_971, %mul3A_1033 : i32
        %add3A_1035 = arith.constant 3 : i32
        %add3A_1036 = arith.addi %mul3A_1034, %add3A_1035 : i32
        %mul3A_1037 = arith.constant 16 : i32
        %mul3A_1038 = arith.muli %add3A_1036, %mul3A_1037 : i32
        %get3A_1039 = arith.index_cast %mul3A_1038 : i32 to index
        %get3A_1040 = tpu.vector_load %arg8[%get3A_1039] {strides = array<i32>} : memref<1312xi32, #tpu.memory_space<vmem>>, vector<16xi32>,
        %gather3A_1041 = tpu.vector_load_idx %arg5[%get3A_1040] : memref<32784xf32, #tpu.memory_space<vmem>>[vector<16xi32>], vector<16xf32>,
        %gt3A_1042 = arith.cmpf ogt, %gather3A_1041, %scan3A_893 : vector<16xf32>
        %jit3A_1043 = arith.constant 0.000000e+00 : f32
        %broadcast_in_dim3A_1044 = vector.broadcast %jit3A_1043 : f32 to vector<16xf32>
        %select_n3A_1045 = arith.select %gt3A_1042, %gather3A_1041, %broadcast_in_dim3A_1044 : vector<16xi1>, vector<16xf32>
        %add3A_1046 = arith.addf %add3A_1006, %select_n3A_1045 : vector<16xf32>
        %jit3A_1047 = arith.constant 1.000000e+00 : f32
        %jit3A_1048 = arith.constant 0.000000e+00 : f32
        %broadcast_in_dim3A_1049 = vector.broadcast %jit3A_1047 : f32 to vector<16xf32>
        %broadcast_in_dim3A_1050 = vector.broadcast %jit3A_1048 : f32 to vector<16xf32>
        %select_n3A_1051 = arith.select %gt3A_1042, %broadcast_in_dim3A_1049, %broadcast_in_dim3A_1050 : vector<16xi1>, vector<16xf32>
        %add3A_1052 = arith.addf %add3A_1012, %select_n3A_1051 : vector<16xf32>
        scf.yield %add3A_1026, %add3A_1032, %add3A_1046, %add3A_1052 : vector<16xf32>, vector<16xf32>, vector<16xf32>, vector<16xf32>
      }
      %scan3A_901 = arith.constant 16 : i32
      %add3A_902 = arith.addf %scan3A_900#0, %scan3A_900#2 : vector<16xf32>
      %iota3A_903 = tpu.iota {dimensions = array<i32: 0>} : vector<16xi32>
      %xor3A_904 = arith.constant 1 : i32
      %xor3A_905 = vector.broadcast %xor3A_904 : i32 to vector<16xi32>
      %xor3A_906 = arith.xori %iota3A_903, %xor3A_905 : vector<16xi32>
      %broadcast_in_dim3A_907 = vector.shape_cast %xor3A_906 : vector<16xi32> to vector<16x1xi32>
      %gather3A_908 = vector.shape_cast %broadcast_in_dim3A_907 : vector<16x1xi32> to vector<16xi32>
      %gather3A_909 = tpu.dynamic_gather %add3A_902[%gather3A_908] in [0] : vector<16xf32>, vector<16xi32> -> vector<16xf32>
      %add3A_910 = arith.addf %add3A_902, %gather3A_909 : vector<16xf32>
      %iota3A_911 = tpu.iota {dimensions = array<i32: 0>} : vector<16xi32>
      %xor3A_912 = arith.constant 2 : i32
      %xor3A_913 = vector.broadcast %xor3A_912 : i32 to vector<16xi32>
      %xor3A_914 = arith.xori %iota3A_911, %xor3A_913 : vector<16xi32>
      %broadcast_in_dim3A_915 = vector.shape_cast %xor3A_914 : vector<16xi32> to vector<16x1xi32>
      %gather3A_916 = vector.shape_cast %broadcast_in_dim3A_915 : vector<16x1xi32> to vector<16xi32>
      %gather3A_917 = tpu.dynamic_gather %add3A_910[%gather3A_916] in [0] : vector<16xf32>, vector<16xi32> -> vector<16xf32>
      %add3A_918 = arith.addf %add3A_910, %gather3A_917 : vector<16xf32>
      %iota3A_919 = tpu.iota {dimensions = array<i32: 0>} : vector<16xi32>
      %xor3A_920 = arith.constant 4 : i32
      %xor3A_921 = vector.broadcast %xor3A_920 : i32 to vector<16xi32>
      %xor3A_922 = arith.xori %iota3A_919, %xor3A_921 : vector<16xi32>
      %broadcast_in_dim3A_923 = vector.shape_cast %xor3A_922 : vector<16xi32> to vector<16x1xi32>
      %gather3A_924 = vector.shape_cast %broadcast_in_dim3A_923 : vector<16x1xi32> to vector<16xi32>
      %gather3A_925 = tpu.dynamic_gather %add3A_918[%gather3A_924] in [0] : vector<16xf32>, vector<16xi32> -> vector<16xf32>
      %add3A_926 = arith.addf %add3A_918, %gather3A_925 : vector<16xf32>
      %iota3A_927 = tpu.iota {dimensions = array<i32: 0>} : vector<16xi32>
      %xor3A_928 = arith.constant 8 : i32
      %xor3A_929 = vector.broadcast %xor3A_928 : i32 to vector<16xi32>
      %xor3A_930 = arith.xori %iota3A_927, %xor3A_929 : vector<16xi32>
      %broadcast_in_dim3A_931 = vector.shape_cast %xor3A_930 : vector<16xi32> to vector<16x1xi32>
      %gather3A_932 = vector.shape_cast %broadcast_in_dim3A_931 : vector<16x1xi32> to vector<16xi32>
      %gather3A_933 = tpu.dynamic_gather %add3A_926[%gather3A_932] in [0] : vector<16xf32>, vector<16xi32> -> vector<16xf32>
      %add3A_934 = arith.addf %add3A_926, %gather3A_933 : vector<16xf32>
      %sub3A_935 = arith.constant 1.000000e+00 : f32
      %sub3A_936 = vector.broadcast %sub3A_935 : f32 to vector<16xf32>
      %sub3A_937 = arith.subf %add3A_934, %sub3A_936 : vector<16xf32>
      %add3A_938 = arith.addf %scan3A_900#1, %scan3A_900#3 : vector<16xf32>
      %iota3A_939 = tpu.iota {dimensions = array<i32: 0>} : vector<16xi32>
      %xor3A_940 = arith.constant 1 : i32
      %xor3A_941 = vector.broadcast %xor3A_940 : i32 to vector<16xi32>
      %xor3A_942 = arith.xori %iota3A_939, %xor3A_941 : vector<16xi32>
      %broadcast_in_dim3A_943 = vector.shape_cast %xor3A_942 : vector<16xi32> to vector<16x1xi32>
      %gather3A_944 = vector.shape_cast %broadcast_in_dim3A_943 : vector<16x1xi32> to vector<16xi32>
      %gather3A_945 = tpu.dynamic_gather %add3A_938[%gather3A_944] in [0] : vector<16xf32>, vector<16xi32> -> vector<16xf32>
      %add3A_946 = arith.addf %add3A_938, %gather3A_945 : vector<16xf32>
      %iota3A_947 = tpu.iota {dimensions = array<i32: 0>} : vector<16xi32>
      %xor3A_948 = arith.constant 2 : i32
      %xor3A_949 = vector.broadcast %xor3A_948 : i32 to vector<16xi32>
      %xor3A_950 = arith.xori %iota3A_947, %xor3A_949 : vector<16xi32>
      %broadcast_in_dim3A_951 = vector.shape_cast %xor3A_950 : vector<16xi32> to vector<16x1xi32>
      %gather3A_952 = vector.shape_cast %broadcast_in_dim3A_951 : vector<16x1xi32> to vector<16xi32>
      %gather3A_953 = tpu.dynamic_gather %add3A_946[%gather3A_952] in [0] : vector<16xf32>, vector<16xi32> -> vector<16xf32>
      %add3A_954 = arith.addf %add3A_946, %gather3A_953 : vector<16xf32>
      %iota3A_955 = tpu.iota {dimensions = array<i32: 0>} : vector<16xi32>
      %xor3A_956 = arith.constant 4 : i32
      %xor3A_957 = vector.broadcast %xor3A_956 : i32 to vector<16xi32>
      %xor3A_958 = arith.xori %iota3A_955, %xor3A_957 : vector<16xi32>
      %broadcast_in_dim3A_959 = vector.shape_cast %xor3A_958 : vector<16xi32> to vector<16x1xi32>
      %gather3A_960 = vector.shape_cast %broadcast_in_dim3A_959 : vector<16x1xi32> to vector<16xi32>
      %gather3A_961 = tpu.dynamic_gather %add3A_954[%gather3A_960] in [0] : vector<16xf32>, vector<16xi32> -> vector<16xf32>
      %add3A_962 = arith.addf %add3A_954, %gather3A_961 : vector<16xf32>
      %iota3A_963 = tpu.iota {dimensions = array<i32: 0>} : vector<16xi32>
      %xor3A_964 = arith.constant 8 : i32
      %xor3A_965 = vector.broadcast %xor3A_964 : i32 to vector<16xi32>
      %xor3A_966 = arith.xori %iota3A_963, %xor3A_965 : vector<16xi32>
      %broadcast_in_dim3A_967 = vector.shape_cast %xor3A_966 : vector<16xi32> to vector<16x1xi32>
      %gather3A_968 = vector.shape_cast %broadcast_in_dim3A_967 : vector<16x1xi32> to vector<16xi32>
      %gather3A_969 = tpu.dynamic_gather %add3A_962[%gather3A_968] in [0] : vector<16xf32>, vector<16xi32> -> vector<16xf32>
      %add3A_970 = arith.addf %add3A_962, %gather3A_969 : vector<16xf32>
      %div3A = arith.divf %sub3A_937, %add3A_970 : vector<16xf32>
      scf.yield %div3A : vector<16xf32>
    }
    %scan3A_859 = arith.constant 12 : i32
    %scan3A_860 = arith.constant 0 : i32
    %scan3A_861 = arith.constant 0 : i32
    %scan3A_862 = arith.constant 16 : i32
    %scan3A_863 = arith.addi %scan3A_861, %scan3A_862 : i32
    %scan3A_864 = arith.constant 1 : i32
    scf.for %scan3A_892 = %scan3A_861 to %scan3A_863 step %scan3A_864  : i32 {
      %mul3A_893 = arith.constant 4 : i32
      %mul3A_894 = arith.muli %scan3A_892, %mul3A_893 : i32
      %add3A_895 = arith.constant 0 : i32
      %add3A_896 = arith.addi %mul3A_894, %add3A_895 : i32
      %mul3A_897 = arith.constant 16 : i32
      %mul3A_898 = arith.muli %add3A_896, %mul3A_897 : i32
      %get3A_899 = arith.index_cast %mul3A_898 : i32 to index
      %get3A_900 = tpu.vector_load %arg8[%get3A_899] {strides = array<i32>} : memref<1312xi32, #tpu.memory_space<vmem>>, vector<16xi32>,
      %gather3A_901 = tpu.vector_load_idx %arg5[%get3A_900] : memref<32784xf32, #tpu.memory_space<vmem>>[vector<16xi32>], vector<16xf32>,
      %sub3A_902 = arith.subf %gather3A_901, %scan3A_858 : vector<16xf32>
      %max3A_903 = arith.constant 0.000000e+00 : f32
      %max3A_904 = vector.broadcast %max3A_903 : f32 to vector<16xf32>
      %max3A_905 = arith.maximumf %sub3A_902, %max3A_904 : vector<16xf32>
      tpu.vector_store_idx %arg6[%get3A_900], %max3A_905 : memref<32784xf32, #tpu.memory_space<vmem>>[vector<16xi32>], vector<16xf32>,
      %mul3A_906 = arith.constant 4 : i32
      %mul3A_907 = arith.muli %scan3A_892, %mul3A_906 : i32
      %add3A_908 = arith.constant 1 : i32
      %add3A_909 = arith.addi %mul3A_907, %add3A_908 : i32
      %mul3A_910 = arith.constant 16 : i32
      %mul3A_911 = arith.muli %add3A_909, %mul3A_910 : i32
      %get3A_912 = arith.index_cast %mul3A_911 : i32 to index
      %get3A_913 = tpu.vector_load %arg8[%get3A_912] {strides = array<i32>} : memref<1312xi32, #tpu.memory_space<vmem>>, vector<16xi32>,
      %gather3A_914 = tpu.vector_load_idx %arg5[%get3A_913] : memref<32784xf32, #tpu.memory_space<vmem>>[vector<16xi32>], vector<16xf32>,
      %sub3A_915 = arith.subf %gather3A_914, %scan3A_858 : vector<16xf32>
      %max3A_916 = arith.constant 0.000000e+00 : f32
      %max3A_917 = vector.broadcast %max3A_916 : f32 to vector<16xf32>
      %max3A_918 = arith.maximumf %sub3A_915, %max3A_917 : vector<16xf32>
      tpu.vector_store_idx %arg6[%get3A_913], %max3A_918 : memref<32784xf32, #tpu.memory_space<vmem>>[vector<16xi32>], vector<16xf32>,
      %mul3A_919 = arith.constant 4 : i32
      %mul3A_920 = arith.muli %scan3A_892, %mul3A_919 : i32
      %add3A_921 = arith.constant 2 : i32
      %add3A_922 = arith.addi %mul3A_920, %add3A_921 : i32
      %mul3A_923 = arith.constant 16 : i32
      %mul3A_924 = arith.muli %add3A_922, %mul3A_923 : i32
      %get3A_925 = arith.index_cast %mul3A_924 : i32 to index
      %get3A_926 = tpu.vector_load %arg8[%get3A_925] {strides = array<i32>} : memref<1312xi32, #tpu.memory_space<vmem>>, vector<16xi32>,
      %gather3A_927 = tpu.vector_load_idx %arg5[%get3A_926] : memref<32784xf32, #tpu.memory_space<vmem>>[vector<16xi32>], vector<16xf32>,
      %sub3A_928 = arith.subf %gather3A_927, %scan3A_858 : vector<16xf32>
      %max3A_929 = arith.constant 0.000000e+00 : f32
      %max3A_930 = vector.broadcast %max3A_929 : f32 to vector<16xf32>
      %max3A_931 = arith.maximumf %sub3A_928, %max3A_930 : vector<16xf32>
      tpu.vector_store_idx %arg6[%get3A_926], %max3A_931 : memref<32784xf32, #tpu.memory_space<vmem>>[vector<16xi32>], vector<16xf32>,
      %mul3A_932 = arith.constant 4 : i32
      %mul3A_933 = arith.muli %scan3A_892, %mul3A_932 : i32
      %add3A_934 = arith.constant 3 : i32
      %add3A_935 = arith.addi %mul3A_933, %add3A_934 : i32
      %mul3A_936 = arith.constant 16 : i32
      %mul3A_937 = arith.muli %add3A_935, %mul3A_936 : i32
      %get3A_938 = arith.index_cast %mul3A_937 : i32 to index
      %get3A_939 = tpu.vector_load %arg8[%get3A_938] {strides = array<i32>} : memref<1312xi32, #tpu.memory_space<vmem>>, vector<16xi32>,
      %gather3A_940 = tpu.vector_load_idx %arg5[%get3A_939] : memref<32784xf32, #tpu.memory_space<vmem>>[vector<16xi32>], vector<16xf32>,
      %sub3A_941 = arith.subf %gather3A_940, %scan3A_858 : vector<16xf32>
      %max3A_942 = arith.constant 0.000000e+00 : f32
      %max3A_943 = vector.broadcast %max3A_942 : f32 to vector<16xf32>
      %max3A_944 = arith.maximumf %sub3A_941, %max3A_943 : vector<16xf32>
      tpu.vector_store_idx %arg6[%get3A_939], %max3A_944 : memref<32784xf32, #tpu.memory_space<vmem>>[vector<16xi32>], vector<16xf32>,
    }
    %scan3A_865 = arith.constant 16 : i32
    %add3A_866 = arith.constant 3 : i32
    %add3A_867 = arith.addi %mul3A_2, %add3A_866 : i32
    %dma_start3A_868 = arith.constant 0 : i32
    %dma_start3A_869 = tpu.memref_slice %arg6[%dma_start3A_868] : memref<32784xf32, #tpu.memory_space<vmem>> -> memref<32768xf32, #tpu.memory_space<vmem>>
    %dma_start3A_870 = arith.constant 0 : i32
    %dma_start3A_871 = tpu.memref_slice %arg3[%add3A_867, %dma_start3A_870] : memref<128x32768xf32, #tpu.memory_space<hbm>> -> memref<1x32768xf32, #tpu.memory_space<hbm>>
    %dma_start3A_872 = tpu.memref_squeeze %dma_start3A_871 : memref<1x32768xf32, #tpu.memory_space<hbm>> -> memref<32768xf32, #tpu.memory_space<hbm>>
    %dma_start3A_873 = arith.constant 0 : i32
    %dma_start3A_874 = tpu.memref_slice %arg3[%add3A_867, %dma_start3A_873] : memref<128x32768xf32, #tpu.memory_space<hbm>> -> memref<1x32768xf32, #tpu.memory_space<hbm>>
    %dma_start3A_875 = tpu.memref_squeeze %dma_start3A_874 : memref<1x32768xf32, #tpu.memory_space<hbm>> -> memref<32768xf32, #tpu.memory_space<hbm>>
    %dma_start3A_876 = arith.constant 0 : i32
    %dma_start3A_877 = tpu.memref_slice %arg6[%dma_start3A_876] : memref<32784xf32, #tpu.memory_space<vmem>> -> memref<32768xf32, #tpu.memory_space<vmem>>
    tpu.enqueue_dma source(%dma_start3A_877 : memref<32768xf32, #tpu.memory_space<vmem>>) target(%dma_start3A_875 : memref<32768xf32, #tpu.memory_space<hbm>>) target_semaphore(%arg11 : memref<!tpu.dma_semaphore, #tpu.memory_space<semaphore_mem>>)
    %add3A_878 = arith.constant 4 : i32
    %add3A_879 = arith.addi %mul3A_2, %add3A_878 : i32
    %sub3A_880 = arith.constant 1 : i32
    %sub3A_881 = arith.subi %add3A_879, %sub3A_880 : i32
    %dma_wait3A_882 = arith.constant 0 : i32
    %dma_wait3A_883 = tpu.memref_slice %arg6[%dma_wait3A_882] : memref<32784xf32, #tpu.memory_space<vmem>> -> memref<32768xf32, #tpu.memory_space<vmem>>
    %dma_wait3A_884 = arith.constant 0 : i32
    %dma_wait3A_885 = tpu.memref_slice %arg3[%sub3A_881, %dma_wait3A_884] : memref<128x32768xf32, #tpu.memory_space<hbm>> -> memref<1x32768xf32, #tpu.memory_space<hbm>>
    %dma_wait3A_886 = tpu.memref_squeeze %dma_wait3A_885 : memref<1x32768xf32, #tpu.memory_space<hbm>> -> memref<32768xf32, #tpu.memory_space<hbm>>
    %dma_wait3A_887 = arith.constant 0 : i32
    %dma_wait3A_888 = tpu.memref_slice %arg3[%sub3A_881, %dma_wait3A_887] : memref<128x32768xf32, #tpu.memory_space<hbm>> -> memref<1x32768xf32, #tpu.memory_space<hbm>>
    %dma_wait3A_889 = tpu.memref_squeeze %dma_wait3A_888 : memref<1x32768xf32, #tpu.memory_space<hbm>> -> memref<32768xf32, #tpu.memory_space<hbm>>
    %dma_wait3A_890 = arith.constant 0 : i32
    %dma_wait3A_891 = tpu.memref_slice %arg6[%dma_wait3A_890] : memref<32784xf32, #tpu.memory_space<vmem>> -> memref<32768xf32, #tpu.memory_space<vmem>>
    tpu.wait_dma2 semaphore(%arg11 : memref<!tpu.dma_semaphore, #tpu.memory_space<semaphore_mem>>) src(%dma_wait3A_891 : memref<32768xf32, #tpu.memory_space<vmem>>) dst(%dma_wait3A_889 : memref<32768xf32, #tpu.memory_space<hbm>>)
    return
  }
}

</mosaic_0001>

<sc_bundles>
// kernel: kernel.3.cloned.1.call-start
scs
__scs_entry_jumppad:
0x0: {  	(pc) =	sbr.rel $0x88, $3  }
0x1: {  	(tag) =	ssettag $0x0;
	lr =	simm.s32 $0x1  }
0x2: {  	[smem:$0x3FA0] =	sst lr;
	_ =	strace $0xD0000000  }
0x3: {  	_ = 	snop  }
0x4: {  	_ = 	snop  }
0x5: {  	_ = 	snop  }
0x6: {  	_ = 	snop  }
0x7: {  	_ = 	snop  }
__scs_overlays_trampoline_lowered:
0x8: {  	[smem:$0x3FAF] =	sst s0  }
0x9: {  	[smem:$0x3FB0] =	sst s1  }
0xa: {  	[smem:$0x3FB1] =	sst s2  }
0xb: {  	[smem:$0x3FB2] =	sst s3  }
0xc: {  	[smem:$0x3FB3] =	sst s4  }
0xd: {  	[smem:$0x3FB4] =	sst s5  }
0xe: {  	[smem:$0x3FB5] =	sst s6  }
0xf: {  	[smem:$0x3FB6] =	sst s7  }
0x10: {  	[smem:$0x3FB7] =	sst s8  }
0x11: {  	[smem:$0x3FB8] =	sst s9;
	s0 =	simm.s32 @!p0 $0x0  }
0x12: {  	s1 =	sld [smem:$0x3F9E];
	s0 =	simm.s32 @p0 $0x1  }
0x13: {  	[smem:$0x3FB9] =	sst s0;
	s0 =	simm.s32 @!p1 $0x0  }
0x14: {  	s2 =	sld [smem:$0x3F9D];
	s0 =	simm.s32 @p1 $0x1  }
0x15: {  	[smem:$0x3FBA] =	sst s0;
	s0 =	simm.s32 @!p2 $0x0  }
0x16: {  	s3 =	sld [smem:$0x3FDB];
	s0 =	simm.s32 @p2 $0x1  }
0x17: {  	s4 =	simm.s32 $0x1BF5;
	[smem:$0x3FBC] =	sst s0  }
0x18: {  	s0 =	sld [smem:$0x3F9F];
	_ =	swait.ge [sflag:s4], $0x0  }
0x19: {  	s7 =	sld [smem:$0x3FA0]  }
0x1a: {  	s8 =	sadd.s32 $0xFFFFE003, lr  }
0x1b: {  	s9 =	sadd.s32 $0xFFFFFEF7, lr;
	s5 =	simm.s32 $0xFFFFFFFF;
	p2 =	slt.u32 s8, $0xFFFFF086  }
0x1c: {  	p1 =	slt.u32 s9, $0xF7A;
	s5 =	simm.s32 @!p2 $0x0  }
0x1d: {  	s5 =	simm.s32 @p1 $0x1;
	p0 =	seq.s32 s7, s2  }
0x1e: {  	s7 =	smul.u32 @!p0 $0xF7A, s2;
	p2 =	seq.s32 @!p0 s5, $0x0  }
0x1f: {  	s9 =	smul.u32 $0xF7A, s1;
	s8 =	simm.s32 @!p0 $0x1BF5;
	p2 =	por !p2, p0  }
0x20: {  	[sflag:s8] =	ssyncset.s32 @!p0 $0xFFFFF086;
	s6 =	sadd.s32 @!p0 s3, s7;
	s7 =	simm.s32 @!p0 $0x108  }
0x21: {  	s3 =	sadd.s32 s3, s9;
	s6 =	sadd.s32 @!p0 $0x88, s6;
	s7 =	simm.s32 @p2 $0x1082  }
0x22: {  	[simem:s7], [sflag:s8] =	dma.local @!p0 [hbm:s6], $0xF7A  }
0x23: {  	s9 =	sor.u32 $0xD0000000, s2;
	s6 =	simm.s32 $0x108;
	_ =	swait.ge @!p0 [sflag:s8], $0x0  }
0x24: {  	s3 =	sadd.s32 $0x88, s3;
	s6 =	simm.s32 @!p1 $0x1082;
	[sflag:s4] =	ssyncset.s32 $0xFFFFF086  }
0x25: {  	[simem:s6], [sflag:s4] =	dma.local [hbm:s3], $0xF7A  }
0x26: {  	[smem:$0x3FA0] =	sst s1;
	(tag) =	ssettag s2;
	_ =	strace s9  }
0x27: {  	s1 =	sld [smem:$0x3FB0]  }
0x28: {  	s2 =	sld [smem:$0x3FB1]  }
0x29: {  	s4 =	sld [smem:$0x3FB3]  }
0x2a: {  	p0 =	seq.s32 s5, $0x0;
	s5 =	sld [smem:$0x3FB4]  }
0x2b: {  	s6 =	sld [smem:$0x3FB5]  }
0x2c: {  	s7 =	sld [smem:$0x3FB6]  }
0x2d: {  	s3 =	simm.s32 $0x108;
	s8 =	sld [smem:$0x3FB7]  }
0x2e: {  	s3 =	simm.s32 @!p0 $0x1082;
	s9 =	sld [smem:$0x3FB8]  }
0x2f: {  	lr =	sadd.s32 s0, s3;
	s0 =	sld [smem:$0x3FAF]  }
0x30: {  	s3 =	sld [smem:$0x3FB2]  }
0x31: {  	[smem:$0x3FBB] =	sst s10  }
0x32: {  	s10 =	sld [smem:$0x3FB9];
	_ =	sdelay $0x3  }
0x33: {  	p0 =	seq.s32 s10, $0x1;
	s10 =	sld [smem:$0x3FBB];
	_ =	sdelay $0x3  }
0x34: {  	[smem:$0x3FBB] =	sst s10  }
0x35: {  	s10 =	sld [smem:$0x3FBA];
	_ =	sdelay $0x3  }
0x36: {  	p1 =	seq.s32 s10, $0x1;
	s10 =	sld [smem:$0x3FBB];
	_ =	sdelay $0x3  }
0x37: {  	[smem:$0x3FBB] =	sst s10  }
0x38: {  	s10 =	sld [smem:$0x3FBC]  }
0x39: {  	_ = 	snop;
	(pc) =	sbr.ind lr, $3  }
0x3a: {  	_ = 	snop  }
0x3b: {  	_ = 	snop  }
0x3c: {  	p2 =	seq.s32 s10, $0x1;
	s10 =	sld [smem:$0x3FBB]  }
0x3d: {  	_ =	shalt  }
0x3e: {  	_ =	shalt  }
0x3f: {  	_ =	shalt  }
0x40: {  	_ =	shalt  }
0x41: {  	_ =	shalt  }
0x42: {  	_ =	shalt  }
0x43: {  	_ =	shalt  }
0x44: {  	_ =	shalt  }
0x45: {  	_ =	shalt  }
0x46: {  	_ =	shalt  }
0x47: {  	_ =	shalt  }
0x48: {  	_ =	shalt  }
0x49: {  	_ =	shalt  }
0x4a: {  	_ =	shalt  }
0x4b: {  	_ =	shalt  }
0x4c: {  	_ =	shalt  }
0x4d: {  	_ =	shalt  }
0x4e: {  	_ =	shalt  }
0x4f: {  	_ =	shalt  }
0x50: {  	_ =	shalt  }
0x51: {  	_ =	shalt  }
0x52: {  	_ =	shalt  }
0x53: {  	_ =	shalt  }
0x54: {  	_ =	shalt  }
0x55: {  	_ =	shalt  }
0x56: {  	_ =	shalt  }
0x57: {  	_ =	shalt  }
0x58: {  	_ =	shalt  }
0x59: {  	_ =	shalt  }
0x5a: {  	_ =	shalt  }
0x5b: {  	_ =	shalt  }
0x5c: {  	_ =	shalt  }
0x5d: {  	_ =	shalt  }
0x5e: {  	_ =	shalt  }
0x5f: {  	_ =	shalt  }
0x60: {  	_ =	shalt  }
0x61: {  	_ =	shalt  }
0x62: {  	_ =	shalt  }
0x63: {  	_ =	shalt  }
0x64: {  	_ =	shalt  }
0x65: {  	_ =	shalt  }
0x66: {  	_ =	shalt  }
0x67: {  	_ =	shalt  }
0x68: {  	_ =	shalt  }
0x69: {  	_ =	shalt  }
0x6a: {  	_ =	shalt  }
0x6b: {  	_ =	shalt  }
0x6c: {  	_ =	shalt  }
0x6d: {  	_ =	shalt  }
0x6e: {  	_ =	shalt  }
0x6f: {  	_ =	shalt  }
0x70: {  	_ =	shalt  }
0x71: {  	_ =	shalt  }
0x72: {  	_ =	shalt  }
0x73: {  	_ =	shalt  }
0x74: {  	_ =	shalt  }
0x75: {  	_ =	shalt  }
0x76: {  	_ =	shalt  }
0x77: {  	_ =	shalt  }
0x78: {  	_ =	shalt  }
0x79: {  	_ =	shalt  }
0x7a: {  	_ =	shalt  }
0x7b: {  	_ =	shalt  }
0x7c: {  	_ =	shalt  }
0x7d: {  	_ =	shalt  }
0x7e: {  	_ =	shalt  }
0x7f: {  	_ =	shalt  }
0x80: {  	_ =	shalt  }
0x81: {  	_ =	shalt  }
0x82: {  	_ =	shalt  }
0x83: {  	_ =	shalt  }
0x84: {  	_ =	shalt  }
0x85: {  	_ =	shalt  }
0x86: {  	_ =	shalt  }
0x87: {  	_ =	shalt  }
.Lfunc_end0:
.L_simem_size_0:
called_computation_lowered:
.L_overlay_start_0:
0x88: {  	s2 =	sld [smem:$0x3FD9]  }
0x89: {  	s3 =	sld [smem:$0x3FFE];
	_ =	sdelay $0x1  }
0x8a: {  	s1 =	srdreg.scid  }
0x8b: {  	s0 =	sand.u32 $0x1, s1  }
0x8c: {  	s18 =	sshll.u32 s0, $0xA;
	s2 =	sadd.s32 s3, s2  }
0x8d: {  	s2 =	sadd.s32 s2, s18  }
0x8e: {  	[smem:$0x3FC7] =	sst s2  }
0x8f: {  	_ = 	snop  }
0x90: {  	s2 =	sld [smem:$0x3FC9]  }
0x91: {  	s19 =	sld [smem:$0x3FD0];
	(tm) =	ssettm $0x1  }
0x92: {  	s4 =	sld [smem:$0x3FFB];
	_ =	sdelay $0x3  }
0x93: {  	_ =	strace s4  }
0x94: {  	s4 =	sld [smem:$0x3FFC];
	_ =	sdelay $0x3  }
0x95: {  	_ =	strace s4  }
0x96: {  	s4 =	sld [smem:$0x3FFD];
	_ =	sdelay $0x3  }
0x97: {  	_ =	strace s4  }
0x98: {  	_ =	strace $0x8FFFFFFF  }
0x99: {  	s20 =	sld [smem:$0x3FDB];
	_ =	sdelay $0x1  }
0x9a: {  	s5 =	simm.s32 $_scs_section_size  }
0x9b: {  	s6 =	simm.s32 $_size__tile_overlayer_lowered;
	s7 =	simm.s32 $_tile_overlayer_lowered  }
0x9c: {  	s23 =	simm.s32 $0x1BFF;
	s22 =	sshll.u32 s7, $0x1;
	s4 =	sadd.s32 s5, s20  }
0x9d: {  	s8 =	simm.s32 $0x0;
	s21 =	sshll.u32 s6, $0x1;
	s6 =	sadd.s32 s22, s4  }
0x9e: {  	[timem:s8], [sflag:s23] =	dma.local [hbm:s6], s21  }
0x9f: {  	_ =	swait.ge [sflag:s23], s21  }
0xa0: {  	s5 =	ssub.s32 $0x0, s21;
	[sflag:s23] =	ssyncset.done $0x0  }
0xa1: {  	[sflag:s23] =	ssyncadd.s32 s5;
	_ =	sdelay $0x1  }
0xa2: {  	s24 =	simm.s32 $0x1B8B  }
0xa3: {  	_ =	swait.ge [sflag:s24], $0x1  }
0xa4: {  	[sflag:s24] =	ssyncset.done $0x0  }
0xa5: {  	s25 =	simm.s32 $0x1B8E;
	[sflag:s24] =	ssyncadd.s32 $0xFFFFFFFF  }
0xa6: {  	s26 =	simm.s32 $execute0_lowered;
	[smem:$0x3FD2] =	sst s25  }
0xa7: {  	s5 =	sshll.u32 s26, $0x1;
	_ =	strace $0x80000046;
	[dreg:$0x1] =	wrdreg $0xFFFFFFFF  }
0xa8: {  	s28 =	simm.s32 $_size_execute0_lowered;
	s4 =	sadd.s32 s4, s5;
	[dreg:$0x0] =	wrdreg $0x0  }
0xa9: {  	s5 =	sshll.u32 s28, $0x1;
	[dreg:$0x2] =	wrdreg s4  }
0xaa: {  	[dreg:$0x3] =	wrdreg s5  }
0xab: {  	[dreg:$0x4] =	wrdreg $0xC0  }
0xac: {  	_ =	task [dreg:s8], $0x5FFFF  }
0xad: {  	[dreg:$0x1] =	wrdreg $0xFFFFFFFF  }
0xae: {  	[dreg:$0x0] =	wrdreg $0x60  }
0xaf: {  	[dreg:$0x2] =	wrdreg s2  }
0xb0: {  	[dreg:$0x3] =	wrdreg s19  }
0xb1: {  	[dreg:$0x4] =	wrdreg $0x9  }
0xb2: {  	_ =	task.clear_ibuf [dreg:s8], $0x5FFFF;
	_ =	strace $0x90000046  }
0xb3: {  	s29 =	simm.s32 $0x9;
	_ =	strace $0x80000048  }
0xb4: {  	_ =	swait.ge [sflag:s29], $0x1  }
0xb5: {  	[sflag:s29] =	ssyncadd.s32 $0xFFFFFFFF  }
0xb6: {  	_ =	strace $0x90000048  }
0xb7: {  	_ =	sfence  }
0xb8: {  	s30 =	sld [smem:$0x0];
	_ =	sdelay $0x2  }
0xb9: {  	s31 =	sshll.u32 s1, $0xD;
	s1 =	sshrl.u32 s1, $0x2  }
0xba: {  	s3 =	sand.u32 $0x4000, s31;
	s1 =	sadd.s32 s1, s30  }
0xbb: {  	s0 =	sor.u32 s3, s0;
	s1 =	sshll.u32 s1, $0x11  }
0xbc: {  	s0 =	sor.u32 s1, s0  }
0xbd: {  	s0 =	sadd.s32 $0x8F2B, s0  }
0xbe: {  	[sflag:s0] =	ssyncadd.remote.s32 $0x1  }
0xbf: {  	_ =	sfence.sel $0xFFFF  }
0xc0: {  	[dreg:$0x0] =	wrdreg $0xFFFFFFFF;
	(pc) =	sbr.abs _section_cstart, $3  }
0xc1: {  	[dreg:$0x1] =	wrdreg $0xFFFFFFFF  }
0xc2: {  	_ =	task.clear_ibuf [dreg:s8], $0x2FFFF;
	_ =	strace $0x9FFFFFFF  }
0xc3: {  	(tm) =	ssettm $0x7FFFFFFF  }
tec
execute0_lowered:
.L_overlay_start_1:
0x0: {  	(tag) =	ssettag $0x1  }
0x1: {  	s8 =	rddreg [dreg:$0x0]  }
0x2: {  	v0 =	vimm.s32 $0xEFCDAB89;
	v1 =	vimm.s32 $0x67452301;
	s10 =	rddreg [dreg:$0x1]  }
0x3: {  	s0 =	rddreg [dreg:$0x2];
	s3 =	srdreg.scid;
	v3 =	vimm.s32 $0xDCFE98BA;
	v4 =	vimm.s32 $0xBA98FEDC;
	v5 =	vimm.s32 $0xFEDCBA98  }
0x4: {  	s2 =	simm.s32 $0x0;
	s1 =	stileid.u32;
	v6 =	vimm.s32 $0x32107654;
	s14 =	simm.s32 $0x1;
	v0 =	vunpack.c.l.s4.s8 v0;
	v1 =	vunpack.c.l.s4.s8 v1  }
0x5: {  	v7 =	vimm.s32 $0x76543210;
	s15 =	simm.s32 $0x8080;
	s16 =	simm.s32 $0x18180;
	s17 =	simm.s32 $0x10100  }
0x6: {  	s18 =	simm.s32 $0x2;
	s19 =	simm.s32 $0x18700;
	s20 =	simm.s32 $0x3;
	v5 =	vunpack.c.l.s4.s8 v5;
	v2 =	vunpack.c.0.s8.s32 v0;
	v1 =	vunpack.c.0.s8.s32 v1  }
0x7: {  	s21 =	simm.s32 $0x0;
	s3 =	sand.u32 $0x1, s3;
	s5 =	sshll.u32 s1, $0xF;
	v4 =	vunpack.c.l.s4.s8 v4;
	v6 =	vunpack.c.l.s4.s8 v6;
	v7 =	vunpack.c.l.s4.s8 v7  }
0x8: {  	[smem:$0x7FF] =	sst s2;
	s4 =	ssub.s32 $0x2, s3;
	s3 =	sshll.u32 s3, $0x6;
	v1 =	vcombine.low v1, v2;
	v2 =	vunpack.c.l.s4.s8 v3;
	v3 =	vimm.s32 $0x54761032  }
0x9: {  	_ =	strace $0x80000047;
	s6 =	sshrl.u32 s4, $0x1;
	s7 =	sor.u32 s3, s5;
	v5 =	vunpack.c.0.s8.s32 v5;
	v3 =	vunpack.c.l.s4.s8 v3  }
0xa: {  	v4 =	vunpack.c.0.s8.s32 v4;
	v6 =	vunpack.c.0.s8.s32 v6;
	v7 =	vunpack.c.0.s8.s32 v7;
	s11 =	ssub.s32 s4, s6;
	s9 =	sor.u32 $0x10, s7;
	s3 =	sadd.s32 s8, s7  }
0xb: {  	s12 =	sor.u32 $0x20, s7;
	s5 =	sadd.s32 s10, s7;
	s13 =	sor.u32 $0x30, s7;
	v5 =	vand.u32 $0xF, v5;
	v8 =	vunpack.c.0.s8.s32 v2;
	v3 =	vunpack.c.0.s8.s32 v3  }
0xc: {  	v0 =	vimm.f32 $-1.000000020e+30;
	s4 =	sadd.s32 s8, s9;
	s6 =	sadd.s32 s8, s12;
	s7 =	sadd.s32 s10, s9;
	v4 =	vcombine.low v6, v4;
	v5 =	vcombine.low v5, v7  }
0xd: {  	s8 =	sadd.s32 s8, s13;
	s9 =	sadd.s32 s10, s12;
	s10 =	sadd.s32 s10, s13;
	v7 =	vimm.s32 $0x0;
	v3 =	vcombine.low v3, v8;
	v8 =	vlaneseq.u32  }
0xe: {  	s11 =	smax.u32 s11, $0x1;
	s12 =	simm.s32 $0x80;
	s13 =	simm.s32 $0x400;
	v2 =	vimm.f32 $0.0e+00;
	v6 =	vor.u32 $0x510, v8;
	v8 =	vor.u32 $0x400, v8  }
.LBB2_1:
0xf: {  	[tilespmem:$0x8000] =	vst v0  }
0x10: {  	[tilespmem:$0x10080] =	vst v0;
	s22 =	simm.s32 $0x0;
	s23 =	simm.s32 $0x400  }
.LBB2_2:
0x11: {  	p0 =	sne.s32 s23, $0x1FC00;
	[tilespmem:s22+$0x101F0] =	vst v2  }
0x12: {  	[tilespmem:s22+$0x10100] =	vst v2  }
0x13: {  	[tilespmem:s22+$0x10110] =	vst v2  }
0x14: {  	[tilespmem:s22+$0x10120] =	vst v2  }
0x15: {  	[tilespmem:s22+$0x10130] =	vst v2  }
0x16: {  	[tilespmem:s22+$0x10140] =	vst v2  }
0x17: {  	[tilespmem:s22+$0x10150] =	vst v2  }
0x18: {  	[tilespmem:s22+$0x10160] =	vst v2  }
0x19: {  	[tilespmem:s22+$0x10170] =	vst v2  }
0x1a: {  	[tilespmem:s22+$0x10180] =	vst v2  }
0x1b: {  	[tilespmem:s22+$0x10190] =	vst v2  }
.Ltmp0:
0x1c: {  	[tilespmem:s22+$0x101A0] =	vst v2;
	(pc) =	sbr.rel @p0 .LBB2_2-.Ltmp0, $4  }
0x1d: {  	[tilespmem:s22+$0x101B0] =	vst v2  }
0x1e: {  	[tilespmem:s22+$0x101C0] =	vst v2  }
0x1f: {  	[tilespmem:s22+$0x101D0] =	vst v2  }
0x20: {  	[tilespmem:s22+$0x101E0] =	vst v2;
	s22 =	sshra.s32 s23, $0x2;
	s23 =	sadd.s32 $0x400, s23  }
0x21: {  	[tilespmem:s22+$0x101F0] =	vst v2  }
0x22: {  	[tilespmem:s22+$0x10100] =	vst v2  }
0x23: {  	[tilespmem:s22+$0x10110] =	vst v2  }
0x24: {  	[tilespmem:s22+$0x10120] =	vst v2  }
0x25: {  	[tilespmem:s22+$0x10130] =	vst v2  }
0x26: {  	[tilespmem:s22+$0x10140] =	vst v2  }
0x27: {  	[tilespmem:s22+$0x10150] =	vst v2  }
0x28: {  	[tilespmem:s22+$0x10160] =	vst v2  }
0x29: {  	[tilespmem:s22+$0x10170] =	vst v2  }
0x2a: {  	[tilespmem:s22+$0x10180] =	vst v2  }
0x2b: {  	[tilespmem:s22+$0x10190] =	vst v2  }
0x2c: {  	[tilespmem:s22+$0x101A0] =	vst v2  }
0x2d: {  	[tilespmem:s22+$0x101B0] =	vst v2  }
0x2e: {  	[tilespmem:s22+$0x101C0] =	vst v2  }
0x2f: {  	[tilespmem:s22+$0x101D0] =	vst v2  }
0x30: {  	[tilespmem:s22+$0x101E0] =	vst v2  }
0x31: {  	s22 =	simm.s32 $0x0;
	[tilespmem:$0x18100] =	vst v2  }
0x32: {  	[tilespmem:s22], [sflag:$0x1] =	stream.strided.gather [hbm4b:s3+s12], $0x8000, s13, s12, $0x38;
	[tilespmem:$0x18C80] =	vst v63  }
0x33: {  	_ =	swait.ge [sflag:s14], $0x8000  }
0x34: {  	[sflag:s14] =	ssyncset.done $0x0  }
0x35: {  	v9 =	vlaneseq.u32;
	[sflag:s14] =	ssyncadd.s32 $0xFFFF8000  }
0x36: {  	v10 =	vor.u32 $0x8000, v9;
	[tilespmem:s15], [sflag:$0x2] =	stream.strided.gather [hbm4b:s4+s12], $0x8000, s13, s12, $0x38;
	[tilespmem:$0x18C80] =	vst v63  }
0x37: {  	[tilespmem:$0x18180] =	vst v10  }
0x38: {  	[tilespmem:$0x18190] =	vst v10  }
0x39: {  	[tilespmem:$0x181A0] =	vst v10  }
0x3a: {  	[tilespmem:$0x181B0] =	vst v10  }
0x3b: {  	[tilespmem:$0x181C0] =	vst v10  }
0x3c: {  	[tilespmem:$0x181D0] =	vst v10  }
0x3d: {  	[tilespmem:$0x181E0] =	vst v10  }
0x3e: {  	[tilespmem:$0x181F0] =	vst v10  }
0x3f: {  	[tilespmem:$0x18200] =	vst v10  }
0x40: {  	[tilespmem:$0x18210] =	vst v10  }
0x41: {  	[tilespmem:$0x18220] =	vst v10  }
0x42: {  	[tilespmem:$0x18230] =	vst v10  }
0x43: {  	[tilespmem:$0x18240] =	vst v10  }
0x44: {  	[tilespmem:$0x18250] =	vst v10  }
0x45: {  	[tilespmem:$0x18260] =	vst v10  }
0x46: {  	v11 =	vld [tilespmem:$0x0];
	[tilespmem:$0x18270] =	vst v10  }
0x47: {  	v12 =	vld [tilespmem:$0x400];
	[tilespmem:$0x18280] =	vst v10  }
0x48: {  	v13 =	vld [tilespmem:$0x800];
	[tilespmem:$0x18290] =	vst v10  }
0x49: {  	v14 =	vld [tilespmem:$0xC00];
	[tilespmem:$0x182A0] =	vst v10  }
0x4a: {  	v15 =	vld [tilespmem:$0x1000];
	[tilespmem:$0x182B0] =	vst v10  }
0x4b: {  	v16 =	vld [tilespmem:$0x1400];
	[tilespmem:$0x182C0] =	vst v10  }
0x4c: {  	v38 =	vld [tilespmem:$0x1800];
	[tilespmem:$0x182D0] =	vst v10;
	v11 =	vmax.f32 v11, v12  }
0x4d: {  	v39 =	vld [tilespmem:$0x1C00];
	[tilespmem:$0x182E0] =	vst v10;
	v11 =	vmax.f32 v11, v13  }
0x4e: {  	v40 =	vld [tilespmem:$0x2000];
	[tilespmem:$0x182F0] =	vst v10;
	v11 =	vmax.f32 v11, v14  }
0x4f: {  	v41 =	vld [tilespmem:$0x2400];
	[tilespmem:$0x18300] =	vst v10;
	v11 =	vmax.f32 v11, v15  }
0x50: {  	v42 =	vld [tilespmem:$0x2800];
	[tilespmem:$0x18310] =	vst v10;
	v11 =	vmax.f32 v11, v16  }
0x51: {  	v43 =	vld [tilespmem:$0x2C00];
	[tilespmem:$0x18320] =	vst v10;
	v11 =	vmax.f32 v11, v38  }
0x52: {  	v44 =	vld [tilespmem:$0x3000];
	[tilespmem:$0x18330] =	vst v10;
	v11 =	vmax.f32 v11, v39  }
0x53: {  	v45 =	vld [tilespmem:$0x3400];
	[tilespmem:$0x18340] =	vst v10;
	v11 =	vmax.f32 v11, v40  }
0x54: {  	v46 =	vld [tilespmem:$0x3800];
	[tilespmem:$0x18350] =	vst v10;
	v11 =	vmax.f32 v11, v41  }
0x55: {  	v47 =	vld [tilespmem:$0x3C00];
	[tilespmem:$0x18360] =	vst v10;
	v11 =	vmax.f32 v11, v42  }
0x56: {  	v48 =	vld [tilespmem:$0x4000];
	[tilespmem:$0x18370] =	vst v10;
	v11 =	vmax.f32 v11, v43  }
0x57: {  	v49 =	vld [tilespmem:$0x4400];
	[tilespmem:$0x18380] =	vst v10;
	v11 =	vmax.f32 v11, v44  }
0x58: {  	v50 =	vld [tilespmem:$0x4800];
	[tilespmem:$0x18390] =	vst v10;
	v11 =	vmax.f32 v11, v45  }
0x59: {  	v51 =	vld [tilespmem:$0x4C00];
	[tilespmem:$0x183A0] =	vst v10;
	v11 =	vmax.f32 v11, v46  }
0x5a: {  	v52 =	vld [tilespmem:$0x5000];
	[tilespmem:$0x183B0] =	vst v10;
	v11 =	vmax.f32 v11, v47  }
0x5b: {  	v53 =	vld [tilespmem:$0x5400];
	[tilespmem:$0x183C0] =	vst v10;
	v11 =	vmax.f32 v11, v48  }
0x5c: {  	v54 =	vld [tilespmem:$0x5800];
	[tilespmem:$0x183D0] =	vst v10;
	v11 =	vmax.f32 v11, v49  }
0x5d: {  	v55 =	vld [tilespmem:$0x5C00];
	[tilespmem:$0x183E0] =	vst v10;
	v11 =	vmax.f32 v11, v50  }
0x5e: {  	v56 =	vld [tilespmem:$0x6000];
	[tilespmem:$0x183F0] =	vst v10;
	v11 =	vmax.f32 v11, v51  }
0x5f: {  	v57 =	vld [tilespmem:$0x6400];
	[tilespmem:$0x18400] =	vst v10;
	v11 =	vmax.f32 v11, v52  }
0x60: {  	v58 =	vld [tilespmem:$0x6800];
	[tilespmem:$0x18410] =	vst v10;
	v11 =	vmax.f32 v11, v53  }
0x61: {  	v59 =	vld [tilespmem:$0x6C00];
	[tilespmem:$0x18420] =	vst v10;
	v11 =	vmax.f32 v11, v54  }
0x62: {  	v60 =	vld [tilespmem:$0x7000];
	[tilespmem:$0x18430] =	vst v10;
	v11 =	vmax.f32 v11, v55  }
0x63: {  	v61 =	vld [tilespmem:$0x7400];
	[tilespmem:$0x18440] =	vst v10;
	v11 =	vmax.f32 v11, v56  }
0x64: {  	v62 =	vld [tilespmem:$0x7800];
	[tilespmem:$0x18450] =	vst v10;
	v11 =	vmax.f32 v11, v57  }
0x65: {  	v63 =	vld [tilespmem:$0x7C00];
	[tilespmem:$0x18460] =	vst v10;
	v11 =	vmax.f32 v11, v58  }
0x66: {  	[tilespmem:$0x18470] =	vst v10;
	v11 =	vmax.f32 v11, v59  }
0x67: {  	[tilespmem:$0x18480] =	vst v10;
	v11 =	vmax.f32 v11, v60  }
0x68: {  	[tilespmem:$0x18490] =	vst v10;
	v11 =	vmax.f32 v11, v61  }
0x69: {  	[tilespmem:$0x184A0] =	vst v10;
	v11 =	vmax.f32 v11, v62  }
0x6a: {  	[tilespmem:$0x184B0] =	vst v10;
	v11 =	vmax.f32 v11, v63  }
0x6b: {  	[tilespmem:$0x184C0] =	vst v10;
	v12 =	vperm.xlane v11, v1  }
0x6c: {  	[tilespmem:$0x184D0] =	vst v10  }
0x6d: {  	[tilespmem:$0x184E0] =	vst v10;
	v11 =	vmax.f32 v11, v12  }
0x6e: {  	[tilespmem:$0x184F0] =	vst v10;
	v12 =	vperm.xlane v11, v3  }
0x6f: {  	[tilespmem:$0x18500] =	vst v10  }
0x70: {  	[tilespmem:$0x18510] =	vst v10;
	v11 =	vmax.f32 v11, v12  }
0x71: {  	[tilespmem:$0x18520] =	vst v10;
	v12 =	vperm.xlane v11, v4  }
0x72: {  	[tilespmem:$0x18530] =	vst v10  }
0x73: {  	[tilespmem:$0x18540] =	vst v10;
	v11 =	vmax.f32 v11, v12  }
0x74: {  	[tilespmem:$0x18550] =	vst v10;
	v12 =	vperm.xlane v11, v5  }
0x75: {  	[tilespmem:$0x18560] =	vst v10  }
0x76: {  	[tilespmem:$0x18570] =	vst v10;
	v10 =	vmax.f32 v11, v12;
	v11 =	vlaneseq.u32  }
.LBB2_4:
0x77: {  	s23 =	sshra.s32 s22, $0x2  }
0x78: {  	v12 =	vld [tilespmem:s23+$0x0];
	_ =	sdelay $0x2  }
0x79: {  	v13 =	vadd.f32 $-1.000000000e+00, v10;
	_ =	sdelay $0x1  }
0x7a: {  	vm0 =	vgt.f32 v12, v13  }
0x7b: {  	v14 =	vsel vm0, v11, v6;
	_ =	sdelay $0x4  }
0x7c: {  	[tilespmem:v14+s16+$0x0] =	vst.idx.msk $0xffff, v9  }
0x7d: {  	v14 =	vld [tilespmem:s23+$0x10];
	_ =	sdelay $0x3  }
0x7e: {  	v15 =	vsel vm0, $0x10, v7  }
0x7f: {  	v11 =	vadd.s32 v11, v15;
	vm12 =	vgt.f32 v14, v13  }
0x80: {  	v15 =	vsel vm12, v11, v6;
	_ =	sdelay $0x3  }
0x81: {  	v16 =	vadd.s32 $0x10, v9  }
0x82: {  	[tilespmem:v15+s16+$0x0] =	vst.idx.msk $0xffff, v16  }
0x83: {  	v15 =	vld [tilespmem:s23+$0x20];
	_ =	sdelay $0x3  }
0x84: {  	v34 =	vsel vm12, $0x10, v7  }
0x85: {  	v11 =	vadd.s32 v11, v34;
	vm13 =	vgt.f32 v15, v13  }
0x86: {  	v16 =	vsel vm13, v11, v6;
	_ =	sdelay $0x3  }
0x87: {  	v17 =	vadd.s32 $0x20, v9  }
0x88: {  	[tilespmem:v16+s16+$0x0] =	vst.idx.msk $0xffff, v17  }
0x89: {  	v16 =	vld [tilespmem:s23+$0x30];
	_ =	sdelay $0x3  }
0x8a: {  	v35 =	vsel vm13, $0x10, v7  }
0x8b: {  	v11 =	vadd.s32 v11, v35;
	vm14 =	vgt.f32 v16, v13  }
0x8c: {  	v17 =	vsel vm14, v11, v6;
	_ =	sdelay $0x3  }
0x8d: {  	v18 =	vadd.s32 $0x30, v9  }
0x8e: {  	[tilespmem:v17+s16+$0x0] =	vst.idx.msk $0xffff, v18  }
0x8f: {  	v17 =	vld [tilespmem:s23+$0x40];
	_ =	sdelay $0x3  }
0x90: {  	v36 =	vsel vm14, $0x10, v7  }
0x91: {  	v11 =	vadd.s32 v11, v36;
	vm15 =	vgt.f32 v17, v13  }
0x92: {  	v18 =	vsel vm15, v11, v6;
	_ =	sdelay $0x3  }
0x93: {  	v19 =	vadd.s32 $0x40, v9  }
0x94: {  	[tilespmem:v18+s16+$0x0] =	vst.idx.msk $0xffff, v19  }
0x95: {  	v18 =	vld [tilespmem:s23+$0x50];
	_ =	sdelay $0x3  }
0x96: {  	v37 =	vsel vm15, $0x10, v7  }
0x97: {  	v11 =	vadd.s32 v11, v37;
	vm4 =	vgt.f32 v18, v13  }
0x98: {  	v19 =	vsel vm4, v11, v6;
	_ =	sdelay $0x3  }
0x99: {  	v20 =	vadd.s32 $0x50, v9  }
0x9a: {  	[tilespmem:v19+s16+$0x0] =	vst.idx.msk $0xffff, v20  }
0x9b: {  	v19 =	vld [tilespmem:s23+$0x60];
	_ =	sdelay $0x3  }
0x9c: {  	v38 =	vsel vm4, $0x10, v7  }
0x9d: {  	v11 =	vadd.s32 v11, v38;
	vm5 =	vgt.f32 v19, v13  }
0x9e: {  	v20 =	vsel vm5, v11, v6;
	_ =	sdelay $0x3  }
0x9f: {  	v21 =	vadd.s32 $0x60, v9  }
0xa0: {  	[tilespmem:v20+s16+$0x0] =	vst.idx.msk $0xffff, v21  }
0xa1: {  	v20 =	vld [tilespmem:s23+$0x70];
	_ =	sdelay $0x3  }
0xa2: {  	v39 =	vsel vm5, $0x10, v7  }
0xa3: {  	v11 =	vadd.s32 v11, v39;
	vm6 =	vgt.f32 v20, v13  }
0xa4: {  	v21 =	vsel vm6, v11, v6;
	_ =	sdelay $0x3  }
0xa5: {  	v22 =	vadd.s32 $0x70, v9  }
0xa6: {  	[tilespmem:v21+s16+$0x0] =	vst.idx.msk $0xffff, v22  }
0xa7: {  	v21 =	vld [tilespmem:s23+$0x80];
	_ =	sdelay $0x3  }
0xa8: {  	v40 =	vsel vm6, $0x10, v7  }
0xa9: {  	v11 =	vadd.s32 v11, v40;
	vm7 =	vgt.f32 v21, v13  }
0xaa: {  	v22 =	vsel vm7, v11, v6;
	_ =	sdelay $0x3  }
0xab: {  	v23 =	vadd.s32 $0x80, v9  }
0xac: {  	[tilespmem:v22+s16+$0x0] =	vst.idx.msk $0xffff, v23  }
0xad: {  	v22 =	vld [tilespmem:s23+$0x90];
	_ =	sdelay $0x3  }
0xae: {  	v41 =	vsel vm7, $0x10, v7  }
0xaf: {  	v11 =	vadd.s32 v11, v41;
	vm8 =	vgt.f32 v22, v13  }
0xb0: {  	v23 =	vsel vm8, v11, v6;
	_ =	sdelay $0x3  }
0xb1: {  	v24 =	vadd.s32 $0x90, v9  }
0xb2: {  	[tilespmem:v23+s16+$0x0] =	vst.idx.msk $0xffff, v24  }
0xb3: {  	v23 =	vld [tilespmem:s23+$0xA0];
	_ =	sdelay $0x3  }
0xb4: {  	v42 =	vsel vm8, $0x10, v7  }
0xb5: {  	v11 =	vadd.s32 v11, v42;
	vm9 =	vgt.f32 v23, v13  }
0xb6: {  	v24 =	vsel vm9, v11, v6;
	_ =	sdelay $0x3  }
0xb7: {  	v25 =	vadd.s32 $0xA0, v9  }
0xb8: {  	[tilespmem:v24+s16+$0x0] =	vst.idx.msk $0xffff, v25  }
0xb9: {  	v24 =	vld [tilespmem:s23+$0xB0];
	_ =	sdelay $0x3  }
0xba: {  	v43 =	vsel vm9, $0x10, v7  }
0xbb: {  	v11 =	vadd.s32 v11, v43;
	vm10 =	vgt.f32 v24, v13  }
0xbc: {  	v25 =	vsel vm10, v11, v6;
	_ =	sdelay $0x3  }
0xbd: {  	v26 =	vadd.s32 $0xB0, v9  }
0xbe: {  	[tilespmem:v25+s16+$0x0] =	vst.idx.msk $0xffff, v26  }
0xbf: {  	v25 =	vld [tilespmem:s23+$0xC0];
	_ =	sdelay $0x3  }
0xc0: {  	v44 =	vsel vm10, $0x10, v7  }
0xc1: {  	v11 =	vadd.s32 v11, v44;
	vm11 =	vgt.f32 v25, v13  }
0xc2: {  	v26 =	vsel vm11, v11, v6;
	_ =	sdelay $0x3  }
0xc3: {  	v27 =	vadd.s32 $0xC0, v9  }
0xc4: {  	[tilespmem:v26+s16+$0x0] =	vst.idx.msk $0xffff, v27  }
0xc5: {  	v26 =	vld [tilespmem:s23+$0xD0];
	_ =	sdelay $0x3  }
0xc6: {  	v45 =	vsel vm11, $0x10, v7  }
0xc7: {  	v11 =	vadd.s32 v11, v45;
	vm12 =	vgt.f32 v26, v13  }
0xc8: {  	v27 =	vsel vm12, v11, v6;
	_ =	sdelay $0x3  }
0xc9: {  	v28 =	vadd.s32 $0xD0, v9  }
0xca: {  	[tilespmem:v27+s16+$0x0] =	vst.idx.msk $0xffff, v28  }
0xcb: {  	v27 =	vld [tilespmem:s23+$0xE0];
	_ =	sdelay $0x3  }
0xcc: {  	v46 =	vsel vm12, $0x10, v7  }
0xcd: {  	v11 =	vadd.s32 v11, v46;
	vm13 =	vgt.f32 v27, v13  }
0xce: {  	v28 =	vsel vm13, v11, v6;
	_ =	sdelay $0x3  }
0xcf: {  	v29 =	vadd.s32 $0xE0, v9  }
0xd0: {  	[tilespmem:v28+s16+$0x0] =	vst.idx.msk $0xffff, v29  }
0xd1: {  	v28 =	vld [tilespmem:s23+$0xF0];
	_ =	sdelay $0x1  }
0xd2: {  	v12 =	vmax.f32 v12, v14;
	v47 =	vmax.f32 v15, v16  }
0xd3: {  	v12 =	vmax.f32 v12, v47  }
0xd4: {  	v48 =	vmax.f32 v17, v18;
	v49 =	vmax.f32 v19, v20;
	v50 =	vmax.f32 v21, v22  }
0xd5: {  	v51 =	vmax.f32 v23, v24;
	v52 =	vmax.f32 v25, v26;
	v53 =	vmax.f32 v27, v28  }
0xd6: {  	v54 =	vmax.f32 v48, v49;
	v55 =	vmax.f32 v50, v51;
	v56 =	vmax.f32 v52, v53  }
0xd7: {  	v12 =	vmax.f32 v12, v54;
	v57 =	vmax.f32 v55, v56  }
0xd8: {  	v12 =	vmax.f32 v12, v57  }
0xd9: {  	v14 =	vperm.xlane v12, v1;
	_ =	sdelay $0x1  }
0xda: {  	v12 =	vmax.f32 v12, v14  }
0xdb: {  	v14 =	vperm.xlane v12, v3;
	_ =	sdelay $0x1  }
0xdc: {  	v58 =	vsel vm13, $0x10, v7;
	v12 =	vmax.f32 v12, v14  }
0xdd: {  	v11 =	vadd.s32 v11, v58;
	vm14 =	vgt.f32 v28, v13;
	v59 =	vperm.xlane v12, v4  }
0xde: {  	p0 =	sne.s32 s22, $0x1FC00;
	v60 =	vsel vm14, v11, v6  }
.Ltmp1:
0xdf: {  	v12 =	vmax.f32 v12, v59;
	(pc) =	sbr.rel @p0 .LBB2_4-.Ltmp1, $4  }
0xe0: {  	v61 =	vsel vm14, $0x10, v7;
	v62 =	vperm.xlane v12, v5  }
0xe1: {  	v11 =	vadd.s32 v11, v61  }
0xe2: {  	v63 =	vadd.s32 $0xF0, v9;
	vm15 =	vlt.s32 v11, v8;
	v12 =	vmax.f32 v12, v62  }
0xe3: {  	s22 =	sadd.s32 $0x400, s22;
	v9 =	vadd.s32 $0x100, v9;
	v11 =	vsel vm15, v11, v8;
	[tilespmem:v60+s16+$0x0] =	vst.idx.msk $0xffff, v63;
	v10 =	vmax.f32 v10, v12  }
0xe4: {  	v12 =	vadd.f32 $-1.000000000e+00, v10;
	s22 =	simm.s32 $0x0  }
.LBB2_6:
0xe5: {  	s23 =	simm.s32 $0x0  }
0xe6: {  	v9 =	vld [tilespmem:s23+$0x18180]  }
0xe7: {  	v10 =	vld [tilespmem:s23+$0x18190]  }
0xe8: {  	v11 =	vld [tilespmem:s23+$0x181A0]  }
0xe9: {  	v13 =	vld [tilespmem:s23+$0x181B0]  }
0xea: {  	s30 =	simm.s32 $0x40  }
0xeb: {  	v14 =	vld [tilespmem:s30+$0x18180]  }
0xec: {  	v16 =	vld [tilespmem:s30+$0x18190]  }
0xed: {  	v22 =	vld [tilespmem:s30+$0x181A0]  }
0xee: {  	v9 =	vld.idx.msk [tilespmem:v9+s2+$0x0], $0xffff  }
0xef: {  	v17 =	vld.idx.msk [tilespmem:v10+s2+$0x0], $0xffff  }
0xf0: {  	v11 =	vld.idx.msk [tilespmem:v11+s2+$0x0], $0xffff  }
0xf1: {  	v24 =	vld.idx.msk [tilespmem:v13+s2+$0x0], $0xffff  }
0xf2: {  	s31 =	simm.s32 $0x80;
	v15 =	vld [tilespmem:s30+$0x181B0]  }
0xf3: {  	v18 =	vld [tilespmem:s31+$0x18180]  }
0xf4: {  	v19 =	vld [tilespmem:s31+$0x18190]  }
0xf5: {  	v23 =	vimm.f32 $0.0e+00;
	v10 =	vld.idx.msk [tilespmem:v14+s2+$0x0], $0xffff;
	vm0 =	vgt.f32 v9, v12;
	vm1 =	vgt.f32 v17, v12  }
0xf6: {  	vm14 =	vgt.f32 v11, v12;
	vm15 =	vgt.f32 v24, v12;
	v13 =	vnsel vm0, $0x0, v9;
	v9 =	vld.idx.msk [tilespmem:v16+s2+$0x0], $0xffff  }
0xf7: {  	v20 =	vsel vm0, $0x3F800000, v2;
	v14 =	vsel vm1, $0x3F800000, v2;
	v17 =	vnsel vm1, $0x0, v17;
	v16 =	vld [tilespmem:s31+$0x181A0]  }
0xf8: {  	v25 =	vnsel vm14, $0x0, v11;
	v11 =	vld.idx.msk [tilespmem:v22+s2+$0x0], $0xffff;
	v22 =	vnsel vm15, $0x0, v24;
	v13 =	vadd.f32 v13, v23  }
0xf9: {  	v24 =	vsel vm15, $0x3F800000, v2;
	v21 =	vadd.f32 v14, v23;
	v14 =	vadd.f32 v17, v23;
	v17 =	vld [tilespmem:s31+$0x181B0]  }
0xfa: {  	s23 =	simm.s32 $0x300;
	v20 =	vadd.f32 v20, v23;
	v23 =	vsel vm14, $0x3F800000, v2;
	v13 =	vadd.f32 v25, v13  }
.LBB2_7:
0xfb: {  	s24 =	sshra.s32 s23, $0x2;
	p0 =	sne.s32 s23, $0xF00;
	s23 =	sadd.s32 $0x100, s23;
	v25 =	vld.idx.msk [tilespmem:v15+s2+$0x0], $0xffff;
	v14 =	vadd.f32 v22, v14;
	v21 =	vadd.f32 v24, v21  }
0xfc: {  	vm0 =	vgt.f32 v10, v12;
	v20 =	vadd.f32 v23, v20;
	v22 =	vld [tilespmem:s24+$0x18180]  }
0xfd: {  	v23 =	vnsel vm0, $0x0, v10;
	v24 =	vsel vm0, $0x3F800000, v2;
	vm0 =	vgt.f32 v9, v12;
	v26 =	vld [tilespmem:s24+$0x18190];
	v27 =	vmovc v16  }
.Ltmp2:
0xfe: {  	v16 =	vsel vm0, $0x3F800000, v2;
	v10 =	vld.idx.msk [tilespmem:v18+s2+$0x0], $0xffff;
	v18 =	vnsel vm0, $0x0, v9;
	v15 =	vmov v17;
	(pc) =	sbr.rel @p0 .LBB2_7-.Ltmp2, $4  }
0xff: {  	v20 =	vadd.f32 v24, v20;
	v21 =	vadd.f32 v16, v21;
	v9 =	vld.idx.msk [tilespmem:v19+s2+$0x0], $0xffff  }
0x100: {  	v13 =	vadd.f32 v23, v13;
	v14 =	vadd.f32 v18, v14;
	vm0 =	vgt.f32 v11, v12;
	v16 =	vld [tilespmem:s24+$0x181A0]  }
0x101: {  	v28 =	vnsel vm0, $0x0, v11;
	v23 =	vsel vm0, $0x3F800000, v2;
	vm0 =	vgt.f32 v25, v12;
	v17 =	vld [tilespmem:s24+$0x181B0];
	v18 =	vmovc v22  }
0x102: {  	v13 =	vadd.f32 v28, v13;
	v22 =	vnsel vm0, $0x0, v25;
	v24 =	vsel vm0, $0x3F800000, v2;
	v11 =	vld.idx.msk [tilespmem:v27+s2+$0x0], $0xffff;
	v19 =	vmovc v26  }
0x103: {  	_ =	sdelay $0x3  }
0x104: {  	v15 =	vld.idx.msk [tilespmem:v15+s2+$0x0], $0xffff  }
0x105: {  	v18 =	vld.idx.msk [tilespmem:v18+s2+$0x0], $0xffff  }
0x106: {  	v20 =	vadd.f32 v23, v20;
	v19 =	vld.idx.msk [tilespmem:v19+s2+$0x0], $0xffff;
	vm0 =	vgt.f32 v10, v12  }
0x107: {  	v21 =	vadd.f32 v24, v21;
	vm1 =	vgt.f32 v9, v12;
	v57 =	vsel vm0, $0x3F800000, v2;
	v16 =	vld.idx.msk [tilespmem:v16+s2+$0x0], $0xffff  }
0x108: {  	v58 =	vsel vm1, $0x3F800000, v2;
	v20 =	vadd.f32 v57, v20;
	v17 =	vld.idx.msk [tilespmem:v17+s2+$0x0], $0xffff  }
0x109: {  	v21 =	vadd.f32 v58, v21;
	vm2 =	vgt.f32 v11, v12;
	vm3 =	vgt.f32 v15, v12  }
0x10a: {  	v59 =	vsel vm2, $0x3F800000, v2;
	vm4 =	vgt.f32 v18, v12;
	v60 =	vsel vm3, $0x3F800000, v2  }
0x10b: {  	vm5 =	vgt.f32 v19, v12;
	v20 =	vadd.f32 v59, v20;
	v21 =	vadd.f32 v60, v21  }
0x10c: {  	v61 =	vsel vm4, $0x3F800000, v2;
	v62 =	vsel vm5, $0x3F800000, v2;
	vm6 =	vgt.f32 v16, v12  }
0x10d: {  	v20 =	vadd.f32 v61, v20;
	vm7 =	vgt.f32 v17, v12;
	v21 =	vadd.f32 v62, v21  }
0x10e: {  	v12 =	vadd.f32 v22, v14;
	v14 =	vsel vm6, $0x3F800000, v2;
	v63 =	vsel vm7, $0x3F800000, v2  }
0x10f: {  	v10 =	vnsel vm0, $0x0, v10;
	v14 =	vadd.f32 v14, v20;
	v21 =	vadd.f32 v63, v21  }
0x110: {  	v9 =	vnsel vm1, $0x0, v9;
	v10 =	vadd.f32 v10, v13  }
0x111: {  	v11 =	vnsel vm2, $0x0, v11;
	v12 =	vadd.f32 v9, v12;
	v13 =	vadd.f32 v21, v14  }
0x112: {  	v10 =	vadd.f32 v11, v10;
	v9 =	vand.u32 $0xF, v1;
	v14 =	vnsel vm3, $0x0, v15  }
0x113: {  	v11 =	vnsel vm4, $0x0, v18;
	v12 =	vadd.f32 v14, v12;
	v14 =	vperm.xlane v13, v9  }
0x114: {  	v11 =	vadd.f32 v11, v10;
	v15 =	vnsel vm5, $0x0, v19  }
0x115: {  	v12 =	vadd.f32 v15, v12;
	v13 =	vadd.f32 v14, v13  }
0x116: {  	v10 =	vand.u32 $0xF, v3;
	v15 =	vnsel vm7, $0x0, v17;
	v14 =	vnsel vm6, $0x0, v16  }
0x117: {  	v11 =	vadd.f32 v14, v11;
	v12 =	vadd.f32 v15, v12;
	v14 =	vperm.xlane v13, v10;
	_ =	sdelay $0x1  }
0x118: {  	v12 =	vadd.f32 v12, v11;
	v13 =	vadd.f32 v14, v13  }
0x119: {  	v11 =	vand.u32 $0xF, v4  }
0x11a: {  	v14 =	vperm.xlane v12, v9;
	v15 =	vperm.xlane v13, v11;
	_ =	sdelay $0x1  }
0x11b: {  	v12 =	vadd.f32 v14, v12;
	v13 =	vadd.f32 v15, v13;
	_ =	sdelay $0x1  }
0x11c: {  	v14 =	vperm.xlane v12, v10;
	v15 =	vperm.xlane v13, v5;
	_ =	sdelay $0x1  }
0x11d: {  	v12 =	vadd.f32 v14, v12;
	v13 =	vadd.f32 v15, v13;
	_ =	sdelay $0x1  }
0x11e: {  	v14 =	vperm.xlane v12, v11;
	(erf) = vrcp.f32 v13;
	_ =	sdelay $0x1  }
0x11f: {  	v12 =	vadd.f32 v14, v12;
	_ =	sdelay $0x1  }
0x120: {  	s22 =	sadd.s32 $0x1, s22;
	v13 =	vperm.xlane v12, v5  }
0x121: {  	p0 =	sne.s32 s22, $0xC  }
.Ltmp3:
0x122: {  	v12 =	vadd.f32 v13, v12;
	(pc) =	sbr.rel @p0 .LBB2_6-.Ltmp3, $4  }
0x123: {  	_ = 	snop  }
0x124: {  	v12 =	vadd.f32 $-1.000000000e+00, v12  }
0x125: {  	v13 =	vpop (erf)  }
0x126: {  	v12 =	vmul.f32 v13, v12  }
0x127: {  	s22 =	simm.s32 $0x0  }
.LBB2_10:
0x128: {  	s23 =	sshra.s32 s22, $0x2  }
0x129: {  	v13 =	vld [tilespmem:s23+$0x18180];
	_ =	sdelay $0x7  }
0x12a: {  	v14 =	vld.idx.msk [tilespmem:v13+s2+$0x0], $0xffff;
	_ =	sdelay $0x4  }
0x12b: {  	v14 =	vsub.f32 v14, v12;
	_ =	sdelay $0x1  }
0x12c: {  	v14 =	vmax.f32 v14, $0.0e+00  }
0x12d: {  	[tilespmem:v13+s17+$0x0] =	vst.idx.msk $0xffff, v14  }
0x12e: {  	v13 =	vld [tilespmem:s23+$0x18190];
	_ =	sdelay $0x7  }
0x12f: {  	v14 =	vld.idx.msk [tilespmem:v13+s2+$0x0], $0xffff;
	_ =	sdelay $0x4  }
0x130: {  	v14 =	vsub.f32 v14, v12;
	_ =	sdelay $0x1  }
0x131: {  	v14 =	vmax.f32 v14, $0.0e+00  }
0x132: {  	[tilespmem:v13+s17+$0x0] =	vst.idx.msk $0xffff, v14  }
0x133: {  	v13 =	vld [tilespmem:s23+$0x181A0];
	_ =	sdelay $0x7  }
0x134: {  	v14 =	vld.idx.msk [tilespmem:v13+s2+$0x0], $0xffff;
	_ =	sdelay $0x4  }
0x135: {  	v14 =	vsub.f32 v14, v12;
	_ =	sdelay $0x1  }
0x136: {  	v14 =	vmax.f32 v14, $0.0e+00  }
0x137: {  	[tilespmem:v13+s17+$0x0] =	vst.idx.msk $0xffff, v14  }
0x138: {  	v13 =	vld [tilespmem:s23+$0x181B0];
	_ =	sdelay $0x7  }
0x139: {  	v14 =	vld.idx.msk [tilespmem:v13+s2+$0x0], $0xffff;
	_ =	sdelay $0x2  }
0x13a: {  	p0 =	sne.s32 s22, $0xF00  }
.Ltmp4:
0x13b: {  	_ = 	snop;
	(pc) =	sbr.rel @p0 .LBB2_10-.Ltmp4, $3  }
0x13c: {  	v14 =	vsub.f32 v14, v12;
	_ =	sdelay $0x1  }
0x13d: {  	v14 =	vmax.f32 v14, $0.0e+00  }
0x13e: {  	s22 =	sadd.s32 $0x100, s22;
	[tilespmem:v13+s17+$0x0] =	vst.idx.msk $0xffff, v14  }
0x13f: {  	[hbm4b:s5+s12] =	stream.strided.scatter [tilespmem:s17], [sflag:$0x3], $0x8000, s13, s12, $0x38;
	[tilespmem:$0x18C80] =	vst v63  }
0x140: {  	_ =	swait.ge [sflag:s18], $0x8000  }
0x141: {  	[sflag:s18] =	ssyncset.done $0x0  }
0x142: {  	s22 =	simm.s32 $0x0;
	v12 =	vlaneseq.u32;
	[sflag:s18] =	ssyncadd.s32 $0xFFFF8000  }
0x143: {  	v13 =	vor.u32 $0x8000, v12;
	[tilespmem:s22], [sflag:$0x1] =	stream.strided.gather [hbm4b:s6+s12], $0x8000, s13, s12, $0x38;
	[tilespmem:$0x18C80] =	vst v63  }
0x144: {  	[tilespmem:$0x18700] =	vst v13  }
0x145: {  	[tilespmem:$0x18710] =	vst v13  }
0x146: {  	[tilespmem:$0x18720] =	vst v13  }
0x147: {  	[tilespmem:$0x18730] =	vst v13  }
0x148: {  	[tilespmem:$0x18740] =	vst v13  }
0x149: {  	[tilespmem:$0x18750] =	vst v13  }
0x14a: {  	[tilespmem:$0x18760] =	vst v13  }
0x14b: {  	[tilespmem:$0x18770] =	vst v13  }
0x14c: {  	[tilespmem:$0x18780] =	vst v13  }
0x14d: {  	[tilespmem:$0x18790] =	vst v13  }
0x14e: {  	[tilespmem:$0x187A0] =	vst v13  }
0x14f: {  	[tilespmem:$0x187B0] =	vst v13  }
0x150: {  	[tilespmem:$0x187C0] =	vst v13  }
0x151: {  	[tilespmem:$0x187D0] =	vst v13  }
0x152: {  	[tilespmem:$0x187E0] =	vst v13  }
0x153: {  	v14 =	vld [tilespmem:$0x8080];
	[tilespmem:$0x187F0] =	vst v13  }
0x154: {  	v15 =	vld [tilespmem:$0x8480];
	[tilespmem:$0x18800] =	vst v13  }
0x155: {  	v16 =	vld [tilespmem:$0x8880];
	[tilespmem:$0x18810] =	vst v13  }
0x156: {  	v17 =	vld [tilespmem:$0x8C80];
	[tilespmem:$0x18820] =	vst v13  }
0x157: {  	v18 =	vld [tilespmem:$0x9080];
	[tilespmem:$0x18830] =	vst v13  }
0x158: {  	v19 =	vld [tilespmem:$0x9480];
	[tilespmem:$0x18840] =	vst v13  }
0x159: {  	[tilespmem:$0x18850] =	vst v13;
	v14 =	vmax.f32 v14, v15;
	v15 =	vld [tilespmem:$0x9880]  }
0x15a: {  	v44 =	vld [tilespmem:$0x9C80];
	[tilespmem:$0x18860] =	vst v13;
	v14 =	vmax.f32 v14, v16  }
0x15b: {  	v45 =	vld [tilespmem:$0xA080];
	[tilespmem:$0x18870] =	vst v13;
	v14 =	vmax.f32 v14, v17  }
0x15c: {  	v46 =	vld [tilespmem:$0xA480];
	[tilespmem:$0x18880] =	vst v13;
	v14 =	vmax.f32 v14, v18  }
0x15d: {  	v47 =	vld [tilespmem:$0xA880];
	[tilespmem:$0x18890] =	vst v13;
	v14 =	vmax.f32 v14, v19  }
0x15e: {  	[tilespmem:$0x188A0] =	vst v13;
	v14 =	vmax.f32 v14, v15;
	v15 =	vld [tilespmem:$0xAC80]  }
0x15f: {  	v48 =	vld [tilespmem:$0xB080];
	[tilespmem:$0x188B0] =	vst v13;
	v14 =	vmax.f32 v14, v44  }
0x160: {  	v49 =	vld [tilespmem:$0xB480];
	[tilespmem:$0x188C0] =	vst v13;
	v14 =	vmax.f32 v14, v45  }
0x161: {  	v50 =	vld [tilespmem:$0xB880];
	[tilespmem:$0x188D0] =	vst v13;
	v14 =	vmax.f32 v14, v46  }
0x162: {  	v51 =	vld [tilespmem:$0xBC80];
	[tilespmem:$0x188E0] =	vst v13;
	v14 =	vmax.f32 v14, v47  }
0x163: {  	[tilespmem:$0x188F0] =	vst v13;
	v14 =	vmax.f32 v14, v15;
	v15 =	vld [tilespmem:$0xC080]  }
0x164: {  	v52 =	vld [tilespmem:$0xC480];
	[tilespmem:$0x18900] =	vst v13;
	v14 =	vmax.f32 v14, v48  }
0x165: {  	v53 =	vld [tilespmem:$0xC880];
	[tilespmem:$0x18910] =	vst v13;
	v14 =	vmax.f32 v14, v49  }
0x166: {  	v54 =	vld [tilespmem:$0xCC80];
	[tilespmem:$0x18920] =	vst v13;
	v14 =	vmax.f32 v14, v50  }
0x167: {  	v55 =	vld [tilespmem:$0xD080];
	[tilespmem:$0x18930] =	vst v13;
	v14 =	vmax.f32 v14, v51  }
0x168: {  	[tilespmem:$0x18940] =	vst v13;
	v14 =	vmax.f32 v14, v15;
	v15 =	vld [tilespmem:$0xD480]  }
0x169: {  	v56 =	vld [tilespmem:$0xD880];
	[tilespmem:$0x18950] =	vst v13;
	v14 =	vmax.f32 v14, v52  }
0x16a: {  	v57 =	vld [tilespmem:$0xDC80];
	[tilespmem:$0x18960] =	vst v13;
	v14 =	vmax.f32 v14, v53  }
0x16b: {  	v58 =	vld [tilespmem:$0xE080];
	[tilespmem:$0x18970] =	vst v13;
	v14 =	vmax.f32 v14, v54  }
0x16c: {  	v59 =	vld [tilespmem:$0xE480];
	[tilespmem:$0x18980] =	vst v13;
	v14 =	vmax.f32 v14, v55  }
0x16d: {  	[tilespmem:$0x18990] =	vst v13;
	v14 =	vmax.f32 v14, v15;
	v15 =	vld [tilespmem:$0xE880]  }
0x16e: {  	v60 =	vld [tilespmem:$0xEC80];
	[tilespmem:$0x189A0] =	vst v13;
	v14 =	vmax.f32 v14, v56  }
0x16f: {  	v61 =	vld [tilespmem:$0xF080];
	[tilespmem:$0x189B0] =	vst v13;
	v14 =	vmax.f32 v14, v57  }
0x170: {  	v62 =	vld [tilespmem:$0xF480];
	[tilespmem:$0x189C0] =	vst v13;
	v14 =	vmax.f32 v14, v58  }
0x171: {  	v63 =	vld [tilespmem:$0xF880];
	[tilespmem:$0x189D0] =	vst v13;
	v14 =	vmax.f32 v14, v59  }
0x172: {  	[tilespmem:$0x189E0] =	vst v13;
	v14 =	vmax.f32 v14, v15;
	v15 =	vld [tilespmem:$0xFC80]  }
0x173: {  	[tilespmem:$0x189F0] =	vst v13;
	v14 =	vmax.f32 v14, v60  }
0x174: {  	[tilespmem:$0x18A00] =	vst v13;
	v14 =	vmax.f32 v14, v61  }
0x175: {  	[tilespmem:$0x18A10] =	vst v13;
	v14 =	vmax.f32 v14, v62  }
0x176: {  	[tilespmem:$0x18A20] =	vst v13;
	v14 =	vmax.f32 v14, v63  }
0x177: {  	[tilespmem:$0x18A30] =	vst v13;
	v14 =	vmax.f32 v14, v15  }
0x178: {  	[tilespmem:$0x18A40] =	vst v13;
	v15 =	vperm.xlane v14, v1  }
0x179: {  	[tilespmem:$0x18A50] =	vst v13  }
0x17a: {  	[tilespmem:$0x18A60] =	vst v13;
	v14 =	vmax.f32 v14, v15  }
0x17b: {  	[tilespmem:$0x18A70] =	vst v13;
	v15 =	vperm.xlane v14, v3  }
0x17c: {  	[tilespmem:$0x18A80] =	vst v13  }
0x17d: {  	[tilespmem:$0x18A90] =	vst v13;
	v14 =	vmax.f32 v14, v15  }
0x17e: {  	[tilespmem:$0x18AA0] =	vst v13;
	v15 =	vperm.xlane v14, v4  }
0x17f: {  	[tilespmem:$0x18AB0] =	vst v13  }
0x180: {  	[tilespmem:$0x18AC0] =	vst v13;
	v14 =	vmax.f32 v14, v15  }
0x181: {  	[tilespmem:$0x18AD0] =	vst v13;
	v15 =	vperm.xlane v14, v5  }
0x182: {  	[tilespmem:$0x18AE0] =	vst v13  }
0x183: {  	[tilespmem:$0x18AF0] =	vst v13;
	v13 =	vmax.f32 v14, v15;
	v14 =	vlaneseq.u32  }
.LBB2_12:
0x184: {  	s23 =	sshra.s32 s22, $0x2  }
0x185: {  	v15 =	vld [tilespmem:s23+$0x8080];
	_ =	sdelay $0x2  }
0x186: {  	v16 =	vadd.f32 $-1.000000000e+00, v13;
	_ =	sdelay $0x1  }
0x187: {  	vm0 =	vgt.f32 v15, v16  }
0x188: {  	v17 =	vsel vm0, v14, v6;
	_ =	sdelay $0x4  }
0x189: {  	[tilespmem:v17+s19+$0x0] =	vst.idx.msk $0xffff, v12  }
0x18a: {  	v17 =	vld [tilespmem:s23+$0x8090];
	_ =	sdelay $0x3  }
0x18b: {  	v18 =	vsel vm0, $0x10, v7  }
0x18c: {  	v14 =	vadd.s32 v14, v18;
	vm12 =	vgt.f32 v17, v16  }
0x18d: {  	v18 =	vsel vm12, v14, v6;
	_ =	sdelay $0x3  }
0x18e: {  	v19 =	vadd.s32 $0x10, v12  }
0x18f: {  	[tilespmem:v18+s19+$0x0] =	vst.idx.msk $0xffff, v19  }
0x190: {  	v18 =	vld [tilespmem:s23+$0x80A0];
	_ =	sdelay $0x3  }
0x191: {  	v34 =	vsel vm12, $0x10, v7  }
0x192: {  	v14 =	vadd.s32 v14, v34;
	vm13 =	vgt.f32 v18, v16  }
0x193: {  	v19 =	vsel vm13, v14, v6;
	_ =	sdelay $0x3  }
0x194: {  	v20 =	vadd.s32 $0x20, v12  }
0x195: {  	[tilespmem:v19+s19+$0x0] =	vst.idx.msk $0xffff, v20  }
0x196: {  	v19 =	vld [tilespmem:s23+$0x80B0];
	_ =	sdelay $0x3  }
0x197: {  	v35 =	vsel vm13, $0x10, v7  }
0x198: {  	v14 =	vadd.s32 v14, v35;
	vm14 =	vgt.f32 v19, v16  }
0x199: {  	v20 =	vsel vm14, v14, v6;
	_ =	sdelay $0x3  }
0x19a: {  	v21 =	vadd.s32 $0x30, v12  }
0x19b: {  	[tilespmem:v20+s19+$0x0] =	vst.idx.msk $0xffff, v21  }
0x19c: {  	v20 =	vld [tilespmem:s23+$0x80C0];
	_ =	sdelay $0x3  }
0x19d: {  	v36 =	vsel vm14, $0x10, v7  }
0x19e: {  	v14 =	vadd.s32 v14, v36;
	vm15 =	vgt.f32 v20, v16  }
0x19f: {  	v21 =	vsel vm15, v14, v6;
	_ =	sdelay $0x3  }
0x1a0: {  	v22 =	vadd.s32 $0x40, v12  }
0x1a1: {  	[tilespmem:v21+s19+$0x0] =	vst.idx.msk $0xffff, v22  }
0x1a2: {  	v21 =	vld [tilespmem:s23+$0x80D0];
	_ =	sdelay $0x3  }
0x1a3: {  	v37 =	vsel vm15, $0x10, v7  }
0x1a4: {  	v14 =	vadd.s32 v14, v37;
	vm4 =	vgt.f32 v21, v16  }
0x1a5: {  	v22 =	vsel vm4, v14, v6;
	_ =	sdelay $0x3  }
0x1a6: {  	v23 =	vadd.s32 $0x50, v12  }
0x1a7: {  	[tilespmem:v22+s19+$0x0] =	vst.idx.msk $0xffff, v23  }
0x1a8: {  	v22 =	vld [tilespmem:s23+$0x80E0];
	_ =	sdelay $0x3  }
0x1a9: {  	v38 =	vsel vm4, $0x10, v7  }
0x1aa: {  	v14 =	vadd.s32 v14, v38;
	vm5 =	vgt.f32 v22, v16  }
0x1ab: {  	v23 =	vsel vm5, v14, v6;
	_ =	sdelay $0x3  }
0x1ac: {  	v24 =	vadd.s32 $0x60, v12  }
0x1ad: {  	[tilespmem:v23+s19+$0x0] =	vst.idx.msk $0xffff, v24  }
0x1ae: {  	v23 =	vld [tilespmem:s23+$0x80F0];
	_ =	sdelay $0x3  }
0x1af: {  	v39 =	vsel vm5, $0x10, v7  }
0x1b0: {  	v14 =	vadd.s32 v14, v39;
	vm6 =	vgt.f32 v23, v16  }
0x1b1: {  	v24 =	vsel vm6, v14, v6;
	_ =	sdelay $0x3  }
0x1b2: {  	v25 =	vadd.s32 $0x70, v12  }
0x1b3: {  	[tilespmem:v24+s19+$0x0] =	vst.idx.msk $0xffff, v25  }
0x1b4: {  	v24 =	vld [tilespmem:s23+$0x8100];
	_ =	sdelay $0x3  }
0x1b5: {  	v40 =	vsel vm6, $0x10, v7  }
0x1b6: {  	v14 =	vadd.s32 v14, v40;
	vm7 =	vgt.f32 v24, v16  }
0x1b7: {  	v25 =	vsel vm7, v14, v6;
	_ =	sdelay $0x3  }
0x1b8: {  	v26 =	vadd.s32 $0x80, v12  }
0x1b9: {  	[tilespmem:v25+s19+$0x0] =	vst.idx.msk $0xffff, v26  }
0x1ba: {  	v25 =	vld [tilespmem:s23+$0x8110];
	_ =	sdelay $0x3  }
0x1bb: {  	v41 =	vsel vm7, $0x10, v7  }
0x1bc: {  	v14 =	vadd.s32 v14, v41;
	vm8 =	vgt.f32 v25, v16  }
0x1bd: {  	v26 =	vsel vm8, v14, v6;
	_ =	sdelay $0x3  }
0x1be: {  	v27 =	vadd.s32 $0x90, v12  }
0x1bf: {  	[tilespmem:v26+s19+$0x0] =	vst.idx.msk $0xffff, v27  }
0x1c0: {  	v26 =	vld [tilespmem:s23+$0x8120];
	_ =	sdelay $0x3  }
0x1c1: {  	v42 =	vsel vm8, $0x10, v7  }
0x1c2: {  	v14 =	vadd.s32 v14, v42;
	vm9 =	vgt.f32 v26, v16  }
0x1c3: {  	v27 =	vsel vm9, v14, v6;
	_ =	sdelay $0x3  }
0x1c4: {  	v28 =	vadd.s32 $0xA0, v12  }
0x1c5: {  	[tilespmem:v27+s19+$0x0] =	vst.idx.msk $0xffff, v28  }
0x1c6: {  	v27 =	vld [tilespmem:s23+$0x8130];
	_ =	sdelay $0x3  }
0x1c7: {  	v43 =	vsel vm9, $0x10, v7  }
0x1c8: {  	v14 =	vadd.s32 v14, v43;
	vm10 =	vgt.f32 v27, v16  }
0x1c9: {  	v28 =	vsel vm10, v14, v6;
	_ =	sdelay $0x3  }
0x1ca: {  	v29 =	vadd.s32 $0xB0, v12  }
0x1cb: {  	[tilespmem:v28+s19+$0x0] =	vst.idx.msk $0xffff, v29  }
0x1cc: {  	v28 =	vld [tilespmem:s23+$0x8140];
	_ =	sdelay $0x3  }
0x1cd: {  	v44 =	vsel vm10, $0x10, v7  }
0x1ce: {  	v14 =	vadd.s32 v14, v44;
	vm11 =	vgt.f32 v28, v16  }
0x1cf: {  	v29 =	vsel vm11, v14, v6;
	_ =	sdelay $0x3  }
0x1d0: {  	v30 =	vadd.s32 $0xC0, v12  }
0x1d1: {  	[tilespmem:v29+s19+$0x0] =	vst.idx.msk $0xffff, v30  }
0x1d2: {  	v29 =	vld [tilespmem:s23+$0x8150];
	_ =	sdelay $0x3  }
0x1d3: {  	v45 =	vsel vm11, $0x10, v7  }
0x1d4: {  	v14 =	vadd.s32 v14, v45;
	vm12 =	vgt.f32 v29, v16  }
0x1d5: {  	v30 =	vsel vm12, v14, v6;
	_ =	sdelay $0x3  }
0x1d6: {  	v31 =	vadd.s32 $0xD0, v12  }
0x1d7: {  	[tilespmem:v30+s19+$0x0] =	vst.idx.msk $0xffff, v31  }
0x1d8: {  	v30 =	vld [tilespmem:s23+$0x8160];
	_ =	sdelay $0x3  }
0x1d9: {  	v46 =	vsel vm12, $0x10, v7  }
0x1da: {  	v14 =	vadd.s32 v14, v46;
	vm13 =	vgt.f32 v30, v16  }
0x1db: {  	v31 =	vsel vm13, v14, v6;
	_ =	sdelay $0x3  }
0x1dc: {  	v32 =	vadd.s32 $0xE0, v12  }
0x1dd: {  	[tilespmem:v31+s19+$0x0] =	vst.idx.msk $0xffff, v32  }
0x1de: {  	v31 =	vld [tilespmem:s23+$0x8170];
	_ =	sdelay $0x1  }
0x1df: {  	v15 =	vmax.f32 v15, v17;
	v47 =	vmax.f32 v18, v19  }
0x1e0: {  	v15 =	vmax.f32 v15, v47  }
0x1e1: {  	v48 =	vmax.f32 v20, v21;
	v49 =	vmax.f32 v22, v23;
	v50 =	vmax.f32 v24, v25  }
0x1e2: {  	v51 =	vmax.f32 v26, v27;
	v52 =	vmax.f32 v28, v29;
	v53 =	vmax.f32 v30, v31  }
0x1e3: {  	v54 =	vmax.f32 v48, v49;
	v55 =	vmax.f32 v50, v51;
	v56 =	vmax.f32 v52, v53  }
0x1e4: {  	v15 =	vmax.f32 v15, v54;
	v57 =	vmax.f32 v55, v56  }
0x1e5: {  	v15 =	vmax.f32 v15, v57  }
0x1e6: {  	v17 =	vperm.xlane v15, v1;
	_ =	sdelay $0x1  }
0x1e7: {  	v15 =	vmax.f32 v15, v17  }
0x1e8: {  	v17 =	vperm.xlane v15, v3;
	_ =	sdelay $0x1  }
0x1e9: {  	v58 =	vsel vm13, $0x10, v7;
	v15 =	vmax.f32 v15, v17  }
0x1ea: {  	v14 =	vadd.s32 v14, v58;
	vm14 =	vgt.f32 v31, v16;
	v59 =	vperm.xlane v15, v4  }
0x1eb: {  	p0 =	sne.s32 s22, $0x1FC00;
	v60 =	vsel vm14, v14, v6  }
.Ltmp5:
0x1ec: {  	v15 =	vmax.f32 v15, v59;
	(pc) =	sbr.rel @p0 .LBB2_12-.Ltmp5, $4  }
0x1ed: {  	v61 =	vsel vm14, $0x10, v7;
	v62 =	vperm.xlane v15, v5  }
0x1ee: {  	v14 =	vadd.s32 v14, v61  }
0x1ef: {  	v63 =	vadd.s32 $0xF0, v12;
	vm15 =	vlt.s32 v14, v8;
	v15 =	vmax.f32 v15, v62  }
0x1f0: {  	s22 =	sadd.s32 $0x400, s22;
	v12 =	vadd.s32 $0x100, v12;
	v14 =	vsel vm15, v14, v8;
	[tilespmem:v60+s19+$0x0] =	vst.idx.msk $0xffff, v63;
	v13 =	vmax.f32 v13, v15  }
0x1f1: {  	_ =	swait.ge [sflag:s20], $0x8000  }
0x1f2: {  	[sflag:s20] =	ssyncset.done $0x0  }
0x1f3: {  	s22 =	simm.s32 $0x0;
	[sflag:s20] =	ssyncadd.s32 $0xFFFF8000  }
.LBB2_14:
0x1f4: {  	s23 =	sshra.s32 s22, $0x2  }
0x1f5: {  	v12 =	vld [tilespmem:s23+$0x18180];
	_ =	sdelay $0x7  }
0x1f6: {  	[tilespmem:v12+s17+$0x0] =	vst.idx.msk $0xffff, v2  }
0x1f7: {  	v12 =	vld [tilespmem:s23+$0x18190];
	_ =	sdelay $0x7  }
0x1f8: {  	[tilespmem:v12+s17+$0x0] =	vst.idx.msk $0xffff, v2  }
0x1f9: {  	v12 =	vld [tilespmem:s23+$0x181A0];
	_ =	sdelay $0x7  }
0x1fa: {  	[tilespmem:v12+s17+$0x0] =	vst.idx.msk $0xffff, v2  }
0x1fb: {  	v12 =	vld [tilespmem:s23+$0x181B0];
	_ =	sdelay $0x2  }
0x1fc: {  	p0 =	sne.s32 s22, $0xF00  }
.Ltmp6:
0x1fd: {  	_ = 	snop;
	(pc) =	sbr.rel @p0 .LBB2_14-.Ltmp6, $2  }
0x1fe: {  	_ =	sdelay $0x2  }
0x1ff: {  	s22 =	sadd.s32 $0x100, s22;
	[tilespmem:v12+s17+$0x0] =	vst.idx.msk $0xffff, v2  }
0x200: {  	v12 =	vadd.f32 $-1.000000000e+00, v13;
	s22 =	simm.s32 $0x0  }
.LBB2_16:
0x201: {  	s23 =	simm.s32 $0x0  }
0x202: {  	v13 =	vld [tilespmem:s23+$0x18700]  }
0x203: {  	v14 =	vld [tilespmem:s23+$0x18710]  }
0x204: {  	v15 =	vld [tilespmem:s23+$0x18720]  }
0x205: {  	v16 =	vld [tilespmem:s23+$0x18730]  }
0x206: {  	s30 =	simm.s32 $0x40  }
0x207: {  	v17 =	vld [tilespmem:s30+$0x18700]  }
0x208: {  	v19 =	vld [tilespmem:s30+$0x18710]  }
0x209: {  	v25 =	vld [tilespmem:s30+$0x18720]  }
0x20a: {  	v13 =	vld.idx.msk [tilespmem:v13+s15+$0x0], $0xffff  }
0x20b: {  	v20 =	vld.idx.msk [tilespmem:v14+s15+$0x0], $0xffff  }
0x20c: {  	v15 =	vld.idx.msk [tilespmem:v15+s15+$0x0], $0xffff  }
0x20d: {  	v27 =	vld.idx.msk [tilespmem:v16+s15+$0x0], $0xffff  }
0x20e: {  	s31 =	simm.s32 $0x80;
	v18 =	vld [tilespmem:s30+$0x18730]  }
0x20f: {  	v21 =	vld [tilespmem:s31+$0x18700]  }
0x210: {  	v22 =	vld [tilespmem:s31+$0x18710]  }
0x211: {  	v26 =	vimm.f32 $0.0e+00;
	v14 =	vld.idx.msk [tilespmem:v17+s15+$0x0], $0xffff;
	vm0 =	vgt.f32 v13, v12;
	vm1 =	vgt.f32 v20, v12  }
0x212: {  	vm14 =	vgt.f32 v15, v12;
	vm15 =	vgt.f32 v27, v12;
	v16 =	vnsel vm0, $0x0, v13;
	v13 =	vld.idx.msk [tilespmem:v19+s15+$0x0], $0xffff  }
0x213: {  	v23 =	vsel vm0, $0x3F800000, v2;
	v17 =	vsel vm1, $0x3F800000, v2;
	v20 =	vnsel vm1, $0x0, v20;
	v19 =	vld [tilespmem:s31+$0x18720]  }
0x214: {  	v28 =	vnsel vm14, $0x0, v15;
	v15 =	vld.idx.msk [tilespmem:v25+s15+$0x0], $0xffff;
	v25 =	vnsel vm15, $0x0, v27;
	v16 =	vadd.f32 v16, v26  }
0x215: {  	v27 =	vsel vm15, $0x3F800000, v2;
	v24 =	vadd.f32 v17, v26;
	v17 =	vadd.f32 v20, v26;
	v20 =	vld [tilespmem:s31+$0x18730]  }
0x216: {  	s23 =	simm.s32 $0x300;
	v23 =	vadd.f32 v23, v26;
	v26 =	vsel vm14, $0x3F800000, v2;
	v16 =	vadd.f32 v28, v16  }
.LBB2_17:
0x217: {  	s24 =	sshra.s32 s23, $0x2;
	p0 =	sne.s32 s23, $0xF00;
	s23 =	sadd.s32 $0x100, s23;
	v28 =	vld.idx.msk [tilespmem:v18+s15+$0x0], $0xffff;
	v17 =	vadd.f32 v25, v17;
	v24 =	vadd.f32 v27, v24  }
0x218: {  	vm0 =	vgt.f32 v14, v12;
	v23 =	vadd.f32 v26, v23;
	v25 =	vld [tilespmem:s24+$0x18700]  }
0x219: {  	v26 =	vnsel vm0, $0x0, v14;
	v27 =	vsel vm0, $0x3F800000, v2;
	vm0 =	vgt.f32 v13, v12;
	v29 =	vld [tilespmem:s24+$0x18710];
	v30 =	vmovc v19  }
.Ltmp7:
0x21a: {  	v19 =	vsel vm0, $0x3F800000, v2;
	v14 =	vld.idx.msk [tilespmem:v21+s15+$0x0], $0xffff;
	v21 =	vnsel vm0, $0x0, v13;
	v18 =	vmov v20;
	(pc) =	sbr.rel @p0 .LBB2_17-.Ltmp7, $4  }
0x21b: {  	v23 =	vadd.f32 v27, v23;
	v24 =	vadd.f32 v19, v24;
	v13 =	vld.idx.msk [tilespmem:v22+s15+$0x0], $0xffff  }
0x21c: {  	v16 =	vadd.f32 v26, v16;
	v17 =	vadd.f32 v21, v17;
	vm0 =	vgt.f32 v15, v12;
	v19 =	vld [tilespmem:s24+$0x18720]  }
0x21d: {  	v31 =	vnsel vm0, $0x0, v15;
	v26 =	vsel vm0, $0x3F800000, v2;
	vm0 =	vgt.f32 v28, v12;
	v20 =	vld [tilespmem:s24+$0x18730];
	v21 =	vmovc v25  }
0x21e: {  	v16 =	vadd.f32 v31, v16;
	v25 =	vnsel vm0, $0x0, v28;
	v27 =	vsel vm0, $0x3F800000, v2;
	v15 =	vld.idx.msk [tilespmem:v30+s15+$0x0], $0xffff;
	v22 =	vmovc v29  }
0x21f: {  	_ =	sdelay $0x3  }
0x220: {  	v18 =	vld.idx.msk [tilespmem:v18+s15+$0x0], $0xffff  }
0x221: {  	v21 =	vld.idx.msk [tilespmem:v21+s15+$0x0], $0xffff  }
0x222: {  	v23 =	vadd.f32 v26, v23;
	v22 =	vld.idx.msk [tilespmem:v22+s15+$0x0], $0xffff;
	vm0 =	vgt.f32 v14, v12  }
0x223: {  	v24 =	vadd.f32 v27, v24;
	vm1 =	vgt.f32 v13, v12;
	v52 =	vsel vm0, $0x3F800000, v2;
	v19 =	vld.idx.msk [tilespmem:v19+s15+$0x0], $0xffff  }
0x224: {  	v53 =	vsel vm1, $0x3F800000, v2;
	v23 =	vadd.f32 v52, v23;
	v20 =	vld.idx.msk [tilespmem:v20+s15+$0x0], $0xffff  }
0x225: {  	v24 =	vadd.f32 v53, v24;
	vm2 =	vgt.f32 v15, v12;
	vm3 =	vgt.f32 v18, v12  }
0x226: {  	v54 =	vsel vm2, $0x3F800000, v2;
	vm4 =	vgt.f32 v21, v12;
	v55 =	vsel vm3, $0x3F800000, v2  }
0x227: {  	vm5 =	vgt.f32 v22, v12;
	v23 =	vadd.f32 v54, v23;
	v24 =	vadd.f32 v55, v24  }
0x228: {  	v56 =	vsel vm4, $0x3F800000, v2;
	v57 =	vsel vm5, $0x3F800000, v2;
	vm6 =	vgt.f32 v19, v12  }
0x229: {  	v23 =	vadd.f32 v56, v23;
	vm7 =	vgt.f32 v20, v12;
	v24 =	vadd.f32 v57, v24  }
0x22a: {  	v12 =	vadd.f32 v25, v17;
	v58 =	vsel vm6, $0x3F800000, v2;
	v59 =	vsel vm7, $0x3F800000, v2  }
0x22b: {  	v14 =	vnsel vm0, $0x0, v14;
	v17 =	vadd.f32 v58, v23;
	v24 =	vadd.f32 v59, v24  }
0x22c: {  	v13 =	vnsel vm1, $0x0, v13;
	v14 =	vadd.f32 v14, v16  }
0x22d: {  	v15 =	vnsel vm2, $0x0, v15;
	v12 =	vadd.f32 v13, v12;
	v13 =	vadd.f32 v24, v17  }
0x22e: {  	v60 =	vnsel vm3, $0x0, v18;
	v14 =	vadd.f32 v15, v14  }
0x22f: {  	v15 =	vnsel vm4, $0x0, v21;
	v12 =	vadd.f32 v60, v12;
	v61 =	vperm.xlane v13, v9  }
0x230: {  	v62 =	vnsel vm5, $0x0, v22;
	v14 =	vadd.f32 v15, v14  }
0x231: {  	v12 =	vadd.f32 v62, v12;
	v13 =	vadd.f32 v61, v13  }
0x232: {  	v15 =	vnsel vm6, $0x0, v19;
	v63 =	vnsel vm7, $0x0, v20  }
0x233: {  	v14 =	vadd.f32 v15, v14;
	v12 =	vadd.f32 v63, v12;
	v15 =	vperm.xlane v13, v10;
	_ =	sdelay $0x1  }
0x234: {  	v12 =	vadd.f32 v12, v14;
	v13 =	vadd.f32 v15, v13;
	_ =	sdelay $0x1  }
0x235: {  	v14 =	vperm.xlane v12, v9;
	v15 =	vperm.xlane v13, v11;
	_ =	sdelay $0x1  }
0x236: {  	v12 =	vadd.f32 v14, v12;
	v13 =	vadd.f32 v15, v13;
	_ =	sdelay $0x1  }
0x237: {  	v14 =	vperm.xlane v12, v10;
	v15 =	vperm.xlane v13, v5;
	_ =	sdelay $0x1  }
0x238: {  	v12 =	vadd.f32 v14, v12;
	v13 =	vadd.f32 v15, v13;
	_ =	sdelay $0x1  }
0x239: {  	v14 =	vperm.xlane v12, v11;
	(erf) = vrcp.f32 v13;
	_ =	sdelay $0x1  }
0x23a: {  	v12 =	vadd.f32 v14, v12;
	_ =	sdelay $0x1  }
0x23b: {  	s22 =	sadd.s32 $0x1, s22;
	v13 =	vperm.xlane v12, v5  }
0x23c: {  	p0 =	sne.s32 s22, $0xC  }
.Ltmp8:
0x23d: {  	v12 =	vadd.f32 v13, v12;
	(pc) =	sbr.rel @p0 .LBB2_16-.Ltmp8, $4  }
0x23e: {  	_ = 	snop  }
0x23f: {  	v12 =	vadd.f32 $-1.000000000e+00, v12  }
0x240: {  	v13 =	vpop (erf)  }
0x241: {  	v12 =	vmul.f32 v13, v12  }
0x242: {  	s22 =	simm.s32 $0x0  }
.LBB2_20:
0x243: {  	s23 =	sshra.s32 s22, $0x2  }
0x244: {  	v13 =	vld [tilespmem:s23+$0x18700];
	_ =	sdelay $0x7  }
0x245: {  	v14 =	vld.idx.msk [tilespmem:v13+s15+$0x0], $0xffff;
	_ =	sdelay $0x4  }
0x246: {  	v14 =	vsub.f32 v14, v12;
	_ =	sdelay $0x1  }
0x247: {  	v14 =	vmax.f32 v14, $0.0e+00  }
0x248: {  	[tilespmem:v13+s17+$0x0] =	vst.idx.msk $0xffff, v14  }
0x249: {  	v13 =	vld [tilespmem:s23+$0x18710];
	_ =	sdelay $0x7  }
0x24a: {  	v14 =	vld.idx.msk [tilespmem:v13+s15+$0x0], $0xffff;
	_ =	sdelay $0x4  }
0x24b: {  	v14 =	vsub.f32 v14, v12;
	_ =	sdelay $0x1  }
0x24c: {  	v14 =	vmax.f32 v14, $0.0e+00  }
0x24d: {  	[tilespmem:v13+s17+$0x0] =	vst.idx.msk $0xffff, v14  }
0x24e: {  	v13 =	vld [tilespmem:s23+$0x18720];
	_ =	sdelay $0x7  }
0x24f: {  	v14 =	vld.idx.msk [tilespmem:v13+s15+$0x0], $0xffff;
	_ =	sdelay $0x4  }
0x250: {  	v14 =	vsub.f32 v14, v12;
	_ =	sdelay $0x1  }
0x251: {  	v14 =	vmax.f32 v14, $0.0e+00  }
0x252: {  	[tilespmem:v13+s17+$0x0] =	vst.idx.msk $0xffff, v14  }
0x253: {  	v13 =	vld [tilespmem:s23+$0x18730];
	_ =	sdelay $0x7  }
0x254: {  	v14 =	vld.idx.msk [tilespmem:v13+s15+$0x0], $0xffff;
	_ =	sdelay $0x2  }
0x255: {  	p0 =	sne.s32 s22, $0xF00  }
.Ltmp9:
0x256: {  	_ = 	snop;
	(pc) =	sbr.rel @p0 .LBB2_20-.Ltmp9, $3  }
0x257: {  	v14 =	vsub.f32 v14, v12;
	_ =	sdelay $0x1  }
0x258: {  	v14 =	vmax.f32 v14, $0.0e+00  }
0x259: {  	s22 =	sadd.s32 $0x100, s22;
	[tilespmem:v13+s17+$0x0] =	vst.idx.msk $0xffff, v14  }
0x25a: {  	[hbm4b:s7+s12] =	stream.strided.scatter [tilespmem:s17], [sflag:$0x3], $0x8000, s13, s12, $0x38;
	[tilespmem:$0x18C80] =	vst v63  }
0x25b: {  	_ =	swait.ge [sflag:s14], $0x8000  }
0x25c: {  	[sflag:s14] =	ssyncset.done $0x0  }
0x25d: {  	v12 =	vlaneseq.u32;
	[sflag:s14] =	ssyncadd.s32 $0xFFFF8000  }
0x25e: {  	v13 =	vor.u32 $0x8000, v12;
	[tilespmem:s15], [sflag:$0x2] =	stream.strided.gather [hbm4b:s8+s12], $0x8000, s13, s12, $0x38;
	[tilespmem:$0x18C80] =	vst v63  }
0x25f: {  	[tilespmem:$0x18180] =	vst v13  }
0x260: {  	[tilespmem:$0x18190] =	vst v13  }
0x261: {  	[tilespmem:$0x181A0] =	vst v13  }
0x262: {  	[tilespmem:$0x181B0] =	vst v13  }
0x263: {  	[tilespmem:$0x181C0] =	vst v13  }
0x264: {  	[tilespmem:$0x181D0] =	vst v13  }
0x265: {  	[tilespmem:$0x181E0] =	vst v13  }
0x266: {  	[tilespmem:$0x181F0] =	vst v13  }
0x267: {  	[tilespmem:$0x18200] =	vst v13  }
0x268: {  	[tilespmem:$0x18210] =	vst v13  }
0x269: {  	[tilespmem:$0x18220] =	vst v13  }
0x26a: {  	[tilespmem:$0x18230] =	vst v13  }
0x26b: {  	[tilespmem:$0x18240] =	vst v13  }
0x26c: {  	[tilespmem:$0x18250] =	vst v13  }
0x26d: {  	[tilespmem:$0x18260] =	vst v13  }
0x26e: {  	v14 =	vld [tilespmem:$0x0];
	[tilespmem:$0x18270] =	vst v13  }
0x26f: {  	v15 =	vld [tilespmem:$0x400];
	[tilespmem:$0x18280] =	vst v13  }
0x270: {  	v16 =	vld [tilespmem:$0x800];
	[tilespmem:$0x18290] =	vst v13  }
0x271: {  	v17 =	vld [tilespmem:$0xC00];
	[tilespmem:$0x182A0] =	vst v13  }
0x272: {  	v18 =	vld [tilespmem:$0x1000];
	[tilespmem:$0x182B0] =	vst v13  }
0x273: {  	v19 =	vld [tilespmem:$0x1400];
	[tilespmem:$0x182C0] =	vst v13  }
0x274: {  	[tilespmem:$0x182D0] =	vst v13;
	v14 =	vmax.f32 v14, v15;
	v15 =	vld [tilespmem:$0x1800]  }
0x275: {  	v44 =	vld [tilespmem:$0x1C00];
	[tilespmem:$0x182E0] =	vst v13;
	v14 =	vmax.f32 v14, v16  }
0x276: {  	v45 =	vld [tilespmem:$0x2000];
	[tilespmem:$0x182F0] =	vst v13;
	v14 =	vmax.f32 v14, v17  }
0x277: {  	v46 =	vld [tilespmem:$0x2400];
	[tilespmem:$0x18300] =	vst v13;
	v14 =	vmax.f32 v14, v18  }
0x278: {  	v47 =	vld [tilespmem:$0x2800];
	[tilespmem:$0x18310] =	vst v13;
	v14 =	vmax.f32 v14, v19  }
0x279: {  	[tilespmem:$0x18320] =	vst v13;
	v14 =	vmax.f32 v14, v15;
	v15 =	vld [tilespmem:$0x2C00]  }
0x27a: {  	v48 =	vld [tilespmem:$0x3000];
	[tilespmem:$0x18330] =	vst v13;
	v14 =	vmax.f32 v14, v44  }
0x27b: {  	v49 =	vld [tilespmem:$0x3400];
	[tilespmem:$0x18340] =	vst v13;
	v14 =	vmax.f32 v14, v45  }
0x27c: {  	v50 =	vld [tilespmem:$0x3800];
	[tilespmem:$0x18350] =	vst v13;
	v14 =	vmax.f32 v14, v46  }
0x27d: {  	v51 =	vld [tilespmem:$0x3C00];
	[tilespmem:$0x18360] =	vst v13;
	v14 =	vmax.f32 v14, v47  }
0x27e: {  	[tilespmem:$0x18370] =	vst v13;
	v14 =	vmax.f32 v14, v15;
	v15 =	vld [tilespmem:$0x4000]  }
0x27f: {  	v52 =	vld [tilespmem:$0x4400];
	[tilespmem:$0x18380] =	vst v13;
	v14 =	vmax.f32 v14, v48  }
0x280: {  	v53 =	vld [tilespmem:$0x4800];
	[tilespmem:$0x18390] =	vst v13;
	v14 =	vmax.f32 v14, v49  }
0x281: {  	v54 =	vld [tilespmem:$0x4C00];
	[tilespmem:$0x183A0] =	vst v13;
	v14 =	vmax.f32 v14, v50  }
0x282: {  	v55 =	vld [tilespmem:$0x5000];
	[tilespmem:$0x183B0] =	vst v13;
	v14 =	vmax.f32 v14, v51  }
0x283: {  	[tilespmem:$0x183C0] =	vst v13;
	v14 =	vmax.f32 v14, v15;
	v15 =	vld [tilespmem:$0x5400]  }
0x284: {  	v56 =	vld [tilespmem:$0x5800];
	[tilespmem:$0x183D0] =	vst v13;
	v14 =	vmax.f32 v14, v52  }
0x285: {  	v57 =	vld [tilespmem:$0x5C00];
	[tilespmem:$0x183E0] =	vst v13;
	v14 =	vmax.f32 v14, v53  }
0x286: {  	v58 =	vld [tilespmem:$0x6000];
	[tilespmem:$0x183F0] =	vst v13;
	v14 =	vmax.f32 v14, v54  }
0x287: {  	v59 =	vld [tilespmem:$0x6400];
	[tilespmem:$0x18400] =	vst v13;
	v14 =	vmax.f32 v14, v55  }
0x288: {  	[tilespmem:$0x18410] =	vst v13;
	v14 =	vmax.f32 v14, v15;
	v15 =	vld [tilespmem:$0x6800]  }
0x289: {  	v60 =	vld [tilespmem:$0x6C00];
	[tilespmem:$0x18420] =	vst v13;
	v14 =	vmax.f32 v14, v56  }
0x28a: {  	v61 =	vld [tilespmem:$0x7000];
	[tilespmem:$0x18430] =	vst v13;
	v14 =	vmax.f32 v14, v57  }
0x28b: {  	v62 =	vld [tilespmem:$0x7400];
	[tilespmem:$0x18440] =	vst v13;
	v14 =	vmax.f32 v14, v58  }
0x28c: {  	v63 =	vld [tilespmem:$0x7800];
	[tilespmem:$0x18450] =	vst v13;
	v14 =	vmax.f32 v14, v59  }
0x28d: {  	[tilespmem:$0x18460] =	vst v13;
	v14 =	vmax.f32 v14, v15;
	v15 =	vld [tilespmem:$0x7C00]  }
0x28e: {  	[tilespmem:$0x18470] =	vst v13;
	v14 =	vmax.f32 v14, v60  }
0x28f: {  	[tilespmem:$0x18480] =	vst v13;
	v14 =	vmax.f32 v14, v61  }
0x290: {  	[tilespmem:$0x18490] =	vst v13;
	v14 =	vmax.f32 v14, v62  }
0x291: {  	[tilespmem:$0x184A0] =	vst v13;
	v14 =	vmax.f32 v14, v63  }
0x292: {  	[tilespmem:$0x184B0] =	vst v13;
	v14 =	vmax.f32 v14, v15  }
0x293: {  	[tilespmem:$0x184C0] =	vst v13;
	v15 =	vperm.xlane v14, v1  }
0x294: {  	[tilespmem:$0x184D0] =	vst v13  }
0x295: {  	[tilespmem:$0x184E0] =	vst v13;
	v14 =	vmax.f32 v14, v15  }
0x296: {  	[tilespmem:$0x184F0] =	vst v13;
	v15 =	vperm.xlane v14, v3  }
0x297: {  	[tilespmem:$0x18500] =	vst v13  }
0x298: {  	[tilespmem:$0x18510] =	vst v13;
	v14 =	vmax.f32 v14, v15  }
0x299: {  	[tilespmem:$0x18520] =	vst v13;
	v15 =	vperm.xlane v14, v4  }
0x29a: {  	[tilespmem:$0x18530] =	vst v13  }
0x29b: {  	[tilespmem:$0x18540] =	vst v13;
	v14 =	vmax.f32 v14, v15  }
0x29c: {  	[tilespmem:$0x18550] =	vst v13;
	v15 =	vperm.xlane v14, v5  }
0x29d: {  	[tilespmem:$0x18560] =	vst v13  }
0x29e: {  	s22 =	simm.s32 $0x0;
	[tilespmem:$0x18570] =	vst v13;
	v13 =	vmax.f32 v14, v15;
	v14 =	vlaneseq.u32  }
.LBB2_22:
0x29f: {  	s23 =	sshra.s32 s22, $0x2  }
0x2a0: {  	v15 =	vld [tilespmem:s23+$0x0];
	_ =	sdelay $0x2  }
0x2a1: {  	v16 =	vadd.f32 $-1.000000000e+00, v13;
	_ =	sdelay $0x1  }
0x2a2: {  	vm0 =	vgt.f32 v15, v16  }
0x2a3: {  	v17 =	vsel vm0, v14, v6;
	_ =	sdelay $0x4  }
0x2a4: {  	[tilespmem:v17+s16+$0x0] =	vst.idx.msk $0xffff, v12  }
0x2a5: {  	v17 =	vld [tilespmem:s23+$0x10];
	_ =	sdelay $0x3  }
0x2a6: {  	v18 =	vsel vm0, $0x10, v7  }
0x2a7: {  	v14 =	vadd.s32 v14, v18;
	vm12 =	vgt.f32 v17, v16  }
0x2a8: {  	v18 =	vsel vm12, v14, v6;
	_ =	sdelay $0x3  }
0x2a9: {  	v19 =	vadd.s32 $0x10, v12  }
0x2aa: {  	[tilespmem:v18+s16+$0x0] =	vst.idx.msk $0xffff, v19  }
0x2ab: {  	v18 =	vld [tilespmem:s23+$0x20];
	_ =	sdelay $0x3  }
0x2ac: {  	v34 =	vsel vm12, $0x10, v7  }
0x2ad: {  	v14 =	vadd.s32 v14, v34;
	vm13 =	vgt.f32 v18, v16  }
0x2ae: {  	v19 =	vsel vm13, v14, v6;
	_ =	sdelay $0x3  }
0x2af: {  	v20 =	vadd.s32 $0x20, v12  }
0x2b0: {  	[tilespmem:v19+s16+$0x0] =	vst.idx.msk $0xffff, v20  }
0x2b1: {  	v19 =	vld [tilespmem:s23+$0x30];
	_ =	sdelay $0x3  }
0x2b2: {  	v35 =	vsel vm13, $0x10, v7  }
0x2b3: {  	v14 =	vadd.s32 v14, v35;
	vm14 =	vgt.f32 v19, v16  }
0x2b4: {  	v20 =	vsel vm14, v14, v6;
	_ =	sdelay $0x3  }
0x2b5: {  	v21 =	vadd.s32 $0x30, v12  }
0x2b6: {  	[tilespmem:v20+s16+$0x0] =	vst.idx.msk $0xffff, v21  }
0x2b7: {  	v20 =	vld [tilespmem:s23+$0x40];
	_ =	sdelay $0x3  }
0x2b8: {  	v36 =	vsel vm14, $0x10, v7  }
0x2b9: {  	v14 =	vadd.s32 v14, v36;
	vm15 =	vgt.f32 v20, v16  }
0x2ba: {  	v21 =	vsel vm15, v14, v6;
	_ =	sdelay $0x3  }
0x2bb: {  	v22 =	vadd.s32 $0x40, v12  }
0x2bc: {  	[tilespmem:v21+s16+$0x0] =	vst.idx.msk $0xffff, v22  }
0x2bd: {  	v21 =	vld [tilespmem:s23+$0x50];
	_ =	sdelay $0x3  }
0x2be: {  	v37 =	vsel vm15, $0x10, v7  }
0x2bf: {  	v14 =	vadd.s32 v14, v37;
	vm4 =	vgt.f32 v21, v16  }
0x2c0: {  	v22 =	vsel vm4, v14, v6;
	_ =	sdelay $0x3  }
0x2c1: {  	v23 =	vadd.s32 $0x50, v12  }
0x2c2: {  	[tilespmem:v22+s16+$0x0] =	vst.idx.msk $0xffff, v23  }
0x2c3: {  	v22 =	vld [tilespmem:s23+$0x60];
	_ =	sdelay $0x3  }
0x2c4: {  	v38 =	vsel vm4, $0x10, v7  }
0x2c5: {  	v14 =	vadd.s32 v14, v38;
	vm5 =	vgt.f32 v22, v16  }
0x2c6: {  	v23 =	vsel vm5, v14, v6;
	_ =	sdelay $0x3  }
0x2c7: {  	v24 =	vadd.s32 $0x60, v12  }
0x2c8: {  	[tilespmem:v23+s16+$0x0] =	vst.idx.msk $0xffff, v24  }
0x2c9: {  	v23 =	vld [tilespmem:s23+$0x70];
	_ =	sdelay $0x3  }
0x2ca: {  	v39 =	vsel vm5, $0x10, v7  }
0x2cb: {  	v14 =	vadd.s32 v14, v39;
	vm6 =	vgt.f32 v23, v16  }
0x2cc: {  	v24 =	vsel vm6, v14, v6;
	_ =	sdelay $0x3  }
0x2cd: {  	v25 =	vadd.s32 $0x70, v12  }
0x2ce: {  	[tilespmem:v24+s16+$0x0] =	vst.idx.msk $0xffff, v25  }
0x2cf: {  	v24 =	vld [tilespmem:s23+$0x80];
	_ =	sdelay $0x3  }
0x2d0: {  	v40 =	vsel vm6, $0x10, v7  }
0x2d1: {  	v14 =	vadd.s32 v14, v40;
	vm7 =	vgt.f32 v24, v16  }
0x2d2: {  	v25 =	vsel vm7, v14, v6;
	_ =	sdelay $0x3  }
0x2d3: {  	v26 =	vadd.s32 $0x80, v12  }
0x2d4: {  	[tilespmem:v25+s16+$0x0] =	vst.idx.msk $0xffff, v26  }
0x2d5: {  	v25 =	vld [tilespmem:s23+$0x90];
	_ =	sdelay $0x3  }
0x2d6: {  	v41 =	vsel vm7, $0x10, v7  }
0x2d7: {  	v14 =	vadd.s32 v14, v41;
	vm8 =	vgt.f32 v25, v16  }
0x2d8: {  	v26 =	vsel vm8, v14, v6;
	_ =	sdelay $0x3  }
0x2d9: {  	v27 =	vadd.s32 $0x90, v12  }
0x2da: {  	[tilespmem:v26+s16+$0x0] =	vst.idx.msk $0xffff, v27  }
0x2db: {  	v26 =	vld [tilespmem:s23+$0xA0];
	_ =	sdelay $0x3  }
0x2dc: {  	v42 =	vsel vm8, $0x10, v7  }
0x2dd: {  	v14 =	vadd.s32 v14, v42;
	vm9 =	vgt.f32 v26, v16  }
0x2de: {  	v27 =	vsel vm9, v14, v6;
	_ =	sdelay $0x3  }
0x2df: {  	v28 =	vadd.s32 $0xA0, v12  }
0x2e0: {  	[tilespmem:v27+s16+$0x0] =	vst.idx.msk $0xffff, v28  }
0x2e1: {  	v27 =	vld [tilespmem:s23+$0xB0];
	_ =	sdelay $0x3  }
0x2e2: {  	v43 =	vsel vm9, $0x10, v7  }
0x2e3: {  	v14 =	vadd.s32 v14, v43;
	vm10 =	vgt.f32 v27, v16  }
0x2e4: {  	v28 =	vsel vm10, v14, v6;
	_ =	sdelay $0x3  }
0x2e5: {  	v29 =	vadd.s32 $0xB0, v12  }
0x2e6: {  	[tilespmem:v28+s16+$0x0] =	vst.idx.msk $0xffff, v29  }
0x2e7: {  	v28 =	vld [tilespmem:s23+$0xC0];
	_ =	sdelay $0x3  }
0x2e8: {  	v44 =	vsel vm10, $0x10, v7  }
0x2e9: {  	v14 =	vadd.s32 v14, v44;
	vm11 =	vgt.f32 v28, v16  }
0x2ea: {  	v29 =	vsel vm11, v14, v6;
	_ =	sdelay $0x3  }
0x2eb: {  	v30 =	vadd.s32 $0xC0, v12  }
0x2ec: {  	[tilespmem:v29+s16+$0x0] =	vst.idx.msk $0xffff, v30  }
0x2ed: {  	v29 =	vld [tilespmem:s23+$0xD0];
	_ =	sdelay $0x3  }
0x2ee: {  	v45 =	vsel vm11, $0x10, v7  }
0x2ef: {  	v14 =	vadd.s32 v14, v45;
	vm12 =	vgt.f32 v29, v16  }
0x2f0: {  	v30 =	vsel vm12, v14, v6;
	_ =	sdelay $0x3  }
0x2f1: {  	v31 =	vadd.s32 $0xD0, v12  }
0x2f2: {  	[tilespmem:v30+s16+$0x0] =	vst.idx.msk $0xffff, v31  }
0x2f3: {  	v30 =	vld [tilespmem:s23+$0xE0];
	_ =	sdelay $0x3  }
0x2f4: {  	v46 =	vsel vm12, $0x10, v7  }
0x2f5: {  	v14 =	vadd.s32 v14, v46;
	vm13 =	vgt.f32 v30, v16  }
0x2f6: {  	v31 =	vsel vm13, v14, v6;
	_ =	sdelay $0x3  }
0x2f7: {  	v32 =	vadd.s32 $0xE0, v12  }
0x2f8: {  	[tilespmem:v31+s16+$0x0] =	vst.idx.msk $0xffff, v32  }
0x2f9: {  	v31 =	vld [tilespmem:s23+$0xF0];
	_ =	sdelay $0x1  }
0x2fa: {  	v15 =	vmax.f32 v15, v17;
	v47 =	vmax.f32 v18, v19  }
0x2fb: {  	v15 =	vmax.f32 v15, v47  }
0x2fc: {  	v48 =	vmax.f32 v20, v21;
	v49 =	vmax.f32 v22, v23;
	v50 =	vmax.f32 v24, v25  }
0x2fd: {  	v51 =	vmax.f32 v26, v27;
	v52 =	vmax.f32 v28, v29;
	v53 =	vmax.f32 v30, v31  }
0x2fe: {  	v54 =	vmax.f32 v48, v49;
	v55 =	vmax.f32 v50, v51;
	v56 =	vmax.f32 v52, v53  }
0x2ff: {  	v15 =	vmax.f32 v15, v54;
	v57 =	vmax.f32 v55, v56  }
0x300: {  	v15 =	vmax.f32 v15, v57  }
0x301: {  	v17 =	vperm.xlane v15, v1;
	_ =	sdelay $0x1  }
0x302: {  	v15 =	vmax.f32 v15, v17  }
0x303: {  	v17 =	vperm.xlane v15, v3;
	_ =	sdelay $0x1  }
0x304: {  	v58 =	vsel vm13, $0x10, v7;
	v15 =	vmax.f32 v15, v17  }
0x305: {  	v14 =	vadd.s32 v14, v58;
	vm14 =	vgt.f32 v31, v16;
	v59 =	vperm.xlane v15, v4  }
0x306: {  	p0 =	sne.s32 s22, $0x1FC00;
	v60 =	vsel vm14, v14, v6  }
.Ltmp10:
0x307: {  	v15 =	vmax.f32 v15, v59;
	(pc) =	sbr.rel @p0 .LBB2_22-.Ltmp10, $4  }
0x308: {  	v61 =	vsel vm14, $0x10, v7;
	v62 =	vperm.xlane v15, v5  }
0x309: {  	v14 =	vadd.s32 v14, v61  }
0x30a: {  	v63 =	vadd.s32 $0xF0, v12;
	vm15 =	vlt.s32 v14, v8;
	v15 =	vmax.f32 v15, v62  }
0x30b: {  	s22 =	sadd.s32 $0x400, s22;
	v12 =	vadd.s32 $0x100, v12;
	v14 =	vsel vm15, v14, v8;
	[tilespmem:v60+s16+$0x0] =	vst.idx.msk $0xffff, v63;
	v13 =	vmax.f32 v13, v15  }
0x30c: {  	_ =	swait.ge [sflag:s20], $0x8000  }
0x30d: {  	[sflag:s20] =	ssyncset.done $0x0  }
0x30e: {  	s22 =	simm.s32 $0x0;
	[sflag:s20] =	ssyncadd.s32 $0xFFFF8000  }
.LBB2_24:
0x30f: {  	s23 =	sshra.s32 s22, $0x2  }
0x310: {  	v12 =	vld [tilespmem:s23+$0x18700];
	_ =	sdelay $0x7  }
0x311: {  	[tilespmem:v12+s17+$0x0] =	vst.idx.msk $0xffff, v2  }
0x312: {  	v12 =	vld [tilespmem:s23+$0x18710];
	_ =	sdelay $0x7  }
0x313: {  	[tilespmem:v12+s17+$0x0] =	vst.idx.msk $0xffff, v2  }
0x314: {  	v12 =	vld [tilespmem:s23+$0x18720];
	_ =	sdelay $0x7  }
0x315: {  	[tilespmem:v12+s17+$0x0] =	vst.idx.msk $0xffff, v2  }
0x316: {  	v12 =	vld [tilespmem:s23+$0x18730];
	_ =	sdelay $0x2  }
0x317: {  	p0 =	sne.s32 s22, $0xF00  }
.Ltmp11:
0x318: {  	_ = 	snop;
	(pc) =	sbr.rel @p0 .LBB2_24-.Ltmp11, $2  }
0x319: {  	_ =	sdelay $0x2  }
0x31a: {  	s22 =	sadd.s32 $0x100, s22;
	[tilespmem:v12+s17+$0x0] =	vst.idx.msk $0xffff, v2  }
0x31b: {  	v12 =	vadd.f32 $-1.000000000e+00, v13;
	s22 =	simm.s32 $0x0  }
.LBB2_26:
0x31c: {  	s23 =	simm.s32 $0x0  }
0x31d: {  	v13 =	vld [tilespmem:s23+$0x18180]  }
0x31e: {  	v14 =	vld [tilespmem:s23+$0x18190]  }
0x31f: {  	v15 =	vld [tilespmem:s23+$0x181A0]  }
0x320: {  	v16 =	vld [tilespmem:s23+$0x181B0]  }
0x321: {  	s30 =	simm.s32 $0x40  }
0x322: {  	v17 =	vld [tilespmem:s30+$0x18180]  }
0x323: {  	v19 =	vld [tilespmem:s30+$0x18190]  }
0x324: {  	v25 =	vld [tilespmem:s30+$0x181A0]  }
0x325: {  	v13 =	vld.idx.msk [tilespmem:v13+s2+$0x0], $0xffff  }
0x326: {  	v20 =	vld.idx.msk [tilespmem:v14+s2+$0x0], $0xffff  }
0x327: {  	v15 =	vld.idx.msk [tilespmem:v15+s2+$0x0], $0xffff  }
0x328: {  	v27 =	vld.idx.msk [tilespmem:v16+s2+$0x0], $0xffff  }
0x329: {  	s31 =	simm.s32 $0x80;
	v18 =	vld [tilespmem:s30+$0x181B0]  }
0x32a: {  	v21 =	vld [tilespmem:s31+$0x18180]  }
0x32b: {  	v22 =	vld [tilespmem:s31+$0x18190]  }
0x32c: {  	v26 =	vimm.f32 $0.0e+00;
	v14 =	vld.idx.msk [tilespmem:v17+s2+$0x0], $0xffff;
	vm0 =	vgt.f32 v13, v12;
	vm1 =	vgt.f32 v20, v12  }
0x32d: {  	vm14 =	vgt.f32 v15, v12;
	vm15 =	vgt.f32 v27, v12;
	v16 =	vnsel vm0, $0x0, v13;
	v13 =	vld.idx.msk [tilespmem:v19+s2+$0x0], $0xffff  }
0x32e: {  	v23 =	vsel vm0, $0x3F800000, v2;
	v17 =	vsel vm1, $0x3F800000, v2;
	v20 =	vnsel vm1, $0x0, v20;
	v19 =	vld [tilespmem:s31+$0x181A0]  }
0x32f: {  	v28 =	vnsel vm14, $0x0, v15;
	v15 =	vld.idx.msk [tilespmem:v25+s2+$0x0], $0xffff;
	v25 =	vnsel vm15, $0x0, v27;
	v16 =	vadd.f32 v16, v26  }
0x330: {  	v27 =	vsel vm15, $0x3F800000, v2;
	v24 =	vadd.f32 v17, v26;
	v17 =	vadd.f32 v20, v26;
	v20 =	vld [tilespmem:s31+$0x181B0]  }
0x331: {  	s23 =	simm.s32 $0x300;
	v23 =	vadd.f32 v23, v26;
	v26 =	vsel vm14, $0x3F800000, v2;
	v16 =	vadd.f32 v28, v16  }
.LBB2_27:
0x332: {  	s24 =	sshra.s32 s23, $0x2;
	p0 =	sne.s32 s23, $0xF00;
	s23 =	sadd.s32 $0x100, s23;
	v28 =	vld.idx.msk [tilespmem:v18+s2+$0x0], $0xffff;
	v17 =	vadd.f32 v25, v17;
	v24 =	vadd.f32 v27, v24  }
0x333: {  	vm0 =	vgt.f32 v14, v12;
	v23 =	vadd.f32 v26, v23;
	v25 =	vld [tilespmem:s24+$0x18180]  }
0x334: {  	v26 =	vnsel vm0, $0x0, v14;
	v27 =	vsel vm0, $0x3F800000, v2;
	vm0 =	vgt.f32 v13, v12;
	v29 =	vld [tilespmem:s24+$0x18190];
	v30 =	vmovc v19  }
.Ltmp12:
0x335: {  	v19 =	vsel vm0, $0x3F800000, v2;
	v14 =	vld.idx.msk [tilespmem:v21+s2+$0x0], $0xffff;
	v21 =	vnsel vm0, $0x0, v13;
	v18 =	vmov v20;
	(pc) =	sbr.rel @p0 .LBB2_27-.Ltmp12, $4  }
0x336: {  	v23 =	vadd.f32 v27, v23;
	v24 =	vadd.f32 v19, v24;
	v13 =	vld.idx.msk [tilespmem:v22+s2+$0x0], $0xffff  }
0x337: {  	v16 =	vadd.f32 v26, v16;
	v17 =	vadd.f32 v21, v17;
	vm0 =	vgt.f32 v15, v12;
	v19 =	vld [tilespmem:s24+$0x181A0]  }
0x338: {  	v31 =	vnsel vm0, $0x0, v15;
	v26 =	vsel vm0, $0x3F800000, v2;
	vm0 =	vgt.f32 v28, v12;
	v20 =	vld [tilespmem:s24+$0x181B0];
	v21 =	vmovc v25  }
0x339: {  	v16 =	vadd.f32 v31, v16;
	v25 =	vnsel vm0, $0x0, v28;
	v27 =	vsel vm0, $0x3F800000, v2;
	v15 =	vld.idx.msk [tilespmem:v30+s2+$0x0], $0xffff;
	v22 =	vmovc v29  }
0x33a: {  	_ =	sdelay $0x3  }
0x33b: {  	v18 =	vld.idx.msk [tilespmem:v18+s2+$0x0], $0xffff  }
0x33c: {  	v21 =	vld.idx.msk [tilespmem:v21+s2+$0x0], $0xffff  }
0x33d: {  	v23 =	vadd.f32 v26, v23;
	v22 =	vld.idx.msk [tilespmem:v22+s2+$0x0], $0xffff;
	vm0 =	vgt.f32 v14, v12  }
0x33e: {  	v24 =	vadd.f32 v27, v24;
	vm1 =	vgt.f32 v13, v12;
	v52 =	vsel vm0, $0x3F800000, v2;
	v19 =	vld.idx.msk [tilespmem:v19+s2+$0x0], $0xffff  }
0x33f: {  	v53 =	vsel vm1, $0x3F800000, v2;
	v23 =	vadd.f32 v52, v23;
	v20 =	vld.idx.msk [tilespmem:v20+s2+$0x0], $0xffff  }
0x340: {  	v24 =	vadd.f32 v53, v24;
	vm2 =	vgt.f32 v15, v12;
	vm3 =	vgt.f32 v18, v12  }
0x341: {  	v54 =	vsel vm2, $0x3F800000, v2;
	vm4 =	vgt.f32 v21, v12;
	v55 =	vsel vm3, $0x3F800000, v2  }
0x342: {  	vm5 =	vgt.f32 v22, v12;
	v23 =	vadd.f32 v54, v23;
	v24 =	vadd.f32 v55, v24  }
0x343: {  	v56 =	vsel vm4, $0x3F800000, v2;
	v57 =	vsel vm5, $0x3F800000, v2;
	vm6 =	vgt.f32 v19, v12  }
0x344: {  	v23 =	vadd.f32 v56, v23;
	vm7 =	vgt.f32 v20, v12;
	v24 =	vadd.f32 v57, v24  }
0x345: {  	v12 =	vadd.f32 v25, v17;
	v58 =	vsel vm6, $0x3F800000, v2;
	v59 =	vsel vm7, $0x3F800000, v2  }
0x346: {  	v14 =	vnsel vm0, $0x0, v14;
	v17 =	vadd.f32 v58, v23;
	v24 =	vadd.f32 v59, v24  }
0x347: {  	v13 =	vnsel vm1, $0x0, v13;
	v14 =	vadd.f32 v14, v16  }
0x348: {  	v15 =	vnsel vm2, $0x0, v15;
	v12 =	vadd.f32 v13, v12;
	v13 =	vadd.f32 v24, v17  }
0x349: {  	v60 =	vnsel vm3, $0x0, v18;
	v14 =	vadd.f32 v15, v14  }
0x34a: {  	v15 =	vnsel vm4, $0x0, v21;
	v12 =	vadd.f32 v60, v12;
	v61 =	vperm.xlane v13, v9  }
0x34b: {  	v62 =	vnsel vm5, $0x0, v22;
	v14 =	vadd.f32 v15, v14  }
0x34c: {  	v12 =	vadd.f32 v62, v12;
	v13 =	vadd.f32 v61, v13  }
0x34d: {  	v15 =	vnsel vm6, $0x0, v19;
	v63 =	vnsel vm7, $0x0, v20  }
0x34e: {  	v14 =	vadd.f32 v15, v14;
	v12 =	vadd.f32 v63, v12;
	v15 =	vperm.xlane v13, v10;
	_ =	sdelay $0x1  }
0x34f: {  	v12 =	vadd.f32 v12, v14;
	v13 =	vadd.f32 v15, v13;
	_ =	sdelay $0x1  }
0x350: {  	v14 =	vperm.xlane v12, v9;
	v15 =	vperm.xlane v13, v11;
	_ =	sdelay $0x1  }
0x351: {  	v12 =	vadd.f32 v14, v12;
	v13 =	vadd.f32 v15, v13;
	_ =	sdelay $0x1  }
0x352: {  	v14 =	vperm.xlane v12, v10;
	v15 =	vperm.xlane v13, v5;
	_ =	sdelay $0x1  }
0x353: {  	v12 =	vadd.f32 v14, v12;
	v13 =	vadd.f32 v15, v13;
	_ =	sdelay $0x1  }
0x354: {  	v14 =	vperm.xlane v12, v11;
	(erf) = vrcp.f32 v13;
	_ =	sdelay $0x1  }
0x355: {  	v12 =	vadd.f32 v14, v12;
	_ =	sdelay $0x1  }
0x356: {  	s22 =	sadd.s32 $0x1, s22;
	v13 =	vperm.xlane v12, v5  }
0x357: {  	p0 =	sne.s32 s22, $0xC  }
.Ltmp13:
0x358: {  	v12 =	vadd.f32 v13, v12;
	(pc) =	sbr.rel @p0 .LBB2_26-.Ltmp13, $4  }
0x359: {  	_ = 	snop  }
0x35a: {  	v12 =	vadd.f32 $-1.000000000e+00, v12  }
0x35b: {  	v13 =	vpop (erf)  }
0x35c: {  	v12 =	vmul.f32 v13, v12  }
0x35d: {  	s22 =	simm.s32 $0x0  }
.LBB2_30:
0x35e: {  	s23 =	sshra.s32 s22, $0x2  }
0x35f: {  	v13 =	vld [tilespmem:s23+$0x18180];
	_ =	sdelay $0x7  }
0x360: {  	v14 =	vld.idx.msk [tilespmem:v13+s2+$0x0], $0xffff;
	_ =	sdelay $0x4  }
0x361: {  	v14 =	vsub.f32 v14, v12;
	_ =	sdelay $0x1  }
0x362: {  	v14 =	vmax.f32 v14, $0.0e+00  }
0x363: {  	[tilespmem:v13+s17+$0x0] =	vst.idx.msk $0xffff, v14  }
0x364: {  	v13 =	vld [tilespmem:s23+$0x18190];
	_ =	sdelay $0x7  }
0x365: {  	v14 =	vld.idx.msk [tilespmem:v13+s2+$0x0], $0xffff;
	_ =	sdelay $0x4  }
0x366: {  	v14 =	vsub.f32 v14, v12;
	_ =	sdelay $0x1  }
0x367: {  	v14 =	vmax.f32 v14, $0.0e+00  }
0x368: {  	[tilespmem:v13+s17+$0x0] =	vst.idx.msk $0xffff, v14  }
0x369: {  	v13 =	vld [tilespmem:s23+$0x181A0];
	_ =	sdelay $0x7  }
0x36a: {  	v14 =	vld.idx.msk [tilespmem:v13+s2+$0x0], $0xffff;
	_ =	sdelay $0x4  }
0x36b: {  	v14 =	vsub.f32 v14, v12;
	_ =	sdelay $0x1  }
0x36c: {  	v14 =	vmax.f32 v14, $0.0e+00  }
0x36d: {  	[tilespmem:v13+s17+$0x0] =	vst.idx.msk $0xffff, v14  }
0x36e: {  	v13 =	vld [tilespmem:s23+$0x181B0];
	_ =	sdelay $0x7  }
0x36f: {  	v14 =	vld.idx.msk [tilespmem:v13+s2+$0x0], $0xffff;
	_ =	sdelay $0x2  }
0x370: {  	p0 =	sne.s32 s22, $0xF00  }
.Ltmp14:
0x371: {  	_ = 	snop;
	(pc) =	sbr.rel @p0 .LBB2_30-.Ltmp14, $3  }
0x372: {  	v14 =	vsub.f32 v14, v12;
	_ =	sdelay $0x1  }
0x373: {  	v14 =	vmax.f32 v14, $0.0e+00  }
0x374: {  	s22 =	sadd.s32 $0x100, s22;
	[tilespmem:v13+s17+$0x0] =	vst.idx.msk $0xffff, v14  }
0x375: {  	[hbm4b:s9+s12] =	stream.strided.scatter [tilespmem:s17], [sflag:$0x3], $0x8000, s13, s12, $0x38;
	[tilespmem:$0x18C80] =	vst v63  }
0x376: {  	_ =	swait.ge [sflag:s18], $0x8000  }
0x377: {  	v12 =	vlaneseq.u32;
	[sflag:s18] =	ssyncset.done $0x0  }
0x378: {  	v13 =	vor.u32 $0x8000, v12;
	[sflag:s18] =	ssyncadd.s32 $0xFFFF8000  }
0x379: {  	[tilespmem:$0x18700] =	vst v13  }
0x37a: {  	[tilespmem:$0x18710] =	vst v13  }
0x37b: {  	[tilespmem:$0x18720] =	vst v13  }
0x37c: {  	[tilespmem:$0x18730] =	vst v13  }
0x37d: {  	[tilespmem:$0x18740] =	vst v13  }
0x37e: {  	[tilespmem:$0x18750] =	vst v13  }
0x37f: {  	[tilespmem:$0x18760] =	vst v13  }
0x380: {  	[tilespmem:$0x18770] =	vst v13  }
0x381: {  	[tilespmem:$0x18780] =	vst v13  }
0x382: {  	[tilespmem:$0x18790] =	vst v13  }
0x383: {  	[tilespmem:$0x187A0] =	vst v13  }
0x384: {  	[tilespmem:$0x187B0] =	vst v13  }
0x385: {  	[tilespmem:$0x187C0] =	vst v13  }
0x386: {  	[tilespmem:$0x187D0] =	vst v13  }
0x387: {  	[tilespmem:$0x187E0] =	vst v13  }
0x388: {  	v14 =	vld [tilespmem:$0x8080];
	[tilespmem:$0x187F0] =	vst v13  }
0x389: {  	v15 =	vld [tilespmem:$0x8480];
	[tilespmem:$0x18800] =	vst v13  }
0x38a: {  	v16 =	vld [tilespmem:$0x8880];
	[tilespmem:$0x18810] =	vst v13  }
0x38b: {  	v17 =	vld [tilespmem:$0x8C80];
	[tilespmem:$0x18820] =	vst v13  }
0x38c: {  	v18 =	vld [tilespmem:$0x9080];
	[tilespmem:$0x18830] =	vst v13  }
0x38d: {  	v19 =	vld [tilespmem:$0x9480];
	[tilespmem:$0x18840] =	vst v13  }
0x38e: {  	[tilespmem:$0x18850] =	vst v13;
	v14 =	vmax.f32 v14, v15;
	v15 =	vld [tilespmem:$0x9880]  }
0x38f: {  	v44 =	vld [tilespmem:$0x9C80];
	[tilespmem:$0x18860] =	vst v13;
	v14 =	vmax.f32 v14, v16  }
0x390: {  	v45 =	vld [tilespmem:$0xA080];
	[tilespmem:$0x18870] =	vst v13;
	v14 =	vmax.f32 v14, v17  }
0x391: {  	v46 =	vld [tilespmem:$0xA480];
	[tilespmem:$0x18880] =	vst v13;
	v14 =	vmax.f32 v14, v18  }
0x392: {  	v47 =	vld [tilespmem:$0xA880];
	[tilespmem:$0x18890] =	vst v13;
	v14 =	vmax.f32 v14, v19  }
0x393: {  	[tilespmem:$0x188A0] =	vst v13;
	v14 =	vmax.f32 v14, v15;
	v15 =	vld [tilespmem:$0xAC80]  }
0x394: {  	v48 =	vld [tilespmem:$0xB080];
	[tilespmem:$0x188B0] =	vst v13;
	v14 =	vmax.f32 v14, v44  }
0x395: {  	v49 =	vld [tilespmem:$0xB480];
	[tilespmem:$0x188C0] =	vst v13;
	v14 =	vmax.f32 v14, v45  }
0x396: {  	v50 =	vld [tilespmem:$0xB880];
	[tilespmem:$0x188D0] =	vst v13;
	v14 =	vmax.f32 v14, v46  }
0x397: {  	v51 =	vld [tilespmem:$0xBC80];
	[tilespmem:$0x188E0] =	vst v13;
	v14 =	vmax.f32 v14, v47  }
0x398: {  	[tilespmem:$0x188F0] =	vst v13;
	v14 =	vmax.f32 v14, v15;
	v15 =	vld [tilespmem:$0xC080]  }
0x399: {  	v52 =	vld [tilespmem:$0xC480];
	[tilespmem:$0x18900] =	vst v13;
	v14 =	vmax.f32 v14, v48  }
0x39a: {  	v53 =	vld [tilespmem:$0xC880];
	[tilespmem:$0x18910] =	vst v13;
	v14 =	vmax.f32 v14, v49  }
0x39b: {  	v54 =	vld [tilespmem:$0xCC80];
	[tilespmem:$0x18920] =	vst v13;
	v14 =	vmax.f32 v14, v50  }
0x39c: {  	v55 =	vld [tilespmem:$0xD080];
	[tilespmem:$0x18930] =	vst v13;
	v14 =	vmax.f32 v14, v51  }
0x39d: {  	[tilespmem:$0x18940] =	vst v13;
	v14 =	vmax.f32 v14, v15;
	v15 =	vld [tilespmem:$0xD480]  }
0x39e: {  	v56 =	vld [tilespmem:$0xD880];
	[tilespmem:$0x18950] =	vst v13;
	v14 =	vmax.f32 v14, v52  }
0x39f: {  	v57 =	vld [tilespmem:$0xDC80];
	[tilespmem:$0x18960] =	vst v13;
	v14 =	vmax.f32 v14, v53  }
0x3a0: {  	v58 =	vld [tilespmem:$0xE080];
	[tilespmem:$0x18970] =	vst v13;
	v14 =	vmax.f32 v14, v54  }
0x3a1: {  	v59 =	vld [tilespmem:$0xE480];
	[tilespmem:$0x18980] =	vst v13;
	v14 =	vmax.f32 v14, v55  }
0x3a2: {  	[tilespmem:$0x18990] =	vst v13;
	v14 =	vmax.f32 v14, v15;
	v15 =	vld [tilespmem:$0xE880]  }
0x3a3: {  	v60 =	vld [tilespmem:$0xEC80];
	[tilespmem:$0x189A0] =	vst v13;
	v14 =	vmax.f32 v14, v56  }
0x3a4: {  	v61 =	vld [tilespmem:$0xF080];
	[tilespmem:$0x189B0] =	vst v13;
	v14 =	vmax.f32 v14, v57  }
0x3a5: {  	v62 =	vld [tilespmem:$0xF480];
	[tilespmem:$0x189C0] =	vst v13;
	v14 =	vmax.f32 v14, v58  }
0x3a6: {  	v63 =	vld [tilespmem:$0xF880];
	[tilespmem:$0x189D0] =	vst v13;
	v14 =	vmax.f32 v14, v59  }
0x3a7: {  	[tilespmem:$0x189E0] =	vst v13;
	v14 =	vmax.f32 v14, v15;
	v15 =	vld [tilespmem:$0xFC80]  }
0x3a8: {  	[tilespmem:$0x189F0] =	vst v13;
	v14 =	vmax.f32 v14, v60  }
0x3a9: {  	[tilespmem:$0x18A00] =	vst v13;
	v14 =	vmax.f32 v14, v61  }
0x3aa: {  	[tilespmem:$0x18A10] =	vst v13;
	v14 =	vmax.f32 v14, v62  }
0x3ab: {  	[tilespmem:$0x18A20] =	vst v13;
	v14 =	vmax.f32 v14, v63  }
0x3ac: {  	[tilespmem:$0x18A30] =	vst v13;
	v14 =	vmax.f32 v14, v15  }
0x3ad: {  	[tilespmem:$0x18A40] =	vst v13;
	v15 =	vperm.xlane v14, v1  }
0x3ae: {  	[tilespmem:$0x18A50] =	vst v13  }
0x3af: {  	[tilespmem:$0x18A60] =	vst v13;
	v14 =	vmax.f32 v14, v15  }
0x3b0: {  	[tilespmem:$0x18A70] =	vst v13;
	v15 =	vperm.xlane v14, v3  }
0x3b1: {  	[tilespmem:$0x18A80] =	vst v13  }
0x3b2: {  	[tilespmem:$0x18A90] =	vst v13;
	v14 =	vmax.f32 v14, v15  }
0x3b3: {  	[tilespmem:$0x18AA0] =	vst v13;
	v15 =	vperm.xlane v14, v4  }
0x3b4: {  	[tilespmem:$0x18AB0] =	vst v13  }
0x3b5: {  	[tilespmem:$0x18AC0] =	vst v13;
	v14 =	vmax.f32 v14, v15  }
0x3b6: {  	[tilespmem:$0x18AD0] =	vst v13;
	v15 =	vperm.xlane v14, v5  }
0x3b7: {  	[tilespmem:$0x18AE0] =	vst v13  }
0x3b8: {  	s22 =	simm.s32 $0x0;
	[tilespmem:$0x18AF0] =	vst v13;
	v13 =	vmax.f32 v14, v15;
	v14 =	vlaneseq.u32  }
.LBB2_32:
0x3b9: {  	s23 =	sshra.s32 s22, $0x2  }
0x3ba: {  	v15 =	vld [tilespmem:s23+$0x8080];
	_ =	sdelay $0x2  }
0x3bb: {  	v16 =	vadd.f32 $-1.000000000e+00, v13;
	_ =	sdelay $0x1  }
0x3bc: {  	vm0 =	vgt.f32 v15, v16  }
0x3bd: {  	v17 =	vsel vm0, v14, v6;
	_ =	sdelay $0x4  }
0x3be: {  	[tilespmem:v17+s19+$0x0] =	vst.idx.msk $0xffff, v12  }
0x3bf: {  	v17 =	vld [tilespmem:s23+$0x8090];
	_ =	sdelay $0x3  }
0x3c0: {  	v18 =	vsel vm0, $0x10, v7  }
0x3c1: {  	v14 =	vadd.s32 v14, v18;
	vm12 =	vgt.f32 v17, v16  }
0x3c2: {  	v18 =	vsel vm12, v14, v6;
	_ =	sdelay $0x3  }
0x3c3: {  	v19 =	vadd.s32 $0x10, v12  }
0x3c4: {  	[tilespmem:v18+s19+$0x0] =	vst.idx.msk $0xffff, v19  }
0x3c5: {  	v18 =	vld [tilespmem:s23+$0x80A0];
	_ =	sdelay $0x3  }
0x3c6: {  	v34 =	vsel vm12, $0x10, v7  }
0x3c7: {  	v14 =	vadd.s32 v14, v34;
	vm13 =	vgt.f32 v18, v16  }
0x3c8: {  	v19 =	vsel vm13, v14, v6;
	_ =	sdelay $0x3  }
0x3c9: {  	v20 =	vadd.s32 $0x20, v12  }
0x3ca: {  	[tilespmem:v19+s19+$0x0] =	vst.idx.msk $0xffff, v20  }
0x3cb: {  	v19 =	vld [tilespmem:s23+$0x80B0];
	_ =	sdelay $0x3  }
0x3cc: {  	v35 =	vsel vm13, $0x10, v7  }
0x3cd: {  	v14 =	vadd.s32 v14, v35;
	vm14 =	vgt.f32 v19, v16  }
0x3ce: {  	v20 =	vsel vm14, v14, v6;
	_ =	sdelay $0x3  }
0x3cf: {  	v21 =	vadd.s32 $0x30, v12  }
0x3d0: {  	[tilespmem:v20+s19+$0x0] =	vst.idx.msk $0xffff, v21  }
0x3d1: {  	v20 =	vld [tilespmem:s23+$0x80C0];
	_ =	sdelay $0x3  }
0x3d2: {  	v36 =	vsel vm14, $0x10, v7  }
0x3d3: {  	v14 =	vadd.s32 v14, v36;
	vm15 =	vgt.f32 v20, v16  }
0x3d4: {  	v21 =	vsel vm15, v14, v6;
	_ =	sdelay $0x3  }
0x3d5: {  	v22 =	vadd.s32 $0x40, v12  }
0x3d6: {  	[tilespmem:v21+s19+$0x0] =	vst.idx.msk $0xffff, v22  }
0x3d7: {  	v21 =	vld [tilespmem:s23+$0x80D0];
	_ =	sdelay $0x3  }
0x3d8: {  	v37 =	vsel vm15, $0x10, v7  }
0x3d9: {  	v14 =	vadd.s32 v14, v37;
	vm4 =	vgt.f32 v21, v16  }
0x3da: {  	v22 =	vsel vm4, v14, v6;
	_ =	sdelay $0x3  }
0x3db: {  	v23 =	vadd.s32 $0x50, v12  }
0x3dc: {  	[tilespmem:v22+s19+$0x0] =	vst.idx.msk $0xffff, v23  }
0x3dd: {  	v22 =	vld [tilespmem:s23+$0x80E0];
	_ =	sdelay $0x3  }
0x3de: {  	v38 =	vsel vm4, $0x10, v7  }
0x3df: {  	v14 =	vadd.s32 v14, v38;
	vm5 =	vgt.f32 v22, v16  }
0x3e0: {  	v23 =	vsel vm5, v14, v6;
	_ =	sdelay $0x3  }
0x3e1: {  	v24 =	vadd.s32 $0x60, v12  }
0x3e2: {  	[tilespmem:v23+s19+$0x0] =	vst.idx.msk $0xffff, v24  }
0x3e3: {  	v23 =	vld [tilespmem:s23+$0x80F0];
	_ =	sdelay $0x3  }
0x3e4: {  	v39 =	vsel vm5, $0x10, v7  }
0x3e5: {  	v14 =	vadd.s32 v14, v39;
	vm6 =	vgt.f32 v23, v16  }
0x3e6: {  	v24 =	vsel vm6, v14, v6;
	_ =	sdelay $0x3  }
0x3e7: {  	v25 =	vadd.s32 $0x70, v12  }
0x3e8: {  	[tilespmem:v24+s19+$0x0] =	vst.idx.msk $0xffff, v25  }
0x3e9: {  	v24 =	vld [tilespmem:s23+$0x8100];
	_ =	sdelay $0x3  }
0x3ea: {  	v40 =	vsel vm6, $0x10, v7  }
0x3eb: {  	v14 =	vadd.s32 v14, v40;
	vm7 =	vgt.f32 v24, v16  }
0x3ec: {  	v25 =	vsel vm7, v14, v6;
	_ =	sdelay $0x3  }
0x3ed: {  	v26 =	vadd.s32 $0x80, v12  }
0x3ee: {  	[tilespmem:v25+s19+$0x0] =	vst.idx.msk $0xffff, v26  }
0x3ef: {  	v25 =	vld [tilespmem:s23+$0x8110];
	_ =	sdelay $0x3  }
0x3f0: {  	v41 =	vsel vm7, $0x10, v7  }
0x3f1: {  	v14 =	vadd.s32 v14, v41;
	vm8 =	vgt.f32 v25, v16  }
0x3f2: {  	v26 =	vsel vm8, v14, v6;
	_ =	sdelay $0x3  }
0x3f3: {  	v27 =	vadd.s32 $0x90, v12  }
0x3f4: {  	[tilespmem:v26+s19+$0x0] =	vst.idx.msk $0xffff, v27  }
0x3f5: {  	v26 =	vld [tilespmem:s23+$0x8120];
	_ =	sdelay $0x3  }
0x3f6: {  	v42 =	vsel vm8, $0x10, v7  }
0x3f7: {  	v14 =	vadd.s32 v14, v42;
	vm9 =	vgt.f32 v26, v16  }
0x3f8: {  	v27 =	vsel vm9, v14, v6;
	_ =	sdelay $0x3  }
0x3f9: {  	v28 =	vadd.s32 $0xA0, v12  }
0x3fa: {  	[tilespmem:v27+s19+$0x0] =	vst.idx.msk $0xffff, v28  }
0x3fb: {  	v27 =	vld [tilespmem:s23+$0x8130];
	_ =	sdelay $0x3  }
0x3fc: {  	v43 =	vsel vm9, $0x10, v7  }
0x3fd: {  	v14 =	vadd.s32 v14, v43;
	vm10 =	vgt.f32 v27, v16  }
0x3fe: {  	v28 =	vsel vm10, v14, v6;
	_ =	sdelay $0x3  }
0x3ff: {  	v29 =	vadd.s32 $0xB0, v12  }
0x400: {  	[tilespmem:v28+s19+$0x0] =	vst.idx.msk $0xffff, v29  }
0x401: {  	v28 =	vld [tilespmem:s23+$0x8140];
	_ =	sdelay $0x3  }
0x402: {  	v44 =	vsel vm10, $0x10, v7  }
0x403: {  	v14 =	vadd.s32 v14, v44;
	vm11 =	vgt.f32 v28, v16  }
0x404: {  	v29 =	vsel vm11, v14, v6;
	_ =	sdelay $0x3  }
0x405: {  	v30 =	vadd.s32 $0xC0, v12  }
0x406: {  	[tilespmem:v29+s19+$0x0] =	vst.idx.msk $0xffff, v30  }
0x407: {  	v29 =	vld [tilespmem:s23+$0x8150];
	_ =	sdelay $0x3  }
0x408: {  	v45 =	vsel vm11, $0x10, v7  }
0x409: {  	v14 =	vadd.s32 v14, v45;
	vm12 =	vgt.f32 v29, v16  }
0x40a: {  	v30 =	vsel vm12, v14, v6;
	_ =	sdelay $0x3  }
0x40b: {  	v31 =	vadd.s32 $0xD0, v12  }
0x40c: {  	[tilespmem:v30+s19+$0x0] =	vst.idx.msk $0xffff, v31  }
0x40d: {  	v30 =	vld [tilespmem:s23+$0x8160];
	_ =	sdelay $0x3  }
0x40e: {  	v46 =	vsel vm12, $0x10, v7  }
0x40f: {  	v14 =	vadd.s32 v14, v46;
	vm13 =	vgt.f32 v30, v16  }
0x410: {  	v31 =	vsel vm13, v14, v6;
	_ =	sdelay $0x3  }
0x411: {  	v32 =	vadd.s32 $0xE0, v12  }
0x412: {  	[tilespmem:v31+s19+$0x0] =	vst.idx.msk $0xffff, v32  }
0x413: {  	v31 =	vld [tilespmem:s23+$0x8170];
	_ =	sdelay $0x1  }
0x414: {  	v15 =	vmax.f32 v15, v17;
	v47 =	vmax.f32 v18, v19  }
0x415: {  	v15 =	vmax.f32 v15, v47  }
0x416: {  	v48 =	vmax.f32 v20, v21;
	v49 =	vmax.f32 v22, v23;
	v50 =	vmax.f32 v24, v25  }
0x417: {  	v51 =	vmax.f32 v26, v27;
	v52 =	vmax.f32 v28, v29;
	v53 =	vmax.f32 v30, v31  }
0x418: {  	v54 =	vmax.f32 v48, v49;
	v55 =	vmax.f32 v50, v51;
	v56 =	vmax.f32 v52, v53  }
0x419: {  	v15 =	vmax.f32 v15, v54;
	v57 =	vmax.f32 v55, v56  }
0x41a: {  	v15 =	vmax.f32 v15, v57  }
0x41b: {  	v17 =	vperm.xlane v15, v1;
	_ =	sdelay $0x1  }
0x41c: {  	v15 =	vmax.f32 v15, v17  }
0x41d: {  	v17 =	vperm.xlane v15, v3;
	_ =	sdelay $0x1  }
0x41e: {  	v58 =	vsel vm13, $0x10, v7;
	v15 =	vmax.f32 v15, v17  }
0x41f: {  	v14 =	vadd.s32 v14, v58;
	vm14 =	vgt.f32 v31, v16;
	v59 =	vperm.xlane v15, v4  }
0x420: {  	p0 =	sne.s32 s22, $0x1FC00;
	v60 =	vsel vm14, v14, v6  }
.Ltmp15:
0x421: {  	v15 =	vmax.f32 v15, v59;
	(pc) =	sbr.rel @p0 .LBB2_32-.Ltmp15, $4  }
0x422: {  	v61 =	vsel vm14, $0x10, v7;
	v62 =	vperm.xlane v15, v5  }
0x423: {  	v14 =	vadd.s32 v14, v61  }
0x424: {  	v63 =	vadd.s32 $0xF0, v12;
	vm15 =	vlt.s32 v14, v8;
	v15 =	vmax.f32 v15, v62  }
0x425: {  	s22 =	sadd.s32 $0x400, s22;
	v12 =	vadd.s32 $0x100, v12;
	v14 =	vsel vm15, v14, v8;
	[tilespmem:v60+s19+$0x0] =	vst.idx.msk $0xffff, v63;
	v13 =	vmax.f32 v13, v15  }
0x426: {  	_ =	swait.ge [sflag:s20], $0x8000  }
0x427: {  	[sflag:s20] =	ssyncset.done $0x0  }
0x428: {  	s22 =	simm.s32 $0x0;
	[sflag:s20] =	ssyncadd.s32 $0xFFFF8000  }
.LBB2_34:
0x429: {  	s23 =	sshra.s32 s22, $0x2  }
0x42a: {  	v12 =	vld [tilespmem:s23+$0x18180];
	_ =	sdelay $0x7  }
0x42b: {  	[tilespmem:v12+s17+$0x0] =	vst.idx.msk $0xffff, v2  }
0x42c: {  	v12 =	vld [tilespmem:s23+$0x18190];
	_ =	sdelay $0x7  }
0x42d: {  	[tilespmem:v12+s17+$0x0] =	vst.idx.msk $0xffff, v2  }
0x42e: {  	v12 =	vld [tilespmem:s23+$0x181A0];
	_ =	sdelay $0x7  }
0x42f: {  	[tilespmem:v12+s17+$0x0] =	vst.idx.msk $0xffff, v2  }
0x430: {  	v12 =	vld [tilespmem:s23+$0x181B0];
	_ =	sdelay $0x2  }
0x431: {  	p0 =	sne.s32 s22, $0xF00  }
.Ltmp16:
0x432: {  	_ = 	snop;
	(pc) =	sbr.rel @p0 .LBB2_34-.Ltmp16, $2  }
0x433: {  	_ =	sdelay $0x2  }
0x434: {  	s22 =	sadd.s32 $0x100, s22;
	[tilespmem:v12+s17+$0x0] =	vst.idx.msk $0xffff, v2  }
0x435: {  	v12 =	vadd.f32 $-1.000000000e+00, v13;
	s22 =	simm.s32 $0x0  }
.LBB2_36:
0x436: {  	s23 =	simm.s32 $0x0  }
0x437: {  	v13 =	vld [tilespmem:s23+$0x18700]  }
0x438: {  	v14 =	vld [tilespmem:s23+$0x18710]  }
0x439: {  	v15 =	vld [tilespmem:s23+$0x18720]  }
0x43a: {  	v16 =	vld [tilespmem:s23+$0x18730]  }
0x43b: {  	s30 =	simm.s32 $0x40  }
0x43c: {  	v17 =	vld [tilespmem:s30+$0x18700]  }
0x43d: {  	v19 =	vld [tilespmem:s30+$0x18710]  }
0x43e: {  	v25 =	vld [tilespmem:s30+$0x18720]  }
0x43f: {  	v13 =	vld.idx.msk [tilespmem:v13+s15+$0x0], $0xffff  }
0x440: {  	v20 =	vld.idx.msk [tilespmem:v14+s15+$0x0], $0xffff  }
0x441: {  	v15 =	vld.idx.msk [tilespmem:v15+s15+$0x0], $0xffff  }
0x442: {  	v27 =	vld.idx.msk [tilespmem:v16+s15+$0x0], $0xffff  }
0x443: {  	s31 =	simm.s32 $0x80;
	v18 =	vld [tilespmem:s30+$0x18730]  }
0x444: {  	v21 =	vld [tilespmem:s31+$0x18700]  }
0x445: {  	v22 =	vld [tilespmem:s31+$0x18710]  }
0x446: {  	v26 =	vimm.f32 $0.0e+00;
	v14 =	vld.idx.msk [tilespmem:v17+s15+$0x0], $0xffff;
	vm0 =	vgt.f32 v13, v12;
	vm1 =	vgt.f32 v20, v12  }
0x447: {  	vm14 =	vgt.f32 v15, v12;
	vm15 =	vgt.f32 v27, v12;
	v16 =	vnsel vm0, $0x0, v13;
	v13 =	vld.idx.msk [tilespmem:v19+s15+$0x0], $0xffff  }
0x448: {  	v23 =	vsel vm0, $0x3F800000, v2;
	v17 =	vsel vm1, $0x3F800000, v2;
	v20 =	vnsel vm1, $0x0, v20;
	v19 =	vld [tilespmem:s31+$0x18720]  }
0x449: {  	v28 =	vnsel vm14, $0x0, v15;
	v15 =	vld.idx.msk [tilespmem:v25+s15+$0x0], $0xffff;
	v25 =	vnsel vm15, $0x0, v27;
	v16 =	vadd.f32 v16, v26  }
0x44a: {  	v27 =	vsel vm15, $0x3F800000, v2;
	v24 =	vadd.f32 v17, v26;
	v17 =	vadd.f32 v20, v26;
	v20 =	vld [tilespmem:s31+$0x18730]  }
0x44b: {  	s23 =	simm.s32 $0x300;
	v23 =	vadd.f32 v23, v26;
	v26 =	vsel vm14, $0x3F800000, v2;
	v16 =	vadd.f32 v28, v16  }
.LBB2_37:
0x44c: {  	s24 =	sshra.s32 s23, $0x2;
	p0 =	sne.s32 s23, $0xF00;
	s23 =	sadd.s32 $0x100, s23;
	v28 =	vld.idx.msk [tilespmem:v18+s15+$0x0], $0xffff;
	v17 =	vadd.f32 v25, v17;
	v24 =	vadd.f32 v27, v24  }
0x44d: {  	vm0 =	vgt.f32 v14, v12;
	v23 =	vadd.f32 v26, v23;
	v25 =	vld [tilespmem:s24+$0x18700]  }
0x44e: {  	v26 =	vnsel vm0, $0x0, v14;
	v27 =	vsel vm0, $0x3F800000, v2;
	vm0 =	vgt.f32 v13, v12;
	v29 =	vld [tilespmem:s24+$0x18710];
	v30 =	vmovc v19  }
.Ltmp17:
0x44f: {  	v19 =	vsel vm0, $0x3F800000, v2;
	v14 =	vld.idx.msk [tilespmem:v21+s15+$0x0], $0xffff;
	v21 =	vnsel vm0, $0x0, v13;
	v18 =	vmov v20;
	(pc) =	sbr.rel @p0 .LBB2_37-.Ltmp17, $4  }
0x450: {  	v23 =	vadd.f32 v27, v23;
	v24 =	vadd.f32 v19, v24;
	v13 =	vld.idx.msk [tilespmem:v22+s15+$0x0], $0xffff  }
0x451: {  	v16 =	vadd.f32 v26, v16;
	v17 =	vadd.f32 v21, v17;
	vm0 =	vgt.f32 v15, v12;
	v19 =	vld [tilespmem:s24+$0x18720]  }
0x452: {  	v31 =	vnsel vm0, $0x0, v15;
	v26 =	vsel vm0, $0x3F800000, v2;
	vm0 =	vgt.f32 v28, v12;
	v20 =	vld [tilespmem:s24+$0x18730];
	v21 =	vmovc v25  }
0x453: {  	v16 =	vadd.f32 v31, v16;
	v25 =	vnsel vm0, $0x0, v28;
	v27 =	vsel vm0, $0x3F800000, v2;
	v15 =	vld.idx.msk [tilespmem:v30+s15+$0x0], $0xffff;
	v22 =	vmovc v29  }
0x454: {  	_ =	sdelay $0x3  }
0x455: {  	v18 =	vld.idx.msk [tilespmem:v18+s15+$0x0], $0xffff  }
0x456: {  	v21 =	vld.idx.msk [tilespmem:v21+s15+$0x0], $0xffff  }
0x457: {  	v23 =	vadd.f32 v26, v23;
	v22 =	vld.idx.msk [tilespmem:v22+s15+$0x0], $0xffff;
	vm0 =	vgt.f32 v14, v12  }
0x458: {  	v24 =	vadd.f32 v27, v24;
	vm1 =	vgt.f32 v13, v12;
	v52 =	vsel vm0, $0x3F800000, v2;
	v19 =	vld.idx.msk [tilespmem:v19+s15+$0x0], $0xffff  }
0x459: {  	v53 =	vsel vm1, $0x3F800000, v2;
	v23 =	vadd.f32 v52, v23;
	v20 =	vld.idx.msk [tilespmem:v20+s15+$0x0], $0xffff  }
0x45a: {  	v24 =	vadd.f32 v53, v24;
	vm2 =	vgt.f32 v15, v12;
	vm3 =	vgt.f32 v18, v12  }
0x45b: {  	v54 =	vsel vm2, $0x3F800000, v2;
	vm4 =	vgt.f32 v21, v12;
	v55 =	vsel vm3, $0x3F800000, v2  }
0x45c: {  	vm5 =	vgt.f32 v22, v12;
	v23 =	vadd.f32 v54, v23;
	v24 =	vadd.f32 v55, v24  }
0x45d: {  	v56 =	vsel vm4, $0x3F800000, v2;
	v57 =	vsel vm5, $0x3F800000, v2;
	vm6 =	vgt.f32 v19, v12  }
0x45e: {  	v23 =	vadd.f32 v56, v23;
	vm7 =	vgt.f32 v20, v12;
	v24 =	vadd.f32 v57, v24  }
0x45f: {  	v12 =	vadd.f32 v25, v17;
	v58 =	vsel vm6, $0x3F800000, v2;
	v59 =	vsel vm7, $0x3F800000, v2  }
0x460: {  	v14 =	vnsel vm0, $0x0, v14;
	v17 =	vadd.f32 v58, v23;
	v24 =	vadd.f32 v59, v24  }
0x461: {  	v13 =	vnsel vm1, $0x0, v13;
	v14 =	vadd.f32 v14, v16  }
0x462: {  	v15 =	vnsel vm2, $0x0, v15;
	v12 =	vadd.f32 v13, v12;
	v13 =	vadd.f32 v24, v17  }
0x463: {  	v60 =	vnsel vm3, $0x0, v18;
	v14 =	vadd.f32 v15, v14  }
0x464: {  	v15 =	vnsel vm4, $0x0, v21;
	v12 =	vadd.f32 v60, v12;
	v61 =	vperm.xlane v13, v9  }
0x465: {  	v62 =	vnsel vm5, $0x0, v22;
	v14 =	vadd.f32 v15, v14  }
0x466: {  	v12 =	vadd.f32 v62, v12;
	v13 =	vadd.f32 v61, v13  }
0x467: {  	v15 =	vnsel vm6, $0x0, v19;
	v63 =	vnsel vm7, $0x0, v20  }
0x468: {  	v14 =	vadd.f32 v15, v14;
	v12 =	vadd.f32 v63, v12;
	v15 =	vperm.xlane v13, v10;
	_ =	sdelay $0x1  }
0x469: {  	v12 =	vadd.f32 v12, v14;
	v13 =	vadd.f32 v15, v13;
	_ =	sdelay $0x1  }
0x46a: {  	v14 =	vperm.xlane v12, v9;
	v15 =	vperm.xlane v13, v11;
	_ =	sdelay $0x1  }
0x46b: {  	v12 =	vadd.f32 v14, v12;
	v13 =	vadd.f32 v15, v13;
	_ =	sdelay $0x1  }
0x46c: {  	v14 =	vperm.xlane v12, v10;
	v15 =	vperm.xlane v13, v5;
	_ =	sdelay $0x1  }
0x46d: {  	v12 =	vadd.f32 v14, v12;
	v13 =	vadd.f32 v15, v13;
	_ =	sdelay $0x1  }
0x46e: {  	v14 =	vperm.xlane v12, v11;
	(erf) = vrcp.f32 v13;
	_ =	sdelay $0x1  }
0x46f: {  	v12 =	vadd.f32 v14, v12;
	_ =	sdelay $0x1  }
0x470: {  	s22 =	sadd.s32 $0x1, s22;
	v13 =	vperm.xlane v12, v5  }
0x471: {  	p0 =	sne.s32 s22, $0xC  }
.Ltmp18:
0x472: {  	v12 =	vadd.f32 v13, v12;
	(pc) =	sbr.rel @p0 .LBB2_36-.Ltmp18, $4  }
0x473: {  	_ = 	snop  }
0x474: {  	v12 =	vadd.f32 $-1.000000000e+00, v12  }
0x475: {  	v13 =	vpop (erf)  }
0x476: {  	v12 =	vmul.f32 v13, v12  }
0x477: {  	s22 =	simm.s32 $0x0  }
.LBB2_40:
0x478: {  	s23 =	sshra.s32 s22, $0x2  }
0x479: {  	v9 =	vld [tilespmem:s23+$0x18700];
	_ =	sdelay $0x7  }
0x47a: {  	v10 =	vld.idx.msk [tilespmem:v9+s15+$0x0], $0xffff;
	_ =	sdelay $0x4  }
0x47b: {  	v10 =	vsub.f32 v10, v12;
	_ =	sdelay $0x1  }
0x47c: {  	v10 =	vmax.f32 v10, $0.0e+00  }
0x47d: {  	[tilespmem:v9+s17+$0x0] =	vst.idx.msk $0xffff, v10  }
0x47e: {  	v9 =	vld [tilespmem:s23+$0x18710];
	_ =	sdelay $0x7  }
0x47f: {  	v10 =	vld.idx.msk [tilespmem:v9+s15+$0x0], $0xffff;
	_ =	sdelay $0x4  }
0x480: {  	v10 =	vsub.f32 v10, v12;
	_ =	sdelay $0x1  }
0x481: {  	v10 =	vmax.f32 v10, $0.0e+00  }
0x482: {  	[tilespmem:v9+s17+$0x0] =	vst.idx.msk $0xffff, v10  }
0x483: {  	v9 =	vld [tilespmem:s23+$0x18720];
	_ =	sdelay $0x7  }
0x484: {  	v10 =	vld.idx.msk [tilespmem:v9+s15+$0x0], $0xffff;
	_ =	sdelay $0x4  }
0x485: {  	v10 =	vsub.f32 v10, v12;
	_ =	sdelay $0x1  }
0x486: {  	v10 =	vmax.f32 v10, $0.0e+00  }
0x487: {  	[tilespmem:v9+s17+$0x0] =	vst.idx.msk $0xffff, v10  }
0x488: {  	v9 =	vld [tilespmem:s23+$0x18730];
	_ =	sdelay $0x7  }
0x489: {  	v10 =	vld.idx.msk [tilespmem:v9+s15+$0x0], $0xffff;
	_ =	sdelay $0x2  }
0x48a: {  	p0 =	sne.s32 s22, $0xF00  }
.Ltmp19:
0x48b: {  	_ = 	snop;
	(pc) =	sbr.rel @p0 .LBB2_40-.Ltmp19, $3  }
0x48c: {  	v10 =	vsub.f32 v10, v12;
	_ =	sdelay $0x1  }
0x48d: {  	v10 =	vmax.f32 v10, $0.0e+00  }
0x48e: {  	s22 =	sadd.s32 $0x100, s22;
	[tilespmem:v9+s17+$0x0] =	vst.idx.msk $0xffff, v10  }
0x48f: {  	s21 =	sadd.s32 $0x1, s21  }
0x490: {  	p0 =	sne.s32 s21, s11  }
.Ltmp20:
0x491: {  	_ = 	snop;
	(pc) =	sbr.rel @p0 .LBB2_1-.Ltmp20, $4  }
0x492: {  	[hbm4b:s10+s12] =	stream.strided.scatter [tilespmem:s17], [sflag:$0x3], $0x8000, s13, s12, $0x38;
	[tilespmem:$0x18C80] =	vst v63  }
0x493: {  	_ =	swait.ge [sflag:s20], $0x8000  }
0x494: {  	[sflag:s20] =	ssyncset.done $0x0  }
0x495: {  	[sflag:s20] =	ssyncadd.s32 $0xFFFF8000  }
0x496: {  	_ =	sfence.sel $0x180000  }
0x497: {  	[bflag:$0x0] =	sbarrier.arrive $0xFFFF  }
0x498: {  	p0 =	sne.s32 s1, $0x0;
	_ =	strace $0x90000047  }
0x499: {  	s0 =	sadd.s32 @!p0 $0x100000, s0;
	[bflag:$0x2] =	sbarrier.arrive $0xFFFF  }
0x49a: {  	[sflag:s0] =	ssyncadd.tile.s32 @!p0 $0x1;
	_ =	shalt  }
.Lfunc_end2:
_tile_overlayer_lowered:
.L_overlay_start_2:
0x49b: {  	(tag) =	ssettag $0x2  }
0x49c: {  	s0 =	rddreg [dreg:$0x0];
	s2 =	stileid.u32  }
0x49d: {  	s1 =	rddreg [dreg:$0x1];
	p0 =	sne.s32 s2, $0x0  }
0x49e: {  	s3 =	rddreg [dreg:$0x2];
	[bflag:$0x3] =	sbarrier.arrive $0xFFFF;
	s2 =	simm.s32 @!p0 $0x1C04  }
0x49f: {  	[timem:s3], [sflag:s2] =	dma.local @!p0 [hbm:s0], s1  }
0x4a0: {  	s0 =	simm.s32 @!p0 $0x4  }
0x4a1: {  	_ =	swait.ge @!p0 [sflag:s0], s1  }
0x4a2: {  	s1 =	ssub.s32 @!p0 $0x0, s1;
	[sflag:s0] =	ssyncset.done @!p0 $0x0  }
0x4a3: {  	[sflag:s0] =	ssyncadd.s32 @!p0 s1  }
0x4a4: {  	[bflag:$0x3] =	sbarrier.arrive $0xFFFF  }
0x4a5: {  	_ =	shalt  }

</sc_bundles>
